<compile_context>
chip_gen: v7x
topology: tpu7x:2x2x1
jax: 0.10.2.dev20260603
libtpu: 0.0.44.dev20260713+nightly
codegen_flags: <defaults>
</compile_context>

<pallas_src>
import jax
import jax.numpy as jnp
from jax import lax
from jax.experimental import pallas as pl
from jax.experimental.pallas import tpu as pltpu
from jax.experimental.pallas import tpu_sc as plsc

NUM_EMB = 100000
DIM = 128
MAX_POS = 1024
BATCH = 4096
SEQ_LEN = 200

NC = 2
NS = 16
NW = NC * NS

B_PER_W = BATCH // NW
CB = 32
CS = 4
CHUNK = CB * CS
NBB = B_PER_W // CB
NSB = SEQ_LEN // CS
SLAB = B_PER_W * SEQ_LEN


def _embed_kernel(ids_hbm, table_hbm, pos_hbm, out_hbm,
                  ids_slab, idx0, idx1, rows0, rows1, sout0, sout1, pos_v,
                  gsem0, gsem1, ssem0, ssem1):
    idx = (idx0, idx1)
    rows = (rows0, rows1)
    sout = (sout0, sout1)
    gsem = (gsem0, gsem1)
    ssem = (ssem0, ssem1)

    wid = lax.axis_index("s") * NC + lax.axis_index("c")
    b0 = wid * B_PER_W

    pltpu.sync_copy(ids_hbm.at[pl.ds(b0, B_PER_W)], ids_slab)
    pltpu.sync_copy(pos_hbm.at[pl.ds(0, SEQ_LEN)], pos_v)

    iota = lax.iota(jnp.int32, 16)
    row_pat = iota >> 2
    col_pat = iota & 3

    def start_chunk(sb, bb, buf):
        for k in range(CHUNK // 16):
            v = plsc.load_gather(
                ids_slab, [row_pat + (bb * CB + 4 * k), col_pat + sb * CS])
            idx[buf][pl.ds(16 * k, 16)] = v
        pltpu.async_copy(table_hbm.at[idx[buf]], rows[buf], gsem[buf])

    def add_and_store(sb, bb, buf, drain):
        pv = [[pos_v[sb * CS + ds, pl.ds(16 * k, 16)]
               for k in range(DIM // 16)] for ds in range(CS)]

        pltpu.make_async_copy(table_hbm.at[idx[buf]], rows[buf],
                              gsem[buf]).wait()

        def drain_wait():
            pltpu.make_async_copy(
                sout[buf],
                out_hbm.at[pl.ds(b0, CB), pl.ds(0, CS)],
                ssem[buf]).wait()

        if drain is True:
            drain_wait()
        else:
            pl.when(drain)(drain_wait)

        @plsc.parallel_loop(0, CB, unroll=4)
        def _(i):
            for ds in range(CS):
                r = CS * i + ds
                for k in range(DIM // 16):
                    sl = pl.ds(16 * k, 16)
                    sout[buf][i, ds, sl] = rows[buf][r, sl] + pv[ds][k]

        pltpu.async_copy(
            sout[buf],
            out_hbm.at[pl.ds(b0 + bb * CB, CB), pl.ds(sb * CS, CS)],
            ssem[buf])

    start_chunk(0, 0, 0)

    def sb_body(sb, _):
        for bb in range(NBB):
            buf = bb % 2
            if bb == NBB - 1:
                @pl.when(sb < NSB - 1)
                def _():
                    start_chunk(sb + 1, 0, 1 - buf)
            else:
                start_chunk(sb, bb + 1, 1 - buf)
            drain = (sb >= 1) if bb < 2 else True
            add_and_store(sb, bb, buf, drain)
        return 0

    lax.fori_loop(0, NSB, sb_body, 0)

    for buf in range(2):
        pltpu.make_async_copy(
            sout[buf], out_hbm.at[pl.ds(b0, CB), pl.ds(0, CS)],
            ssem[buf]).wait()


@jax.jit
def kernel(input_ids, embed_tokens_weight, embed_positions_weight):
    ids_i32 = input_ids.astype(jnp.int32)

    mesh = plsc.VectorSubcoreMesh(core_axis_name="c", subcore_axis_name="s")
    run = pl.kernel(
        _embed_kernel,
        mesh=mesh,
        compiler_params=pltpu.CompilerParams(needs_layout_passes=False),
        out_type=jax.ShapeDtypeStruct((BATCH, SEQ_LEN, DIM), jnp.float32),
        scratch_types=[
            pltpu.VMEM((B_PER_W, SEQ_LEN), jnp.int32),
            pltpu.VMEM((CHUNK,), jnp.int32),
            pltpu.VMEM((CHUNK,), jnp.int32),
            pltpu.VMEM((CHUNK, DIM), jnp.float32),
            pltpu.VMEM((CHUNK, DIM), jnp.float32),
            pltpu.VMEM((CB, CS, DIM), jnp.float32),
            pltpu.VMEM((CB, CS, DIM), jnp.float32),
            pltpu.VMEM((SEQ_LEN, DIM), jnp.float32),
            pltpu.SemaphoreType.DMA,
            pltpu.SemaphoreType.DMA,
            pltpu.SemaphoreType.DMA,
            pltpu.SemaphoreType.DMA,
        ],
    )
    return run(ids_i32, embed_tokens_weight, embed_positions_weight)

# --- scband reference (transcript-rebuilt; emitter-appended) ---
"""Pipeline reference for scband-bart-embeds-6459630813635 (READ-ONLY COPY).

The authoritative reference and input builder live on the scoring server;
editing this copy changes nothing except your own understanding.
"""

import jax, jax.numpy as jnp
import numpy as np

NUM_EMB = 100000
DIM = 128
MAX_POS = 1024
PAD_IDX = 0
EMBED_SCALE = 1.0
BATCH = 4096
SEQ_LEN = 200


def setup_inputs(seed: int = 0) -> dict:
    key = jax.random.key(seed)
    k1, k2, k3 = jax.random.split(key, 3)
    input_ids = jax.random.randint(k1, (BATCH, SEQ_LEN), 0, NUM_EMB, dtype=jnp.int64 if jax.config.jax_enable_x64 else jnp.int32)
    embed_tokens_weight = jax.random.normal(k2, (NUM_EMB, DIM), dtype=jnp.float32) * 0.02
    embed_tokens_weight = embed_tokens_weight.at[PAD_IDX].set(0.0)
    embed_positions_weight = jax.random.normal(k3, (MAX_POS, DIM), dtype=jnp.float32) * 0.02
    embed_positions_weight = embed_positions_weight.at[PAD_IDX].set(0.0)
    return {
        "input_ids": input_ids,
        "embed_tokens_weight": embed_tokens_weight,
        "embed_positions_weight": embed_positions_weight,
    }


def reference(input_ids, embed_tokens_weight, embed_positions_weight):
    # BartEmbeds.forward with input_ids path:
    #   input_embeds = embed_tokens(input_ids)
    #   pos_ids = pos_ids_buffer[:seq_len]
    #   return input_embeds * embed_scale + embed_positions(pos_ids)
    seq_len = input_ids.shape[1]
    input_embeds = jnp.take(embed_tokens_weight, input_ids, axis=0)  # [B, S, D]
    pos_ids = jnp.arange(MAX_POS)[:seq_len]
    pos_embeds = jnp.take(embed_positions_weight, pos_ids, axis=0)  # [S, D]
    return input_embeds * EMBED_SCALE + pos_embeds[None, :, :]

if __name__ == "__main__":
    import jax
    _d = setup_inputs()
    print(jax.jit(kernel)(*tuple(_d.values())))

</pallas_src>

<mosaic_0001>
#map = affine_map<(d0, d1) -> (0, 0)>
#map1 = affine_map<(d0, d1) -> (0, 0, 0)>
module attributes {stable_mosaic.version = 14 : i64} {
  func.func @_embed_kernel(%arg0: i32, %arg1: i32, %arg2: memref<4096x200xi32, #tpu.memory_space<hbm>>, %arg3: memref<100000x128xf32, #tpu.memory_space<hbm>>, %arg4: memref<1024x128xf32, #tpu.memory_space<hbm>>, %arg5: memref<4096x200x128xf32, #tpu.memory_space<hbm>>, %arg6: memref<128x200xi32, #tpu.memory_space<vmem>>, %arg7: memref<128xi32, #tpu.memory_space<vmem>>, %arg8: memref<128xi32, #tpu.memory_space<vmem>>, %arg9: memref<128x128xf32, #tpu.memory_space<vmem>>, %arg10: memref<128x128xf32, #tpu.memory_space<vmem>>, %arg11: memref<32x4x128xf32, #tpu.memory_space<vmem>>, %arg12: memref<32x4x128xf32, #tpu.memory_space<vmem>>, %arg13: memref<200x128xf32, #tpu.memory_space<vmem>>, %arg14: memref<!tpu.dma_semaphore, #tpu.memory_space<semaphore_mem>>, %arg15: memref<!tpu.dma_semaphore, #tpu.memory_space<semaphore_mem>>, %arg16: memref<!tpu.dma_semaphore, #tpu.memory_space<semaphore_mem>>, %arg17: memref<!tpu.dma_semaphore, #tpu.memory_space<semaphore_mem>>) attributes {dimension_semantics = [#tpu.dimension_semantics<core_parallel>, #tpu.dimension_semantics<subcore_parallel>], iteration_bounds = array<i64: 2, 16>, scalar_prefetch = 0 : i64, scratch_operands = 12 : i64, tpu.core_type = #tpu.core_type<sc_vector_subcore>, window_params = [{transform_indices = #map}, {transform_indices = #map}, {transform_indices = #map}, {transform_indices = #map1}]} {
    %mul3A = arith.constant 2 : i32
    %mul3A_0 = arith.muli %arg1, %mul3A : i32
    %add3A = arith.addi %mul3A_0, %arg0 : i32
    %mul3A_1 = arith.constant 128 : i32
    %mul3A_2 = arith.muli %add3A, %mul3A_1 : i32
    "tpu.region"() ({
      %run_scoped3A = tpu.sem_alloc : memref<!tpu.dma_semaphore, #tpu.memory_space<semaphore_mem>>
      %dma_start3A_96 = arith.constant 0 : i32
      %dma_start3A_97 = tpu.memref_slice %arg2[%mul3A_2, %dma_start3A_96] : memref<4096x200xi32, #tpu.memory_space<hbm>> -> memref<128x200xi32, #tpu.memory_space<hbm>>
      %dma_start3A_98 = arith.constant 0 : i32
      %dma_start3A_99 = tpu.memref_slice %arg2[%mul3A_2, %dma_start3A_98] : memref<4096x200xi32, #tpu.memory_space<hbm>> -> memref<128x200xi32, #tpu.memory_space<hbm>>
      tpu.enqueue_dma source(%dma_start3A_99 : memref<128x200xi32, #tpu.memory_space<hbm>>) target(%arg6 : memref<128x200xi32, #tpu.memory_space<vmem>>) target_semaphore(%run_scoped3A : memref<!tpu.dma_semaphore, #tpu.memory_space<semaphore_mem>>)
      %dma_wait3A_100 = arith.constant 0 : i32
      %dma_wait3A_101 = tpu.memref_slice %arg2[%mul3A_2, %dma_wait3A_100] : memref<4096x200xi32, #tpu.memory_space<hbm>> -> memref<128x200xi32, #tpu.memory_space<hbm>>
      %dma_wait3A_102 = arith.constant 0 : i32
      %dma_wait3A_103 = tpu.memref_slice %arg2[%mul3A_2, %dma_wait3A_102] : memref<4096x200xi32, #tpu.memory_space<hbm>> -> memref<128x200xi32, #tpu.memory_space<hbm>>
      tpu.wait_dma2 semaphore(%run_scoped3A : memref<!tpu.dma_semaphore, #tpu.memory_space<semaphore_mem>>) src(%dma_wait3A_103 : memref<128x200xi32, #tpu.memory_space<hbm>>) dst(%arg6 : memref<128x200xi32, #tpu.memory_space<vmem>>)
      tpu.yield
    }) : () -> ()
    "tpu.region"() ({
      %run_scoped3A = tpu.sem_alloc : memref<!tpu.dma_semaphore, #tpu.memory_space<semaphore_mem>>
      %dma_start3A_96 = arith.constant 0 : i32
      %dma_start3A_97 = arith.constant 0 : i32
      %dma_start3A_98 = tpu.memref_slice %arg4[%dma_start3A_96, %dma_start3A_97] : memref<1024x128xf32, #tpu.memory_space<hbm>> -> memref<200x128xf32, #tpu.memory_space<hbm>>
      %dma_start3A_99 = arith.constant 0 : i32
      %dma_start3A_100 = arith.constant 0 : i32
      %dma_start3A_101 = tpu.memref_slice %arg4[%dma_start3A_99, %dma_start3A_100] : memref<1024x128xf32, #tpu.memory_space<hbm>> -> memref<200x128xf32, #tpu.memory_space<hbm>>
      tpu.enqueue_dma source(%dma_start3A_101 : memref<200x128xf32, #tpu.memory_space<hbm>>) target(%arg13 : memref<200x128xf32, #tpu.memory_space<vmem>>) target_semaphore(%run_scoped3A : memref<!tpu.dma_semaphore, #tpu.memory_space<semaphore_mem>>)
      %dma_wait3A_102 = arith.constant 0 : i32
      %dma_wait3A_103 = arith.constant 0 : i32
      %dma_wait3A_104 = tpu.memref_slice %arg4[%dma_wait3A_102, %dma_wait3A_103] : memref<1024x128xf32, #tpu.memory_space<hbm>> -> memref<200x128xf32, #tpu.memory_space<hbm>>
      %dma_wait3A_105 = arith.constant 0 : i32
      %dma_wait3A_106 = arith.constant 0 : i32
      %dma_wait3A_107 = tpu.memref_slice %arg4[%dma_wait3A_105, %dma_wait3A_106] : memref<1024x128xf32, #tpu.memory_space<hbm>> -> memref<200x128xf32, #tpu.memory_space<hbm>>
      tpu.wait_dma2 semaphore(%run_scoped3A : memref<!tpu.dma_semaphore, #tpu.memory_space<semaphore_mem>>) src(%dma_wait3A_107 : memref<200x128xf32, #tpu.memory_space<hbm>>) dst(%arg13 : memref<200x128xf32, #tpu.memory_space<vmem>>)
      tpu.yield
    }) : () -> ()
    %iota3A = tpu.iota {dimensions = array<i32: 0>} : vector<16xi32>
    %shift_right_arithmetic3A = arith.constant 2 : i32
    %shift_right_arithmetic3A_3 = vector.broadcast %shift_right_arithmetic3A : i32 to vector<16xi32>
    %shift_right_arithmetic3A_4 = arith.shrsi %iota3A, %shift_right_arithmetic3A_3 : vector<16xi32>
    %and3A = arith.constant 3 : i32
    %and3A_5 = vector.broadcast %and3A : i32 to vector<16xi32>
    %and3A_6 = arith.andi %iota3A, %and3A_5 : vector<16xi32>
    %add3A_7 = arith.constant 0 : i32
    %add3A_8 = vector.broadcast %add3A_7 : i32 to vector<16xi32>
    %add3A_9 = arith.addi %shift_right_arithmetic3A_4, %add3A_8 : vector<16xi32>
    %add3A_10 = arith.constant 0 : i32
    %add3A_11 = vector.broadcast %add3A_10 : i32 to vector<16xi32>
    %add3A_12 = arith.addi %and3A_6, %add3A_11 : vector<16xi32>
    %gather3A = tpu.vector_load_idx %arg6[%add3A_9, %add3A_12] : memref<128x200xi32, #tpu.memory_space<vmem>>[vector<16xi32>, vector<16xi32>], vector<16xi32>,
    %swap3A = arith.constant 0 : index
    %swap3A_13 = tpu.vector_load %arg7[%swap3A] {strides = array<i32>} : memref<128xi32, #tpu.memory_space<vmem>>, vector<16xi32>,
    tpu.vector_store %arg7[%swap3A], %gather3A {strides = array<i32>} : memref<128xi32, #tpu.memory_space<vmem>>, vector<16xi32>,
    %add3A_14 = arith.constant 4 : i32
    %add3A_15 = vector.broadcast %add3A_14 : i32 to vector<16xi32>
    %add3A_16 = arith.addi %shift_right_arithmetic3A_4, %add3A_15 : vector<16xi32>
    %add3A_17 = arith.constant 0 : i32
    %add3A_18 = vector.broadcast %add3A_17 : i32 to vector<16xi32>
    %add3A_19 = arith.addi %and3A_6, %add3A_18 : vector<16xi32>
    %gather3A_20 = tpu.vector_load_idx %arg6[%add3A_16, %add3A_19] : memref<128x200xi32, #tpu.memory_space<vmem>>[vector<16xi32>, vector<16xi32>], vector<16xi32>,
    %swap3A_21 = arith.constant 16 : index
    %swap3A_22 = tpu.vector_load %arg7[%swap3A_21] {strides = array<i32>} : memref<128xi32, #tpu.memory_space<vmem>>, vector<16xi32>,
    tpu.vector_store %arg7[%swap3A_21], %gather3A_20 {strides = array<i32>} : memref<128xi32, #tpu.memory_space<vmem>>, vector<16xi32>,
    %add3A_23 = arith.constant 8 : i32
    %add3A_24 = vector.broadcast %add3A_23 : i32 to vector<16xi32>
    %add3A_25 = arith.addi %shift_right_arithmetic3A_4, %add3A_24 : vector<16xi32>
    %add3A_26 = arith.constant 0 : i32
    %add3A_27 = vector.broadcast %add3A_26 : i32 to vector<16xi32>
    %add3A_28 = arith.addi %and3A_6, %add3A_27 : vector<16xi32>
    %gather3A_29 = tpu.vector_load_idx %arg6[%add3A_25, %add3A_28] : memref<128x200xi32, #tpu.memory_space<vmem>>[vector<16xi32>, vector<16xi32>], vector<16xi32>,
    %swap3A_30 = arith.constant 32 : index
    %swap3A_31 = tpu.vector_load %arg7[%swap3A_30] {strides = array<i32>} : memref<128xi32, #tpu.memory_space<vmem>>, vector<16xi32>,
    tpu.vector_store %arg7[%swap3A_30], %gather3A_29 {strides = array<i32>} : memref<128xi32, #tpu.memory_space<vmem>>, vector<16xi32>,
    %add3A_32 = arith.constant 12 : i32
    %add3A_33 = vector.broadcast %add3A_32 : i32 to vector<16xi32>
    %add3A_34 = arith.addi %shift_right_arithmetic3A_4, %add3A_33 : vector<16xi32>
    %add3A_35 = arith.constant 0 : i32
    %add3A_36 = vector.broadcast %add3A_35 : i32 to vector<16xi32>
    %add3A_37 = arith.addi %and3A_6, %add3A_36 : vector<16xi32>
    %gather3A_38 = tpu.vector_load_idx %arg6[%add3A_34, %add3A_37] : memref<128x200xi32, #tpu.memory_space<vmem>>[vector<16xi32>, vector<16xi32>], vector<16xi32>,
    %swap3A_39 = arith.constant 48 : index
    %swap3A_40 = tpu.vector_load %arg7[%swap3A_39] {strides = array<i32>} : memref<128xi32, #tpu.memory_space<vmem>>, vector<16xi32>,
    tpu.vector_store %arg7[%swap3A_39], %gather3A_38 {strides = array<i32>} : memref<128xi32, #tpu.memory_space<vmem>>, vector<16xi32>,
    %add3A_41 = arith.constant 16 : i32
    %add3A_42 = vector.broadcast %add3A_41 : i32 to vector<16xi32>
    %add3A_43 = arith.addi %shift_right_arithmetic3A_4, %add3A_42 : vector<16xi32>
    %add3A_44 = arith.constant 0 : i32
    %add3A_45 = vector.broadcast %add3A_44 : i32 to vector<16xi32>
    %add3A_46 = arith.addi %and3A_6, %add3A_45 : vector<16xi32>
    %gather3A_47 = tpu.vector_load_idx %arg6[%add3A_43, %add3A_46] : memref<128x200xi32, #tpu.memory_space<vmem>>[vector<16xi32>, vector<16xi32>], vector<16xi32>,
    %swap3A_48 = arith.constant 64 : index
    %swap3A_49 = tpu.vector_load %arg7[%swap3A_48] {strides = array<i32>} : memref<128xi32, #tpu.memory_space<vmem>>, vector<16xi32>,
    tpu.vector_store %arg7[%swap3A_48], %gather3A_47 {strides = array<i32>} : memref<128xi32, #tpu.memory_space<vmem>>, vector<16xi32>,
    %add3A_50 = arith.constant 20 : i32
    %add3A_51 = vector.broadcast %add3A_50 : i32 to vector<16xi32>
    %add3A_52 = arith.addi %shift_right_arithmetic3A_4, %add3A_51 : vector<16xi32>
    %add3A_53 = arith.constant 0 : i32
    %add3A_54 = vector.broadcast %add3A_53 : i32 to vector<16xi32>
    %add3A_55 = arith.addi %and3A_6, %add3A_54 : vector<16xi32>
    %gather3A_56 = tpu.vector_load_idx %arg6[%add3A_52, %add3A_55] : memref<128x200xi32, #tpu.memory_space<vmem>>[vector<16xi32>, vector<16xi32>], vector<16xi32>,
    %swap3A_57 = arith.constant 80 : index
    %swap3A_58 = tpu.vector_load %arg7[%swap3A_57] {strides = array<i32>} : memref<128xi32, #tpu.memory_space<vmem>>, vector<16xi32>,
    tpu.vector_store %arg7[%swap3A_57], %gather3A_56 {strides = array<i32>} : memref<128xi32, #tpu.memory_space<vmem>>, vector<16xi32>,
    %add3A_59 = arith.constant 24 : i32
    %add3A_60 = vector.broadcast %add3A_59 : i32 to vector<16xi32>
    %add3A_61 = arith.addi %shift_right_arithmetic3A_4, %add3A_60 : vector<16xi32>
    %add3A_62 = arith.constant 0 : i32
    %add3A_63 = vector.broadcast %add3A_62 : i32 to vector<16xi32>
    %add3A_64 = arith.addi %and3A_6, %add3A_63 : vector<16xi32>
    %gather3A_65 = tpu.vector_load_idx %arg6[%add3A_61, %add3A_64] : memref<128x200xi32, #tpu.memory_space<vmem>>[vector<16xi32>, vector<16xi32>], vector<16xi32>,
    %swap3A_66 = arith.constant 96 : index
    %swap3A_67 = tpu.vector_load %arg7[%swap3A_66] {strides = array<i32>} : memref<128xi32, #tpu.memory_space<vmem>>, vector<16xi32>,
    tpu.vector_store %arg7[%swap3A_66], %gather3A_65 {strides = array<i32>} : memref<128xi32, #tpu.memory_space<vmem>>, vector<16xi32>,
    %add3A_68 = arith.constant 28 : i32
    %add3A_69 = vector.broadcast %add3A_68 : i32 to vector<16xi32>
    %add3A_70 = arith.addi %shift_right_arithmetic3A_4, %add3A_69 : vector<16xi32>
    %add3A_71 = arith.constant 0 : i32
    %add3A_72 = vector.broadcast %add3A_71 : i32 to vector<16xi32>
    %add3A_73 = arith.addi %and3A_6, %add3A_72 : vector<16xi32>
    %gather3A_74 = tpu.vector_load_idx %arg6[%add3A_70, %add3A_73] : memref<128x200xi32, #tpu.memory_space<vmem>>[vector<16xi32>, vector<16xi32>], vector<16xi32>,
    %swap3A_75 = arith.constant 112 : index
    %swap3A_76 = tpu.vector_load %arg7[%swap3A_75] {strides = array<i32>} : memref<128xi32, #tpu.memory_space<vmem>>, vector<16xi32>,
    tpu.vector_store %arg7[%swap3A_75], %gather3A_74 {strides = array<i32>} : memref<128xi32, #tpu.memory_space<vmem>>, vector<16xi32>,
    %dma_start3A = arith.constant 0 : i32
    %dma_start3A_77 = arith.constant 0 : i32
    %dma_start3A_78 = tpu.memref_slice %arg3[%dma_start3A, %dma_start3A_77] : memref<100000x128xf32, #tpu.memory_space<hbm>> -> memref<100000x128xf32, #tpu.memory_space<hbm>>
    tpu.enqueue_indirect_dma source(%dma_start3A_78 : memref<100000x128xf32, #tpu.memory_space<hbm>>) target(%arg9 : memref<128x128xf32, #tpu.memory_space<vmem>>) offsets(%arg7 : memref<128xi32, #tpu.memory_space<vmem>>) semaphore(%arg14 : memref<!tpu.dma_semaphore, #tpu.memory_space<semaphore_mem>>)
    %scan3A = arith.constant 0 : i32
    %scan3A_79 = arith.constant 0 : i32
    %scan3A_80 = arith.constant 50 : i32
    %scan3A_81 = arith.addi %scan3A_79, %scan3A_80 : i32
    %scan3A_82 = arith.constant 1 : i32
    %scan3A_83 = scf.for %scan3A_96 = %scan3A_79 to %scan3A_81 step %scan3A_82 iter_args(%scan3A_97 = %scan3A) -> (i32)  : i32 {
      %add3A_98 = arith.constant 32 : i32
      %add3A_99 = vector.broadcast %add3A_98 : i32 to vector<16xi32>
      %add3A_100 = arith.addi %shift_right_arithmetic3A_4, %add3A_99 : vector<16xi32>
      %mul3A_101 = arith.constant 4 : i32
      %mul3A_102 = arith.muli %scan3A_96, %mul3A_101 : i32
      %add3A_103 = vector.broadcast %mul3A_102 : i32 to vector<16xi32>
      %add3A_104 = arith.addi %and3A_6, %add3A_103 : vector<16xi32>
      %gather3A_105 = tpu.vector_load_idx %arg6[%add3A_100, %add3A_104] : memref<128x200xi32, #tpu.memory_space<vmem>>[vector<16xi32>, vector<16xi32>], vector<16xi32>,
      %swap3A_106 = arith.constant 0 : index
      %swap3A_107 = tpu.vector_load %arg8[%swap3A_106] {strides = array<i32>} : memref<128xi32, #tpu.memory_space<vmem>>, vector<16xi32>,
      tpu.vector_store %arg8[%swap3A_106], %gather3A_105 {strides = array<i32>} : memref<128xi32, #tpu.memory_space<vmem>>, vector<16xi32>,
      %add3A_108 = arith.constant 36 : i32
      %add3A_109 = vector.broadcast %add3A_108 : i32 to vector<16xi32>
      %add3A_110 = arith.addi %shift_right_arithmetic3A_4, %add3A_109 : vector<16xi32>
      %mul3A_111 = arith.constant 4 : i32
      %mul3A_112 = arith.muli %scan3A_96, %mul3A_111 : i32
      %add3A_113 = vector.broadcast %mul3A_112 : i32 to vector<16xi32>
      %add3A_114 = arith.addi %and3A_6, %add3A_113 : vector<16xi32>
      %gather3A_115 = tpu.vector_load_idx %arg6[%add3A_110, %add3A_114] : memref<128x200xi32, #tpu.memory_space<vmem>>[vector<16xi32>, vector<16xi32>], vector<16xi32>,
      %swap3A_116 = arith.constant 16 : index
      %swap3A_117 = tpu.vector_load %arg8[%swap3A_116] {strides = array<i32>} : memref<128xi32, #tpu.memory_space<vmem>>, vector<16xi32>,
      tpu.vector_store %arg8[%swap3A_116], %gather3A_115 {strides = array<i32>} : memref<128xi32, #tpu.memory_space<vmem>>, vector<16xi32>,
      %add3A_118 = arith.constant 40 : i32
      %add3A_119 = vector.broadcast %add3A_118 : i32 to vector<16xi32>
      %add3A_120 = arith.addi %shift_right_arithmetic3A_4, %add3A_119 : vector<16xi32>
      %mul3A_121 = arith.constant 4 : i32
      %mul3A_122 = arith.muli %scan3A_96, %mul3A_121 : i32
      %add3A_123 = vector.broadcast %mul3A_122 : i32 to vector<16xi32>
      %add3A_124 = arith.addi %and3A_6, %add3A_123 : vector<16xi32>
      %gather3A_125 = tpu.vector_load_idx %arg6[%add3A_120, %add3A_124] : memref<128x200xi32, #tpu.memory_space<vmem>>[vector<16xi32>, vector<16xi32>], vector<16xi32>,
      %swap3A_126 = arith.constant 32 : index
      %swap3A_127 = tpu.vector_load %arg8[%swap3A_126] {strides = array<i32>} : memref<128xi32, #tpu.memory_space<vmem>>, vector<16xi32>,
      tpu.vector_store %arg8[%swap3A_126], %gather3A_125 {strides = array<i32>} : memref<128xi32, #tpu.memory_space<vmem>>, vector<16xi32>,
      %add3A_128 = arith.constant 44 : i32
      %add3A_129 = vector.broadcast %add3A_128 : i32 to vector<16xi32>
      %add3A_130 = arith.addi %shift_right_arithmetic3A_4, %add3A_129 : vector<16xi32>
      %mul3A_131 = arith.constant 4 : i32
      %mul3A_132 = arith.muli %scan3A_96, %mul3A_131 : i32
      %add3A_133 = vector.broadcast %mul3A_132 : i32 to vector<16xi32>
      %add3A_134 = arith.addi %and3A_6, %add3A_133 : vector<16xi32>
      %gather3A_135 = tpu.vector_load_idx %arg6[%add3A_130, %add3A_134] : memref<128x200xi32, #tpu.memory_space<vmem>>[vector<16xi32>, vector<16xi32>], vector<16xi32>,
      %swap3A_136 = arith.constant 48 : index
      %swap3A_137 = tpu.vector_load %arg8[%swap3A_136] {strides = array<i32>} : memref<128xi32, #tpu.memory_space<vmem>>, vector<16xi32>,
      tpu.vector_store %arg8[%swap3A_136], %gather3A_135 {strides = array<i32>} : memref<128xi32, #tpu.memory_space<vmem>>, vector<16xi32>,
      %add3A_138 = arith.constant 48 : i32
      %add3A_139 = vector.broadcast %add3A_138 : i32 to vector<16xi32>
      %add3A_140 = arith.addi %shift_right_arithmetic3A_4, %add3A_139 : vector<16xi32>
      %mul3A_141 = arith.constant 4 : i32
      %mul3A_142 = arith.muli %scan3A_96, %mul3A_141 : i32
      %add3A_143 = vector.broadcast %mul3A_142 : i32 to vector<16xi32>
      %add3A_144 = arith.addi %and3A_6, %add3A_143 : vector<16xi32>
      %gather3A_145 = tpu.vector_load_idx %arg6[%add3A_140, %add3A_144] : memref<128x200xi32, #tpu.memory_space<vmem>>[vector<16xi32>, vector<16xi32>], vector<16xi32>,
      %swap3A_146 = arith.constant 64 : index
      %swap3A_147 = tpu.vector_load %arg8[%swap3A_146] {strides = array<i32>} : memref<128xi32, #tpu.memory_space<vmem>>, vector<16xi32>,
      tpu.vector_store %arg8[%swap3A_146], %gather3A_145 {strides = array<i32>} : memref<128xi32, #tpu.memory_space<vmem>>, vector<16xi32>,
      %add3A_148 = arith.constant 52 : i32
      %add3A_149 = vector.broadcast %add3A_148 : i32 to vector<16xi32>
      %add3A_150 = arith.addi %shift_right_arithmetic3A_4, %add3A_149 : vector<16xi32>
      %mul3A_151 = arith.constant 4 : i32
      %mul3A_152 = arith.muli %scan3A_96, %mul3A_151 : i32
      %add3A_153 = vector.broadcast %mul3A_152 : i32 to vector<16xi32>
      %add3A_154 = arith.addi %and3A_6, %add3A_153 : vector<16xi32>
      %gather3A_155 = tpu.vector_load_idx %arg6[%add3A_150, %add3A_154] : memref<128x200xi32, #tpu.memory_space<vmem>>[vector<16xi32>, vector<16xi32>], vector<16xi32>,
      %swap3A_156 = arith.constant 80 : index
      %swap3A_157 = tpu.vector_load %arg8[%swap3A_156] {strides = array<i32>} : memref<128xi32, #tpu.memory_space<vmem>>, vector<16xi32>,
      tpu.vector_store %arg8[%swap3A_156], %gather3A_155 {strides = array<i32>} : memref<128xi32, #tpu.memory_space<vmem>>, vector<16xi32>,
      %add3A_158 = arith.constant 56 : i32
      %add3A_159 = vector.broadcast %add3A_158 : i32 to vector<16xi32>
      %add3A_160 = arith.addi %shift_right_arithmetic3A_4, %add3A_159 : vector<16xi32>
      %mul3A_161 = arith.constant 4 : i32
      %mul3A_162 = arith.muli %scan3A_96, %mul3A_161 : i32
      %add3A_163 = vector.broadcast %mul3A_162 : i32 to vector<16xi32>
      %add3A_164 = arith.addi %and3A_6, %add3A_163 : vector<16xi32>
      %gather3A_165 = tpu.vector_load_idx %arg6[%add3A_160, %add3A_164] : memref<128x200xi32, #tpu.memory_space<vmem>>[vector<16xi32>, vector<16xi32>], vector<16xi32>,
      %swap3A_166 = arith.constant 96 : index
      %swap3A_167 = tpu.vector_load %arg8[%swap3A_166] {strides = array<i32>} : memref<128xi32, #tpu.memory_space<vmem>>, vector<16xi32>,
      tpu.vector_store %arg8[%swap3A_166], %gather3A_165 {strides = array<i32>} : memref<128xi32, #tpu.memory_space<vmem>>, vector<16xi32>,
      %add3A_168 = arith.constant 60 : i32
      %add3A_169 = vector.broadcast %add3A_168 : i32 to vector<16xi32>
      %add3A_170 = arith.addi %shift_right_arithmetic3A_4, %add3A_169 : vector<16xi32>
      %mul3A_171 = arith.constant 4 : i32
      %mul3A_172 = arith.muli %scan3A_96, %mul3A_171 : i32
      %add3A_173 = vector.broadcast %mul3A_172 : i32 to vector<16xi32>
      %add3A_174 = arith.addi %and3A_6, %add3A_173 : vector<16xi32>
      %gather3A_175 = tpu.vector_load_idx %arg6[%add3A_170, %add3A_174] : memref<128x200xi32, #tpu.memory_space<vmem>>[vector<16xi32>, vector<16xi32>], vector<16xi32>,
      %swap3A_176 = arith.constant 112 : index
      %swap3A_177 = tpu.vector_load %arg8[%swap3A_176] {strides = array<i32>} : memref<128xi32, #tpu.memory_space<vmem>>, vector<16xi32>,
      tpu.vector_store %arg8[%swap3A_176], %gather3A_175 {strides = array<i32>} : memref<128xi32, #tpu.memory_space<vmem>>, vector<16xi32>,
      %dma_start3A_178 = arith.constant 0 : i32
      %dma_start3A_179 = arith.constant 0 : i32
      %dma_start3A_180 = tpu.memref_slice %arg3[%dma_start3A_178, %dma_start3A_179] : memref<100000x128xf32, #tpu.memory_space<hbm>> -> memref<100000x128xf32, #tpu.memory_space<hbm>>
      tpu.enqueue_indirect_dma source(%dma_start3A_180 : memref<100000x128xf32, #tpu.memory_space<hbm>>) target(%arg10 : memref<128x128xf32, #tpu.memory_space<vmem>>) offsets(%arg8 : memref<128xi32, #tpu.memory_space<vmem>>) semaphore(%arg15 : memref<!tpu.dma_semaphore, #tpu.memory_space<semaphore_mem>>)
      %ge3A = arith.constant 1 : i32
      %ge3A_181 = arith.cmpi sge, %scan3A_96, %ge3A : i32
      %mul3A_182 = arith.constant 4 : i32
      %mul3A_183 = arith.muli %scan3A_96, %mul3A_182 : i32
      %add3A_184 = arith.constant 0 : i32
      %add3A_185 = arith.addi %mul3A_183, %add3A_184 : i32
      %get3A = arith.index_cast %add3A_185 : i32 to index
      %get3A_186 = arith.constant 0 : index
      %get3A_187 = tpu.vector_load %arg13[%get3A, %get3A_186] {strides = array<i32>} : memref<200x128xf32, #tpu.memory_space<vmem>>, vector<16xf32>,
      %mul3A_188 = arith.constant 4 : i32
      %mul3A_189 = arith.muli %scan3A_96, %mul3A_188 : i32
      %add3A_190 = arith.constant 0 : i32
      %add3A_191 = arith.addi %mul3A_189, %add3A_190 : i32
      %get3A_192 = arith.index_cast %add3A_191 : i32 to index
      %get3A_193 = arith.constant 16 : index
      %get3A_194 = tpu.vector_load %arg13[%get3A_192, %get3A_193] {strides = array<i32>} : memref<200x128xf32, #tpu.memory_space<vmem>>, vector<16xf32>,
      %mul3A_195 = arith.constant 4 : i32
      %mul3A_196 = arith.muli %scan3A_96, %mul3A_195 : i32
      %add3A_197 = arith.constant 0 : i32
      %add3A_198 = arith.addi %mul3A_196, %add3A_197 : i32
      %get3A_199 = arith.index_cast %add3A_198 : i32 to index
      %get3A_200 = arith.constant 32 : index
      %get3A_201 = tpu.vector_load %arg13[%get3A_199, %get3A_200] {strides = array<i32>} : memref<200x128xf32, #tpu.memory_space<vmem>>, vector<16xf32>,
      %mul3A_202 = arith.constant 4 : i32
      %mul3A_203 = arith.muli %scan3A_96, %mul3A_202 : i32
      %add3A_204 = arith.constant 0 : i32
      %add3A_205 = arith.addi %mul3A_203, %add3A_204 : i32
      %get3A_206 = arith.index_cast %add3A_205 : i32 to index
      %get3A_207 = arith.constant 48 : index
      %get3A_208 = tpu.vector_load %arg13[%get3A_206, %get3A_207] {strides = array<i32>} : memref<200x128xf32, #tpu.memory_space<vmem>>, vector<16xf32>,
      %mul3A_209 = arith.constant 4 : i32
      %mul3A_210 = arith.muli %scan3A_96, %mul3A_209 : i32
      %add3A_211 = arith.constant 0 : i32
      %add3A_212 = arith.addi %mul3A_210, %add3A_211 : i32
      %get3A_213 = arith.index_cast %add3A_212 : i32 to index
      %get3A_214 = arith.constant 64 : index
      %get3A_215 = tpu.vector_load %arg13[%get3A_213, %get3A_214] {strides = array<i32>} : memref<200x128xf32, #tpu.memory_space<vmem>>, vector<16xf32>,
      %mul3A_216 = arith.constant 4 : i32
      %mul3A_217 = arith.muli %scan3A_96, %mul3A_216 : i32
      %add3A_218 = arith.constant 0 : i32
      %add3A_219 = arith.addi %mul3A_217, %add3A_218 : i32
      %get3A_220 = arith.index_cast %add3A_219 : i32 to index
      %get3A_221 = arith.constant 80 : index
      %get3A_222 = tpu.vector_load %arg13[%get3A_220, %get3A_221] {strides = array<i32>} : memref<200x128xf32, #tpu.memory_space<vmem>>, vector<16xf32>,
      %mul3A_223 = arith.constant 4 : i32
      %mul3A_224 = arith.muli %scan3A_96, %mul3A_223 : i32
      %add3A_225 = arith.constant 0 : i32
      %add3A_226 = arith.addi %mul3A_224, %add3A_225 : i32
      %get3A_227 = arith.index_cast %add3A_226 : i32 to index
      %get3A_228 = arith.constant 96 : index
      %get3A_229 = tpu.vector_load %arg13[%get3A_227, %get3A_228] {strides = array<i32>} : memref<200x128xf32, #tpu.memory_space<vmem>>, vector<16xf32>,
      %mul3A_230 = arith.constant 4 : i32
      %mul3A_231 = arith.muli %scan3A_96, %mul3A_230 : i32
      %add3A_232 = arith.constant 0 : i32
      %add3A_233 = arith.addi %mul3A_231, %add3A_232 : i32
      %get3A_234 = arith.index_cast %add3A_233 : i32 to index
      %get3A_235 = arith.constant 112 : index
      %get3A_236 = tpu.vector_load %arg13[%get3A_234, %get3A_235] {strides = array<i32>} : memref<200x128xf32, #tpu.memory_space<vmem>>, vector<16xf32>,
      %mul3A_237 = arith.constant 4 : i32
      %mul3A_238 = arith.muli %scan3A_96, %mul3A_237 : i32
      %add3A_239 = arith.constant 1 : i32
      %add3A_240 = arith.addi %mul3A_238, %add3A_239 : i32
      %get3A_241 = arith.index_cast %add3A_240 : i32 to index
      %get3A_242 = arith.constant 0 : index
      %get3A_243 = tpu.vector_load %arg13[%get3A_241, %get3A_242] {strides = array<i32>} : memref<200x128xf32, #tpu.memory_space<vmem>>, vector<16xf32>,
      %mul3A_244 = arith.constant 4 : i32
      %mul3A_245 = arith.muli %scan3A_96, %mul3A_244 : i32
      %add3A_246 = arith.constant 1 : i32
      %add3A_247 = arith.addi %mul3A_245, %add3A_246 : i32
      %get3A_248 = arith.index_cast %add3A_247 : i32 to index
      %get3A_249 = arith.constant 16 : index
      %get3A_250 = tpu.vector_load %arg13[%get3A_248, %get3A_249] {strides = array<i32>} : memref<200x128xf32, #tpu.memory_space<vmem>>, vector<16xf32>,
      %mul3A_251 = arith.constant 4 : i32
      %mul3A_252 = arith.muli %scan3A_96, %mul3A_251 : i32
      %add3A_253 = arith.constant 1 : i32
      %add3A_254 = arith.addi %mul3A_252, %add3A_253 : i32
      %get3A_255 = arith.index_cast %add3A_254 : i32 to index
      %get3A_256 = arith.constant 32 : index
      %get3A_257 = tpu.vector_load %arg13[%get3A_255, %get3A_256] {strides = array<i32>} : memref<200x128xf32, #tpu.memory_space<vmem>>, vector<16xf32>,
      %mul3A_258 = arith.constant 4 : i32
      %mul3A_259 = arith.muli %scan3A_96, %mul3A_258 : i32
      %add3A_260 = arith.constant 1 : i32
      %add3A_261 = arith.addi %mul3A_259, %add3A_260 : i32
      %get3A_262 = arith.index_cast %add3A_261 : i32 to index
      %get3A_263 = arith.constant 48 : index
      %get3A_264 = tpu.vector_load %arg13[%get3A_262, %get3A_263] {strides = array<i32>} : memref<200x128xf32, #tpu.memory_space<vmem>>, vector<16xf32>,
      %mul3A_265 = arith.constant 4 : i32
      %mul3A_266 = arith.muli %scan3A_96, %mul3A_265 : i32
      %add3A_267 = arith.constant 1 : i32
      %add3A_268 = arith.addi %mul3A_266, %add3A_267 : i32
      %get3A_269 = arith.index_cast %add3A_268 : i32 to index
      %get3A_270 = arith.constant 64 : index
      %get3A_271 = tpu.vector_load %arg13[%get3A_269, %get3A_270] {strides = array<i32>} : memref<200x128xf32, #tpu.memory_space<vmem>>, vector<16xf32>,
      %mul3A_272 = arith.constant 4 : i32
      %mul3A_273 = arith.muli %scan3A_96, %mul3A_272 : i32
      %add3A_274 = arith.constant 1 : i32
      %add3A_275 = arith.addi %mul3A_273, %add3A_274 : i32
      %get3A_276 = arith.index_cast %add3A_275 : i32 to index
      %get3A_277 = arith.constant 80 : index
      %get3A_278 = tpu.vector_load %arg13[%get3A_276, %get3A_277] {strides = array<i32>} : memref<200x128xf32, #tpu.memory_space<vmem>>, vector<16xf32>,
      %mul3A_279 = arith.constant 4 : i32
      %mul3A_280 = arith.muli %scan3A_96, %mul3A_279 : i32
      %add3A_281 = arith.constant 1 : i32
      %add3A_282 = arith.addi %mul3A_280, %add3A_281 : i32
      %get3A_283 = arith.index_cast %add3A_282 : i32 to index
      %get3A_284 = arith.constant 96 : index
      %get3A_285 = tpu.vector_load %arg13[%get3A_283, %get3A_284] {strides = array<i32>} : memref<200x128xf32, #tpu.memory_space<vmem>>, vector<16xf32>,
      %mul3A_286 = arith.constant 4 : i32
      %mul3A_287 = arith.muli %scan3A_96, %mul3A_286 : i32
      %add3A_288 = arith.constant 1 : i32
      %add3A_289 = arith.addi %mul3A_287, %add3A_288 : i32
      %get3A_290 = arith.index_cast %add3A_289 : i32 to index
      %get3A_291 = arith.constant 112 : index
      %get3A_292 = tpu.vector_load %arg13[%get3A_290, %get3A_291] {strides = array<i32>} : memref<200x128xf32, #tpu.memory_space<vmem>>, vector<16xf32>,
      %mul3A_293 = arith.constant 4 : i32
      %mul3A_294 = arith.muli %scan3A_96, %mul3A_293 : i32
      %add3A_295 = arith.constant 2 : i32
      %add3A_296 = arith.addi %mul3A_294, %add3A_295 : i32
      %get3A_297 = arith.index_cast %add3A_296 : i32 to index
      %get3A_298 = arith.constant 0 : index
      %get3A_299 = tpu.vector_load %arg13[%get3A_297, %get3A_298] {strides = array<i32>} : memref<200x128xf32, #tpu.memory_space<vmem>>, vector<16xf32>,
      %mul3A_300 = arith.constant 4 : i32
      %mul3A_301 = arith.muli %scan3A_96, %mul3A_300 : i32
      %add3A_302 = arith.constant 2 : i32
      %add3A_303 = arith.addi %mul3A_301, %add3A_302 : i32
      %get3A_304 = arith.index_cast %add3A_303 : i32 to index
      %get3A_305 = arith.constant 16 : index
      %get3A_306 = tpu.vector_load %arg13[%get3A_304, %get3A_305] {strides = array<i32>} : memref<200x128xf32, #tpu.memory_space<vmem>>, vector<16xf32>,
      %mul3A_307 = arith.constant 4 : i32
      %mul3A_308 = arith.muli %scan3A_96, %mul3A_307 : i32
      %add3A_309 = arith.constant 2 : i32
      %add3A_310 = arith.addi %mul3A_308, %add3A_309 : i32
      %get3A_311 = arith.index_cast %add3A_310 : i32 to index
      %get3A_312 = arith.constant 32 : index
      %get3A_313 = tpu.vector_load %arg13[%get3A_311, %get3A_312] {strides = array<i32>} : memref<200x128xf32, #tpu.memory_space<vmem>>, vector<16xf32>,
      %mul3A_314 = arith.constant 4 : i32
      %mul3A_315 = arith.muli %scan3A_96, %mul3A_314 : i32
      %add3A_316 = arith.constant 2 : i32
      %add3A_317 = arith.addi %mul3A_315, %add3A_316 : i32
      %get3A_318 = arith.index_cast %add3A_317 : i32 to index
      %get3A_319 = arith.constant 48 : index
      %get3A_320 = tpu.vector_load %arg13[%get3A_318, %get3A_319] {strides = array<i32>} : memref<200x128xf32, #tpu.memory_space<vmem>>, vector<16xf32>,
      %mul3A_321 = arith.constant 4 : i32
      %mul3A_322 = arith.muli %scan3A_96, %mul3A_321 : i32
      %add3A_323 = arith.constant 2 : i32
      %add3A_324 = arith.addi %mul3A_322, %add3A_323 : i32
      %get3A_325 = arith.index_cast %add3A_324 : i32 to index
      %get3A_326 = arith.constant 64 : index
      %get3A_327 = tpu.vector_load %arg13[%get3A_325, %get3A_326] {strides = array<i32>} : memref<200x128xf32, #tpu.memory_space<vmem>>, vector<16xf32>,
      %mul3A_328 = arith.constant 4 : i32
      %mul3A_329 = arith.muli %scan3A_96, %mul3A_328 : i32
      %add3A_330 = arith.constant 2 : i32
      %add3A_331 = arith.addi %mul3A_329, %add3A_330 : i32
      %get3A_332 = arith.index_cast %add3A_331 : i32 to index
      %get3A_333 = arith.constant 80 : index
      %get3A_334 = tpu.vector_load %arg13[%get3A_332, %get3A_333] {strides = array<i32>} : memref<200x128xf32, #tpu.memory_space<vmem>>, vector<16xf32>,
      %mul3A_335 = arith.constant 4 : i32
      %mul3A_336 = arith.muli %scan3A_96, %mul3A_335 : i32
      %add3A_337 = arith.constant 2 : i32
      %add3A_338 = arith.addi %mul3A_336, %add3A_337 : i32
      %get3A_339 = arith.index_cast %add3A_338 : i32 to index
      %get3A_340 = arith.constant 96 : index
      %get3A_341 = tpu.vector_load %arg13[%get3A_339, %get3A_340] {strides = array<i32>} : memref<200x128xf32, #tpu.memory_space<vmem>>, vector<16xf32>,
      %mul3A_342 = arith.constant 4 : i32
      %mul3A_343 = arith.muli %scan3A_96, %mul3A_342 : i32
      %add3A_344 = arith.constant 2 : i32
      %add3A_345 = arith.addi %mul3A_343, %add3A_344 : i32
      %get3A_346 = arith.index_cast %add3A_345 : i32 to index
      %get3A_347 = arith.constant 112 : index
      %get3A_348 = tpu.vector_load %arg13[%get3A_346, %get3A_347] {strides = array<i32>} : memref<200x128xf32, #tpu.memory_space<vmem>>, vector<16xf32>,
      %mul3A_349 = arith.constant 4 : i32
      %mul3A_350 = arith.muli %scan3A_96, %mul3A_349 : i32
      %add3A_351 = arith.constant 3 : i32
      %add3A_352 = arith.addi %mul3A_350, %add3A_351 : i32
      %get3A_353 = arith.index_cast %add3A_352 : i32 to index
      %get3A_354 = arith.constant 0 : index
      %get3A_355 = tpu.vector_load %arg13[%get3A_353, %get3A_354] {strides = array<i32>} : memref<200x128xf32, #tpu.memory_space<vmem>>, vector<16xf32>,
      %mul3A_356 = arith.constant 4 : i32
      %mul3A_357 = arith.muli %scan3A_96, %mul3A_356 : i32
      %add3A_358 = arith.constant 3 : i32
      %add3A_359 = arith.addi %mul3A_357, %add3A_358 : i32
      %get3A_360 = arith.index_cast %add3A_359 : i32 to index
      %get3A_361 = arith.constant 16 : index
      %get3A_362 = tpu.vector_load %arg13[%get3A_360, %get3A_361] {strides = array<i32>} : memref<200x128xf32, #tpu.memory_space<vmem>>, vector<16xf32>,
      %mul3A_363 = arith.constant 4 : i32
      %mul3A_364 = arith.muli %scan3A_96, %mul3A_363 : i32
      %add3A_365 = arith.constant 3 : i32
      %add3A_366 = arith.addi %mul3A_364, %add3A_365 : i32
      %get3A_367 = arith.index_cast %add3A_366 : i32 to index
      %get3A_368 = arith.constant 32 : index
      %get3A_369 = tpu.vector_load %arg13[%get3A_367, %get3A_368] {strides = array<i32>} : memref<200x128xf32, #tpu.memory_space<vmem>>, vector<16xf32>,
      %mul3A_370 = arith.constant 4 : i32
      %mul3A_371 = arith.muli %scan3A_96, %mul3A_370 : i32
      %add3A_372 = arith.constant 3 : i32
      %add3A_373 = arith.addi %mul3A_371, %add3A_372 : i32
      %get3A_374 = arith.index_cast %add3A_373 : i32 to index
      %get3A_375 = arith.constant 48 : index
      %get3A_376 = tpu.vector_load %arg13[%get3A_374, %get3A_375] {strides = array<i32>} : memref<200x128xf32, #tpu.memory_space<vmem>>, vector<16xf32>,
      %mul3A_377 = arith.constant 4 : i32
      %mul3A_378 = arith.muli %scan3A_96, %mul3A_377 : i32
      %add3A_379 = arith.constant 3 : i32
      %add3A_380 = arith.addi %mul3A_378, %add3A_379 : i32
      %get3A_381 = arith.index_cast %add3A_380 : i32 to index
      %get3A_382 = arith.constant 64 : index
      %get3A_383 = tpu.vector_load %arg13[%get3A_381, %get3A_382] {strides = array<i32>} : memref<200x128xf32, #tpu.memory_space<vmem>>, vector<16xf32>,
      %mul3A_384 = arith.constant 4 : i32
      %mul3A_385 = arith.muli %scan3A_96, %mul3A_384 : i32
      %add3A_386 = arith.constant 3 : i32
      %add3A_387 = arith.addi %mul3A_385, %add3A_386 : i32
      %get3A_388 = arith.index_cast %add3A_387 : i32 to index
      %get3A_389 = arith.constant 80 : index
      %get3A_390 = tpu.vector_load %arg13[%get3A_388, %get3A_389] {strides = array<i32>} : memref<200x128xf32, #tpu.memory_space<vmem>>, vector<16xf32>,
      %mul3A_391 = arith.constant 4 : i32
      %mul3A_392 = arith.muli %scan3A_96, %mul3A_391 : i32
      %add3A_393 = arith.constant 3 : i32
      %add3A_394 = arith.addi %mul3A_392, %add3A_393 : i32
      %get3A_395 = arith.index_cast %add3A_394 : i32 to index
      %get3A_396 = arith.constant 96 : index
      %get3A_397 = tpu.vector_load %arg13[%get3A_395, %get3A_396] {strides = array<i32>} : memref<200x128xf32, #tpu.memory_space<vmem>>, vector<16xf32>,
      %mul3A_398 = arith.constant 4 : i32
      %mul3A_399 = arith.muli %scan3A_96, %mul3A_398 : i32
      %add3A_400 = arith.constant 3 : i32
      %add3A_401 = arith.addi %mul3A_399, %add3A_400 : i32
      %get3A_402 = arith.index_cast %add3A_401 : i32 to index
      %get3A_403 = arith.constant 112 : index
      %get3A_404 = tpu.vector_load %arg13[%get3A_402, %get3A_403] {strides = array<i32>} : memref<200x128xf32, #tpu.memory_space<vmem>>, vector<16xf32>,
      %dma_wait3A_405 = arith.constant 0 : i32
      %dma_wait3A_406 = arith.constant 0 : i32
      %dma_wait3A_407 = tpu.memref_slice %arg3[%dma_wait3A_405, %dma_wait3A_406] : memref<100000x128xf32, #tpu.memory_space<hbm>> -> memref<100000x128xf32, #tpu.memory_space<hbm>>
      tpu.wait_indirect_dma semaphore(%arg14 : memref<!tpu.dma_semaphore, #tpu.memory_space<semaphore_mem>>) src(%dma_wait3A_407 : memref<100000x128xf32, #tpu.memory_space<hbm>>) dst(%arg9 : memref<128x128xf32, #tpu.memory_space<vmem>>)
      %convert_element_type3A = arith.extui %ge3A_181 : i1 to i32
      %cond3A = arith.constant 0 : i32
      %cond3A_408 = arith.cmpi ne, %convert_element_type3A, %cond3A : i32
      scf.if %cond3A_408 {
        %dma_wait3A_1321 = arith.constant 0 : i32
        %dma_wait3A_1322 = arith.constant 0 : i32
        %dma_wait3A_1323 = tpu.memref_slice %arg5[%mul3A_2, %dma_wait3A_1321, %dma_wait3A_1322] : memref<4096x200x128xf32, #tpu.memory_space<hbm>> -> memref<32x4x128xf32, #tpu.memory_space<hbm>>
        %dma_wait3A_1324 = arith.constant 0 : i32
        %dma_wait3A_1325 = arith.constant 0 : i32
        %dma_wait3A_1326 = tpu.memref_slice %arg5[%mul3A_2, %dma_wait3A_1324, %dma_wait3A_1325] : memref<4096x200x128xf32, #tpu.memory_space<hbm>> -> memref<32x4x128xf32, #tpu.memory_space<hbm>>
        tpu.wait_dma2 semaphore(%arg16 : memref<!tpu.dma_semaphore, #tpu.memory_space<semaphore_mem>>) src(%arg11 : memref<32x4x128xf32, #tpu.memory_space<vmem>>) dst(%dma_wait3A_1326 : memref<32x4x128xf32, #tpu.memory_space<hbm>>)
      } else {
      }
      %parallel_loop3A = arith.constant 0 : i32
      %parallel_loop3A_409 = arith.constant 32 : i32
      %parallel_loop3A_410 = arith.constant 1 : i32
      scf.for %parallel_loop3A_1321 = %parallel_loop3A to %parallel_loop3A_409 step %parallel_loop3A_410  : i32 {
        %parallel_loop3A_1322 = arith.constant 4 : i32
        %parallel_loop3A_1323 = arith.muli %parallel_loop3A_1322, %parallel_loop3A_1321 : i32
        %parallel_loop3A_1324 = arith.constant 0 : i32
        %parallel_loop3A_1325 = arith.addi %parallel_loop3A_1323, %parallel_loop3A_1324 : i32
        %parallel_loop3A_1326 = arith.index_cast %parallel_loop3A_1325 : i32 to index
        %parallel_loop3A_1327 = arith.constant 0 : index
        %parallel_loop3A_1328 = tpu.vector_load %arg9[%parallel_loop3A_1326, %parallel_loop3A_1327] {strides = array<i32>} : memref<128x128xf32, #tpu.memory_space<vmem>>, vector<16xf32>,
        %parallel_loop3A_1329 = arith.addf %parallel_loop3A_1328, %get3A_187 : vector<16xf32>
        %parallel_loop3A_1330 = arith.constant 0 : i32
        %parallel_loop3A_1331 = arith.index_cast %parallel_loop3A_1321 : i32 to index
        %parallel_loop3A_1332 = arith.index_cast %parallel_loop3A_1330 : i32 to index
        %parallel_loop3A_1333 = arith.constant 0 : index
        %parallel_loop3A_1334 = tpu.vector_load %arg11[%parallel_loop3A_1331, %parallel_loop3A_1332, %parallel_loop3A_1333] {strides = array<i32>} : memref<32x4x128xf32, #tpu.memory_space<vmem>>, vector<16xf32>,
        tpu.vector_store %arg11[%parallel_loop3A_1331, %parallel_loop3A_1332, %parallel_loop3A_1333], %parallel_loop3A_1329 {strides = array<i32>} : memref<32x4x128xf32, #tpu.memory_space<vmem>>, vector<16xf32>,
        %parallel_loop3A_1335 = arith.index_cast %parallel_loop3A_1325 : i32 to index
        %parallel_loop3A_1336 = arith.constant 16 : index
        %parallel_loop3A_1337 = tpu.vector_load %arg9[%parallel_loop3A_1335, %parallel_loop3A_1336] {strides = array<i32>} : memref<128x128xf32, #tpu.memory_space<vmem>>, vector<16xf32>,
        %parallel_loop3A_1338 = arith.addf %parallel_loop3A_1337, %get3A_194 : vector<16xf32>
        %parallel_loop3A_1339 = arith.constant 0 : i32
        %parallel_loop3A_1340 = arith.index_cast %parallel_loop3A_1321 : i32 to index
        %parallel_loop3A_1341 = arith.index_cast %parallel_loop3A_1339 : i32 to index
        %parallel_loop3A_1342 = arith.constant 16 : index
        %parallel_loop3A_1343 = tpu.vector_load %arg11[%parallel_loop3A_1340, %parallel_loop3A_1341, %parallel_loop3A_1342] {strides = array<i32>} : memref<32x4x128xf32, #tpu.memory_space<vmem>>, vector<16xf32>,
        tpu.vector_store %arg11[%parallel_loop3A_1340, %parallel_loop3A_1341, %parallel_loop3A_1342], %parallel_loop3A_1338 {strides = array<i32>} : memref<32x4x128xf32, #tpu.memory_space<vmem>>, vector<16xf32>,
        %parallel_loop3A_1344 = arith.index_cast %parallel_loop3A_1325 : i32 to index
        %parallel_loop3A_1345 = arith.constant 32 : index
        %parallel_loop3A_1346 = tpu.vector_load %arg9[%parallel_loop3A_1344, %parallel_loop3A_1345] {strides = array<i32>} : memref<128x128xf32, #tpu.memory_space<vmem>>, vector<16xf32>,
        %parallel_loop3A_1347 = arith.addf %parallel_loop3A_1346, %get3A_201 : vector<16xf32>
        %parallel_loop3A_1348 = arith.constant 0 : i32
        %parallel_loop3A_1349 = arith.index_cast %parallel_loop3A_1321 : i32 to index
        %parallel_loop3A_1350 = arith.index_cast %parallel_loop3A_1348 : i32 to index
        %parallel_loop3A_1351 = arith.constant 32 : index
        %parallel_loop3A_1352 = tpu.vector_load %arg11[%parallel_loop3A_1349, %parallel_loop3A_1350, %parallel_loop3A_1351] {strides = array<i32>} : memref<32x4x128xf32, #tpu.memory_space<vmem>>, vector<16xf32>,
        tpu.vector_store %arg11[%parallel_loop3A_1349, %parallel_loop3A_1350, %parallel_loop3A_1351], %parallel_loop3A_1347 {strides = array<i32>} : memref<32x4x128xf32, #tpu.memory_space<vmem>>, vector<16xf32>,
        %parallel_loop3A_1353 = arith.index_cast %parallel_loop3A_1325 : i32 to index
        %parallel_loop3A_1354 = arith.constant 48 : index
        %parallel_loop3A_1355 = tpu.vector_load %arg9[%parallel_loop3A_1353, %parallel_loop3A_1354] {strides = array<i32>} : memref<128x128xf32, #tpu.memory_space<vmem>>, vector<16xf32>,
        %parallel_loop3A_1356 = arith.addf %parallel_loop3A_1355, %get3A_208 : vector<16xf32>
        %parallel_loop3A_1357 = arith.constant 0 : i32
        %parallel_loop3A_1358 = arith.index_cast %parallel_loop3A_1321 : i32 to index
        %parallel_loop3A_1359 = arith.index_cast %parallel_loop3A_1357 : i32 to index
        %parallel_loop3A_1360 = arith.constant 48 : index
        %parallel_loop3A_1361 = tpu.vector_load %arg11[%parallel_loop3A_1358, %parallel_loop3A_1359, %parallel_loop3A_1360] {strides = array<i32>} : memref<32x4x128xf32, #tpu.memory_space<vmem>>, vector<16xf32>,
        tpu.vector_store %arg11[%parallel_loop3A_1358, %parallel_loop3A_1359, %parallel_loop3A_1360], %parallel_loop3A_1356 {strides = array<i32>} : memref<32x4x128xf32, #tpu.memory_space<vmem>>, vector<16xf32>,
        %parallel_loop3A_1362 = arith.index_cast %parallel_loop3A_1325 : i32 to index
        %parallel_loop3A_1363 = arith.constant 64 : index
        %parallel_loop3A_1364 = tpu.vector_load %arg9[%parallel_loop3A_1362, %parallel_loop3A_1363] {strides = array<i32>} : memref<128x128xf32, #tpu.memory_space<vmem>>, vector<16xf32>,
        %parallel_loop3A_1365 = arith.addf %parallel_loop3A_1364, %get3A_215 : vector<16xf32>
        %parallel_loop3A_1366 = arith.constant 0 : i32
        %parallel_loop3A_1367 = arith.index_cast %parallel_loop3A_1321 : i32 to index
        %parallel_loop3A_1368 = arith.index_cast %parallel_loop3A_1366 : i32 to index
        %parallel_loop3A_1369 = arith.constant 64 : index
        %parallel_loop3A_1370 = tpu.vector_load %arg11[%parallel_loop3A_1367, %parallel_loop3A_1368, %parallel_loop3A_1369] {strides = array<i32>} : memref<32x4x128xf32, #tpu.memory_space<vmem>>, vector<16xf32>,
        tpu.vector_store %arg11[%parallel_loop3A_1367, %parallel_loop3A_1368, %parallel_loop3A_1369], %parallel_loop3A_1365 {strides = array<i32>} : memref<32x4x128xf32, #tpu.memory_space<vmem>>, vector<16xf32>,
        %parallel_loop3A_1371 = arith.index_cast %parallel_loop3A_1325 : i32 to index
        %parallel_loop3A_1372 = arith.constant 80 : index
        %parallel_loop3A_1373 = tpu.vector_load %arg9[%parallel_loop3A_1371, %parallel_loop3A_1372] {strides = array<i32>} : memref<128x128xf32, #tpu.memory_space<vmem>>, vector<16xf32>,
        %parallel_loop3A_1374 = arith.addf %parallel_loop3A_1373, %get3A_222 : vector<16xf32>
        %parallel_loop3A_1375 = arith.constant 0 : i32
        %parallel_loop3A_1376 = arith.index_cast %parallel_loop3A_1321 : i32 to index
        %parallel_loop3A_1377 = arith.index_cast %parallel_loop3A_1375 : i32 to index
        %parallel_loop3A_1378 = arith.constant 80 : index
        %parallel_loop3A_1379 = tpu.vector_load %arg11[%parallel_loop3A_1376, %parallel_loop3A_1377, %parallel_loop3A_1378] {strides = array<i32>} : memref<32x4x128xf32, #tpu.memory_space<vmem>>, vector<16xf32>,
        tpu.vector_store %arg11[%parallel_loop3A_1376, %parallel_loop3A_1377, %parallel_loop3A_1378], %parallel_loop3A_1374 {strides = array<i32>} : memref<32x4x128xf32, #tpu.memory_space<vmem>>, vector<16xf32>,
        %parallel_loop3A_1380 = arith.index_cast %parallel_loop3A_1325 : i32 to index
        %parallel_loop3A_1381 = arith.constant 96 : index
        %parallel_loop3A_1382 = tpu.vector_load %arg9[%parallel_loop3A_1380, %parallel_loop3A_1381] {strides = array<i32>} : memref<128x128xf32, #tpu.memory_space<vmem>>, vector<16xf32>,
        %parallel_loop3A_1383 = arith.addf %parallel_loop3A_1382, %get3A_229 : vector<16xf32>
        %parallel_loop3A_1384 = arith.constant 0 : i32
        %parallel_loop3A_1385 = arith.index_cast %parallel_loop3A_1321 : i32 to index
        %parallel_loop3A_1386 = arith.index_cast %parallel_loop3A_1384 : i32 to index
        %parallel_loop3A_1387 = arith.constant 96 : index
        %parallel_loop3A_1388 = tpu.vector_load %arg11[%parallel_loop3A_1385, %parallel_loop3A_1386, %parallel_loop3A_1387] {strides = array<i32>} : memref<32x4x128xf32, #tpu.memory_space<vmem>>, vector<16xf32>,
        tpu.vector_store %arg11[%parallel_loop3A_1385, %parallel_loop3A_1386, %parallel_loop3A_1387], %parallel_loop3A_1383 {strides = array<i32>} : memref<32x4x128xf32, #tpu.memory_space<vmem>>, vector<16xf32>,
        %parallel_loop3A_1389 = arith.index_cast %parallel_loop3A_1325 : i32 to index
        %parallel_loop3A_1390 = arith.constant 112 : index
        %parallel_loop3A_1391 = tpu.vector_load %arg9[%parallel_loop3A_1389, %parallel_loop3A_1390] {strides = array<i32>} : memref<128x128xf32, #tpu.memory_space<vmem>>, vector<16xf32>,
        %parallel_loop3A_1392 = arith.addf %parallel_loop3A_1391, %get3A_236 : vector<16xf32>
        %parallel_loop3A_1393 = arith.constant 0 : i32
        %parallel_loop3A_1394 = arith.index_cast %parallel_loop3A_1321 : i32 to index
        %parallel_loop3A_1395 = arith.index_cast %parallel_loop3A_1393 : i32 to index
        %parallel_loop3A_1396 = arith.constant 112 : index
        %parallel_loop3A_1397 = tpu.vector_load %arg11[%parallel_loop3A_1394, %parallel_loop3A_1395, %parallel_loop3A_1396] {strides = array<i32>} : memref<32x4x128xf32, #tpu.memory_space<vmem>>, vector<16xf32>,
        tpu.vector_store %arg11[%parallel_loop3A_1394, %parallel_loop3A_1395, %parallel_loop3A_1396], %parallel_loop3A_1392 {strides = array<i32>} : memref<32x4x128xf32, #tpu.memory_space<vmem>>, vector<16xf32>,
        %parallel_loop3A_1398 = arith.constant 4 : i32
        %parallel_loop3A_1399 = arith.muli %parallel_loop3A_1398, %parallel_loop3A_1321 : i32
        %parallel_loop3A_1400 = arith.constant 1 : i32
        %parallel_loop3A_1401 = arith.addi %parallel_loop3A_1399, %parallel_loop3A_1400 : i32
        %parallel_loop3A_1402 = arith.index_cast %parallel_loop3A_1401 : i32 to index
        %parallel_loop3A_1403 = arith.constant 0 : index
        %parallel_loop3A_1404 = tpu.vector_load %arg9[%parallel_loop3A_1402, %parallel_loop3A_1403] {strides = array<i32>} : memref<128x128xf32, #tpu.memory_space<vmem>>, vector<16xf32>,
        %parallel_loop3A_1405 = arith.addf %parallel_loop3A_1404, %get3A_243 : vector<16xf32>
        %parallel_loop3A_1406 = arith.constant 1 : i32
        %parallel_loop3A_1407 = arith.index_cast %parallel_loop3A_1321 : i32 to index
        %parallel_loop3A_1408 = arith.index_cast %parallel_loop3A_1406 : i32 to index
        %parallel_loop3A_1409 = arith.constant 0 : index
        %parallel_loop3A_1410 = tpu.vector_load %arg11[%parallel_loop3A_1407, %parallel_loop3A_1408, %parallel_loop3A_1409] {strides = array<i32>} : memref<32x4x128xf32, #tpu.memory_space<vmem>>, vector<16xf32>,
        tpu.vector_store %arg11[%parallel_loop3A_1407, %parallel_loop3A_1408, %parallel_loop3A_1409], %parallel_loop3A_1405 {strides = array<i32>} : memref<32x4x128xf32, #tpu.memory_space<vmem>>, vector<16xf32>,
        %parallel_loop3A_1411 = arith.index_cast %parallel_loop3A_1401 : i32 to index
        %parallel_loop3A_1412 = arith.constant 16 : index
        %parallel_loop3A_1413 = tpu.vector_load %arg9[%parallel_loop3A_1411, %parallel_loop3A_1412] {strides = array<i32>} : memref<128x128xf32, #tpu.memory_space<vmem>>, vector<16xf32>,
        %parallel_loop3A_1414 = arith.addf %parallel_loop3A_1413, %get3A_250 : vector<16xf32>
        %parallel_loop3A_1415 = arith.constant 1 : i32
        %parallel_loop3A_1416 = arith.index_cast %parallel_loop3A_1321 : i32 to index
        %parallel_loop3A_1417 = arith.index_cast %parallel_loop3A_1415 : i32 to index
        %parallel_loop3A_1418 = arith.constant 16 : index
        %parallel_loop3A_1419 = tpu.vector_load %arg11[%parallel_loop3A_1416, %parallel_loop3A_1417, %parallel_loop3A_1418] {strides = array<i32>} : memref<32x4x128xf32, #tpu.memory_space<vmem>>, vector<16xf32>,
        tpu.vector_store %arg11[%parallel_loop3A_1416, %parallel_loop3A_1417, %parallel_loop3A_1418], %parallel_loop3A_1414 {strides = array<i32>} : memref<32x4x128xf32, #tpu.memory_space<vmem>>, vector<16xf32>,
        %parallel_loop3A_1420 = arith.index_cast %parallel_loop3A_1401 : i32 to index
        %parallel_loop3A_1421 = arith.constant 32 : index
        %parallel_loop3A_1422 = tpu.vector_load %arg9[%parallel_loop3A_1420, %parallel_loop3A_1421] {strides = array<i32>} : memref<128x128xf32, #tpu.memory_space<vmem>>, vector<16xf32>,
        %parallel_loop3A_1423 = arith.addf %parallel_loop3A_1422, %get3A_257 : vector<16xf32>
        %parallel_loop3A_1424 = arith.constant 1 : i32
        %parallel_loop3A_1425 = arith.index_cast %parallel_loop3A_1321 : i32 to index
        %parallel_loop3A_1426 = arith.index_cast %parallel_loop3A_1424 : i32 to index
        %parallel_loop3A_1427 = arith.constant 32 : index
        %parallel_loop3A_1428 = tpu.vector_load %arg11[%parallel_loop3A_1425, %parallel_loop3A_1426, %parallel_loop3A_1427] {strides = array<i32>} : memref<32x4x128xf32, #tpu.memory_space<vmem>>, vector<16xf32>,
        tpu.vector_store %arg11[%parallel_loop3A_1425, %parallel_loop3A_1426, %parallel_loop3A_1427], %parallel_loop3A_1423 {strides = array<i32>} : memref<32x4x128xf32, #tpu.memory_space<vmem>>, vector<16xf32>,
        %parallel_loop3A_1429 = arith.index_cast %parallel_loop3A_1401 : i32 to index
        %parallel_loop3A_1430 = arith.constant 48 : index
        %parallel_loop3A_1431 = tpu.vector_load %arg9[%parallel_loop3A_1429, %parallel_loop3A_1430] {strides = array<i32>} : memref<128x128xf32, #tpu.memory_space<vmem>>, vector<16xf32>,
        %parallel_loop3A_1432 = arith.addf %parallel_loop3A_1431, %get3A_264 : vector<16xf32>
        %parallel_loop3A_1433 = arith.constant 1 : i32
        %parallel_loop3A_1434 = arith.index_cast %parallel_loop3A_1321 : i32 to index
        %parallel_loop3A_1435 = arith.index_cast %parallel_loop3A_1433 : i32 to index
        %parallel_loop3A_1436 = arith.constant 48 : index
        %parallel_loop3A_1437 = tpu.vector_load %arg11[%parallel_loop3A_1434, %parallel_loop3A_1435, %parallel_loop3A_1436] {strides = array<i32>} : memref<32x4x128xf32, #tpu.memory_space<vmem>>, vector<16xf32>,
        tpu.vector_store %arg11[%parallel_loop3A_1434, %parallel_loop3A_1435, %parallel_loop3A_1436], %parallel_loop3A_1432 {strides = array<i32>} : memref<32x4x128xf32, #tpu.memory_space<vmem>>, vector<16xf32>,
        %parallel_loop3A_1438 = arith.index_cast %parallel_loop3A_1401 : i32 to index
        %parallel_loop3A_1439 = arith.constant 64 : index
        %parallel_loop3A_1440 = tpu.vector_load %arg9[%parallel_loop3A_1438, %parallel_loop3A_1439] {strides = array<i32>} : memref<128x128xf32, #tpu.memory_space<vmem>>, vector<16xf32>,
        %parallel_loop3A_1441 = arith.addf %parallel_loop3A_1440, %get3A_271 : vector<16xf32>
        %parallel_loop3A_1442 = arith.constant 1 : i32
        %parallel_loop3A_1443 = arith.index_cast %parallel_loop3A_1321 : i32 to index
        %parallel_loop3A_1444 = arith.index_cast %parallel_loop3A_1442 : i32 to index
        %parallel_loop3A_1445 = arith.constant 64 : index
        %parallel_loop3A_1446 = tpu.vector_load %arg11[%parallel_loop3A_1443, %parallel_loop3A_1444, %parallel_loop3A_1445] {strides = array<i32>} : memref<32x4x128xf32, #tpu.memory_space<vmem>>, vector<16xf32>,
        tpu.vector_store %arg11[%parallel_loop3A_1443, %parallel_loop3A_1444, %parallel_loop3A_1445], %parallel_loop3A_1441 {strides = array<i32>} : memref<32x4x128xf32, #tpu.memory_space<vmem>>, vector<16xf32>,
        %parallel_loop3A_1447 = arith.index_cast %parallel_loop3A_1401 : i32 to index
        %parallel_loop3A_1448 = arith.constant 80 : index
        %parallel_loop3A_1449 = tpu.vector_load %arg9[%parallel_loop3A_1447, %parallel_loop3A_1448] {strides = array<i32>} : memref<128x128xf32, #tpu.memory_space<vmem>>, vector<16xf32>,
        %parallel_loop3A_1450 = arith.addf %parallel_loop3A_1449, %get3A_278 : vector<16xf32>
        %parallel_loop3A_1451 = arith.constant 1 : i32
        %parallel_loop3A_1452 = arith.index_cast %parallel_loop3A_1321 : i32 to index
        %parallel_loop3A_1453 = arith.index_cast %parallel_loop3A_1451 : i32 to index
        %parallel_loop3A_1454 = arith.constant 80 : index
        %parallel_loop3A_1455 = tpu.vector_load %arg11[%parallel_loop3A_1452, %parallel_loop3A_1453, %parallel_loop3A_1454] {strides = array<i32>} : memref<32x4x128xf32, #tpu.memory_space<vmem>>, vector<16xf32>,
        tpu.vector_store %arg11[%parallel_loop3A_1452, %parallel_loop3A_1453, %parallel_loop3A_1454], %parallel_loop3A_1450 {strides = array<i32>} : memref<32x4x128xf32, #tpu.memory_space<vmem>>, vector<16xf32>,
        %parallel_loop3A_1456 = arith.index_cast %parallel_loop3A_1401 : i32 to index
        %parallel_loop3A_1457 = arith.constant 96 : index
        %parallel_loop3A_1458 = tpu.vector_load %arg9[%parallel_loop3A_1456, %parallel_loop3A_1457] {strides = array<i32>} : memref<128x128xf32, #tpu.memory_space<vmem>>, vector<16xf32>,
        %parallel_loop3A_1459 = arith.addf %parallel_loop3A_1458, %get3A_285 : vector<16xf32>
        %parallel_loop3A_1460 = arith.constant 1 : i32
        %parallel_loop3A_1461 = arith.index_cast %parallel_loop3A_1321 : i32 to index
        %parallel_loop3A_1462 = arith.index_cast %parallel_loop3A_1460 : i32 to index
        %parallel_loop3A_1463 = arith.constant 96 : index
        %parallel_loop3A_1464 = tpu.vector_load %arg11[%parallel_loop3A_1461, %parallel_loop3A_1462, %parallel_loop3A_1463] {strides = array<i32>} : memref<32x4x128xf32, #tpu.memory_space<vmem>>, vector<16xf32>,
        tpu.vector_store %arg11[%parallel_loop3A_1461, %parallel_loop3A_1462, %parallel_loop3A_1463], %parallel_loop3A_1459 {strides = array<i32>} : memref<32x4x128xf32, #tpu.memory_space<vmem>>, vector<16xf32>,
        %parallel_loop3A_1465 = arith.index_cast %parallel_loop3A_1401 : i32 to index
        %parallel_loop3A_1466 = arith.constant 112 : index
        %parallel_loop3A_1467 = tpu.vector_load %arg9[%parallel_loop3A_1465, %parallel_loop3A_1466] {strides = array<i32>} : memref<128x128xf32, #tpu.memory_space<vmem>>, vector<16xf32>,
        %parallel_loop3A_1468 = arith.addf %parallel_loop3A_1467, %get3A_292 : vector<16xf32>
        %parallel_loop3A_1469 = arith.constant 1 : i32
        %parallel_loop3A_1470 = arith.index_cast %parallel_loop3A_1321 : i32 to index
        %parallel_loop3A_1471 = arith.index_cast %parallel_loop3A_1469 : i32 to index
        %parallel_loop3A_1472 = arith.constant 112 : index
        %parallel_loop3A_1473 = tpu.vector_load %arg11[%parallel_loop3A_1470, %parallel_loop3A_1471, %parallel_loop3A_1472] {strides = array<i32>} : memref<32x4x128xf32, #tpu.memory_space<vmem>>, vector<16xf32>,
        tpu.vector_store %arg11[%parallel_loop3A_1470, %parallel_loop3A_1471, %parallel_loop3A_1472], %parallel_loop3A_1468 {strides = array<i32>} : memref<32x4x128xf32, #tpu.memory_space<vmem>>, vector<16xf32>,
        %parallel_loop3A_1474 = arith.constant 4 : i32
        %parallel_loop3A_1475 = arith.muli %parallel_loop3A_1474, %parallel_loop3A_1321 : i32
        %parallel_loop3A_1476 = arith.constant 2 : i32
        %parallel_loop3A_1477 = arith.addi %parallel_loop3A_1475, %parallel_loop3A_1476 : i32
        %parallel_loop3A_1478 = arith.index_cast %parallel_loop3A_1477 : i32 to index
        %parallel_loop3A_1479 = arith.constant 0 : index
        %parallel_loop3A_1480 = tpu.vector_load %arg9[%parallel_loop3A_1478, %parallel_loop3A_1479] {strides = array<i32>} : memref<128x128xf32, #tpu.memory_space<vmem>>, vector<16xf32>,
        %parallel_loop3A_1481 = arith.addf %parallel_loop3A_1480, %get3A_299 : vector<16xf32>
        %parallel_loop3A_1482 = arith.constant 2 : i32
        %parallel_loop3A_1483 = arith.index_cast %parallel_loop3A_1321 : i32 to index
        %parallel_loop3A_1484 = arith.index_cast %parallel_loop3A_1482 : i32 to index
        %parallel_loop3A_1485 = arith.constant 0 : index
        %parallel_loop3A_1486 = tpu.vector_load %arg11[%parallel_loop3A_1483, %parallel_loop3A_1484, %parallel_loop3A_1485] {strides = array<i32>} : memref<32x4x128xf32, #tpu.memory_space<vmem>>, vector<16xf32>,
        tpu.vector_store %arg11[%parallel_loop3A_1483, %parallel_loop3A_1484, %parallel_loop3A_1485], %parallel_loop3A_1481 {strides = array<i32>} : memref<32x4x128xf32, #tpu.memory_space<vmem>>, vector<16xf32>,
        %parallel_loop3A_1487 = arith.index_cast %parallel_loop3A_1477 : i32 to index
        %parallel_loop3A_1488 = arith.constant 16 : index
        %parallel_loop3A_1489 = tpu.vector_load %arg9[%parallel_loop3A_1487, %parallel_loop3A_1488] {strides = array<i32>} : memref<128x128xf32, #tpu.memory_space<vmem>>, vector<16xf32>,
        %parallel_loop3A_1490 = arith.addf %parallel_loop3A_1489, %get3A_306 : vector<16xf32>
        %parallel_loop3A_1491 = arith.constant 2 : i32
        %parallel_loop3A_1492 = arith.index_cast %parallel_loop3A_1321 : i32 to index
        %parallel_loop3A_1493 = arith.index_cast %parallel_loop3A_1491 : i32 to index
        %parallel_loop3A_1494 = arith.constant 16 : index
        %parallel_loop3A_1495 = tpu.vector_load %arg11[%parallel_loop3A_1492, %parallel_loop3A_1493, %parallel_loop3A_1494] {strides = array<i32>} : memref<32x4x128xf32, #tpu.memory_space<vmem>>, vector<16xf32>,
        tpu.vector_store %arg11[%parallel_loop3A_1492, %parallel_loop3A_1493, %parallel_loop3A_1494], %parallel_loop3A_1490 {strides = array<i32>} : memref<32x4x128xf32, #tpu.memory_space<vmem>>, vector<16xf32>,
        %parallel_loop3A_1496 = arith.index_cast %parallel_loop3A_1477 : i32 to index
        %parallel_loop3A_1497 = arith.constant 32 : index
        %parallel_loop3A_1498 = tpu.vector_load %arg9[%parallel_loop3A_1496, %parallel_loop3A_1497] {strides = array<i32>} : memref<128x128xf32, #tpu.memory_space<vmem>>, vector<16xf32>,
        %parallel_loop3A_1499 = arith.addf %parallel_loop3A_1498, %get3A_313 : vector<16xf32>
        %parallel_loop3A_1500 = arith.constant 2 : i32
        %parallel_loop3A_1501 = arith.index_cast %parallel_loop3A_1321 : i32 to index
        %parallel_loop3A_1502 = arith.index_cast %parallel_loop3A_1500 : i32 to index
        %parallel_loop3A_1503 = arith.constant 32 : index
        %parallel_loop3A_1504 = tpu.vector_load %arg11[%parallel_loop3A_1501, %parallel_loop3A_1502, %parallel_loop3A_1503] {strides = array<i32>} : memref<32x4x128xf32, #tpu.memory_space<vmem>>, vector<16xf32>,
        tpu.vector_store %arg11[%parallel_loop3A_1501, %parallel_loop3A_1502, %parallel_loop3A_1503], %parallel_loop3A_1499 {strides = array<i32>} : memref<32x4x128xf32, #tpu.memory_space<vmem>>, vector<16xf32>,
        %parallel_loop3A_1505 = arith.index_cast %parallel_loop3A_1477 : i32 to index
        %parallel_loop3A_1506 = arith.constant 48 : index
        %parallel_loop3A_1507 = tpu.vector_load %arg9[%parallel_loop3A_1505, %parallel_loop3A_1506] {strides = array<i32>} : memref<128x128xf32, #tpu.memory_space<vmem>>, vector<16xf32>,
        %parallel_loop3A_1508 = arith.addf %parallel_loop3A_1507, %get3A_320 : vector<16xf32>
        %parallel_loop3A_1509 = arith.constant 2 : i32
        %parallel_loop3A_1510 = arith.index_cast %parallel_loop3A_1321 : i32 to index
        %parallel_loop3A_1511 = arith.index_cast %parallel_loop3A_1509 : i32 to index
        %parallel_loop3A_1512 = arith.constant 48 : index
        %parallel_loop3A_1513 = tpu.vector_load %arg11[%parallel_loop3A_1510, %parallel_loop3A_1511, %parallel_loop3A_1512] {strides = array<i32>} : memref<32x4x128xf32, #tpu.memory_space<vmem>>, vector<16xf32>,
        tpu.vector_store %arg11[%parallel_loop3A_1510, %parallel_loop3A_1511, %parallel_loop3A_1512], %parallel_loop3A_1508 {strides = array<i32>} : memref<32x4x128xf32, #tpu.memory_space<vmem>>, vector<16xf32>,
        %parallel_loop3A_1514 = arith.index_cast %parallel_loop3A_1477 : i32 to index
        %parallel_loop3A_1515 = arith.constant 64 : index
        %parallel_loop3A_1516 = tpu.vector_load %arg9[%parallel_loop3A_1514, %parallel_loop3A_1515] {strides = array<i32>} : memref<128x128xf32, #tpu.memory_space<vmem>>, vector<16xf32>,
        %parallel_loop3A_1517 = arith.addf %parallel_loop3A_1516, %get3A_327 : vector<16xf32>
        %parallel_loop3A_1518 = arith.constant 2 : i32
        %parallel_loop3A_1519 = arith.index_cast %parallel_loop3A_1321 : i32 to index
        %parallel_loop3A_1520 = arith.index_cast %parallel_loop3A_1518 : i32 to index
        %parallel_loop3A_1521 = arith.constant 64 : index
        %parallel_loop3A_1522 = tpu.vector_load %arg11[%parallel_loop3A_1519, %parallel_loop3A_1520, %parallel_loop3A_1521] {strides = array<i32>} : memref<32x4x128xf32, #tpu.memory_space<vmem>>, vector<16xf32>,
        tpu.vector_store %arg11[%parallel_loop3A_1519, %parallel_loop3A_1520, %parallel_loop3A_1521], %parallel_loop3A_1517 {strides = array<i32>} : memref<32x4x128xf32, #tpu.memory_space<vmem>>, vector<16xf32>,
        %parallel_loop3A_1523 = arith.index_cast %parallel_loop3A_1477 : i32 to index
        %parallel_loop3A_1524 = arith.constant 80 : index
        %parallel_loop3A_1525 = tpu.vector_load %arg9[%parallel_loop3A_1523, %parallel_loop3A_1524] {strides = array<i32>} : memref<128x128xf32, #tpu.memory_space<vmem>>, vector<16xf32>,
        %parallel_loop3A_1526 = arith.addf %parallel_loop3A_1525, %get3A_334 : vector<16xf32>
        %parallel_loop3A_1527 = arith.constant 2 : i32
        %parallel_loop3A_1528 = arith.index_cast %parallel_loop3A_1321 : i32 to index
        %parallel_loop3A_1529 = arith.index_cast %parallel_loop3A_1527 : i32 to index
        %parallel_loop3A_1530 = arith.constant 80 : index
        %parallel_loop3A_1531 = tpu.vector_load %arg11[%parallel_loop3A_1528, %parallel_loop3A_1529, %parallel_loop3A_1530] {strides = array<i32>} : memref<32x4x128xf32, #tpu.memory_space<vmem>>, vector<16xf32>,
        tpu.vector_store %arg11[%parallel_loop3A_1528, %parallel_loop3A_1529, %parallel_loop3A_1530], %parallel_loop3A_1526 {strides = array<i32>} : memref<32x4x128xf32, #tpu.memory_space<vmem>>, vector<16xf32>,
        %parallel_loop3A_1532 = arith.index_cast %parallel_loop3A_1477 : i32 to index
        %parallel_loop3A_1533 = arith.constant 96 : index
        %parallel_loop3A_1534 = tpu.vector_load %arg9[%parallel_loop3A_1532, %parallel_loop3A_1533] {strides = array<i32>} : memref<128x128xf32, #tpu.memory_space<vmem>>, vector<16xf32>,
        %parallel_loop3A_1535 = arith.addf %parallel_loop3A_1534, %get3A_341 : vector<16xf32>
        %parallel_loop3A_1536 = arith.constant 2 : i32
        %parallel_loop3A_1537 = arith.index_cast %parallel_loop3A_1321 : i32 to index
        %parallel_loop3A_1538 = arith.index_cast %parallel_loop3A_1536 : i32 to index
        %parallel_loop3A_1539 = arith.constant 96 : index
        %parallel_loop3A_1540 = tpu.vector_load %arg11[%parallel_loop3A_1537, %parallel_loop3A_1538, %parallel_loop3A_1539] {strides = array<i32>} : memref<32x4x128xf32, #tpu.memory_space<vmem>>, vector<16xf32>,
        tpu.vector_store %arg11[%parallel_loop3A_1537, %parallel_loop3A_1538, %parallel_loop3A_1539], %parallel_loop3A_1535 {strides = array<i32>} : memref<32x4x128xf32, #tpu.memory_space<vmem>>, vector<16xf32>,
        %parallel_loop3A_1541 = arith.index_cast %parallel_loop3A_1477 : i32 to index
        %parallel_loop3A_1542 = arith.constant 112 : index
        %parallel_loop3A_1543 = tpu.vector_load %arg9[%parallel_loop3A_1541, %parallel_loop3A_1542] {strides = array<i32>} : memref<128x128xf32, #tpu.memory_space<vmem>>, vector<16xf32>,
        %parallel_loop3A_1544 = arith.addf %parallel_loop3A_1543, %get3A_348 : vector<16xf32>
        %parallel_loop3A_1545 = arith.constant 2 : i32
        %parallel_loop3A_1546 = arith.index_cast %parallel_loop3A_1321 : i32 to index
        %parallel_loop3A_1547 = arith.index_cast %parallel_loop3A_1545 : i32 to index
        %parallel_loop3A_1548 = arith.constant 112 : index
        %parallel_loop3A_1549 = tpu.vector_load %arg11[%parallel_loop3A_1546, %parallel_loop3A_1547, %parallel_loop3A_1548] {strides = array<i32>} : memref<32x4x128xf32, #tpu.memory_space<vmem>>, vector<16xf32>,
        tpu.vector_store %arg11[%parallel_loop3A_1546, %parallel_loop3A_1547, %parallel_loop3A_1548], %parallel_loop3A_1544 {strides = array<i32>} : memref<32x4x128xf32, #tpu.memory_space<vmem>>, vector<16xf32>,
        %parallel_loop3A_1550 = arith.constant 4 : i32
        %parallel_loop3A_1551 = arith.muli %parallel_loop3A_1550, %parallel_loop3A_1321 : i32
        %parallel_loop3A_1552 = arith.constant 3 : i32
        %parallel_loop3A_1553 = arith.addi %parallel_loop3A_1551, %parallel_loop3A_1552 : i32
        %parallel_loop3A_1554 = arith.index_cast %parallel_loop3A_1553 : i32 to index
        %parallel_loop3A_1555 = arith.constant 0 : index
        %parallel_loop3A_1556 = tpu.vector_load %arg9[%parallel_loop3A_1554, %parallel_loop3A_1555] {strides = array<i32>} : memref<128x128xf32, #tpu.memory_space<vmem>>, vector<16xf32>,
        %parallel_loop3A_1557 = arith.addf %parallel_loop3A_1556, %get3A_355 : vector<16xf32>
        %parallel_loop3A_1558 = arith.constant 3 : i32
        %parallel_loop3A_1559 = arith.index_cast %parallel_loop3A_1321 : i32 to index
        %parallel_loop3A_1560 = arith.index_cast %parallel_loop3A_1558 : i32 to index
        %parallel_loop3A_1561 = arith.constant 0 : index
        %parallel_loop3A_1562 = tpu.vector_load %arg11[%parallel_loop3A_1559, %parallel_loop3A_1560, %parallel_loop3A_1561] {strides = array<i32>} : memref<32x4x128xf32, #tpu.memory_space<vmem>>, vector<16xf32>,
        tpu.vector_store %arg11[%parallel_loop3A_1559, %parallel_loop3A_1560, %parallel_loop3A_1561], %parallel_loop3A_1557 {strides = array<i32>} : memref<32x4x128xf32, #tpu.memory_space<vmem>>, vector<16xf32>,
        %parallel_loop3A_1563 = arith.index_cast %parallel_loop3A_1553 : i32 to index
        %parallel_loop3A_1564 = arith.constant 16 : index
        %parallel_loop3A_1565 = tpu.vector_load %arg9[%parallel_loop3A_1563, %parallel_loop3A_1564] {strides = array<i32>} : memref<128x128xf32, #tpu.memory_space<vmem>>, vector<16xf32>,
        %parallel_loop3A_1566 = arith.addf %parallel_loop3A_1565, %get3A_362 : vector<16xf32>
        %parallel_loop3A_1567 = arith.constant 3 : i32
        %parallel_loop3A_1568 = arith.index_cast %parallel_loop3A_1321 : i32 to index
        %parallel_loop3A_1569 = arith.index_cast %parallel_loop3A_1567 : i32 to index
        %parallel_loop3A_1570 = arith.constant 16 : index
        %parallel_loop3A_1571 = tpu.vector_load %arg11[%parallel_loop3A_1568, %parallel_loop3A_1569, %parallel_loop3A_1570] {strides = array<i32>} : memref<32x4x128xf32, #tpu.memory_space<vmem>>, vector<16xf32>,
        tpu.vector_store %arg11[%parallel_loop3A_1568, %parallel_loop3A_1569, %parallel_loop3A_1570], %parallel_loop3A_1566 {strides = array<i32>} : memref<32x4x128xf32, #tpu.memory_space<vmem>>, vector<16xf32>,
        %parallel_loop3A_1572 = arith.index_cast %parallel_loop3A_1553 : i32 to index
        %parallel_loop3A_1573 = arith.constant 32 : index
        %parallel_loop3A_1574 = tpu.vector_load %arg9[%parallel_loop3A_1572, %parallel_loop3A_1573] {strides = array<i32>} : memref<128x128xf32, #tpu.memory_space<vmem>>, vector<16xf32>,
        %parallel_loop3A_1575 = arith.addf %parallel_loop3A_1574, %get3A_369 : vector<16xf32>
        %parallel_loop3A_1576 = arith.constant 3 : i32
        %parallel_loop3A_1577 = arith.index_cast %parallel_loop3A_1321 : i32 to index
        %parallel_loop3A_1578 = arith.index_cast %parallel_loop3A_1576 : i32 to index
        %parallel_loop3A_1579 = arith.constant 32 : index
        %parallel_loop3A_1580 = tpu.vector_load %arg11[%parallel_loop3A_1577, %parallel_loop3A_1578, %parallel_loop3A_1579] {strides = array<i32>} : memref<32x4x128xf32, #tpu.memory_space<vmem>>, vector<16xf32>,
        tpu.vector_store %arg11[%parallel_loop3A_1577, %parallel_loop3A_1578, %parallel_loop3A_1579], %parallel_loop3A_1575 {strides = array<i32>} : memref<32x4x128xf32, #tpu.memory_space<vmem>>, vector<16xf32>,
        %parallel_loop3A_1581 = arith.index_cast %parallel_loop3A_1553 : i32 to index
        %parallel_loop3A_1582 = arith.constant 48 : index
        %parallel_loop3A_1583 = tpu.vector_load %arg9[%parallel_loop3A_1581, %parallel_loop3A_1582] {strides = array<i32>} : memref<128x128xf32, #tpu.memory_space<vmem>>, vector<16xf32>,
        %parallel_loop3A_1584 = arith.addf %parallel_loop3A_1583, %get3A_376 : vector<16xf32>
        %parallel_loop3A_1585 = arith.constant 3 : i32
        %parallel_loop3A_1586 = arith.index_cast %parallel_loop3A_1321 : i32 to index
        %parallel_loop3A_1587 = arith.index_cast %parallel_loop3A_1585 : i32 to index
        %parallel_loop3A_1588 = arith.constant 48 : index
        %parallel_loop3A_1589 = tpu.vector_load %arg11[%parallel_loop3A_1586, %parallel_loop3A_1587, %parallel_loop3A_1588] {strides = array<i32>} : memref<32x4x128xf32, #tpu.memory_space<vmem>>, vector<16xf32>,
        tpu.vector_store %arg11[%parallel_loop3A_1586, %parallel_loop3A_1587, %parallel_loop3A_1588], %parallel_loop3A_1584 {strides = array<i32>} : memref<32x4x128xf32, #tpu.memory_space<vmem>>, vector<16xf32>,
        %parallel_loop3A_1590 = arith.index_cast %parallel_loop3A_1553 : i32 to index
        %parallel_loop3A_1591 = arith.constant 64 : index
        %parallel_loop3A_1592 = tpu.vector_load %arg9[%parallel_loop3A_1590, %parallel_loop3A_1591] {strides = array<i32>} : memref<128x128xf32, #tpu.memory_space<vmem>>, vector<16xf32>,
        %parallel_loop3A_1593 = arith.addf %parallel_loop3A_1592, %get3A_383 : vector<16xf32>
        %parallel_loop3A_1594 = arith.constant 3 : i32
        %parallel_loop3A_1595 = arith.index_cast %parallel_loop3A_1321 : i32 to index
        %parallel_loop3A_1596 = arith.index_cast %parallel_loop3A_1594 : i32 to index
        %parallel_loop3A_1597 = arith.constant 64 : index
        %parallel_loop3A_1598 = tpu.vector_load %arg11[%parallel_loop3A_1595, %parallel_loop3A_1596, %parallel_loop3A_1597] {strides = array<i32>} : memref<32x4x128xf32, #tpu.memory_space<vmem>>, vector<16xf32>,
        tpu.vector_store %arg11[%parallel_loop3A_1595, %parallel_loop3A_1596, %parallel_loop3A_1597], %parallel_loop3A_1593 {strides = array<i32>} : memref<32x4x128xf32, #tpu.memory_space<vmem>>, vector<16xf32>,
        %parallel_loop3A_1599 = arith.index_cast %parallel_loop3A_1553 : i32 to index
        %parallel_loop3A_1600 = arith.constant 80 : index
        %parallel_loop3A_1601 = tpu.vector_load %arg9[%parallel_loop3A_1599, %parallel_loop3A_1600] {strides = array<i32>} : memref<128x128xf32, #tpu.memory_space<vmem>>, vector<16xf32>,
        %parallel_loop3A_1602 = arith.addf %parallel_loop3A_1601, %get3A_390 : vector<16xf32>
        %parallel_loop3A_1603 = arith.constant 3 : i32
        %parallel_loop3A_1604 = arith.index_cast %parallel_loop3A_1321 : i32 to index
        %parallel_loop3A_1605 = arith.index_cast %parallel_loop3A_1603 : i32 to index
        %parallel_loop3A_1606 = arith.constant 80 : index
        %parallel_loop3A_1607 = tpu.vector_load %arg11[%parallel_loop3A_1604, %parallel_loop3A_1605, %parallel_loop3A_1606] {strides = array<i32>} : memref<32x4x128xf32, #tpu.memory_space<vmem>>, vector<16xf32>,
        tpu.vector_store %arg11[%parallel_loop3A_1604, %parallel_loop3A_1605, %parallel_loop3A_1606], %parallel_loop3A_1602 {strides = array<i32>} : memref<32x4x128xf32, #tpu.memory_space<vmem>>, vector<16xf32>,
        %parallel_loop3A_1608 = arith.index_cast %parallel_loop3A_1553 : i32 to index
        %parallel_loop3A_1609 = arith.constant 96 : index
        %parallel_loop3A_1610 = tpu.vector_load %arg9[%parallel_loop3A_1608, %parallel_loop3A_1609] {strides = array<i32>} : memref<128x128xf32, #tpu.memory_space<vmem>>, vector<16xf32>,
        %parallel_loop3A_1611 = arith.addf %parallel_loop3A_1610, %get3A_397 : vector<16xf32>
        %parallel_loop3A_1612 = arith.constant 3 : i32
        %parallel_loop3A_1613 = arith.index_cast %parallel_loop3A_1321 : i32 to index
        %parallel_loop3A_1614 = arith.index_cast %parallel_loop3A_1612 : i32 to index
        %parallel_loop3A_1615 = arith.constant 96 : index
        %parallel_loop3A_1616 = tpu.vector_load %arg11[%parallel_loop3A_1613, %parallel_loop3A_1614, %parallel_loop3A_1615] {strides = array<i32>} : memref<32x4x128xf32, #tpu.memory_space<vmem>>, vector<16xf32>,
        tpu.vector_store %arg11[%parallel_loop3A_1613, %parallel_loop3A_1614, %parallel_loop3A_1615], %parallel_loop3A_1611 {strides = array<i32>} : memref<32x4x128xf32, #tpu.memory_space<vmem>>, vector<16xf32>,
        %parallel_loop3A_1617 = arith.index_cast %parallel_loop3A_1553 : i32 to index
        %parallel_loop3A_1618 = arith.constant 112 : index
        %parallel_loop3A_1619 = tpu.vector_load %arg9[%parallel_loop3A_1617, %parallel_loop3A_1618] {strides = array<i32>} : memref<128x128xf32, #tpu.memory_space<vmem>>, vector<16xf32>,
        %parallel_loop3A_1620 = arith.addf %parallel_loop3A_1619, %get3A_404 : vector<16xf32>
        %parallel_loop3A_1621 = arith.constant 3 : i32
        %parallel_loop3A_1622 = arith.index_cast %parallel_loop3A_1321 : i32 to index
        %parallel_loop3A_1623 = arith.index_cast %parallel_loop3A_1621 : i32 to index
        %parallel_loop3A_1624 = arith.constant 112 : index
        %parallel_loop3A_1625 = tpu.vector_load %arg11[%parallel_loop3A_1622, %parallel_loop3A_1623, %parallel_loop3A_1624] {strides = array<i32>} : memref<32x4x128xf32, #tpu.memory_space<vmem>>, vector<16xf32>,
        tpu.vector_store %arg11[%parallel_loop3A_1622, %parallel_loop3A_1623, %parallel_loop3A_1624], %parallel_loop3A_1620 {strides = array<i32>} : memref<32x4x128xf32, #tpu.memory_space<vmem>>, vector<16xf32>,
      } {sc.loop_unroll_factor = 4 : i64, sc.parallel_access}
      %add3A_411 = arith.constant 0 : i32
      %add3A_412 = arith.addi %mul3A_2, %add3A_411 : i32
      %mul3A_413 = arith.constant 4 : i32
      %mul3A_414 = arith.muli %scan3A_96, %mul3A_413 : i32
      %dma_start3A_415 = arith.constant 0 : i32
      %dma_start3A_416 = tpu.memref_slice %arg5[%add3A_412, %mul3A_414, %dma_start3A_415] : memref<4096x200x128xf32, #tpu.memory_space<hbm>> -> memref<32x4x128xf32, #tpu.memory_space<hbm>>
      %dma_start3A_417 = arith.constant 0 : i32
      %dma_start3A_418 = tpu.memref_slice %arg5[%add3A_412, %mul3A_414, %dma_start3A_417] : memref<4096x200x128xf32, #tpu.memory_space<hbm>> -> memref<32x4x128xf32, #tpu.memory_space<hbm>>
      tpu.enqueue_dma source(%arg11 : memref<32x4x128xf32, #tpu.memory_space<vmem>>) target(%dma_start3A_418 : memref<32x4x128xf32, #tpu.memory_space<hbm>>) target_semaphore(%arg16 : memref<!tpu.dma_semaphore, #tpu.memory_space<semaphore_mem>>)
      %add3A_419 = arith.constant 64 : i32
      %add3A_420 = vector.broadcast %add3A_419 : i32 to vector<16xi32>
      %add3A_421 = arith.addi %shift_right_arithmetic3A_4, %add3A_420 : vector<16xi32>
      %mul3A_422 = arith.constant 4 : i32
      %mul3A_423 = arith.muli %scan3A_96, %mul3A_422 : i32
      %add3A_424 = vector.broadcast %mul3A_423 : i32 to vector<16xi32>
      %add3A_425 = arith.addi %and3A_6, %add3A_424 : vector<16xi32>
      %gather3A_426 = tpu.vector_load_idx %arg6[%add3A_421, %add3A_425] : memref<128x200xi32, #tpu.memory_space<vmem>>[vector<16xi32>, vector<16xi32>], vector<16xi32>,
      %swap3A_427 = arith.constant 0 : index
      %swap3A_428 = tpu.vector_load %arg7[%swap3A_427] {strides = array<i32>} : memref<128xi32, #tpu.memory_space<vmem>>, vector<16xi32>,
      tpu.vector_store %arg7[%swap3A_427], %gather3A_426 {strides = array<i32>} : memref<128xi32, #tpu.memory_space<vmem>>, vector<16xi32>,
      %add3A_429 = arith.constant 68 : i32
      %add3A_430 = vector.broadcast %add3A_429 : i32 to vector<16xi32>
      %add3A_431 = arith.addi %shift_right_arithmetic3A_4, %add3A_430 : vector<16xi32>
      %mul3A_432 = arith.constant 4 : i32
      %mul3A_433 = arith.muli %scan3A_96, %mul3A_432 : i32
      %add3A_434 = vector.broadcast %mul3A_433 : i32 to vector<16xi32>
      %add3A_435 = arith.addi %and3A_6, %add3A_434 : vector<16xi32>
      %gather3A_436 = tpu.vector_load_idx %arg6[%add3A_431, %add3A_435] : memref<128x200xi32, #tpu.memory_space<vmem>>[vector<16xi32>, vector<16xi32>], vector<16xi32>,
      %swap3A_437 = arith.constant 16 : index
      %swap3A_438 = tpu.vector_load %arg7[%swap3A_437] {strides = array<i32>} : memref<128xi32, #tpu.memory_space<vmem>>, vector<16xi32>,
      tpu.vector_store %arg7[%swap3A_437], %gather3A_436 {strides = array<i32>} : memref<128xi32, #tpu.memory_space<vmem>>, vector<16xi32>,
      %add3A_439 = arith.constant 72 : i32
      %add3A_440 = vector.broadcast %add3A_439 : i32 to vector<16xi32>
      %add3A_441 = arith.addi %shift_right_arithmetic3A_4, %add3A_440 : vector<16xi32>
      %mul3A_442 = arith.constant 4 : i32
      %mul3A_443 = arith.muli %scan3A_96, %mul3A_442 : i32
      %add3A_444 = vector.broadcast %mul3A_443 : i32 to vector<16xi32>
      %add3A_445 = arith.addi %and3A_6, %add3A_444 : vector<16xi32>
      %gather3A_446 = tpu.vector_load_idx %arg6[%add3A_441, %add3A_445] : memref<128x200xi32, #tpu.memory_space<vmem>>[vector<16xi32>, vector<16xi32>], vector<16xi32>,
      %swap3A_447 = arith.constant 32 : index
      %swap3A_448 = tpu.vector_load %arg7[%swap3A_447] {strides = array<i32>} : memref<128xi32, #tpu.memory_space<vmem>>, vector<16xi32>,
      tpu.vector_store %arg7[%swap3A_447], %gather3A_446 {strides = array<i32>} : memref<128xi32, #tpu.memory_space<vmem>>, vector<16xi32>,
      %add3A_449 = arith.constant 76 : i32
      %add3A_450 = vector.broadcast %add3A_449 : i32 to vector<16xi32>
      %add3A_451 = arith.addi %shift_right_arithmetic3A_4, %add3A_450 : vector<16xi32>
      %mul3A_452 = arith.constant 4 : i32
      %mul3A_453 = arith.muli %scan3A_96, %mul3A_452 : i32
      %add3A_454 = vector.broadcast %mul3A_453 : i32 to vector<16xi32>
      %add3A_455 = arith.addi %and3A_6, %add3A_454 : vector<16xi32>
      %gather3A_456 = tpu.vector_load_idx %arg6[%add3A_451, %add3A_455] : memref<128x200xi32, #tpu.memory_space<vmem>>[vector<16xi32>, vector<16xi32>], vector<16xi32>,
      %swap3A_457 = arith.constant 48 : index
      %swap3A_458 = tpu.vector_load %arg7[%swap3A_457] {strides = array<i32>} : memref<128xi32, #tpu.memory_space<vmem>>, vector<16xi32>,
      tpu.vector_store %arg7[%swap3A_457], %gather3A_456 {strides = array<i32>} : memref<128xi32, #tpu.memory_space<vmem>>, vector<16xi32>,
      %add3A_459 = arith.constant 80 : i32
      %add3A_460 = vector.broadcast %add3A_459 : i32 to vector<16xi32>
      %add3A_461 = arith.addi %shift_right_arithmetic3A_4, %add3A_460 : vector<16xi32>
      %mul3A_462 = arith.constant 4 : i32
      %mul3A_463 = arith.muli %scan3A_96, %mul3A_462 : i32
      %add3A_464 = vector.broadcast %mul3A_463 : i32 to vector<16xi32>
      %add3A_465 = arith.addi %and3A_6, %add3A_464 : vector<16xi32>
      %gather3A_466 = tpu.vector_load_idx %arg6[%add3A_461, %add3A_465] : memref<128x200xi32, #tpu.memory_space<vmem>>[vector<16xi32>, vector<16xi32>], vector<16xi32>,
      %swap3A_467 = arith.constant 64 : index
      %swap3A_468 = tpu.vector_load %arg7[%swap3A_467] {strides = array<i32>} : memref<128xi32, #tpu.memory_space<vmem>>, vector<16xi32>,
      tpu.vector_store %arg7[%swap3A_467], %gather3A_466 {strides = array<i32>} : memref<128xi32, #tpu.memory_space<vmem>>, vector<16xi32>,
      %add3A_469 = arith.constant 84 : i32
      %add3A_470 = vector.broadcast %add3A_469 : i32 to vector<16xi32>
      %add3A_471 = arith.addi %shift_right_arithmetic3A_4, %add3A_470 : vector<16xi32>
      %mul3A_472 = arith.constant 4 : i32
      %mul3A_473 = arith.muli %scan3A_96, %mul3A_472 : i32
      %add3A_474 = vector.broadcast %mul3A_473 : i32 to vector<16xi32>
      %add3A_475 = arith.addi %and3A_6, %add3A_474 : vector<16xi32>
      %gather3A_476 = tpu.vector_load_idx %arg6[%add3A_471, %add3A_475] : memref<128x200xi32, #tpu.memory_space<vmem>>[vector<16xi32>, vector<16xi32>], vector<16xi32>,
      %swap3A_477 = arith.constant 80 : index
      %swap3A_478 = tpu.vector_load %arg7[%swap3A_477] {strides = array<i32>} : memref<128xi32, #tpu.memory_space<vmem>>, vector<16xi32>,
      tpu.vector_store %arg7[%swap3A_477], %gather3A_476 {strides = array<i32>} : memref<128xi32, #tpu.memory_space<vmem>>, vector<16xi32>,
      %add3A_479 = arith.constant 88 : i32
      %add3A_480 = vector.broadcast %add3A_479 : i32 to vector<16xi32>
      %add3A_481 = arith.addi %shift_right_arithmetic3A_4, %add3A_480 : vector<16xi32>
      %mul3A_482 = arith.constant 4 : i32
      %mul3A_483 = arith.muli %scan3A_96, %mul3A_482 : i32
      %add3A_484 = vector.broadcast %mul3A_483 : i32 to vector<16xi32>
      %add3A_485 = arith.addi %and3A_6, %add3A_484 : vector<16xi32>
      %gather3A_486 = tpu.vector_load_idx %arg6[%add3A_481, %add3A_485] : memref<128x200xi32, #tpu.memory_space<vmem>>[vector<16xi32>, vector<16xi32>], vector<16xi32>,
      %swap3A_487 = arith.constant 96 : index
      %swap3A_488 = tpu.vector_load %arg7[%swap3A_487] {strides = array<i32>} : memref<128xi32, #tpu.memory_space<vmem>>, vector<16xi32>,
      tpu.vector_store %arg7[%swap3A_487], %gather3A_486 {strides = array<i32>} : memref<128xi32, #tpu.memory_space<vmem>>, vector<16xi32>,
      %add3A_489 = arith.constant 92 : i32
      %add3A_490 = vector.broadcast %add3A_489 : i32 to vector<16xi32>
      %add3A_491 = arith.addi %shift_right_arithmetic3A_4, %add3A_490 : vector<16xi32>
      %mul3A_492 = arith.constant 4 : i32
      %mul3A_493 = arith.muli %scan3A_96, %mul3A_492 : i32
      %add3A_494 = vector.broadcast %mul3A_493 : i32 to vector<16xi32>
      %add3A_495 = arith.addi %and3A_6, %add3A_494 : vector<16xi32>
      %gather3A_496 = tpu.vector_load_idx %arg6[%add3A_491, %add3A_495] : memref<128x200xi32, #tpu.memory_space<vmem>>[vector<16xi32>, vector<16xi32>], vector<16xi32>,
      %swap3A_497 = arith.constant 112 : index
      %swap3A_498 = tpu.vector_load %arg7[%swap3A_497] {strides = array<i32>} : memref<128xi32, #tpu.memory_space<vmem>>, vector<16xi32>,
      tpu.vector_store %arg7[%swap3A_497], %gather3A_496 {strides = array<i32>} : memref<128xi32, #tpu.memory_space<vmem>>, vector<16xi32>,
      %dma_start3A_499 = arith.constant 0 : i32
      %dma_start3A_500 = arith.constant 0 : i32
      %dma_start3A_501 = tpu.memref_slice %arg3[%dma_start3A_499, %dma_start3A_500] : memref<100000x128xf32, #tpu.memory_space<hbm>> -> memref<100000x128xf32, #tpu.memory_space<hbm>>
      tpu.enqueue_indirect_dma source(%dma_start3A_501 : memref<100000x128xf32, #tpu.memory_space<hbm>>) target(%arg9 : memref<128x128xf32, #tpu.memory_space<vmem>>) offsets(%arg7 : memref<128xi32, #tpu.memory_space<vmem>>) semaphore(%arg14 : memref<!tpu.dma_semaphore, #tpu.memory_space<semaphore_mem>>)
      %ge3A_502 = arith.constant 1 : i32
      %ge3A_503 = arith.cmpi sge, %scan3A_96, %ge3A_502 : i32
      %mul3A_504 = arith.constant 4 : i32
      %mul3A_505 = arith.muli %scan3A_96, %mul3A_504 : i32
      %add3A_506 = arith.constant 0 : i32
      %add3A_507 = arith.addi %mul3A_505, %add3A_506 : i32
      %get3A_508 = arith.index_cast %add3A_507 : i32 to index
      %get3A_509 = arith.constant 0 : index
      %get3A_510 = tpu.vector_load %arg13[%get3A_508, %get3A_509] {strides = array<i32>} : memref<200x128xf32, #tpu.memory_space<vmem>>, vector<16xf32>,
      %mul3A_511 = arith.constant 4 : i32
      %mul3A_512 = arith.muli %scan3A_96, %mul3A_511 : i32
      %add3A_513 = arith.constant 0 : i32
      %add3A_514 = arith.addi %mul3A_512, %add3A_513 : i32
      %get3A_515 = arith.index_cast %add3A_514 : i32 to index
      %get3A_516 = arith.constant 16 : index
      %get3A_517 = tpu.vector_load %arg13[%get3A_515, %get3A_516] {strides = array<i32>} : memref<200x128xf32, #tpu.memory_space<vmem>>, vector<16xf32>,
      %mul3A_518 = arith.constant 4 : i32
      %mul3A_519 = arith.muli %scan3A_96, %mul3A_518 : i32
      %add3A_520 = arith.constant 0 : i32
      %add3A_521 = arith.addi %mul3A_519, %add3A_520 : i32
      %get3A_522 = arith.index_cast %add3A_521 : i32 to index
      %get3A_523 = arith.constant 32 : index
      %get3A_524 = tpu.vector_load %arg13[%get3A_522, %get3A_523] {strides = array<i32>} : memref<200x128xf32, #tpu.memory_space<vmem>>, vector<16xf32>,
      %mul3A_525 = arith.constant 4 : i32
      %mul3A_526 = arith.muli %scan3A_96, %mul3A_525 : i32
      %add3A_527 = arith.constant 0 : i32
      %add3A_528 = arith.addi %mul3A_526, %add3A_527 : i32
      %get3A_529 = arith.index_cast %add3A_528 : i32 to index
      %get3A_530 = arith.constant 48 : index
      %get3A_531 = tpu.vector_load %arg13[%get3A_529, %get3A_530] {strides = array<i32>} : memref<200x128xf32, #tpu.memory_space<vmem>>, vector<16xf32>,
      %mul3A_532 = arith.constant 4 : i32
      %mul3A_533 = arith.muli %scan3A_96, %mul3A_532 : i32
      %add3A_534 = arith.constant 0 : i32
      %add3A_535 = arith.addi %mul3A_533, %add3A_534 : i32
      %get3A_536 = arith.index_cast %add3A_535 : i32 to index
      %get3A_537 = arith.constant 64 : index
      %get3A_538 = tpu.vector_load %arg13[%get3A_536, %get3A_537] {strides = array<i32>} : memref<200x128xf32, #tpu.memory_space<vmem>>, vector<16xf32>,
      %mul3A_539 = arith.constant 4 : i32
      %mul3A_540 = arith.muli %scan3A_96, %mul3A_539 : i32
      %add3A_541 = arith.constant 0 : i32
      %add3A_542 = arith.addi %mul3A_540, %add3A_541 : i32
      %get3A_543 = arith.index_cast %add3A_542 : i32 to index
      %get3A_544 = arith.constant 80 : index
      %get3A_545 = tpu.vector_load %arg13[%get3A_543, %get3A_544] {strides = array<i32>} : memref<200x128xf32, #tpu.memory_space<vmem>>, vector<16xf32>,
      %mul3A_546 = arith.constant 4 : i32
      %mul3A_547 = arith.muli %scan3A_96, %mul3A_546 : i32
      %add3A_548 = arith.constant 0 : i32
      %add3A_549 = arith.addi %mul3A_547, %add3A_548 : i32
      %get3A_550 = arith.index_cast %add3A_549 : i32 to index
      %get3A_551 = arith.constant 96 : index
      %get3A_552 = tpu.vector_load %arg13[%get3A_550, %get3A_551] {strides = array<i32>} : memref<200x128xf32, #tpu.memory_space<vmem>>, vector<16xf32>,
      %mul3A_553 = arith.constant 4 : i32
      %mul3A_554 = arith.muli %scan3A_96, %mul3A_553 : i32
      %add3A_555 = arith.constant 0 : i32
      %add3A_556 = arith.addi %mul3A_554, %add3A_555 : i32
      %get3A_557 = arith.index_cast %add3A_556 : i32 to index
      %get3A_558 = arith.constant 112 : index
      %get3A_559 = tpu.vector_load %arg13[%get3A_557, %get3A_558] {strides = array<i32>} : memref<200x128xf32, #tpu.memory_space<vmem>>, vector<16xf32>,
      %mul3A_560 = arith.constant 4 : i32
      %mul3A_561 = arith.muli %scan3A_96, %mul3A_560 : i32
      %add3A_562 = arith.constant 1 : i32
      %add3A_563 = arith.addi %mul3A_561, %add3A_562 : i32
      %get3A_564 = arith.index_cast %add3A_563 : i32 to index
      %get3A_565 = arith.constant 0 : index
      %get3A_566 = tpu.vector_load %arg13[%get3A_564, %get3A_565] {strides = array<i32>} : memref<200x128xf32, #tpu.memory_space<vmem>>, vector<16xf32>,
      %mul3A_567 = arith.constant 4 : i32
      %mul3A_568 = arith.muli %scan3A_96, %mul3A_567 : i32
      %add3A_569 = arith.constant 1 : i32
      %add3A_570 = arith.addi %mul3A_568, %add3A_569 : i32
      %get3A_571 = arith.index_cast %add3A_570 : i32 to index
      %get3A_572 = arith.constant 16 : index
      %get3A_573 = tpu.vector_load %arg13[%get3A_571, %get3A_572] {strides = array<i32>} : memref<200x128xf32, #tpu.memory_space<vmem>>, vector<16xf32>,
      %mul3A_574 = arith.constant 4 : i32
      %mul3A_575 = arith.muli %scan3A_96, %mul3A_574 : i32
      %add3A_576 = arith.constant 1 : i32
      %add3A_577 = arith.addi %mul3A_575, %add3A_576 : i32
      %get3A_578 = arith.index_cast %add3A_577 : i32 to index
      %get3A_579 = arith.constant 32 : index
      %get3A_580 = tpu.vector_load %arg13[%get3A_578, %get3A_579] {strides = array<i32>} : memref<200x128xf32, #tpu.memory_space<vmem>>, vector<16xf32>,
      %mul3A_581 = arith.constant 4 : i32
      %mul3A_582 = arith.muli %scan3A_96, %mul3A_581 : i32
      %add3A_583 = arith.constant 1 : i32
      %add3A_584 = arith.addi %mul3A_582, %add3A_583 : i32
      %get3A_585 = arith.index_cast %add3A_584 : i32 to index
      %get3A_586 = arith.constant 48 : index
      %get3A_587 = tpu.vector_load %arg13[%get3A_585, %get3A_586] {strides = array<i32>} : memref<200x128xf32, #tpu.memory_space<vmem>>, vector<16xf32>,
      %mul3A_588 = arith.constant 4 : i32
      %mul3A_589 = arith.muli %scan3A_96, %mul3A_588 : i32
      %add3A_590 = arith.constant 1 : i32
      %add3A_591 = arith.addi %mul3A_589, %add3A_590 : i32
      %get3A_592 = arith.index_cast %add3A_591 : i32 to index
      %get3A_593 = arith.constant 64 : index
      %get3A_594 = tpu.vector_load %arg13[%get3A_592, %get3A_593] {strides = array<i32>} : memref<200x128xf32, #tpu.memory_space<vmem>>, vector<16xf32>,
      %mul3A_595 = arith.constant 4 : i32
      %mul3A_596 = arith.muli %scan3A_96, %mul3A_595 : i32
      %add3A_597 = arith.constant 1 : i32
      %add3A_598 = arith.addi %mul3A_596, %add3A_597 : i32
      %get3A_599 = arith.index_cast %add3A_598 : i32 to index
      %get3A_600 = arith.constant 80 : index
      %get3A_601 = tpu.vector_load %arg13[%get3A_599, %get3A_600] {strides = array<i32>} : memref<200x128xf32, #tpu.memory_space<vmem>>, vector<16xf32>,
      %mul3A_602 = arith.constant 4 : i32
      %mul3A_603 = arith.muli %scan3A_96, %mul3A_602 : i32
      %add3A_604 = arith.constant 1 : i32
      %add3A_605 = arith.addi %mul3A_603, %add3A_604 : i32
      %get3A_606 = arith.index_cast %add3A_605 : i32 to index
      %get3A_607 = arith.constant 96 : index
      %get3A_608 = tpu.vector_load %arg13[%get3A_606, %get3A_607] {strides = array<i32>} : memref<200x128xf32, #tpu.memory_space<vmem>>, vector<16xf32>,
      %mul3A_609 = arith.constant 4 : i32
      %mul3A_610 = arith.muli %scan3A_96, %mul3A_609 : i32
      %add3A_611 = arith.constant 1 : i32
      %add3A_612 = arith.addi %mul3A_610, %add3A_611 : i32
      %get3A_613 = arith.index_cast %add3A_612 : i32 to index
      %get3A_614 = arith.constant 112 : index
      %get3A_615 = tpu.vector_load %arg13[%get3A_613, %get3A_614] {strides = array<i32>} : memref<200x128xf32, #tpu.memory_space<vmem>>, vector<16xf32>,
      %mul3A_616 = arith.constant 4 : i32
      %mul3A_617 = arith.muli %scan3A_96, %mul3A_616 : i32
      %add3A_618 = arith.constant 2 : i32
      %add3A_619 = arith.addi %mul3A_617, %add3A_618 : i32
      %get3A_620 = arith.index_cast %add3A_619 : i32 to index
      %get3A_621 = arith.constant 0 : index
      %get3A_622 = tpu.vector_load %arg13[%get3A_620, %get3A_621] {strides = array<i32>} : memref<200x128xf32, #tpu.memory_space<vmem>>, vector<16xf32>,
      %mul3A_623 = arith.constant 4 : i32
      %mul3A_624 = arith.muli %scan3A_96, %mul3A_623 : i32
      %add3A_625 = arith.constant 2 : i32
      %add3A_626 = arith.addi %mul3A_624, %add3A_625 : i32
      %get3A_627 = arith.index_cast %add3A_626 : i32 to index
      %get3A_628 = arith.constant 16 : index
      %get3A_629 = tpu.vector_load %arg13[%get3A_627, %get3A_628] {strides = array<i32>} : memref<200x128xf32, #tpu.memory_space<vmem>>, vector<16xf32>,
      %mul3A_630 = arith.constant 4 : i32
      %mul3A_631 = arith.muli %scan3A_96, %mul3A_630 : i32
      %add3A_632 = arith.constant 2 : i32
      %add3A_633 = arith.addi %mul3A_631, %add3A_632 : i32
      %get3A_634 = arith.index_cast %add3A_633 : i32 to index
      %get3A_635 = arith.constant 32 : index
      %get3A_636 = tpu.vector_load %arg13[%get3A_634, %get3A_635] {strides = array<i32>} : memref<200x128xf32, #tpu.memory_space<vmem>>, vector<16xf32>,
      %mul3A_637 = arith.constant 4 : i32
      %mul3A_638 = arith.muli %scan3A_96, %mul3A_637 : i32
      %add3A_639 = arith.constant 2 : i32
      %add3A_640 = arith.addi %mul3A_638, %add3A_639 : i32
      %get3A_641 = arith.index_cast %add3A_640 : i32 to index
      %get3A_642 = arith.constant 48 : index
      %get3A_643 = tpu.vector_load %arg13[%get3A_641, %get3A_642] {strides = array<i32>} : memref<200x128xf32, #tpu.memory_space<vmem>>, vector<16xf32>,
      %mul3A_644 = arith.constant 4 : i32
      %mul3A_645 = arith.muli %scan3A_96, %mul3A_644 : i32
      %add3A_646 = arith.constant 2 : i32
      %add3A_647 = arith.addi %mul3A_645, %add3A_646 : i32
      %get3A_648 = arith.index_cast %add3A_647 : i32 to index
      %get3A_649 = arith.constant 64 : index
      %get3A_650 = tpu.vector_load %arg13[%get3A_648, %get3A_649] {strides = array<i32>} : memref<200x128xf32, #tpu.memory_space<vmem>>, vector<16xf32>,
      %mul3A_651 = arith.constant 4 : i32
      %mul3A_652 = arith.muli %scan3A_96, %mul3A_651 : i32
      %add3A_653 = arith.constant 2 : i32
      %add3A_654 = arith.addi %mul3A_652, %add3A_653 : i32
      %get3A_655 = arith.index_cast %add3A_654 : i32 to index
      %get3A_656 = arith.constant 80 : index
      %get3A_657 = tpu.vector_load %arg13[%get3A_655, %get3A_656] {strides = array<i32>} : memref<200x128xf32, #tpu.memory_space<vmem>>, vector<16xf32>,
      %mul3A_658 = arith.constant 4 : i32
      %mul3A_659 = arith.muli %scan3A_96, %mul3A_658 : i32
      %add3A_660 = arith.constant 2 : i32
      %add3A_661 = arith.addi %mul3A_659, %add3A_660 : i32
      %get3A_662 = arith.index_cast %add3A_661 : i32 to index
      %get3A_663 = arith.constant 96 : index
      %get3A_664 = tpu.vector_load %arg13[%get3A_662, %get3A_663] {strides = array<i32>} : memref<200x128xf32, #tpu.memory_space<vmem>>, vector<16xf32>,
      %mul3A_665 = arith.constant 4 : i32
      %mul3A_666 = arith.muli %scan3A_96, %mul3A_665 : i32
      %add3A_667 = arith.constant 2 : i32
      %add3A_668 = arith.addi %mul3A_666, %add3A_667 : i32
      %get3A_669 = arith.index_cast %add3A_668 : i32 to index
      %get3A_670 = arith.constant 112 : index
      %get3A_671 = tpu.vector_load %arg13[%get3A_669, %get3A_670] {strides = array<i32>} : memref<200x128xf32, #tpu.memory_space<vmem>>, vector<16xf32>,
      %mul3A_672 = arith.constant 4 : i32
      %mul3A_673 = arith.muli %scan3A_96, %mul3A_672 : i32
      %add3A_674 = arith.constant 3 : i32
      %add3A_675 = arith.addi %mul3A_673, %add3A_674 : i32
      %get3A_676 = arith.index_cast %add3A_675 : i32 to index
      %get3A_677 = arith.constant 0 : index
      %get3A_678 = tpu.vector_load %arg13[%get3A_676, %get3A_677] {strides = array<i32>} : memref<200x128xf32, #tpu.memory_space<vmem>>, vector<16xf32>,
      %mul3A_679 = arith.constant 4 : i32
      %mul3A_680 = arith.muli %scan3A_96, %mul3A_679 : i32
      %add3A_681 = arith.constant 3 : i32
      %add3A_682 = arith.addi %mul3A_680, %add3A_681 : i32
      %get3A_683 = arith.index_cast %add3A_682 : i32 to index
      %get3A_684 = arith.constant 16 : index
      %get3A_685 = tpu.vector_load %arg13[%get3A_683, %get3A_684] {strides = array<i32>} : memref<200x128xf32, #tpu.memory_space<vmem>>, vector<16xf32>,
      %mul3A_686 = arith.constant 4 : i32
      %mul3A_687 = arith.muli %scan3A_96, %mul3A_686 : i32
      %add3A_688 = arith.constant 3 : i32
      %add3A_689 = arith.addi %mul3A_687, %add3A_688 : i32
      %get3A_690 = arith.index_cast %add3A_689 : i32 to index
      %get3A_691 = arith.constant 32 : index
      %get3A_692 = tpu.vector_load %arg13[%get3A_690, %get3A_691] {strides = array<i32>} : memref<200x128xf32, #tpu.memory_space<vmem>>, vector<16xf32>,
      %mul3A_693 = arith.constant 4 : i32
      %mul3A_694 = arith.muli %scan3A_96, %mul3A_693 : i32
      %add3A_695 = arith.constant 3 : i32
      %add3A_696 = arith.addi %mul3A_694, %add3A_695 : i32
      %get3A_697 = arith.index_cast %add3A_696 : i32 to index
      %get3A_698 = arith.constant 48 : index
      %get3A_699 = tpu.vector_load %arg13[%get3A_697, %get3A_698] {strides = array<i32>} : memref<200x128xf32, #tpu.memory_space<vmem>>, vector<16xf32>,
      %mul3A_700 = arith.constant 4 : i32
      %mul3A_701 = arith.muli %scan3A_96, %mul3A_700 : i32
      %add3A_702 = arith.constant 3 : i32
      %add3A_703 = arith.addi %mul3A_701, %add3A_702 : i32
      %get3A_704 = arith.index_cast %add3A_703 : i32 to index
      %get3A_705 = arith.constant 64 : index
      %get3A_706 = tpu.vector_load %arg13[%get3A_704, %get3A_705] {strides = array<i32>} : memref<200x128xf32, #tpu.memory_space<vmem>>, vector<16xf32>,
      %mul3A_707 = arith.constant 4 : i32
      %mul3A_708 = arith.muli %scan3A_96, %mul3A_707 : i32
      %add3A_709 = arith.constant 3 : i32
      %add3A_710 = arith.addi %mul3A_708, %add3A_709 : i32
      %get3A_711 = arith.index_cast %add3A_710 : i32 to index
      %get3A_712 = arith.constant 80 : index
      %get3A_713 = tpu.vector_load %arg13[%get3A_711, %get3A_712] {strides = array<i32>} : memref<200x128xf32, #tpu.memory_space<vmem>>, vector<16xf32>,
      %mul3A_714 = arith.constant 4 : i32
      %mul3A_715 = arith.muli %scan3A_96, %mul3A_714 : i32
      %add3A_716 = arith.constant 3 : i32
      %add3A_717 = arith.addi %mul3A_715, %add3A_716 : i32
      %get3A_718 = arith.index_cast %add3A_717 : i32 to index
      %get3A_719 = arith.constant 96 : index
      %get3A_720 = tpu.vector_load %arg13[%get3A_718, %get3A_719] {strides = array<i32>} : memref<200x128xf32, #tpu.memory_space<vmem>>, vector<16xf32>,
      %mul3A_721 = arith.constant 4 : i32
      %mul3A_722 = arith.muli %scan3A_96, %mul3A_721 : i32
      %add3A_723 = arith.constant 3 : i32
      %add3A_724 = arith.addi %mul3A_722, %add3A_723 : i32
      %get3A_725 = arith.index_cast %add3A_724 : i32 to index
      %get3A_726 = arith.constant 112 : index
      %get3A_727 = tpu.vector_load %arg13[%get3A_725, %get3A_726] {strides = array<i32>} : memref<200x128xf32, #tpu.memory_space<vmem>>, vector<16xf32>,
      %dma_wait3A_728 = arith.constant 0 : i32
      %dma_wait3A_729 = arith.constant 0 : i32
      %dma_wait3A_730 = tpu.memref_slice %arg3[%dma_wait3A_728, %dma_wait3A_729] : memref<100000x128xf32, #tpu.memory_space<hbm>> -> memref<100000x128xf32, #tpu.memory_space<hbm>>
      tpu.wait_indirect_dma semaphore(%arg15 : memref<!tpu.dma_semaphore, #tpu.memory_space<semaphore_mem>>) src(%dma_wait3A_730 : memref<100000x128xf32, #tpu.memory_space<hbm>>) dst(%arg10 : memref<128x128xf32, #tpu.memory_space<vmem>>)
      %convert_element_type3A_731 = arith.extui %ge3A_503 : i1 to i32
      %cond3A_732 = arith.constant 0 : i32
      %cond3A_733 = arith.cmpi ne, %convert_element_type3A_731, %cond3A_732 : i32
      scf.if %cond3A_733 {
        %dma_wait3A_1321 = arith.constant 0 : i32
        %dma_wait3A_1322 = arith.constant 0 : i32
        %dma_wait3A_1323 = tpu.memref_slice %arg5[%mul3A_2, %dma_wait3A_1321, %dma_wait3A_1322] : memref<4096x200x128xf32, #tpu.memory_space<hbm>> -> memref<32x4x128xf32, #tpu.memory_space<hbm>>
        %dma_wait3A_1324 = arith.constant 0 : i32
        %dma_wait3A_1325 = arith.constant 0 : i32
        %dma_wait3A_1326 = tpu.memref_slice %arg5[%mul3A_2, %dma_wait3A_1324, %dma_wait3A_1325] : memref<4096x200x128xf32, #tpu.memory_space<hbm>> -> memref<32x4x128xf32, #tpu.memory_space<hbm>>
        tpu.wait_dma2 semaphore(%arg17 : memref<!tpu.dma_semaphore, #tpu.memory_space<semaphore_mem>>) src(%arg12 : memref<32x4x128xf32, #tpu.memory_space<vmem>>) dst(%dma_wait3A_1326 : memref<32x4x128xf32, #tpu.memory_space<hbm>>)
      } else {
      }
      %parallel_loop3A_734 = arith.constant 0 : i32
      %parallel_loop3A_735 = arith.constant 32 : i32
      %parallel_loop3A_736 = arith.constant 1 : i32
      scf.for %parallel_loop3A_1321 = %parallel_loop3A_734 to %parallel_loop3A_735 step %parallel_loop3A_736  : i32 {
        %parallel_loop3A_1322 = arith.constant 4 : i32
        %parallel_loop3A_1323 = arith.muli %parallel_loop3A_1322, %parallel_loop3A_1321 : i32
        %parallel_loop3A_1324 = arith.constant 0 : i32
        %parallel_loop3A_1325 = arith.addi %parallel_loop3A_1323, %parallel_loop3A_1324 : i32
        %parallel_loop3A_1326 = arith.index_cast %parallel_loop3A_1325 : i32 to index
        %parallel_loop3A_1327 = arith.constant 0 : index
        %parallel_loop3A_1328 = tpu.vector_load %arg10[%parallel_loop3A_1326, %parallel_loop3A_1327] {strides = array<i32>} : memref<128x128xf32, #tpu.memory_space<vmem>>, vector<16xf32>,
        %parallel_loop3A_1329 = arith.addf %parallel_loop3A_1328, %get3A_510 : vector<16xf32>
        %parallel_loop3A_1330 = arith.constant 0 : i32
        %parallel_loop3A_1331 = arith.index_cast %parallel_loop3A_1321 : i32 to index
        %parallel_loop3A_1332 = arith.index_cast %parallel_loop3A_1330 : i32 to index
        %parallel_loop3A_1333 = arith.constant 0 : index
        %parallel_loop3A_1334 = tpu.vector_load %arg12[%parallel_loop3A_1331, %parallel_loop3A_1332, %parallel_loop3A_1333] {strides = array<i32>} : memref<32x4x128xf32, #tpu.memory_space<vmem>>, vector<16xf32>,
        tpu.vector_store %arg12[%parallel_loop3A_1331, %parallel_loop3A_1332, %parallel_loop3A_1333], %parallel_loop3A_1329 {strides = array<i32>} : memref<32x4x128xf32, #tpu.memory_space<vmem>>, vector<16xf32>,
        %parallel_loop3A_1335 = arith.index_cast %parallel_loop3A_1325 : i32 to index
        %parallel_loop3A_1336 = arith.constant 16 : index
        %parallel_loop3A_1337 = tpu.vector_load %arg10[%parallel_loop3A_1335, %parallel_loop3A_1336] {strides = array<i32>} : memref<128x128xf32, #tpu.memory_space<vmem>>, vector<16xf32>,
        %parallel_loop3A_1338 = arith.addf %parallel_loop3A_1337, %get3A_517 : vector<16xf32>
        %parallel_loop3A_1339 = arith.constant 0 : i32
        %parallel_loop3A_1340 = arith.index_cast %parallel_loop3A_1321 : i32 to index
        %parallel_loop3A_1341 = arith.index_cast %parallel_loop3A_1339 : i32 to index
        %parallel_loop3A_1342 = arith.constant 16 : index
        %parallel_loop3A_1343 = tpu.vector_load %arg12[%parallel_loop3A_1340, %parallel_loop3A_1341, %parallel_loop3A_1342] {strides = array<i32>} : memref<32x4x128xf32, #tpu.memory_space<vmem>>, vector<16xf32>,
        tpu.vector_store %arg12[%parallel_loop3A_1340, %parallel_loop3A_1341, %parallel_loop3A_1342], %parallel_loop3A_1338 {strides = array<i32>} : memref<32x4x128xf32, #tpu.memory_space<vmem>>, vector<16xf32>,
        %parallel_loop3A_1344 = arith.index_cast %parallel_loop3A_1325 : i32 to index
        %parallel_loop3A_1345 = arith.constant 32 : index
        %parallel_loop3A_1346 = tpu.vector_load %arg10[%parallel_loop3A_1344, %parallel_loop3A_1345] {strides = array<i32>} : memref<128x128xf32, #tpu.memory_space<vmem>>, vector<16xf32>,
        %parallel_loop3A_1347 = arith.addf %parallel_loop3A_1346, %get3A_524 : vector<16xf32>
        %parallel_loop3A_1348 = arith.constant 0 : i32
        %parallel_loop3A_1349 = arith.index_cast %parallel_loop3A_1321 : i32 to index
        %parallel_loop3A_1350 = arith.index_cast %parallel_loop3A_1348 : i32 to index
        %parallel_loop3A_1351 = arith.constant 32 : index
        %parallel_loop3A_1352 = tpu.vector_load %arg12[%parallel_loop3A_1349, %parallel_loop3A_1350, %parallel_loop3A_1351] {strides = array<i32>} : memref<32x4x128xf32, #tpu.memory_space<vmem>>, vector<16xf32>,
        tpu.vector_store %arg12[%parallel_loop3A_1349, %parallel_loop3A_1350, %parallel_loop3A_1351], %parallel_loop3A_1347 {strides = array<i32>} : memref<32x4x128xf32, #tpu.memory_space<vmem>>, vector<16xf32>,
        %parallel_loop3A_1353 = arith.index_cast %parallel_loop3A_1325 : i32 to index
        %parallel_loop3A_1354 = arith.constant 48 : index
        %parallel_loop3A_1355 = tpu.vector_load %arg10[%parallel_loop3A_1353, %parallel_loop3A_1354] {strides = array<i32>} : memref<128x128xf32, #tpu.memory_space<vmem>>, vector<16xf32>,
        %parallel_loop3A_1356 = arith.addf %parallel_loop3A_1355, %get3A_531 : vector<16xf32>
        %parallel_loop3A_1357 = arith.constant 0 : i32
        %parallel_loop3A_1358 = arith.index_cast %parallel_loop3A_1321 : i32 to index
        %parallel_loop3A_1359 = arith.index_cast %parallel_loop3A_1357 : i32 to index
        %parallel_loop3A_1360 = arith.constant 48 : index
        %parallel_loop3A_1361 = tpu.vector_load %arg12[%parallel_loop3A_1358, %parallel_loop3A_1359, %parallel_loop3A_1360] {strides = array<i32>} : memref<32x4x128xf32, #tpu.memory_space<vmem>>, vector<16xf32>,
        tpu.vector_store %arg12[%parallel_loop3A_1358, %parallel_loop3A_1359, %parallel_loop3A_1360], %parallel_loop3A_1356 {strides = array<i32>} : memref<32x4x128xf32, #tpu.memory_space<vmem>>, vector<16xf32>,
        %parallel_loop3A_1362 = arith.index_cast %parallel_loop3A_1325 : i32 to index
        %parallel_loop3A_1363 = arith.constant 64 : index
        %parallel_loop3A_1364 = tpu.vector_load %arg10[%parallel_loop3A_1362, %parallel_loop3A_1363] {strides = array<i32>} : memref<128x128xf32, #tpu.memory_space<vmem>>, vector<16xf32>,
        %parallel_loop3A_1365 = arith.addf %parallel_loop3A_1364, %get3A_538 : vector<16xf32>
        %parallel_loop3A_1366 = arith.constant 0 : i32
        %parallel_loop3A_1367 = arith.index_cast %parallel_loop3A_1321 : i32 to index
        %parallel_loop3A_1368 = arith.index_cast %parallel_loop3A_1366 : i32 to index
        %parallel_loop3A_1369 = arith.constant 64 : index
        %parallel_loop3A_1370 = tpu.vector_load %arg12[%parallel_loop3A_1367, %parallel_loop3A_1368, %parallel_loop3A_1369] {strides = array<i32>} : memref<32x4x128xf32, #tpu.memory_space<vmem>>, vector<16xf32>,
        tpu.vector_store %arg12[%parallel_loop3A_1367, %parallel_loop3A_1368, %parallel_loop3A_1369], %parallel_loop3A_1365 {strides = array<i32>} : memref<32x4x128xf32, #tpu.memory_space<vmem>>, vector<16xf32>,
        %parallel_loop3A_1371 = arith.index_cast %parallel_loop3A_1325 : i32 to index
        %parallel_loop3A_1372 = arith.constant 80 : index
        %parallel_loop3A_1373 = tpu.vector_load %arg10[%parallel_loop3A_1371, %parallel_loop3A_1372] {strides = array<i32>} : memref<128x128xf32, #tpu.memory_space<vmem>>, vector<16xf32>,
        %parallel_loop3A_1374 = arith.addf %parallel_loop3A_1373, %get3A_545 : vector<16xf32>
        %parallel_loop3A_1375 = arith.constant 0 : i32
        %parallel_loop3A_1376 = arith.index_cast %parallel_loop3A_1321 : i32 to index
        %parallel_loop3A_1377 = arith.index_cast %parallel_loop3A_1375 : i32 to index
        %parallel_loop3A_1378 = arith.constant 80 : index
        %parallel_loop3A_1379 = tpu.vector_load %arg12[%parallel_loop3A_1376, %parallel_loop3A_1377, %parallel_loop3A_1378] {strides = array<i32>} : memref<32x4x128xf32, #tpu.memory_space<vmem>>, vector<16xf32>,
        tpu.vector_store %arg12[%parallel_loop3A_1376, %parallel_loop3A_1377, %parallel_loop3A_1378], %parallel_loop3A_1374 {strides = array<i32>} : memref<32x4x128xf32, #tpu.memory_space<vmem>>, vector<16xf32>,
        %parallel_loop3A_1380 = arith.index_cast %parallel_loop3A_1325 : i32 to index
        %parallel_loop3A_1381 = arith.constant 96 : index
        %parallel_loop3A_1382 = tpu.vector_load %arg10[%parallel_loop3A_1380, %parallel_loop3A_1381] {strides = array<i32>} : memref<128x128xf32, #tpu.memory_space<vmem>>, vector<16xf32>,
        %parallel_loop3A_1383 = arith.addf %parallel_loop3A_1382, %get3A_552 : vector<16xf32>
        %parallel_loop3A_1384 = arith.constant 0 : i32
        %parallel_loop3A_1385 = arith.index_cast %parallel_loop3A_1321 : i32 to index
        %parallel_loop3A_1386 = arith.index_cast %parallel_loop3A_1384 : i32 to index
        %parallel_loop3A_1387 = arith.constant 96 : index
        %parallel_loop3A_1388 = tpu.vector_load %arg12[%parallel_loop3A_1385, %parallel_loop3A_1386, %parallel_loop3A_1387] {strides = array<i32>} : memref<32x4x128xf32, #tpu.memory_space<vmem>>, vector<16xf32>,
        tpu.vector_store %arg12[%parallel_loop3A_1385, %parallel_loop3A_1386, %parallel_loop3A_1387], %parallel_loop3A_1383 {strides = array<i32>} : memref<32x4x128xf32, #tpu.memory_space<vmem>>, vector<16xf32>,
        %parallel_loop3A_1389 = arith.index_cast %parallel_loop3A_1325 : i32 to index
        %parallel_loop3A_1390 = arith.constant 112 : index
        %parallel_loop3A_1391 = tpu.vector_load %arg10[%parallel_loop3A_1389, %parallel_loop3A_1390] {strides = array<i32>} : memref<128x128xf32, #tpu.memory_space<vmem>>, vector<16xf32>,
        %parallel_loop3A_1392 = arith.addf %parallel_loop3A_1391, %get3A_559 : vector<16xf32>
        %parallel_loop3A_1393 = arith.constant 0 : i32
        %parallel_loop3A_1394 = arith.index_cast %parallel_loop3A_1321 : i32 to index
        %parallel_loop3A_1395 = arith.index_cast %parallel_loop3A_1393 : i32 to index
        %parallel_loop3A_1396 = arith.constant 112 : index
        %parallel_loop3A_1397 = tpu.vector_load %arg12[%parallel_loop3A_1394, %parallel_loop3A_1395, %parallel_loop3A_1396] {strides = array<i32>} : memref<32x4x128xf32, #tpu.memory_space<vmem>>, vector<16xf32>,
        tpu.vector_store %arg12[%parallel_loop3A_1394, %parallel_loop3A_1395, %parallel_loop3A_1396], %parallel_loop3A_1392 {strides = array<i32>} : memref<32x4x128xf32, #tpu.memory_space<vmem>>, vector<16xf32>,
        %parallel_loop3A_1398 = arith.constant 4 : i32
        %parallel_loop3A_1399 = arith.muli %parallel_loop3A_1398, %parallel_loop3A_1321 : i32
        %parallel_loop3A_1400 = arith.constant 1 : i32
        %parallel_loop3A_1401 = arith.addi %parallel_loop3A_1399, %parallel_loop3A_1400 : i32
        %parallel_loop3A_1402 = arith.index_cast %parallel_loop3A_1401 : i32 to index
        %parallel_loop3A_1403 = arith.constant 0 : index
        %parallel_loop3A_1404 = tpu.vector_load %arg10[%parallel_loop3A_1402, %parallel_loop3A_1403] {strides = array<i32>} : memref<128x128xf32, #tpu.memory_space<vmem>>, vector<16xf32>,
        %parallel_loop3A_1405 = arith.addf %parallel_loop3A_1404, %get3A_566 : vector<16xf32>
        %parallel_loop3A_1406 = arith.constant 1 : i32
        %parallel_loop3A_1407 = arith.index_cast %parallel_loop3A_1321 : i32 to index
        %parallel_loop3A_1408 = arith.index_cast %parallel_loop3A_1406 : i32 to index
        %parallel_loop3A_1409 = arith.constant 0 : index
        %parallel_loop3A_1410 = tpu.vector_load %arg12[%parallel_loop3A_1407, %parallel_loop3A_1408, %parallel_loop3A_1409] {strides = array<i32>} : memref<32x4x128xf32, #tpu.memory_space<vmem>>, vector<16xf32>,
        tpu.vector_store %arg12[%parallel_loop3A_1407, %parallel_loop3A_1408, %parallel_loop3A_1409], %parallel_loop3A_1405 {strides = array<i32>} : memref<32x4x128xf32, #tpu.memory_space<vmem>>, vector<16xf32>,
        %parallel_loop3A_1411 = arith.index_cast %parallel_loop3A_1401 : i32 to index
        %parallel_loop3A_1412 = arith.constant 16 : index
        %parallel_loop3A_1413 = tpu.vector_load %arg10[%parallel_loop3A_1411, %parallel_loop3A_1412] {strides = array<i32>} : memref<128x128xf32, #tpu.memory_space<vmem>>, vector<16xf32>,
        %parallel_loop3A_1414 = arith.addf %parallel_loop3A_1413, %get3A_573 : vector<16xf32>
        %parallel_loop3A_1415 = arith.constant 1 : i32
        %parallel_loop3A_1416 = arith.index_cast %parallel_loop3A_1321 : i32 to index
        %parallel_loop3A_1417 = arith.index_cast %parallel_loop3A_1415 : i32 to index
        %parallel_loop3A_1418 = arith.constant 16 : index
        %parallel_loop3A_1419 = tpu.vector_load %arg12[%parallel_loop3A_1416, %parallel_loop3A_1417, %parallel_loop3A_1418] {strides = array<i32>} : memref<32x4x128xf32, #tpu.memory_space<vmem>>, vector<16xf32>,
        tpu.vector_store %arg12[%parallel_loop3A_1416, %parallel_loop3A_1417, %parallel_loop3A_1418], %parallel_loop3A_1414 {strides = array<i32>} : memref<32x4x128xf32, #tpu.memory_space<vmem>>, vector<16xf32>,
        %parallel_loop3A_1420 = arith.index_cast %parallel_loop3A_1401 : i32 to index
        %parallel_loop3A_1421 = arith.constant 32 : index
        %parallel_loop3A_1422 = tpu.vector_load %arg10[%parallel_loop3A_1420, %parallel_loop3A_1421] {strides = array<i32>} : memref<128x128xf32, #tpu.memory_space<vmem>>, vector<16xf32>,
        %parallel_loop3A_1423 = arith.addf %parallel_loop3A_1422, %get3A_580 : vector<16xf32>
        %parallel_loop3A_1424 = arith.constant 1 : i32
        %parallel_loop3A_1425 = arith.index_cast %parallel_loop3A_1321 : i32 to index
        %parallel_loop3A_1426 = arith.index_cast %parallel_loop3A_1424 : i32 to index
        %parallel_loop3A_1427 = arith.constant 32 : index
        %parallel_loop3A_1428 = tpu.vector_load %arg12[%parallel_loop3A_1425, %parallel_loop3A_1426, %parallel_loop3A_1427] {strides = array<i32>} : memref<32x4x128xf32, #tpu.memory_space<vmem>>, vector<16xf32>,
        tpu.vector_store %arg12[%parallel_loop3A_1425, %parallel_loop3A_1426, %parallel_loop3A_1427], %parallel_loop3A_1423 {strides = array<i32>} : memref<32x4x128xf32, #tpu.memory_space<vmem>>, vector<16xf32>,
        %parallel_loop3A_1429 = arith.index_cast %parallel_loop3A_1401 : i32 to index
        %parallel_loop3A_1430 = arith.constant 48 : index
        %parallel_loop3A_1431 = tpu.vector_load %arg10[%parallel_loop3A_1429, %parallel_loop3A_1430] {strides = array<i32>} : memref<128x128xf32, #tpu.memory_space<vmem>>, vector<16xf32>,
        %parallel_loop3A_1432 = arith.addf %parallel_loop3A_1431, %get3A_587 : vector<16xf32>
        %parallel_loop3A_1433 = arith.constant 1 : i32
        %parallel_loop3A_1434 = arith.index_cast %parallel_loop3A_1321 : i32 to index
        %parallel_loop3A_1435 = arith.index_cast %parallel_loop3A_1433 : i32 to index
        %parallel_loop3A_1436 = arith.constant 48 : index
        %parallel_loop3A_1437 = tpu.vector_load %arg12[%parallel_loop3A_1434, %parallel_loop3A_1435, %parallel_loop3A_1436] {strides = array<i32>} : memref<32x4x128xf32, #tpu.memory_space<vmem>>, vector<16xf32>,
        tpu.vector_store %arg12[%parallel_loop3A_1434, %parallel_loop3A_1435, %parallel_loop3A_1436], %parallel_loop3A_1432 {strides = array<i32>} : memref<32x4x128xf32, #tpu.memory_space<vmem>>, vector<16xf32>,
        %parallel_loop3A_1438 = arith.index_cast %parallel_loop3A_1401 : i32 to index
        %parallel_loop3A_1439 = arith.constant 64 : index
        %parallel_loop3A_1440 = tpu.vector_load %arg10[%parallel_loop3A_1438, %parallel_loop3A_1439] {strides = array<i32>} : memref<128x128xf32, #tpu.memory_space<vmem>>, vector<16xf32>,
        %parallel_loop3A_1441 = arith.addf %parallel_loop3A_1440, %get3A_594 : vector<16xf32>
        %parallel_loop3A_1442 = arith.constant 1 : i32
        %parallel_loop3A_1443 = arith.index_cast %parallel_loop3A_1321 : i32 to index
        %parallel_loop3A_1444 = arith.index_cast %parallel_loop3A_1442 : i32 to index
        %parallel_loop3A_1445 = arith.constant 64 : index
        %parallel_loop3A_1446 = tpu.vector_load %arg12[%parallel_loop3A_1443, %parallel_loop3A_1444, %parallel_loop3A_1445] {strides = array<i32>} : memref<32x4x128xf32, #tpu.memory_space<vmem>>, vector<16xf32>,
        tpu.vector_store %arg12[%parallel_loop3A_1443, %parallel_loop3A_1444, %parallel_loop3A_1445], %parallel_loop3A_1441 {strides = array<i32>} : memref<32x4x128xf32, #tpu.memory_space<vmem>>, vector<16xf32>,
        %parallel_loop3A_1447 = arith.index_cast %parallel_loop3A_1401 : i32 to index
        %parallel_loop3A_1448 = arith.constant 80 : index
        %parallel_loop3A_1449 = tpu.vector_load %arg10[%parallel_loop3A_1447, %parallel_loop3A_1448] {strides = array<i32>} : memref<128x128xf32, #tpu.memory_space<vmem>>, vector<16xf32>,
        %parallel_loop3A_1450 = arith.addf %parallel_loop3A_1449, %get3A_601 : vector<16xf32>
        %parallel_loop3A_1451 = arith.constant 1 : i32
        %parallel_loop3A_1452 = arith.index_cast %parallel_loop3A_1321 : i32 to index
        %parallel_loop3A_1453 = arith.index_cast %parallel_loop3A_1451 : i32 to index
        %parallel_loop3A_1454 = arith.constant 80 : index
        %parallel_loop3A_1455 = tpu.vector_load %arg12[%parallel_loop3A_1452, %parallel_loop3A_1453, %parallel_loop3A_1454] {strides = array<i32>} : memref<32x4x128xf32, #tpu.memory_space<vmem>>, vector<16xf32>,
        tpu.vector_store %arg12[%parallel_loop3A_1452, %parallel_loop3A_1453, %parallel_loop3A_1454], %parallel_loop3A_1450 {strides = array<i32>} : memref<32x4x128xf32, #tpu.memory_space<vmem>>, vector<16xf32>,
        %parallel_loop3A_1456 = arith.index_cast %parallel_loop3A_1401 : i32 to index
        %parallel_loop3A_1457 = arith.constant 96 : index
        %parallel_loop3A_1458 = tpu.vector_load %arg10[%parallel_loop3A_1456, %parallel_loop3A_1457] {strides = array<i32>} : memref<128x128xf32, #tpu.memory_space<vmem>>, vector<16xf32>,
        %parallel_loop3A_1459 = arith.addf %parallel_loop3A_1458, %get3A_608 : vector<16xf32>
        %parallel_loop3A_1460 = arith.constant 1 : i32
        %parallel_loop3A_1461 = arith.index_cast %parallel_loop3A_1321 : i32 to index
        %parallel_loop3A_1462 = arith.index_cast %parallel_loop3A_1460 : i32 to index
        %parallel_loop3A_1463 = arith.constant 96 : index
        %parallel_loop3A_1464 = tpu.vector_load %arg12[%parallel_loop3A_1461, %parallel_loop3A_1462, %parallel_loop3A_1463] {strides = array<i32>} : memref<32x4x128xf32, #tpu.memory_space<vmem>>, vector<16xf32>,
        tpu.vector_store %arg12[%parallel_loop3A_1461, %parallel_loop3A_1462, %parallel_loop3A_1463], %parallel_loop3A_1459 {strides = array<i32>} : memref<32x4x128xf32, #tpu.memory_space<vmem>>, vector<16xf32>,
        %parallel_loop3A_1465 = arith.index_cast %parallel_loop3A_1401 : i32 to index
        %parallel_loop3A_1466 = arith.constant 112 : index
        %parallel_loop3A_1467 = tpu.vector_load %arg10[%parallel_loop3A_1465, %parallel_loop3A_1466] {strides = array<i32>} : memref<128x128xf32, #tpu.memory_space<vmem>>, vector<16xf32>,
        %parallel_loop3A_1468 = arith.addf %parallel_loop3A_1467, %get3A_615 : vector<16xf32>
        %parallel_loop3A_1469 = arith.constant 1 : i32
        %parallel_loop3A_1470 = arith.index_cast %parallel_loop3A_1321 : i32 to index
        %parallel_loop3A_1471 = arith.index_cast %parallel_loop3A_1469 : i32 to index
        %parallel_loop3A_1472 = arith.constant 112 : index
        %parallel_loop3A_1473 = tpu.vector_load %arg12[%parallel_loop3A_1470, %parallel_loop3A_1471, %parallel_loop3A_1472] {strides = array<i32>} : memref<32x4x128xf32, #tpu.memory_space<vmem>>, vector<16xf32>,
        tpu.vector_store %arg12[%parallel_loop3A_1470, %parallel_loop3A_1471, %parallel_loop3A_1472], %parallel_loop3A_1468 {strides = array<i32>} : memref<32x4x128xf32, #tpu.memory_space<vmem>>, vector<16xf32>,
        %parallel_loop3A_1474 = arith.constant 4 : i32
        %parallel_loop3A_1475 = arith.muli %parallel_loop3A_1474, %parallel_loop3A_1321 : i32
        %parallel_loop3A_1476 = arith.constant 2 : i32
        %parallel_loop3A_1477 = arith.addi %parallel_loop3A_1475, %parallel_loop3A_1476 : i32
        %parallel_loop3A_1478 = arith.index_cast %parallel_loop3A_1477 : i32 to index
        %parallel_loop3A_1479 = arith.constant 0 : index
        %parallel_loop3A_1480 = tpu.vector_load %arg10[%parallel_loop3A_1478, %parallel_loop3A_1479] {strides = array<i32>} : memref<128x128xf32, #tpu.memory_space<vmem>>, vector<16xf32>,
        %parallel_loop3A_1481 = arith.addf %parallel_loop3A_1480, %get3A_622 : vector<16xf32>
        %parallel_loop3A_1482 = arith.constant 2 : i32
        %parallel_loop3A_1483 = arith.index_cast %parallel_loop3A_1321 : i32 to index
        %parallel_loop3A_1484 = arith.index_cast %parallel_loop3A_1482 : i32 to index
        %parallel_loop3A_1485 = arith.constant 0 : index
        %parallel_loop3A_1486 = tpu.vector_load %arg12[%parallel_loop3A_1483, %parallel_loop3A_1484, %parallel_loop3A_1485] {strides = array<i32>} : memref<32x4x128xf32, #tpu.memory_space<vmem>>, vector<16xf32>,
        tpu.vector_store %arg12[%parallel_loop3A_1483, %parallel_loop3A_1484, %parallel_loop3A_1485], %parallel_loop3A_1481 {strides = array<i32>} : memref<32x4x128xf32, #tpu.memory_space<vmem>>, vector<16xf32>,
        %parallel_loop3A_1487 = arith.index_cast %parallel_loop3A_1477 : i32 to index
        %parallel_loop3A_1488 = arith.constant 16 : index
        %parallel_loop3A_1489 = tpu.vector_load %arg10[%parallel_loop3A_1487, %parallel_loop3A_1488] {strides = array<i32>} : memref<128x128xf32, #tpu.memory_space<vmem>>, vector<16xf32>,
        %parallel_loop3A_1490 = arith.addf %parallel_loop3A_1489, %get3A_629 : vector<16xf32>
        %parallel_loop3A_1491 = arith.constant 2 : i32
        %parallel_loop3A_1492 = arith.index_cast %parallel_loop3A_1321 : i32 to index
        %parallel_loop3A_1493 = arith.index_cast %parallel_loop3A_1491 : i32 to index
        %parallel_loop3A_1494 = arith.constant 16 : index
        %parallel_loop3A_1495 = tpu.vector_load %arg12[%parallel_loop3A_1492, %parallel_loop3A_1493, %parallel_loop3A_1494] {strides = array<i32>} : memref<32x4x128xf32, #tpu.memory_space<vmem>>, vector<16xf32>,
        tpu.vector_store %arg12[%parallel_loop3A_1492, %parallel_loop3A_1493, %parallel_loop3A_1494], %parallel_loop3A_1490 {strides = array<i32>} : memref<32x4x128xf32, #tpu.memory_space<vmem>>, vector<16xf32>,
        %parallel_loop3A_1496 = arith.index_cast %parallel_loop3A_1477 : i32 to index
        %parallel_loop3A_1497 = arith.constant 32 : index
        %parallel_loop3A_1498 = tpu.vector_load %arg10[%parallel_loop3A_1496, %parallel_loop3A_1497] {strides = array<i32>} : memref<128x128xf32, #tpu.memory_space<vmem>>, vector<16xf32>,
        %parallel_loop3A_1499 = arith.addf %parallel_loop3A_1498, %get3A_636 : vector<16xf32>
        %parallel_loop3A_1500 = arith.constant 2 : i32
        %parallel_loop3A_1501 = arith.index_cast %parallel_loop3A_1321 : i32 to index
        %parallel_loop3A_1502 = arith.index_cast %parallel_loop3A_1500 : i32 to index
        %parallel_loop3A_1503 = arith.constant 32 : index
        %parallel_loop3A_1504 = tpu.vector_load %arg12[%parallel_loop3A_1501, %parallel_loop3A_1502, %parallel_loop3A_1503] {strides = array<i32>} : memref<32x4x128xf32, #tpu.memory_space<vmem>>, vector<16xf32>,
        tpu.vector_store %arg12[%parallel_loop3A_1501, %parallel_loop3A_1502, %parallel_loop3A_1503], %parallel_loop3A_1499 {strides = array<i32>} : memref<32x4x128xf32, #tpu.memory_space<vmem>>, vector<16xf32>,
        %parallel_loop3A_1505 = arith.index_cast %parallel_loop3A_1477 : i32 to index
        %parallel_loop3A_1506 = arith.constant 48 : index
        %parallel_loop3A_1507 = tpu.vector_load %arg10[%parallel_loop3A_1505, %parallel_loop3A_1506] {strides = array<i32>} : memref<128x128xf32, #tpu.memory_space<vmem>>, vector<16xf32>,
        %parallel_loop3A_1508 = arith.addf %parallel_loop3A_1507, %get3A_643 : vector<16xf32>
        %parallel_loop3A_1509 = arith.constant 2 : i32
        %parallel_loop3A_1510 = arith.index_cast %parallel_loop3A_1321 : i32 to index
        %parallel_loop3A_1511 = arith.index_cast %parallel_loop3A_1509 : i32 to index
        %parallel_loop3A_1512 = arith.constant 48 : index
        %parallel_loop3A_1513 = tpu.vector_load %arg12[%parallel_loop3A_1510, %parallel_loop3A_1511, %parallel_loop3A_1512] {strides = array<i32>} : memref<32x4x128xf32, #tpu.memory_space<vmem>>, vector<16xf32>,
        tpu.vector_store %arg12[%parallel_loop3A_1510, %parallel_loop3A_1511, %parallel_loop3A_1512], %parallel_loop3A_1508 {strides = array<i32>} : memref<32x4x128xf32, #tpu.memory_space<vmem>>, vector<16xf32>,
        %parallel_loop3A_1514 = arith.index_cast %parallel_loop3A_1477 : i32 to index
        %parallel_loop3A_1515 = arith.constant 64 : index
        %parallel_loop3A_1516 = tpu.vector_load %arg10[%parallel_loop3A_1514, %parallel_loop3A_1515] {strides = array<i32>} : memref<128x128xf32, #tpu.memory_space<vmem>>, vector<16xf32>,
        %parallel_loop3A_1517 = arith.addf %parallel_loop3A_1516, %get3A_650 : vector<16xf32>
        %parallel_loop3A_1518 = arith.constant 2 : i32
        %parallel_loop3A_1519 = arith.index_cast %parallel_loop3A_1321 : i32 to index
        %parallel_loop3A_1520 = arith.index_cast %parallel_loop3A_1518 : i32 to index
        %parallel_loop3A_1521 = arith.constant 64 : index
        %parallel_loop3A_1522 = tpu.vector_load %arg12[%parallel_loop3A_1519, %parallel_loop3A_1520, %parallel_loop3A_1521] {strides = array<i32>} : memref<32x4x128xf32, #tpu.memory_space<vmem>>, vector<16xf32>,
        tpu.vector_store %arg12[%parallel_loop3A_1519, %parallel_loop3A_1520, %parallel_loop3A_1521], %parallel_loop3A_1517 {strides = array<i32>} : memref<32x4x128xf32, #tpu.memory_space<vmem>>, vector<16xf32>,
        %parallel_loop3A_1523 = arith.index_cast %parallel_loop3A_1477 : i32 to index
        %parallel_loop3A_1524 = arith.constant 80 : index
        %parallel_loop3A_1525 = tpu.vector_load %arg10[%parallel_loop3A_1523, %parallel_loop3A_1524] {strides = array<i32>} : memref<128x128xf32, #tpu.memory_space<vmem>>, vector<16xf32>,
        %parallel_loop3A_1526 = arith.addf %parallel_loop3A_1525, %get3A_657 : vector<16xf32>
        %parallel_loop3A_1527 = arith.constant 2 : i32
        %parallel_loop3A_1528 = arith.index_cast %parallel_loop3A_1321 : i32 to index
        %parallel_loop3A_1529 = arith.index_cast %parallel_loop3A_1527 : i32 to index
        %parallel_loop3A_1530 = arith.constant 80 : index
        %parallel_loop3A_1531 = tpu.vector_load %arg12[%parallel_loop3A_1528, %parallel_loop3A_1529, %parallel_loop3A_1530] {strides = array<i32>} : memref<32x4x128xf32, #tpu.memory_space<vmem>>, vector<16xf32>,
        tpu.vector_store %arg12[%parallel_loop3A_1528, %parallel_loop3A_1529, %parallel_loop3A_1530], %parallel_loop3A_1526 {strides = array<i32>} : memref<32x4x128xf32, #tpu.memory_space<vmem>>, vector<16xf32>,
        %parallel_loop3A_1532 = arith.index_cast %parallel_loop3A_1477 : i32 to index
        %parallel_loop3A_1533 = arith.constant 96 : index
        %parallel_loop3A_1534 = tpu.vector_load %arg10[%parallel_loop3A_1532, %parallel_loop3A_1533] {strides = array<i32>} : memref<128x128xf32, #tpu.memory_space<vmem>>, vector<16xf32>,
        %parallel_loop3A_1535 = arith.addf %parallel_loop3A_1534, %get3A_664 : vector<16xf32>
        %parallel_loop3A_1536 = arith.constant 2 : i32
        %parallel_loop3A_1537 = arith.index_cast %parallel_loop3A_1321 : i32 to index
        %parallel_loop3A_1538 = arith.index_cast %parallel_loop3A_1536 : i32 to index
        %parallel_loop3A_1539 = arith.constant 96 : index
        %parallel_loop3A_1540 = tpu.vector_load %arg12[%parallel_loop3A_1537, %parallel_loop3A_1538, %parallel_loop3A_1539] {strides = array<i32>} : memref<32x4x128xf32, #tpu.memory_space<vmem>>, vector<16xf32>,
        tpu.vector_store %arg12[%parallel_loop3A_1537, %parallel_loop3A_1538, %parallel_loop3A_1539], %parallel_loop3A_1535 {strides = array<i32>} : memref<32x4x128xf32, #tpu.memory_space<vmem>>, vector<16xf32>,
        %parallel_loop3A_1541 = arith.index_cast %parallel_loop3A_1477 : i32 to index
        %parallel_loop3A_1542 = arith.constant 112 : index
        %parallel_loop3A_1543 = tpu.vector_load %arg10[%parallel_loop3A_1541, %parallel_loop3A_1542] {strides = array<i32>} : memref<128x128xf32, #tpu.memory_space<vmem>>, vector<16xf32>,
        %parallel_loop3A_1544 = arith.addf %parallel_loop3A_1543, %get3A_671 : vector<16xf32>
        %parallel_loop3A_1545 = arith.constant 2 : i32
        %parallel_loop3A_1546 = arith.index_cast %parallel_loop3A_1321 : i32 to index
        %parallel_loop3A_1547 = arith.index_cast %parallel_loop3A_1545 : i32 to index
        %parallel_loop3A_1548 = arith.constant 112 : index
        %parallel_loop3A_1549 = tpu.vector_load %arg12[%parallel_loop3A_1546, %parallel_loop3A_1547, %parallel_loop3A_1548] {strides = array<i32>} : memref<32x4x128xf32, #tpu.memory_space<vmem>>, vector<16xf32>,
        tpu.vector_store %arg12[%parallel_loop3A_1546, %parallel_loop3A_1547, %parallel_loop3A_1548], %parallel_loop3A_1544 {strides = array<i32>} : memref<32x4x128xf32, #tpu.memory_space<vmem>>, vector<16xf32>,
        %parallel_loop3A_1550 = arith.constant 4 : i32
        %parallel_loop3A_1551 = arith.muli %parallel_loop3A_1550, %parallel_loop3A_1321 : i32
        %parallel_loop3A_1552 = arith.constant 3 : i32
        %parallel_loop3A_1553 = arith.addi %parallel_loop3A_1551, %parallel_loop3A_1552 : i32
        %parallel_loop3A_1554 = arith.index_cast %parallel_loop3A_1553 : i32 to index
        %parallel_loop3A_1555 = arith.constant 0 : index
        %parallel_loop3A_1556 = tpu.vector_load %arg10[%parallel_loop3A_1554, %parallel_loop3A_1555] {strides = array<i32>} : memref<128x128xf32, #tpu.memory_space<vmem>>, vector<16xf32>,
        %parallel_loop3A_1557 = arith.addf %parallel_loop3A_1556, %get3A_678 : vector<16xf32>
        %parallel_loop3A_1558 = arith.constant 3 : i32
        %parallel_loop3A_1559 = arith.index_cast %parallel_loop3A_1321 : i32 to index
        %parallel_loop3A_1560 = arith.index_cast %parallel_loop3A_1558 : i32 to index
        %parallel_loop3A_1561 = arith.constant 0 : index
        %parallel_loop3A_1562 = tpu.vector_load %arg12[%parallel_loop3A_1559, %parallel_loop3A_1560, %parallel_loop3A_1561] {strides = array<i32>} : memref<32x4x128xf32, #tpu.memory_space<vmem>>, vector<16xf32>,
        tpu.vector_store %arg12[%parallel_loop3A_1559, %parallel_loop3A_1560, %parallel_loop3A_1561], %parallel_loop3A_1557 {strides = array<i32>} : memref<32x4x128xf32, #tpu.memory_space<vmem>>, vector<16xf32>,
        %parallel_loop3A_1563 = arith.index_cast %parallel_loop3A_1553 : i32 to index
        %parallel_loop3A_1564 = arith.constant 16 : index
        %parallel_loop3A_1565 = tpu.vector_load %arg10[%parallel_loop3A_1563, %parallel_loop3A_1564] {strides = array<i32>} : memref<128x128xf32, #tpu.memory_space<vmem>>, vector<16xf32>,
        %parallel_loop3A_1566 = arith.addf %parallel_loop3A_1565, %get3A_685 : vector<16xf32>
        %parallel_loop3A_1567 = arith.constant 3 : i32
        %parallel_loop3A_1568 = arith.index_cast %parallel_loop3A_1321 : i32 to index
        %parallel_loop3A_1569 = arith.index_cast %parallel_loop3A_1567 : i32 to index
        %parallel_loop3A_1570 = arith.constant 16 : index
        %parallel_loop3A_1571 = tpu.vector_load %arg12[%parallel_loop3A_1568, %parallel_loop3A_1569, %parallel_loop3A_1570] {strides = array<i32>} : memref<32x4x128xf32, #tpu.memory_space<vmem>>, vector<16xf32>,
        tpu.vector_store %arg12[%parallel_loop3A_1568, %parallel_loop3A_1569, %parallel_loop3A_1570], %parallel_loop3A_1566 {strides = array<i32>} : memref<32x4x128xf32, #tpu.memory_space<vmem>>, vector<16xf32>,
        %parallel_loop3A_1572 = arith.index_cast %parallel_loop3A_1553 : i32 to index
        %parallel_loop3A_1573 = arith.constant 32 : index
        %parallel_loop3A_1574 = tpu.vector_load %arg10[%parallel_loop3A_1572, %parallel_loop3A_1573] {strides = array<i32>} : memref<128x128xf32, #tpu.memory_space<vmem>>, vector<16xf32>,
        %parallel_loop3A_1575 = arith.addf %parallel_loop3A_1574, %get3A_692 : vector<16xf32>
        %parallel_loop3A_1576 = arith.constant 3 : i32
        %parallel_loop3A_1577 = arith.index_cast %parallel_loop3A_1321 : i32 to index
        %parallel_loop3A_1578 = arith.index_cast %parallel_loop3A_1576 : i32 to index
        %parallel_loop3A_1579 = arith.constant 32 : index
        %parallel_loop3A_1580 = tpu.vector_load %arg12[%parallel_loop3A_1577, %parallel_loop3A_1578, %parallel_loop3A_1579] {strides = array<i32>} : memref<32x4x128xf32, #tpu.memory_space<vmem>>, vector<16xf32>,
        tpu.vector_store %arg12[%parallel_loop3A_1577, %parallel_loop3A_1578, %parallel_loop3A_1579], %parallel_loop3A_1575 {strides = array<i32>} : memref<32x4x128xf32, #tpu.memory_space<vmem>>, vector<16xf32>,
        %parallel_loop3A_1581 = arith.index_cast %parallel_loop3A_1553 : i32 to index
        %parallel_loop3A_1582 = arith.constant 48 : index
        %parallel_loop3A_1583 = tpu.vector_load %arg10[%parallel_loop3A_1581, %parallel_loop3A_1582] {strides = array<i32>} : memref<128x128xf32, #tpu.memory_space<vmem>>, vector<16xf32>,
        %parallel_loop3A_1584 = arith.addf %parallel_loop3A_1583, %get3A_699 : vector<16xf32>
        %parallel_loop3A_1585 = arith.constant 3 : i32
        %parallel_loop3A_1586 = arith.index_cast %parallel_loop3A_1321 : i32 to index
        %parallel_loop3A_1587 = arith.index_cast %parallel_loop3A_1585 : i32 to index
        %parallel_loop3A_1588 = arith.constant 48 : index
        %parallel_loop3A_1589 = tpu.vector_load %arg12[%parallel_loop3A_1586, %parallel_loop3A_1587, %parallel_loop3A_1588] {strides = array<i32>} : memref<32x4x128xf32, #tpu.memory_space<vmem>>, vector<16xf32>,
        tpu.vector_store %arg12[%parallel_loop3A_1586, %parallel_loop3A_1587, %parallel_loop3A_1588], %parallel_loop3A_1584 {strides = array<i32>} : memref<32x4x128xf32, #tpu.memory_space<vmem>>, vector<16xf32>,
        %parallel_loop3A_1590 = arith.index_cast %parallel_loop3A_1553 : i32 to index
        %parallel_loop3A_1591 = arith.constant 64 : index
        %parallel_loop3A_1592 = tpu.vector_load %arg10[%parallel_loop3A_1590, %parallel_loop3A_1591] {strides = array<i32>} : memref<128x128xf32, #tpu.memory_space<vmem>>, vector<16xf32>,
        %parallel_loop3A_1593 = arith.addf %parallel_loop3A_1592, %get3A_706 : vector<16xf32>
        %parallel_loop3A_1594 = arith.constant 3 : i32
        %parallel_loop3A_1595 = arith.index_cast %parallel_loop3A_1321 : i32 to index
        %parallel_loop3A_1596 = arith.index_cast %parallel_loop3A_1594 : i32 to index
        %parallel_loop3A_1597 = arith.constant 64 : index
        %parallel_loop3A_1598 = tpu.vector_load %arg12[%parallel_loop3A_1595, %parallel_loop3A_1596, %parallel_loop3A_1597] {strides = array<i32>} : memref<32x4x128xf32, #tpu.memory_space<vmem>>, vector<16xf32>,
        tpu.vector_store %arg12[%parallel_loop3A_1595, %parallel_loop3A_1596, %parallel_loop3A_1597], %parallel_loop3A_1593 {strides = array<i32>} : memref<32x4x128xf32, #tpu.memory_space<vmem>>, vector<16xf32>,
        %parallel_loop3A_1599 = arith.index_cast %parallel_loop3A_1553 : i32 to index
        %parallel_loop3A_1600 = arith.constant 80 : index
        %parallel_loop3A_1601 = tpu.vector_load %arg10[%parallel_loop3A_1599, %parallel_loop3A_1600] {strides = array<i32>} : memref<128x128xf32, #tpu.memory_space<vmem>>, vector<16xf32>,
        %parallel_loop3A_1602 = arith.addf %parallel_loop3A_1601, %get3A_713 : vector<16xf32>
        %parallel_loop3A_1603 = arith.constant 3 : i32
        %parallel_loop3A_1604 = arith.index_cast %parallel_loop3A_1321 : i32 to index
        %parallel_loop3A_1605 = arith.index_cast %parallel_loop3A_1603 : i32 to index
        %parallel_loop3A_1606 = arith.constant 80 : index
        %parallel_loop3A_1607 = tpu.vector_load %arg12[%parallel_loop3A_1604, %parallel_loop3A_1605, %parallel_loop3A_1606] {strides = array<i32>} : memref<32x4x128xf32, #tpu.memory_space<vmem>>, vector<16xf32>,
        tpu.vector_store %arg12[%parallel_loop3A_1604, %parallel_loop3A_1605, %parallel_loop3A_1606], %parallel_loop3A_1602 {strides = array<i32>} : memref<32x4x128xf32, #tpu.memory_space<vmem>>, vector<16xf32>,
        %parallel_loop3A_1608 = arith.index_cast %parallel_loop3A_1553 : i32 to index
        %parallel_loop3A_1609 = arith.constant 96 : index
        %parallel_loop3A_1610 = tpu.vector_load %arg10[%parallel_loop3A_1608, %parallel_loop3A_1609] {strides = array<i32>} : memref<128x128xf32, #tpu.memory_space<vmem>>, vector<16xf32>,
        %parallel_loop3A_1611 = arith.addf %parallel_loop3A_1610, %get3A_720 : vector<16xf32>
        %parallel_loop3A_1612 = arith.constant 3 : i32
        %parallel_loop3A_1613 = arith.index_cast %parallel_loop3A_1321 : i32 to index
        %parallel_loop3A_1614 = arith.index_cast %parallel_loop3A_1612 : i32 to index
        %parallel_loop3A_1615 = arith.constant 96 : index
        %parallel_loop3A_1616 = tpu.vector_load %arg12[%parallel_loop3A_1613, %parallel_loop3A_1614, %parallel_loop3A_1615] {strides = array<i32>} : memref<32x4x128xf32, #tpu.memory_space<vmem>>, vector<16xf32>,
        tpu.vector_store %arg12[%parallel_loop3A_1613, %parallel_loop3A_1614, %parallel_loop3A_1615], %parallel_loop3A_1611 {strides = array<i32>} : memref<32x4x128xf32, #tpu.memory_space<vmem>>, vector<16xf32>,
        %parallel_loop3A_1617 = arith.index_cast %parallel_loop3A_1553 : i32 to index
        %parallel_loop3A_1618 = arith.constant 112 : index
        %parallel_loop3A_1619 = tpu.vector_load %arg10[%parallel_loop3A_1617, %parallel_loop3A_1618] {strides = array<i32>} : memref<128x128xf32, #tpu.memory_space<vmem>>, vector<16xf32>,
        %parallel_loop3A_1620 = arith.addf %parallel_loop3A_1619, %get3A_727 : vector<16xf32>
        %parallel_loop3A_1621 = arith.constant 3 : i32
        %parallel_loop3A_1622 = arith.index_cast %parallel_loop3A_1321 : i32 to index
        %parallel_loop3A_1623 = arith.index_cast %parallel_loop3A_1621 : i32 to index
        %parallel_loop3A_1624 = arith.constant 112 : index
        %parallel_loop3A_1625 = tpu.vector_load %arg12[%parallel_loop3A_1622, %parallel_loop3A_1623, %parallel_loop3A_1624] {strides = array<i32>} : memref<32x4x128xf32, #tpu.memory_space<vmem>>, vector<16xf32>,
        tpu.vector_store %arg12[%parallel_loop3A_1622, %parallel_loop3A_1623, %parallel_loop3A_1624], %parallel_loop3A_1620 {strides = array<i32>} : memref<32x4x128xf32, #tpu.memory_space<vmem>>, vector<16xf32>,
      } {sc.loop_unroll_factor = 4 : i64, sc.parallel_access}
      %add3A_737 = arith.constant 32 : i32
      %add3A_738 = arith.addi %mul3A_2, %add3A_737 : i32
      %mul3A_739 = arith.constant 4 : i32
      %mul3A_740 = arith.muli %scan3A_96, %mul3A_739 : i32
      %dma_start3A_741 = arith.constant 0 : i32
      %dma_start3A_742 = tpu.memref_slice %arg5[%add3A_738, %mul3A_740, %dma_start3A_741] : memref<4096x200x128xf32, #tpu.memory_space<hbm>> -> memref<32x4x128xf32, #tpu.memory_space<hbm>>
      %dma_start3A_743 = arith.constant 0 : i32
      %dma_start3A_744 = tpu.memref_slice %arg5[%add3A_738, %mul3A_740, %dma_start3A_743] : memref<4096x200x128xf32, #tpu.memory_space<hbm>> -> memref<32x4x128xf32, #tpu.memory_space<hbm>>
      tpu.enqueue_dma source(%arg12 : memref<32x4x128xf32, #tpu.memory_space<vmem>>) target(%dma_start3A_744 : memref<32x4x128xf32, #tpu.memory_space<hbm>>) target_semaphore(%arg17 : memref<!tpu.dma_semaphore, #tpu.memory_space<semaphore_mem>>)
      %add3A_745 = arith.constant 96 : i32
      %add3A_746 = vector.broadcast %add3A_745 : i32 to vector<16xi32>
      %add3A_747 = arith.addi %shift_right_arithmetic3A_4, %add3A_746 : vector<16xi32>
      %mul3A_748 = arith.constant 4 : i32
      %mul3A_749 = arith.muli %scan3A_96, %mul3A_748 : i32
      %add3A_750 = vector.broadcast %mul3A_749 : i32 to vector<16xi32>
      %add3A_751 = arith.addi %and3A_6, %add3A_750 : vector<16xi32>
      %gather3A_752 = tpu.vector_load_idx %arg6[%add3A_747, %add3A_751] : memref<128x200xi32, #tpu.memory_space<vmem>>[vector<16xi32>, vector<16xi32>], vector<16xi32>,
      %swap3A_753 = arith.constant 0 : index
      %swap3A_754 = tpu.vector_load %arg8[%swap3A_753] {strides = array<i32>} : memref<128xi32, #tpu.memory_space<vmem>>, vector<16xi32>,
      tpu.vector_store %arg8[%swap3A_753], %gather3A_752 {strides = array<i32>} : memref<128xi32, #tpu.memory_space<vmem>>, vector<16xi32>,
      %add3A_755 = arith.constant 100 : i32
      %add3A_756 = vector.broadcast %add3A_755 : i32 to vector<16xi32>
      %add3A_757 = arith.addi %shift_right_arithmetic3A_4, %add3A_756 : vector<16xi32>
      %mul3A_758 = arith.constant 4 : i32
      %mul3A_759 = arith.muli %scan3A_96, %mul3A_758 : i32
      %add3A_760 = vector.broadcast %mul3A_759 : i32 to vector<16xi32>
      %add3A_761 = arith.addi %and3A_6, %add3A_760 : vector<16xi32>
      %gather3A_762 = tpu.vector_load_idx %arg6[%add3A_757, %add3A_761] : memref<128x200xi32, #tpu.memory_space<vmem>>[vector<16xi32>, vector<16xi32>], vector<16xi32>,
      %swap3A_763 = arith.constant 16 : index
      %swap3A_764 = tpu.vector_load %arg8[%swap3A_763] {strides = array<i32>} : memref<128xi32, #tpu.memory_space<vmem>>, vector<16xi32>,
      tpu.vector_store %arg8[%swap3A_763], %gather3A_762 {strides = array<i32>} : memref<128xi32, #tpu.memory_space<vmem>>, vector<16xi32>,
      %add3A_765 = arith.constant 104 : i32
      %add3A_766 = vector.broadcast %add3A_765 : i32 to vector<16xi32>
      %add3A_767 = arith.addi %shift_right_arithmetic3A_4, %add3A_766 : vector<16xi32>
      %mul3A_768 = arith.constant 4 : i32
      %mul3A_769 = arith.muli %scan3A_96, %mul3A_768 : i32
      %add3A_770 = vector.broadcast %mul3A_769 : i32 to vector<16xi32>
      %add3A_771 = arith.addi %and3A_6, %add3A_770 : vector<16xi32>
      %gather3A_772 = tpu.vector_load_idx %arg6[%add3A_767, %add3A_771] : memref<128x200xi32, #tpu.memory_space<vmem>>[vector<16xi32>, vector<16xi32>], vector<16xi32>,
      %swap3A_773 = arith.constant 32 : index
      %swap3A_774 = tpu.vector_load %arg8[%swap3A_773] {strides = array<i32>} : memref<128xi32, #tpu.memory_space<vmem>>, vector<16xi32>,
      tpu.vector_store %arg8[%swap3A_773], %gather3A_772 {strides = array<i32>} : memref<128xi32, #tpu.memory_space<vmem>>, vector<16xi32>,
      %add3A_775 = arith.constant 108 : i32
      %add3A_776 = vector.broadcast %add3A_775 : i32 to vector<16xi32>
      %add3A_777 = arith.addi %shift_right_arithmetic3A_4, %add3A_776 : vector<16xi32>
      %mul3A_778 = arith.constant 4 : i32
      %mul3A_779 = arith.muli %scan3A_96, %mul3A_778 : i32
      %add3A_780 = vector.broadcast %mul3A_779 : i32 to vector<16xi32>
      %add3A_781 = arith.addi %and3A_6, %add3A_780 : vector<16xi32>
      %gather3A_782 = tpu.vector_load_idx %arg6[%add3A_777, %add3A_781] : memref<128x200xi32, #tpu.memory_space<vmem>>[vector<16xi32>, vector<16xi32>], vector<16xi32>,
      %swap3A_783 = arith.constant 48 : index
      %swap3A_784 = tpu.vector_load %arg8[%swap3A_783] {strides = array<i32>} : memref<128xi32, #tpu.memory_space<vmem>>, vector<16xi32>,
      tpu.vector_store %arg8[%swap3A_783], %gather3A_782 {strides = array<i32>} : memref<128xi32, #tpu.memory_space<vmem>>, vector<16xi32>,
      %add3A_785 = arith.constant 112 : i32
      %add3A_786 = vector.broadcast %add3A_785 : i32 to vector<16xi32>
      %add3A_787 = arith.addi %shift_right_arithmetic3A_4, %add3A_786 : vector<16xi32>
      %mul3A_788 = arith.constant 4 : i32
      %mul3A_789 = arith.muli %scan3A_96, %mul3A_788 : i32
      %add3A_790 = vector.broadcast %mul3A_789 : i32 to vector<16xi32>
      %add3A_791 = arith.addi %and3A_6, %add3A_790 : vector<16xi32>
      %gather3A_792 = tpu.vector_load_idx %arg6[%add3A_787, %add3A_791] : memref<128x200xi32, #tpu.memory_space<vmem>>[vector<16xi32>, vector<16xi32>], vector<16xi32>,
      %swap3A_793 = arith.constant 64 : index
      %swap3A_794 = tpu.vector_load %arg8[%swap3A_793] {strides = array<i32>} : memref<128xi32, #tpu.memory_space<vmem>>, vector<16xi32>,
      tpu.vector_store %arg8[%swap3A_793], %gather3A_792 {strides = array<i32>} : memref<128xi32, #tpu.memory_space<vmem>>, vector<16xi32>,
      %add3A_795 = arith.constant 116 : i32
      %add3A_796 = vector.broadcast %add3A_795 : i32 to vector<16xi32>
      %add3A_797 = arith.addi %shift_right_arithmetic3A_4, %add3A_796 : vector<16xi32>
      %mul3A_798 = arith.constant 4 : i32
      %mul3A_799 = arith.muli %scan3A_96, %mul3A_798 : i32
      %add3A_800 = vector.broadcast %mul3A_799 : i32 to vector<16xi32>
      %add3A_801 = arith.addi %and3A_6, %add3A_800 : vector<16xi32>
      %gather3A_802 = tpu.vector_load_idx %arg6[%add3A_797, %add3A_801] : memref<128x200xi32, #tpu.memory_space<vmem>>[vector<16xi32>, vector<16xi32>], vector<16xi32>,
      %swap3A_803 = arith.constant 80 : index
      %swap3A_804 = tpu.vector_load %arg8[%swap3A_803] {strides = array<i32>} : memref<128xi32, #tpu.memory_space<vmem>>, vector<16xi32>,
      tpu.vector_store %arg8[%swap3A_803], %gather3A_802 {strides = array<i32>} : memref<128xi32, #tpu.memory_space<vmem>>, vector<16xi32>,
      %add3A_805 = arith.constant 120 : i32
      %add3A_806 = vector.broadcast %add3A_805 : i32 to vector<16xi32>
      %add3A_807 = arith.addi %shift_right_arithmetic3A_4, %add3A_806 : vector<16xi32>
      %mul3A_808 = arith.constant 4 : i32
      %mul3A_809 = arith.muli %scan3A_96, %mul3A_808 : i32
      %add3A_810 = vector.broadcast %mul3A_809 : i32 to vector<16xi32>
      %add3A_811 = arith.addi %and3A_6, %add3A_810 : vector<16xi32>
      %gather3A_812 = tpu.vector_load_idx %arg6[%add3A_807, %add3A_811] : memref<128x200xi32, #tpu.memory_space<vmem>>[vector<16xi32>, vector<16xi32>], vector<16xi32>,
      %swap3A_813 = arith.constant 96 : index
      %swap3A_814 = tpu.vector_load %arg8[%swap3A_813] {strides = array<i32>} : memref<128xi32, #tpu.memory_space<vmem>>, vector<16xi32>,
      tpu.vector_store %arg8[%swap3A_813], %gather3A_812 {strides = array<i32>} : memref<128xi32, #tpu.memory_space<vmem>>, vector<16xi32>,
      %add3A_815 = arith.constant 124 : i32
      %add3A_816 = vector.broadcast %add3A_815 : i32 to vector<16xi32>
      %add3A_817 = arith.addi %shift_right_arithmetic3A_4, %add3A_816 : vector<16xi32>
      %mul3A_818 = arith.constant 4 : i32
      %mul3A_819 = arith.muli %scan3A_96, %mul3A_818 : i32
      %add3A_820 = vector.broadcast %mul3A_819 : i32 to vector<16xi32>
      %add3A_821 = arith.addi %and3A_6, %add3A_820 : vector<16xi32>
      %gather3A_822 = tpu.vector_load_idx %arg6[%add3A_817, %add3A_821] : memref<128x200xi32, #tpu.memory_space<vmem>>[vector<16xi32>, vector<16xi32>], vector<16xi32>,
      %swap3A_823 = arith.constant 112 : index
      %swap3A_824 = tpu.vector_load %arg8[%swap3A_823] {strides = array<i32>} : memref<128xi32, #tpu.memory_space<vmem>>, vector<16xi32>,
      tpu.vector_store %arg8[%swap3A_823], %gather3A_822 {strides = array<i32>} : memref<128xi32, #tpu.memory_space<vmem>>, vector<16xi32>,
      %dma_start3A_825 = arith.constant 0 : i32
      %dma_start3A_826 = arith.constant 0 : i32
      %dma_start3A_827 = tpu.memref_slice %arg3[%dma_start3A_825, %dma_start3A_826] : memref<100000x128xf32, #tpu.memory_space<hbm>> -> memref<100000x128xf32, #tpu.memory_space<hbm>>
      tpu.enqueue_indirect_dma source(%dma_start3A_827 : memref<100000x128xf32, #tpu.memory_space<hbm>>) target(%arg10 : memref<128x128xf32, #tpu.memory_space<vmem>>) offsets(%arg8 : memref<128xi32, #tpu.memory_space<vmem>>) semaphore(%arg15 : memref<!tpu.dma_semaphore, #tpu.memory_space<semaphore_mem>>)
      %mul3A_828 = arith.constant 4 : i32
      %mul3A_829 = arith.muli %scan3A_96, %mul3A_828 : i32
      %add3A_830 = arith.constant 0 : i32
      %add3A_831 = arith.addi %mul3A_829, %add3A_830 : i32
      %get3A_832 = arith.index_cast %add3A_831 : i32 to index
      %get3A_833 = arith.constant 0 : index
      %get3A_834 = tpu.vector_load %arg13[%get3A_832, %get3A_833] {strides = array<i32>} : memref<200x128xf32, #tpu.memory_space<vmem>>, vector<16xf32>,
      %mul3A_835 = arith.constant 4 : i32
      %mul3A_836 = arith.muli %scan3A_96, %mul3A_835 : i32
      %add3A_837 = arith.constant 0 : i32
      %add3A_838 = arith.addi %mul3A_836, %add3A_837 : i32
      %get3A_839 = arith.index_cast %add3A_838 : i32 to index
      %get3A_840 = arith.constant 16 : index
      %get3A_841 = tpu.vector_load %arg13[%get3A_839, %get3A_840] {strides = array<i32>} : memref<200x128xf32, #tpu.memory_space<vmem>>, vector<16xf32>,
      %mul3A_842 = arith.constant 4 : i32
      %mul3A_843 = arith.muli %scan3A_96, %mul3A_842 : i32
      %add3A_844 = arith.constant 0 : i32
      %add3A_845 = arith.addi %mul3A_843, %add3A_844 : i32
      %get3A_846 = arith.index_cast %add3A_845 : i32 to index
      %get3A_847 = arith.constant 32 : index
      %get3A_848 = tpu.vector_load %arg13[%get3A_846, %get3A_847] {strides = array<i32>} : memref<200x128xf32, #tpu.memory_space<vmem>>, vector<16xf32>,
      %mul3A_849 = arith.constant 4 : i32
      %mul3A_850 = arith.muli %scan3A_96, %mul3A_849 : i32
      %add3A_851 = arith.constant 0 : i32
      %add3A_852 = arith.addi %mul3A_850, %add3A_851 : i32
      %get3A_853 = arith.index_cast %add3A_852 : i32 to index
      %get3A_854 = arith.constant 48 : index
      %get3A_855 = tpu.vector_load %arg13[%get3A_853, %get3A_854] {strides = array<i32>} : memref<200x128xf32, #tpu.memory_space<vmem>>, vector<16xf32>,
      %mul3A_856 = arith.constant 4 : i32
      %mul3A_857 = arith.muli %scan3A_96, %mul3A_856 : i32
      %add3A_858 = arith.constant 0 : i32
      %add3A_859 = arith.addi %mul3A_857, %add3A_858 : i32
      %get3A_860 = arith.index_cast %add3A_859 : i32 to index
      %get3A_861 = arith.constant 64 : index
      %get3A_862 = tpu.vector_load %arg13[%get3A_860, %get3A_861] {strides = array<i32>} : memref<200x128xf32, #tpu.memory_space<vmem>>, vector<16xf32>,
      %mul3A_863 = arith.constant 4 : i32
      %mul3A_864 = arith.muli %scan3A_96, %mul3A_863 : i32
      %add3A_865 = arith.constant 0 : i32
      %add3A_866 = arith.addi %mul3A_864, %add3A_865 : i32
      %get3A_867 = arith.index_cast %add3A_866 : i32 to index
      %get3A_868 = arith.constant 80 : index
      %get3A_869 = tpu.vector_load %arg13[%get3A_867, %get3A_868] {strides = array<i32>} : memref<200x128xf32, #tpu.memory_space<vmem>>, vector<16xf32>,
      %mul3A_870 = arith.constant 4 : i32
      %mul3A_871 = arith.muli %scan3A_96, %mul3A_870 : i32
      %add3A_872 = arith.constant 0 : i32
      %add3A_873 = arith.addi %mul3A_871, %add3A_872 : i32
      %get3A_874 = arith.index_cast %add3A_873 : i32 to index
      %get3A_875 = arith.constant 96 : index
      %get3A_876 = tpu.vector_load %arg13[%get3A_874, %get3A_875] {strides = array<i32>} : memref<200x128xf32, #tpu.memory_space<vmem>>, vector<16xf32>,
      %mul3A_877 = arith.constant 4 : i32
      %mul3A_878 = arith.muli %scan3A_96, %mul3A_877 : i32
      %add3A_879 = arith.constant 0 : i32
      %add3A_880 = arith.addi %mul3A_878, %add3A_879 : i32
      %get3A_881 = arith.index_cast %add3A_880 : i32 to index
      %get3A_882 = arith.constant 112 : index
      %get3A_883 = tpu.vector_load %arg13[%get3A_881, %get3A_882] {strides = array<i32>} : memref<200x128xf32, #tpu.memory_space<vmem>>, vector<16xf32>,
      %mul3A_884 = arith.constant 4 : i32
      %mul3A_885 = arith.muli %scan3A_96, %mul3A_884 : i32
      %add3A_886 = arith.constant 1 : i32
      %add3A_887 = arith.addi %mul3A_885, %add3A_886 : i32
      %get3A_888 = arith.index_cast %add3A_887 : i32 to index
      %get3A_889 = arith.constant 0 : index
      %get3A_890 = tpu.vector_load %arg13[%get3A_888, %get3A_889] {strides = array<i32>} : memref<200x128xf32, #tpu.memory_space<vmem>>, vector<16xf32>,
      %mul3A_891 = arith.constant 4 : i32
      %mul3A_892 = arith.muli %scan3A_96, %mul3A_891 : i32
      %add3A_893 = arith.constant 1 : i32
      %add3A_894 = arith.addi %mul3A_892, %add3A_893 : i32
      %get3A_895 = arith.index_cast %add3A_894 : i32 to index
      %get3A_896 = arith.constant 16 : index
      %get3A_897 = tpu.vector_load %arg13[%get3A_895, %get3A_896] {strides = array<i32>} : memref<200x128xf32, #tpu.memory_space<vmem>>, vector<16xf32>,
      %mul3A_898 = arith.constant 4 : i32
      %mul3A_899 = arith.muli %scan3A_96, %mul3A_898 : i32
      %add3A_900 = arith.constant 1 : i32
      %add3A_901 = arith.addi %mul3A_899, %add3A_900 : i32
      %get3A_902 = arith.index_cast %add3A_901 : i32 to index
      %get3A_903 = arith.constant 32 : index
      %get3A_904 = tpu.vector_load %arg13[%get3A_902, %get3A_903] {strides = array<i32>} : memref<200x128xf32, #tpu.memory_space<vmem>>, vector<16xf32>,
      %mul3A_905 = arith.constant 4 : i32
      %mul3A_906 = arith.muli %scan3A_96, %mul3A_905 : i32
      %add3A_907 = arith.constant 1 : i32
      %add3A_908 = arith.addi %mul3A_906, %add3A_907 : i32
      %get3A_909 = arith.index_cast %add3A_908 : i32 to index
      %get3A_910 = arith.constant 48 : index
      %get3A_911 = tpu.vector_load %arg13[%get3A_909, %get3A_910] {strides = array<i32>} : memref<200x128xf32, #tpu.memory_space<vmem>>, vector<16xf32>,
      %mul3A_912 = arith.constant 4 : i32
      %mul3A_913 = arith.muli %scan3A_96, %mul3A_912 : i32
      %add3A_914 = arith.constant 1 : i32
      %add3A_915 = arith.addi %mul3A_913, %add3A_914 : i32
      %get3A_916 = arith.index_cast %add3A_915 : i32 to index
      %get3A_917 = arith.constant 64 : index
      %get3A_918 = tpu.vector_load %arg13[%get3A_916, %get3A_917] {strides = array<i32>} : memref<200x128xf32, #tpu.memory_space<vmem>>, vector<16xf32>,
      %mul3A_919 = arith.constant 4 : i32
      %mul3A_920 = arith.muli %scan3A_96, %mul3A_919 : i32
      %add3A_921 = arith.constant 1 : i32
      %add3A_922 = arith.addi %mul3A_920, %add3A_921 : i32
      %get3A_923 = arith.index_cast %add3A_922 : i32 to index
      %get3A_924 = arith.constant 80 : index
      %get3A_925 = tpu.vector_load %arg13[%get3A_923, %get3A_924] {strides = array<i32>} : memref<200x128xf32, #tpu.memory_space<vmem>>, vector<16xf32>,
      %mul3A_926 = arith.constant 4 : i32
      %mul3A_927 = arith.muli %scan3A_96, %mul3A_926 : i32
      %add3A_928 = arith.constant 1 : i32
      %add3A_929 = arith.addi %mul3A_927, %add3A_928 : i32
      %get3A_930 = arith.index_cast %add3A_929 : i32 to index
      %get3A_931 = arith.constant 96 : index
      %get3A_932 = tpu.vector_load %arg13[%get3A_930, %get3A_931] {strides = array<i32>} : memref<200x128xf32, #tpu.memory_space<vmem>>, vector<16xf32>,
      %mul3A_933 = arith.constant 4 : i32
      %mul3A_934 = arith.muli %scan3A_96, %mul3A_933 : i32
      %add3A_935 = arith.constant 1 : i32
      %add3A_936 = arith.addi %mul3A_934, %add3A_935 : i32
      %get3A_937 = arith.index_cast %add3A_936 : i32 to index
      %get3A_938 = arith.constant 112 : index
      %get3A_939 = tpu.vector_load %arg13[%get3A_937, %get3A_938] {strides = array<i32>} : memref<200x128xf32, #tpu.memory_space<vmem>>, vector<16xf32>,
      %mul3A_940 = arith.constant 4 : i32
      %mul3A_941 = arith.muli %scan3A_96, %mul3A_940 : i32
      %add3A_942 = arith.constant 2 : i32
      %add3A_943 = arith.addi %mul3A_941, %add3A_942 : i32
      %get3A_944 = arith.index_cast %add3A_943 : i32 to index
      %get3A_945 = arith.constant 0 : index
      %get3A_946 = tpu.vector_load %arg13[%get3A_944, %get3A_945] {strides = array<i32>} : memref<200x128xf32, #tpu.memory_space<vmem>>, vector<16xf32>,
      %mul3A_947 = arith.constant 4 : i32
      %mul3A_948 = arith.muli %scan3A_96, %mul3A_947 : i32
      %add3A_949 = arith.constant 2 : i32
      %add3A_950 = arith.addi %mul3A_948, %add3A_949 : i32
      %get3A_951 = arith.index_cast %add3A_950 : i32 to index
      %get3A_952 = arith.constant 16 : index
      %get3A_953 = tpu.vector_load %arg13[%get3A_951, %get3A_952] {strides = array<i32>} : memref<200x128xf32, #tpu.memory_space<vmem>>, vector<16xf32>,
      %mul3A_954 = arith.constant 4 : i32
      %mul3A_955 = arith.muli %scan3A_96, %mul3A_954 : i32
      %add3A_956 = arith.constant 2 : i32
      %add3A_957 = arith.addi %mul3A_955, %add3A_956 : i32
      %get3A_958 = arith.index_cast %add3A_957 : i32 to index
      %get3A_959 = arith.constant 32 : index
      %get3A_960 = tpu.vector_load %arg13[%get3A_958, %get3A_959] {strides = array<i32>} : memref<200x128xf32, #tpu.memory_space<vmem>>, vector<16xf32>,
      %mul3A_961 = arith.constant 4 : i32
      %mul3A_962 = arith.muli %scan3A_96, %mul3A_961 : i32
      %add3A_963 = arith.constant 2 : i32
      %add3A_964 = arith.addi %mul3A_962, %add3A_963 : i32
      %get3A_965 = arith.index_cast %add3A_964 : i32 to index
      %get3A_966 = arith.constant 48 : index
      %get3A_967 = tpu.vector_load %arg13[%get3A_965, %get3A_966] {strides = array<i32>} : memref<200x128xf32, #tpu.memory_space<vmem>>, vector<16xf32>,
      %mul3A_968 = arith.constant 4 : i32
      %mul3A_969 = arith.muli %scan3A_96, %mul3A_968 : i32
      %add3A_970 = arith.constant 2 : i32
      %add3A_971 = arith.addi %mul3A_969, %add3A_970 : i32
      %get3A_972 = arith.index_cast %add3A_971 : i32 to index
      %get3A_973 = arith.constant 64 : index
      %get3A_974 = tpu.vector_load %arg13[%get3A_972, %get3A_973] {strides = array<i32>} : memref<200x128xf32, #tpu.memory_space<vmem>>, vector<16xf32>,
      %mul3A_975 = arith.constant 4 : i32
      %mul3A_976 = arith.muli %scan3A_96, %mul3A_975 : i32
      %add3A_977 = arith.constant 2 : i32
      %add3A_978 = arith.addi %mul3A_976, %add3A_977 : i32
      %get3A_979 = arith.index_cast %add3A_978 : i32 to index
      %get3A_980 = arith.constant 80 : index
      %get3A_981 = tpu.vector_load %arg13[%get3A_979, %get3A_980] {strides = array<i32>} : memref<200x128xf32, #tpu.memory_space<vmem>>, vector<16xf32>,
      %mul3A_982 = arith.constant 4 : i32
      %mul3A_983 = arith.muli %scan3A_96, %mul3A_982 : i32
      %add3A_984 = arith.constant 2 : i32
      %add3A_985 = arith.addi %mul3A_983, %add3A_984 : i32
      %get3A_986 = arith.index_cast %add3A_985 : i32 to index
      %get3A_987 = arith.constant 96 : index
      %get3A_988 = tpu.vector_load %arg13[%get3A_986, %get3A_987] {strides = array<i32>} : memref<200x128xf32, #tpu.memory_space<vmem>>, vector<16xf32>,
      %mul3A_989 = arith.constant 4 : i32
      %mul3A_990 = arith.muli %scan3A_96, %mul3A_989 : i32
      %add3A_991 = arith.constant 2 : i32
      %add3A_992 = arith.addi %mul3A_990, %add3A_991 : i32
      %get3A_993 = arith.index_cast %add3A_992 : i32 to index
      %get3A_994 = arith.constant 112 : index
      %get3A_995 = tpu.vector_load %arg13[%get3A_993, %get3A_994] {strides = array<i32>} : memref<200x128xf32, #tpu.memory_space<vmem>>, vector<16xf32>,
      %mul3A_996 = arith.constant 4 : i32
      %mul3A_997 = arith.muli %scan3A_96, %mul3A_996 : i32
      %add3A_998 = arith.constant 3 : i32
      %add3A_999 = arith.addi %mul3A_997, %add3A_998 : i32
      %get3A_1000 = arith.index_cast %add3A_999 : i32 to index
      %get3A_1001 = arith.constant 0 : index
      %get3A_1002 = tpu.vector_load %arg13[%get3A_1000, %get3A_1001] {strides = array<i32>} : memref<200x128xf32, #tpu.memory_space<vmem>>, vector<16xf32>,
      %mul3A_1003 = arith.constant 4 : i32
      %mul3A_1004 = arith.muli %scan3A_96, %mul3A_1003 : i32
      %add3A_1005 = arith.constant 3 : i32
      %add3A_1006 = arith.addi %mul3A_1004, %add3A_1005 : i32
      %get3A_1007 = arith.index_cast %add3A_1006 : i32 to index
      %get3A_1008 = arith.constant 16 : index
      %get3A_1009 = tpu.vector_load %arg13[%get3A_1007, %get3A_1008] {strides = array<i32>} : memref<200x128xf32, #tpu.memory_space<vmem>>, vector<16xf32>,
      %mul3A_1010 = arith.constant 4 : i32
      %mul3A_1011 = arith.muli %scan3A_96, %mul3A_1010 : i32
      %add3A_1012 = arith.constant 3 : i32
      %add3A_1013 = arith.addi %mul3A_1011, %add3A_1012 : i32
      %get3A_1014 = arith.index_cast %add3A_1013 : i32 to index
      %get3A_1015 = arith.constant 32 : index
      %get3A_1016 = tpu.vector_load %arg13[%get3A_1014, %get3A_1015] {strides = array<i32>} : memref<200x128xf32, #tpu.memory_space<vmem>>, vector<16xf32>,
      %mul3A_1017 = arith.constant 4 : i32
      %mul3A_1018 = arith.muli %scan3A_96, %mul3A_1017 : i32
      %add3A_1019 = arith.constant 3 : i32
      %add3A_1020 = arith.addi %mul3A_1018, %add3A_1019 : i32
      %get3A_1021 = arith.index_cast %add3A_1020 : i32 to index
      %get3A_1022 = arith.constant 48 : index
      %get3A_1023 = tpu.vector_load %arg13[%get3A_1021, %get3A_1022] {strides = array<i32>} : memref<200x128xf32, #tpu.memory_space<vmem>>, vector<16xf32>,
      %mul3A_1024 = arith.constant 4 : i32
      %mul3A_1025 = arith.muli %scan3A_96, %mul3A_1024 : i32
      %add3A_1026 = arith.constant 3 : i32
      %add3A_1027 = arith.addi %mul3A_1025, %add3A_1026 : i32
      %get3A_1028 = arith.index_cast %add3A_1027 : i32 to index
      %get3A_1029 = arith.constant 64 : index
      %get3A_1030 = tpu.vector_load %arg13[%get3A_1028, %get3A_1029] {strides = array<i32>} : memref<200x128xf32, #tpu.memory_space<vmem>>, vector<16xf32>,
      %mul3A_1031 = arith.constant 4 : i32
      %mul3A_1032 = arith.muli %scan3A_96, %mul3A_1031 : i32
      %add3A_1033 = arith.constant 3 : i32
      %add3A_1034 = arith.addi %mul3A_1032, %add3A_1033 : i32
      %get3A_1035 = arith.index_cast %add3A_1034 : i32 to index
      %get3A_1036 = arith.constant 80 : index
      %get3A_1037 = tpu.vector_load %arg13[%get3A_1035, %get3A_1036] {strides = array<i32>} : memref<200x128xf32, #tpu.memory_space<vmem>>, vector<16xf32>,
      %mul3A_1038 = arith.constant 4 : i32
      %mul3A_1039 = arith.muli %scan3A_96, %mul3A_1038 : i32
      %add3A_1040 = arith.constant 3 : i32
      %add3A_1041 = arith.addi %mul3A_1039, %add3A_1040 : i32
      %get3A_1042 = arith.index_cast %add3A_1041 : i32 to index
      %get3A_1043 = arith.constant 96 : index
      %get3A_1044 = tpu.vector_load %arg13[%get3A_1042, %get3A_1043] {strides = array<i32>} : memref<200x128xf32, #tpu.memory_space<vmem>>, vector<16xf32>,
      %mul3A_1045 = arith.constant 4 : i32
      %mul3A_1046 = arith.muli %scan3A_96, %mul3A_1045 : i32
      %add3A_1047 = arith.constant 3 : i32
      %add3A_1048 = arith.addi %mul3A_1046, %add3A_1047 : i32
      %get3A_1049 = arith.index_cast %add3A_1048 : i32 to index
      %get3A_1050 = arith.constant 112 : index
      %get3A_1051 = tpu.vector_load %arg13[%get3A_1049, %get3A_1050] {strides = array<i32>} : memref<200x128xf32, #tpu.memory_space<vmem>>, vector<16xf32>,
      %dma_wait3A_1052 = arith.constant 0 : i32
      %dma_wait3A_1053 = arith.constant 0 : i32
      %dma_wait3A_1054 = tpu.memref_slice %arg3[%dma_wait3A_1052, %dma_wait3A_1053] : memref<100000x128xf32, #tpu.memory_space<hbm>> -> memref<100000x128xf32, #tpu.memory_space<hbm>>
      tpu.wait_indirect_dma semaphore(%arg14 : memref<!tpu.dma_semaphore, #tpu.memory_space<semaphore_mem>>) src(%dma_wait3A_1054 : memref<100000x128xf32, #tpu.memory_space<hbm>>) dst(%arg9 : memref<128x128xf32, #tpu.memory_space<vmem>>)
      %dma_wait3A_1055 = arith.constant 0 : i32
      %dma_wait3A_1056 = arith.constant 0 : i32
      %dma_wait3A_1057 = tpu.memref_slice %arg5[%mul3A_2, %dma_wait3A_1055, %dma_wait3A_1056] : memref<4096x200x128xf32, #tpu.memory_space<hbm>> -> memref<32x4x128xf32, #tpu.memory_space<hbm>>
      %dma_wait3A_1058 = arith.constant 0 : i32
      %dma_wait3A_1059 = arith.constant 0 : i32
      %dma_wait3A_1060 = tpu.memref_slice %arg5[%mul3A_2, %dma_wait3A_1058, %dma_wait3A_1059] : memref<4096x200x128xf32, #tpu.memory_space<hbm>> -> memref<32x4x128xf32, #tpu.memory_space<hbm>>
      tpu.wait_dma2 semaphore(%arg16 : memref<!tpu.dma_semaphore, #tpu.memory_space<semaphore_mem>>) src(%arg11 : memref<32x4x128xf32, #tpu.memory_space<vmem>>) dst(%dma_wait3A_1060 : memref<32x4x128xf32, #tpu.memory_space<hbm>>)
      %parallel_loop3A_1061 = arith.constant 0 : i32
      %parallel_loop3A_1062 = arith.constant 32 : i32
      %parallel_loop3A_1063 = arith.constant 1 : i32
      scf.for %parallel_loop3A_1321 = %parallel_loop3A_1061 to %parallel_loop3A_1062 step %parallel_loop3A_1063  : i32 {
        %parallel_loop3A_1322 = arith.constant 4 : i32
        %parallel_loop3A_1323 = arith.muli %parallel_loop3A_1322, %parallel_loop3A_1321 : i32
        %parallel_loop3A_1324 = arith.constant 0 : i32
        %parallel_loop3A_1325 = arith.addi %parallel_loop3A_1323, %parallel_loop3A_1324 : i32
        %parallel_loop3A_1326 = arith.index_cast %parallel_loop3A_1325 : i32 to index
        %parallel_loop3A_1327 = arith.constant 0 : index
        %parallel_loop3A_1328 = tpu.vector_load %arg9[%parallel_loop3A_1326, %parallel_loop3A_1327] {strides = array<i32>} : memref<128x128xf32, #tpu.memory_space<vmem>>, vector<16xf32>,
        %parallel_loop3A_1329 = arith.addf %parallel_loop3A_1328, %get3A_834 : vector<16xf32>
        %parallel_loop3A_1330 = arith.constant 0 : i32
        %parallel_loop3A_1331 = arith.index_cast %parallel_loop3A_1321 : i32 to index
        %parallel_loop3A_1332 = arith.index_cast %parallel_loop3A_1330 : i32 to index
        %parallel_loop3A_1333 = arith.constant 0 : index
        %parallel_loop3A_1334 = tpu.vector_load %arg11[%parallel_loop3A_1331, %parallel_loop3A_1332, %parallel_loop3A_1333] {strides = array<i32>} : memref<32x4x128xf32, #tpu.memory_space<vmem>>, vector<16xf32>,
        tpu.vector_store %arg11[%parallel_loop3A_1331, %parallel_loop3A_1332, %parallel_loop3A_1333], %parallel_loop3A_1329 {strides = array<i32>} : memref<32x4x128xf32, #tpu.memory_space<vmem>>, vector<16xf32>,
        %parallel_loop3A_1335 = arith.index_cast %parallel_loop3A_1325 : i32 to index
        %parallel_loop3A_1336 = arith.constant 16 : index
        %parallel_loop3A_1337 = tpu.vector_load %arg9[%parallel_loop3A_1335, %parallel_loop3A_1336] {strides = array<i32>} : memref<128x128xf32, #tpu.memory_space<vmem>>, vector<16xf32>,
        %parallel_loop3A_1338 = arith.addf %parallel_loop3A_1337, %get3A_841 : vector<16xf32>
        %parallel_loop3A_1339 = arith.constant 0 : i32
        %parallel_loop3A_1340 = arith.index_cast %parallel_loop3A_1321 : i32 to index
        %parallel_loop3A_1341 = arith.index_cast %parallel_loop3A_1339 : i32 to index
        %parallel_loop3A_1342 = arith.constant 16 : index
        %parallel_loop3A_1343 = tpu.vector_load %arg11[%parallel_loop3A_1340, %parallel_loop3A_1341, %parallel_loop3A_1342] {strides = array<i32>} : memref<32x4x128xf32, #tpu.memory_space<vmem>>, vector<16xf32>,
        tpu.vector_store %arg11[%parallel_loop3A_1340, %parallel_loop3A_1341, %parallel_loop3A_1342], %parallel_loop3A_1338 {strides = array<i32>} : memref<32x4x128xf32, #tpu.memory_space<vmem>>, vector<16xf32>,
        %parallel_loop3A_1344 = arith.index_cast %parallel_loop3A_1325 : i32 to index
        %parallel_loop3A_1345 = arith.constant 32 : index
        %parallel_loop3A_1346 = tpu.vector_load %arg9[%parallel_loop3A_1344, %parallel_loop3A_1345] {strides = array<i32>} : memref<128x128xf32, #tpu.memory_space<vmem>>, vector<16xf32>,
        %parallel_loop3A_1347 = arith.addf %parallel_loop3A_1346, %get3A_848 : vector<16xf32>
        %parallel_loop3A_1348 = arith.constant 0 : i32
        %parallel_loop3A_1349 = arith.index_cast %parallel_loop3A_1321 : i32 to index
        %parallel_loop3A_1350 = arith.index_cast %parallel_loop3A_1348 : i32 to index
        %parallel_loop3A_1351 = arith.constant 32 : index
        %parallel_loop3A_1352 = tpu.vector_load %arg11[%parallel_loop3A_1349, %parallel_loop3A_1350, %parallel_loop3A_1351] {strides = array<i32>} : memref<32x4x128xf32, #tpu.memory_space<vmem>>, vector<16xf32>,
        tpu.vector_store %arg11[%parallel_loop3A_1349, %parallel_loop3A_1350, %parallel_loop3A_1351], %parallel_loop3A_1347 {strides = array<i32>} : memref<32x4x128xf32, #tpu.memory_space<vmem>>, vector<16xf32>,
        %parallel_loop3A_1353 = arith.index_cast %parallel_loop3A_1325 : i32 to index
        %parallel_loop3A_1354 = arith.constant 48 : index
        %parallel_loop3A_1355 = tpu.vector_load %arg9[%parallel_loop3A_1353, %parallel_loop3A_1354] {strides = array<i32>} : memref<128x128xf32, #tpu.memory_space<vmem>>, vector<16xf32>,
        %parallel_loop3A_1356 = arith.addf %parallel_loop3A_1355, %get3A_855 : vector<16xf32>
        %parallel_loop3A_1357 = arith.constant 0 : i32
        %parallel_loop3A_1358 = arith.index_cast %parallel_loop3A_1321 : i32 to index
        %parallel_loop3A_1359 = arith.index_cast %parallel_loop3A_1357 : i32 to index
        %parallel_loop3A_1360 = arith.constant 48 : index
        %parallel_loop3A_1361 = tpu.vector_load %arg11[%parallel_loop3A_1358, %parallel_loop3A_1359, %parallel_loop3A_1360] {strides = array<i32>} : memref<32x4x128xf32, #tpu.memory_space<vmem>>, vector<16xf32>,
        tpu.vector_store %arg11[%parallel_loop3A_1358, %parallel_loop3A_1359, %parallel_loop3A_1360], %parallel_loop3A_1356 {strides = array<i32>} : memref<32x4x128xf32, #tpu.memory_space<vmem>>, vector<16xf32>,
        %parallel_loop3A_1362 = arith.index_cast %parallel_loop3A_1325 : i32 to index
        %parallel_loop3A_1363 = arith.constant 64 : index
        %parallel_loop3A_1364 = tpu.vector_load %arg9[%parallel_loop3A_1362, %parallel_loop3A_1363] {strides = array<i32>} : memref<128x128xf32, #tpu.memory_space<vmem>>, vector<16xf32>,
        %parallel_loop3A_1365 = arith.addf %parallel_loop3A_1364, %get3A_862 : vector<16xf32>
        %parallel_loop3A_1366 = arith.constant 0 : i32
        %parallel_loop3A_1367 = arith.index_cast %parallel_loop3A_1321 : i32 to index
        %parallel_loop3A_1368 = arith.index_cast %parallel_loop3A_1366 : i32 to index
        %parallel_loop3A_1369 = arith.constant 64 : index
        %parallel_loop3A_1370 = tpu.vector_load %arg11[%parallel_loop3A_1367, %parallel_loop3A_1368, %parallel_loop3A_1369] {strides = array<i32>} : memref<32x4x128xf32, #tpu.memory_space<vmem>>, vector<16xf32>,
        tpu.vector_store %arg11[%parallel_loop3A_1367, %parallel_loop3A_1368, %parallel_loop3A_1369], %parallel_loop3A_1365 {strides = array<i32>} : memref<32x4x128xf32, #tpu.memory_space<vmem>>, vector<16xf32>,
        %parallel_loop3A_1371 = arith.index_cast %parallel_loop3A_1325 : i32 to index
        %parallel_loop3A_1372 = arith.constant 80 : index
        %parallel_loop3A_1373 = tpu.vector_load %arg9[%parallel_loop3A_1371, %parallel_loop3A_1372] {strides = array<i32>} : memref<128x128xf32, #tpu.memory_space<vmem>>, vector<16xf32>,
        %parallel_loop3A_1374 = arith.addf %parallel_loop3A_1373, %get3A_869 : vector<16xf32>
        %parallel_loop3A_1375 = arith.constant 0 : i32
        %parallel_loop3A_1376 = arith.index_cast %parallel_loop3A_1321 : i32 to index
        %parallel_loop3A_1377 = arith.index_cast %parallel_loop3A_1375 : i32 to index
        %parallel_loop3A_1378 = arith.constant 80 : index
        %parallel_loop3A_1379 = tpu.vector_load %arg11[%parallel_loop3A_1376, %parallel_loop3A_1377, %parallel_loop3A_1378] {strides = array<i32>} : memref<32x4x128xf32, #tpu.memory_space<vmem>>, vector<16xf32>,
        tpu.vector_store %arg11[%parallel_loop3A_1376, %parallel_loop3A_1377, %parallel_loop3A_1378], %parallel_loop3A_1374 {strides = array<i32>} : memref<32x4x128xf32, #tpu.memory_space<vmem>>, vector<16xf32>,
        %parallel_loop3A_1380 = arith.index_cast %parallel_loop3A_1325 : i32 to index
        %parallel_loop3A_1381 = arith.constant 96 : index
        %parallel_loop3A_1382 = tpu.vector_load %arg9[%parallel_loop3A_1380, %parallel_loop3A_1381] {strides = array<i32>} : memref<128x128xf32, #tpu.memory_space<vmem>>, vector<16xf32>,
        %parallel_loop3A_1383 = arith.addf %parallel_loop3A_1382, %get3A_876 : vector<16xf32>
        %parallel_loop3A_1384 = arith.constant 0 : i32
        %parallel_loop3A_1385 = arith.index_cast %parallel_loop3A_1321 : i32 to index
        %parallel_loop3A_1386 = arith.index_cast %parallel_loop3A_1384 : i32 to index
        %parallel_loop3A_1387 = arith.constant 96 : index
        %parallel_loop3A_1388 = tpu.vector_load %arg11[%parallel_loop3A_1385, %parallel_loop3A_1386, %parallel_loop3A_1387] {strides = array<i32>} : memref<32x4x128xf32, #tpu.memory_space<vmem>>, vector<16xf32>,
        tpu.vector_store %arg11[%parallel_loop3A_1385, %parallel_loop3A_1386, %parallel_loop3A_1387], %parallel_loop3A_1383 {strides = array<i32>} : memref<32x4x128xf32, #tpu.memory_space<vmem>>, vector<16xf32>,
        %parallel_loop3A_1389 = arith.index_cast %parallel_loop3A_1325 : i32 to index
        %parallel_loop3A_1390 = arith.constant 112 : index
        %parallel_loop3A_1391 = tpu.vector_load %arg9[%parallel_loop3A_1389, %parallel_loop3A_1390] {strides = array<i32>} : memref<128x128xf32, #tpu.memory_space<vmem>>, vector<16xf32>,
        %parallel_loop3A_1392 = arith.addf %parallel_loop3A_1391, %get3A_883 : vector<16xf32>
        %parallel_loop3A_1393 = arith.constant 0 : i32
        %parallel_loop3A_1394 = arith.index_cast %parallel_loop3A_1321 : i32 to index
        %parallel_loop3A_1395 = arith.index_cast %parallel_loop3A_1393 : i32 to index
        %parallel_loop3A_1396 = arith.constant 112 : index
        %parallel_loop3A_1397 = tpu.vector_load %arg11[%parallel_loop3A_1394, %parallel_loop3A_1395, %parallel_loop3A_1396] {strides = array<i32>} : memref<32x4x128xf32, #tpu.memory_space<vmem>>, vector<16xf32>,
        tpu.vector_store %arg11[%parallel_loop3A_1394, %parallel_loop3A_1395, %parallel_loop3A_1396], %parallel_loop3A_1392 {strides = array<i32>} : memref<32x4x128xf32, #tpu.memory_space<vmem>>, vector<16xf32>,
        %parallel_loop3A_1398 = arith.constant 4 : i32
        %parallel_loop3A_1399 = arith.muli %parallel_loop3A_1398, %parallel_loop3A_1321 : i32
        %parallel_loop3A_1400 = arith.constant 1 : i32
        %parallel_loop3A_1401 = arith.addi %parallel_loop3A_1399, %parallel_loop3A_1400 : i32
        %parallel_loop3A_1402 = arith.index_cast %parallel_loop3A_1401 : i32 to index
        %parallel_loop3A_1403 = arith.constant 0 : index
        %parallel_loop3A_1404 = tpu.vector_load %arg9[%parallel_loop3A_1402, %parallel_loop3A_1403] {strides = array<i32>} : memref<128x128xf32, #tpu.memory_space<vmem>>, vector<16xf32>,
        %parallel_loop3A_1405 = arith.addf %parallel_loop3A_1404, %get3A_890 : vector<16xf32>
        %parallel_loop3A_1406 = arith.constant 1 : i32
        %parallel_loop3A_1407 = arith.index_cast %parallel_loop3A_1321 : i32 to index
        %parallel_loop3A_1408 = arith.index_cast %parallel_loop3A_1406 : i32 to index
        %parallel_loop3A_1409 = arith.constant 0 : index
        %parallel_loop3A_1410 = tpu.vector_load %arg11[%parallel_loop3A_1407, %parallel_loop3A_1408, %parallel_loop3A_1409] {strides = array<i32>} : memref<32x4x128xf32, #tpu.memory_space<vmem>>, vector<16xf32>,
        tpu.vector_store %arg11[%parallel_loop3A_1407, %parallel_loop3A_1408, %parallel_loop3A_1409], %parallel_loop3A_1405 {strides = array<i32>} : memref<32x4x128xf32, #tpu.memory_space<vmem>>, vector<16xf32>,
        %parallel_loop3A_1411 = arith.index_cast %parallel_loop3A_1401 : i32 to index
        %parallel_loop3A_1412 = arith.constant 16 : index
        %parallel_loop3A_1413 = tpu.vector_load %arg9[%parallel_loop3A_1411, %parallel_loop3A_1412] {strides = array<i32>} : memref<128x128xf32, #tpu.memory_space<vmem>>, vector<16xf32>,
        %parallel_loop3A_1414 = arith.addf %parallel_loop3A_1413, %get3A_897 : vector<16xf32>
        %parallel_loop3A_1415 = arith.constant 1 : i32
        %parallel_loop3A_1416 = arith.index_cast %parallel_loop3A_1321 : i32 to index
        %parallel_loop3A_1417 = arith.index_cast %parallel_loop3A_1415 : i32 to index
        %parallel_loop3A_1418 = arith.constant 16 : index
        %parallel_loop3A_1419 = tpu.vector_load %arg11[%parallel_loop3A_1416, %parallel_loop3A_1417, %parallel_loop3A_1418] {strides = array<i32>} : memref<32x4x128xf32, #tpu.memory_space<vmem>>, vector<16xf32>,
        tpu.vector_store %arg11[%parallel_loop3A_1416, %parallel_loop3A_1417, %parallel_loop3A_1418], %parallel_loop3A_1414 {strides = array<i32>} : memref<32x4x128xf32, #tpu.memory_space<vmem>>, vector<16xf32>,
        %parallel_loop3A_1420 = arith.index_cast %parallel_loop3A_1401 : i32 to index
        %parallel_loop3A_1421 = arith.constant 32 : index
        %parallel_loop3A_1422 = tpu.vector_load %arg9[%parallel_loop3A_1420, %parallel_loop3A_1421] {strides = array<i32>} : memref<128x128xf32, #tpu.memory_space<vmem>>, vector<16xf32>,
        %parallel_loop3A_1423 = arith.addf %parallel_loop3A_1422, %get3A_904 : vector<16xf32>
        %parallel_loop3A_1424 = arith.constant 1 : i32
        %parallel_loop3A_1425 = arith.index_cast %parallel_loop3A_1321 : i32 to index
        %parallel_loop3A_1426 = arith.index_cast %parallel_loop3A_1424 : i32 to index
        %parallel_loop3A_1427 = arith.constant 32 : index
        %parallel_loop3A_1428 = tpu.vector_load %arg11[%parallel_loop3A_1425, %parallel_loop3A_1426, %parallel_loop3A_1427] {strides = array<i32>} : memref<32x4x128xf32, #tpu.memory_space<vmem>>, vector<16xf32>,
        tpu.vector_store %arg11[%parallel_loop3A_1425, %parallel_loop3A_1426, %parallel_loop3A_1427], %parallel_loop3A_1423 {strides = array<i32>} : memref<32x4x128xf32, #tpu.memory_space<vmem>>, vector<16xf32>,
        %parallel_loop3A_1429 = arith.index_cast %parallel_loop3A_1401 : i32 to index
        %parallel_loop3A_1430 = arith.constant 48 : index
        %parallel_loop3A_1431 = tpu.vector_load %arg9[%parallel_loop3A_1429, %parallel_loop3A_1430] {strides = array<i32>} : memref<128x128xf32, #tpu.memory_space<vmem>>, vector<16xf32>,
        %parallel_loop3A_1432 = arith.addf %parallel_loop3A_1431, %get3A_911 : vector<16xf32>
        %parallel_loop3A_1433 = arith.constant 1 : i32
        %parallel_loop3A_1434 = arith.index_cast %parallel_loop3A_1321 : i32 to index
        %parallel_loop3A_1435 = arith.index_cast %parallel_loop3A_1433 : i32 to index
        %parallel_loop3A_1436 = arith.constant 48 : index
        %parallel_loop3A_1437 = tpu.vector_load %arg11[%parallel_loop3A_1434, %parallel_loop3A_1435, %parallel_loop3A_1436] {strides = array<i32>} : memref<32x4x128xf32, #tpu.memory_space<vmem>>, vector<16xf32>,
        tpu.vector_store %arg11[%parallel_loop3A_1434, %parallel_loop3A_1435, %parallel_loop3A_1436], %parallel_loop3A_1432 {strides = array<i32>} : memref<32x4x128xf32, #tpu.memory_space<vmem>>, vector<16xf32>,
        %parallel_loop3A_1438 = arith.index_cast %parallel_loop3A_1401 : i32 to index
        %parallel_loop3A_1439 = arith.constant 64 : index
        %parallel_loop3A_1440 = tpu.vector_load %arg9[%parallel_loop3A_1438, %parallel_loop3A_1439] {strides = array<i32>} : memref<128x128xf32, #tpu.memory_space<vmem>>, vector<16xf32>,
        %parallel_loop3A_1441 = arith.addf %parallel_loop3A_1440, %get3A_918 : vector<16xf32>
        %parallel_loop3A_1442 = arith.constant 1 : i32
        %parallel_loop3A_1443 = arith.index_cast %parallel_loop3A_1321 : i32 to index
        %parallel_loop3A_1444 = arith.index_cast %parallel_loop3A_1442 : i32 to index
        %parallel_loop3A_1445 = arith.constant 64 : index
        %parallel_loop3A_1446 = tpu.vector_load %arg11[%parallel_loop3A_1443, %parallel_loop3A_1444, %parallel_loop3A_1445] {strides = array<i32>} : memref<32x4x128xf32, #tpu.memory_space<vmem>>, vector<16xf32>,
        tpu.vector_store %arg11[%parallel_loop3A_1443, %parallel_loop3A_1444, %parallel_loop3A_1445], %parallel_loop3A_1441 {strides = array<i32>} : memref<32x4x128xf32, #tpu.memory_space<vmem>>, vector<16xf32>,
        %parallel_loop3A_1447 = arith.index_cast %parallel_loop3A_1401 : i32 to index
        %parallel_loop3A_1448 = arith.constant 80 : index
        %parallel_loop3A_1449 = tpu.vector_load %arg9[%parallel_loop3A_1447, %parallel_loop3A_1448] {strides = array<i32>} : memref<128x128xf32, #tpu.memory_space<vmem>>, vector<16xf32>,
        %parallel_loop3A_1450 = arith.addf %parallel_loop3A_1449, %get3A_925 : vector<16xf32>
        %parallel_loop3A_1451 = arith.constant 1 : i32
        %parallel_loop3A_1452 = arith.index_cast %parallel_loop3A_1321 : i32 to index
        %parallel_loop3A_1453 = arith.index_cast %parallel_loop3A_1451 : i32 to index
        %parallel_loop3A_1454 = arith.constant 80 : index
        %parallel_loop3A_1455 = tpu.vector_load %arg11[%parallel_loop3A_1452, %parallel_loop3A_1453, %parallel_loop3A_1454] {strides = array<i32>} : memref<32x4x128xf32, #tpu.memory_space<vmem>>, vector<16xf32>,
        tpu.vector_store %arg11[%parallel_loop3A_1452, %parallel_loop3A_1453, %parallel_loop3A_1454], %parallel_loop3A_1450 {strides = array<i32>} : memref<32x4x128xf32, #tpu.memory_space<vmem>>, vector<16xf32>,
        %parallel_loop3A_1456 = arith.index_cast %parallel_loop3A_1401 : i32 to index
        %parallel_loop3A_1457 = arith.constant 96 : index
        %parallel_loop3A_1458 = tpu.vector_load %arg9[%parallel_loop3A_1456, %parallel_loop3A_1457] {strides = array<i32>} : memref<128x128xf32, #tpu.memory_space<vmem>>, vector<16xf32>,
        %parallel_loop3A_1459 = arith.addf %parallel_loop3A_1458, %get3A_932 : vector<16xf32>
        %parallel_loop3A_1460 = arith.constant 1 : i32
        %parallel_loop3A_1461 = arith.index_cast %parallel_loop3A_1321 : i32 to index
        %parallel_loop3A_1462 = arith.index_cast %parallel_loop3A_1460 : i32 to index
        %parallel_loop3A_1463 = arith.constant 96 : index
        %parallel_loop3A_1464 = tpu.vector_load %arg11[%parallel_loop3A_1461, %parallel_loop3A_1462, %parallel_loop3A_1463] {strides = array<i32>} : memref<32x4x128xf32, #tpu.memory_space<vmem>>, vector<16xf32>,
        tpu.vector_store %arg11[%parallel_loop3A_1461, %parallel_loop3A_1462, %parallel_loop3A_1463], %parallel_loop3A_1459 {strides = array<i32>} : memref<32x4x128xf32, #tpu.memory_space<vmem>>, vector<16xf32>,
        %parallel_loop3A_1465 = arith.index_cast %parallel_loop3A_1401 : i32 to index
        %parallel_loop3A_1466 = arith.constant 112 : index
        %parallel_loop3A_1467 = tpu.vector_load %arg9[%parallel_loop3A_1465, %parallel_loop3A_1466] {strides = array<i32>} : memref<128x128xf32, #tpu.memory_space<vmem>>, vector<16xf32>,
        %parallel_loop3A_1468 = arith.addf %parallel_loop3A_1467, %get3A_939 : vector<16xf32>
        %parallel_loop3A_1469 = arith.constant 1 : i32
        %parallel_loop3A_1470 = arith.index_cast %parallel_loop3A_1321 : i32 to index
        %parallel_loop3A_1471 = arith.index_cast %parallel_loop3A_1469 : i32 to index
        %parallel_loop3A_1472 = arith.constant 112 : index
        %parallel_loop3A_1473 = tpu.vector_load %arg11[%parallel_loop3A_1470, %parallel_loop3A_1471, %parallel_loop3A_1472] {strides = array<i32>} : memref<32x4x128xf32, #tpu.memory_space<vmem>>, vector<16xf32>,
        tpu.vector_store %arg11[%parallel_loop3A_1470, %parallel_loop3A_1471, %parallel_loop3A_1472], %parallel_loop3A_1468 {strides = array<i32>} : memref<32x4x128xf32, #tpu.memory_space<vmem>>, vector<16xf32>,
        %parallel_loop3A_1474 = arith.constant 4 : i32
        %parallel_loop3A_1475 = arith.muli %parallel_loop3A_1474, %parallel_loop3A_1321 : i32
        %parallel_loop3A_1476 = arith.constant 2 : i32
        %parallel_loop3A_1477 = arith.addi %parallel_loop3A_1475, %parallel_loop3A_1476 : i32
        %parallel_loop3A_1478 = arith.index_cast %parallel_loop3A_1477 : i32 to index
        %parallel_loop3A_1479 = arith.constant 0 : index
        %parallel_loop3A_1480 = tpu.vector_load %arg9[%parallel_loop3A_1478, %parallel_loop3A_1479] {strides = array<i32>} : memref<128x128xf32, #tpu.memory_space<vmem>>, vector<16xf32>,
        %parallel_loop3A_1481 = arith.addf %parallel_loop3A_1480, %get3A_946 : vector<16xf32>
        %parallel_loop3A_1482 = arith.constant 2 : i32
        %parallel_loop3A_1483 = arith.index_cast %parallel_loop3A_1321 : i32 to index
        %parallel_loop3A_1484 = arith.index_cast %parallel_loop3A_1482 : i32 to index
        %parallel_loop3A_1485 = arith.constant 0 : index
        %parallel_loop3A_1486 = tpu.vector_load %arg11[%parallel_loop3A_1483, %parallel_loop3A_1484, %parallel_loop3A_1485] {strides = array<i32>} : memref<32x4x128xf32, #tpu.memory_space<vmem>>, vector<16xf32>,
        tpu.vector_store %arg11[%parallel_loop3A_1483, %parallel_loop3A_1484, %parallel_loop3A_1485], %parallel_loop3A_1481 {strides = array<i32>} : memref<32x4x128xf32, #tpu.memory_space<vmem>>, vector<16xf32>,
        %parallel_loop3A_1487 = arith.index_cast %parallel_loop3A_1477 : i32 to index
        %parallel_loop3A_1488 = arith.constant 16 : index
        %parallel_loop3A_1489 = tpu.vector_load %arg9[%parallel_loop3A_1487, %parallel_loop3A_1488] {strides = array<i32>} : memref<128x128xf32, #tpu.memory_space<vmem>>, vector<16xf32>,
        %parallel_loop3A_1490 = arith.addf %parallel_loop3A_1489, %get3A_953 : vector<16xf32>
        %parallel_loop3A_1491 = arith.constant 2 : i32
        %parallel_loop3A_1492 = arith.index_cast %parallel_loop3A_1321 : i32 to index
        %parallel_loop3A_1493 = arith.index_cast %parallel_loop3A_1491 : i32 to index
        %parallel_loop3A_1494 = arith.constant 16 : index
        %parallel_loop3A_1495 = tpu.vector_load %arg11[%parallel_loop3A_1492, %parallel_loop3A_1493, %parallel_loop3A_1494] {strides = array<i32>} : memref<32x4x128xf32, #tpu.memory_space<vmem>>, vector<16xf32>,
        tpu.vector_store %arg11[%parallel_loop3A_1492, %parallel_loop3A_1493, %parallel_loop3A_1494], %parallel_loop3A_1490 {strides = array<i32>} : memref<32x4x128xf32, #tpu.memory_space<vmem>>, vector<16xf32>,
        %parallel_loop3A_1496 = arith.index_cast %parallel_loop3A_1477 : i32 to index
        %parallel_loop3A_1497 = arith.constant 32 : index
        %parallel_loop3A_1498 = tpu.vector_load %arg9[%parallel_loop3A_1496, %parallel_loop3A_1497] {strides = array<i32>} : memref<128x128xf32, #tpu.memory_space<vmem>>, vector<16xf32>,
        %parallel_loop3A_1499 = arith.addf %parallel_loop3A_1498, %get3A_960 : vector<16xf32>
        %parallel_loop3A_1500 = arith.constant 2 : i32
        %parallel_loop3A_1501 = arith.index_cast %parallel_loop3A_1321 : i32 to index
        %parallel_loop3A_1502 = arith.index_cast %parallel_loop3A_1500 : i32 to index
        %parallel_loop3A_1503 = arith.constant 32 : index
        %parallel_loop3A_1504 = tpu.vector_load %arg11[%parallel_loop3A_1501, %parallel_loop3A_1502, %parallel_loop3A_1503] {strides = array<i32>} : memref<32x4x128xf32, #tpu.memory_space<vmem>>, vector<16xf32>,
        tpu.vector_store %arg11[%parallel_loop3A_1501, %parallel_loop3A_1502, %parallel_loop3A_1503], %parallel_loop3A_1499 {strides = array<i32>} : memref<32x4x128xf32, #tpu.memory_space<vmem>>, vector<16xf32>,
        %parallel_loop3A_1505 = arith.index_cast %parallel_loop3A_1477 : i32 to index
        %parallel_loop3A_1506 = arith.constant 48 : index
        %parallel_loop3A_1507 = tpu.vector_load %arg9[%parallel_loop3A_1505, %parallel_loop3A_1506] {strides = array<i32>} : memref<128x128xf32, #tpu.memory_space<vmem>>, vector<16xf32>,
        %parallel_loop3A_1508 = arith.addf %parallel_loop3A_1507, %get3A_967 : vector<16xf32>
        %parallel_loop3A_1509 = arith.constant 2 : i32
        %parallel_loop3A_1510 = arith.index_cast %parallel_loop3A_1321 : i32 to index
        %parallel_loop3A_1511 = arith.index_cast %parallel_loop3A_1509 : i32 to index
        %parallel_loop3A_1512 = arith.constant 48 : index
        %parallel_loop3A_1513 = tpu.vector_load %arg11[%parallel_loop3A_1510, %parallel_loop3A_1511, %parallel_loop3A_1512] {strides = array<i32>} : memref<32x4x128xf32, #tpu.memory_space<vmem>>, vector<16xf32>,
        tpu.vector_store %arg11[%parallel_loop3A_1510, %parallel_loop3A_1511, %parallel_loop3A_1512], %parallel_loop3A_1508 {strides = array<i32>} : memref<32x4x128xf32, #tpu.memory_space<vmem>>, vector<16xf32>,
        %parallel_loop3A_1514 = arith.index_cast %parallel_loop3A_1477 : i32 to index
        %parallel_loop3A_1515 = arith.constant 64 : index
        %parallel_loop3A_1516 = tpu.vector_load %arg9[%parallel_loop3A_1514, %parallel_loop3A_1515] {strides = array<i32>} : memref<128x128xf32, #tpu.memory_space<vmem>>, vector<16xf32>,
        %parallel_loop3A_1517 = arith.addf %parallel_loop3A_1516, %get3A_974 : vector<16xf32>
        %parallel_loop3A_1518 = arith.constant 2 : i32
        %parallel_loop3A_1519 = arith.index_cast %parallel_loop3A_1321 : i32 to index
        %parallel_loop3A_1520 = arith.index_cast %parallel_loop3A_1518 : i32 to index
        %parallel_loop3A_1521 = arith.constant 64 : index
        %parallel_loop3A_1522 = tpu.vector_load %arg11[%parallel_loop3A_1519, %parallel_loop3A_1520, %parallel_loop3A_1521] {strides = array<i32>} : memref<32x4x128xf32, #tpu.memory_space<vmem>>, vector<16xf32>,
        tpu.vector_store %arg11[%parallel_loop3A_1519, %parallel_loop3A_1520, %parallel_loop3A_1521], %parallel_loop3A_1517 {strides = array<i32>} : memref<32x4x128xf32, #tpu.memory_space<vmem>>, vector<16xf32>,
        %parallel_loop3A_1523 = arith.index_cast %parallel_loop3A_1477 : i32 to index
        %parallel_loop3A_1524 = arith.constant 80 : index
        %parallel_loop3A_1525 = tpu.vector_load %arg9[%parallel_loop3A_1523, %parallel_loop3A_1524] {strides = array<i32>} : memref<128x128xf32, #tpu.memory_space<vmem>>, vector<16xf32>,
        %parallel_loop3A_1526 = arith.addf %parallel_loop3A_1525, %get3A_981 : vector<16xf32>
        %parallel_loop3A_1527 = arith.constant 2 : i32
        %parallel_loop3A_1528 = arith.index_cast %parallel_loop3A_1321 : i32 to index
        %parallel_loop3A_1529 = arith.index_cast %parallel_loop3A_1527 : i32 to index
        %parallel_loop3A_1530 = arith.constant 80 : index
        %parallel_loop3A_1531 = tpu.vector_load %arg11[%parallel_loop3A_1528, %parallel_loop3A_1529, %parallel_loop3A_1530] {strides = array<i32>} : memref<32x4x128xf32, #tpu.memory_space<vmem>>, vector<16xf32>,
        tpu.vector_store %arg11[%parallel_loop3A_1528, %parallel_loop3A_1529, %parallel_loop3A_1530], %parallel_loop3A_1526 {strides = array<i32>} : memref<32x4x128xf32, #tpu.memory_space<vmem>>, vector<16xf32>,
        %parallel_loop3A_1532 = arith.index_cast %parallel_loop3A_1477 : i32 to index
        %parallel_loop3A_1533 = arith.constant 96 : index
        %parallel_loop3A_1534 = tpu.vector_load %arg9[%parallel_loop3A_1532, %parallel_loop3A_1533] {strides = array<i32>} : memref<128x128xf32, #tpu.memory_space<vmem>>, vector<16xf32>,
        %parallel_loop3A_1535 = arith.addf %parallel_loop3A_1534, %get3A_988 : vector<16xf32>
        %parallel_loop3A_1536 = arith.constant 2 : i32
        %parallel_loop3A_1537 = arith.index_cast %parallel_loop3A_1321 : i32 to index
        %parallel_loop3A_1538 = arith.index_cast %parallel_loop3A_1536 : i32 to index
        %parallel_loop3A_1539 = arith.constant 96 : index
        %parallel_loop3A_1540 = tpu.vector_load %arg11[%parallel_loop3A_1537, %parallel_loop3A_1538, %parallel_loop3A_1539] {strides = array<i32>} : memref<32x4x128xf32, #tpu.memory_space<vmem>>, vector<16xf32>,
        tpu.vector_store %arg11[%parallel_loop3A_1537, %parallel_loop3A_1538, %parallel_loop3A_1539], %parallel_loop3A_1535 {strides = array<i32>} : memref<32x4x128xf32, #tpu.memory_space<vmem>>, vector<16xf32>,
        %parallel_loop3A_1541 = arith.index_cast %parallel_loop3A_1477 : i32 to index
        %parallel_loop3A_1542 = arith.constant 112 : index
        %parallel_loop3A_1543 = tpu.vector_load %arg9[%parallel_loop3A_1541, %parallel_loop3A_1542] {strides = array<i32>} : memref<128x128xf32, #tpu.memory_space<vmem>>, vector<16xf32>,
        %parallel_loop3A_1544 = arith.addf %parallel_loop3A_1543, %get3A_995 : vector<16xf32>
        %parallel_loop3A_1545 = arith.constant 2 : i32
        %parallel_loop3A_1546 = arith.index_cast %parallel_loop3A_1321 : i32 to index
        %parallel_loop3A_1547 = arith.index_cast %parallel_loop3A_1545 : i32 to index
        %parallel_loop3A_1548 = arith.constant 112 : index
        %parallel_loop3A_1549 = tpu.vector_load %arg11[%parallel_loop3A_1546, %parallel_loop3A_1547, %parallel_loop3A_1548] {strides = array<i32>} : memref<32x4x128xf32, #tpu.memory_space<vmem>>, vector<16xf32>,
        tpu.vector_store %arg11[%parallel_loop3A_1546, %parallel_loop3A_1547, %parallel_loop3A_1548], %parallel_loop3A_1544 {strides = array<i32>} : memref<32x4x128xf32, #tpu.memory_space<vmem>>, vector<16xf32>,
        %parallel_loop3A_1550 = arith.constant 4 : i32
        %parallel_loop3A_1551 = arith.muli %parallel_loop3A_1550, %parallel_loop3A_1321 : i32
        %parallel_loop3A_1552 = arith.constant 3 : i32
        %parallel_loop3A_1553 = arith.addi %parallel_loop3A_1551, %parallel_loop3A_1552 : i32
        %parallel_loop3A_1554 = arith.index_cast %parallel_loop3A_1553 : i32 to index
        %parallel_loop3A_1555 = arith.constant 0 : index
        %parallel_loop3A_1556 = tpu.vector_load %arg9[%parallel_loop3A_1554, %parallel_loop3A_1555] {strides = array<i32>} : memref<128x128xf32, #tpu.memory_space<vmem>>, vector<16xf32>,
        %parallel_loop3A_1557 = arith.addf %parallel_loop3A_1556, %get3A_1002 : vector<16xf32>
        %parallel_loop3A_1558 = arith.constant 3 : i32
        %parallel_loop3A_1559 = arith.index_cast %parallel_loop3A_1321 : i32 to index
        %parallel_loop3A_1560 = arith.index_cast %parallel_loop3A_1558 : i32 to index
        %parallel_loop3A_1561 = arith.constant 0 : index
        %parallel_loop3A_1562 = tpu.vector_load %arg11[%parallel_loop3A_1559, %parallel_loop3A_1560, %parallel_loop3A_1561] {strides = array<i32>} : memref<32x4x128xf32, #tpu.memory_space<vmem>>, vector<16xf32>,
        tpu.vector_store %arg11[%parallel_loop3A_1559, %parallel_loop3A_1560, %parallel_loop3A_1561], %parallel_loop3A_1557 {strides = array<i32>} : memref<32x4x128xf32, #tpu.memory_space<vmem>>, vector<16xf32>,
        %parallel_loop3A_1563 = arith.index_cast %parallel_loop3A_1553 : i32 to index
        %parallel_loop3A_1564 = arith.constant 16 : index
        %parallel_loop3A_1565 = tpu.vector_load %arg9[%parallel_loop3A_1563, %parallel_loop3A_1564] {strides = array<i32>} : memref<128x128xf32, #tpu.memory_space<vmem>>, vector<16xf32>,
        %parallel_loop3A_1566 = arith.addf %parallel_loop3A_1565, %get3A_1009 : vector<16xf32>
        %parallel_loop3A_1567 = arith.constant 3 : i32
        %parallel_loop3A_1568 = arith.index_cast %parallel_loop3A_1321 : i32 to index
        %parallel_loop3A_1569 = arith.index_cast %parallel_loop3A_1567 : i32 to index
        %parallel_loop3A_1570 = arith.constant 16 : index
        %parallel_loop3A_1571 = tpu.vector_load %arg11[%parallel_loop3A_1568, %parallel_loop3A_1569, %parallel_loop3A_1570] {strides = array<i32>} : memref<32x4x128xf32, #tpu.memory_space<vmem>>, vector<16xf32>,
        tpu.vector_store %arg11[%parallel_loop3A_1568, %parallel_loop3A_1569, %parallel_loop3A_1570], %parallel_loop3A_1566 {strides = array<i32>} : memref<32x4x128xf32, #tpu.memory_space<vmem>>, vector<16xf32>,
        %parallel_loop3A_1572 = arith.index_cast %parallel_loop3A_1553 : i32 to index
        %parallel_loop3A_1573 = arith.constant 32 : index
        %parallel_loop3A_1574 = tpu.vector_load %arg9[%parallel_loop3A_1572, %parallel_loop3A_1573] {strides = array<i32>} : memref<128x128xf32, #tpu.memory_space<vmem>>, vector<16xf32>,
        %parallel_loop3A_1575 = arith.addf %parallel_loop3A_1574, %get3A_1016 : vector<16xf32>
        %parallel_loop3A_1576 = arith.constant 3 : i32
        %parallel_loop3A_1577 = arith.index_cast %parallel_loop3A_1321 : i32 to index
        %parallel_loop3A_1578 = arith.index_cast %parallel_loop3A_1576 : i32 to index
        %parallel_loop3A_1579 = arith.constant 32 : index
        %parallel_loop3A_1580 = tpu.vector_load %arg11[%parallel_loop3A_1577, %parallel_loop3A_1578, %parallel_loop3A_1579] {strides = array<i32>} : memref<32x4x128xf32, #tpu.memory_space<vmem>>, vector<16xf32>,
        tpu.vector_store %arg11[%parallel_loop3A_1577, %parallel_loop3A_1578, %parallel_loop3A_1579], %parallel_loop3A_1575 {strides = array<i32>} : memref<32x4x128xf32, #tpu.memory_space<vmem>>, vector<16xf32>,
        %parallel_loop3A_1581 = arith.index_cast %parallel_loop3A_1553 : i32 to index
        %parallel_loop3A_1582 = arith.constant 48 : index
        %parallel_loop3A_1583 = tpu.vector_load %arg9[%parallel_loop3A_1581, %parallel_loop3A_1582] {strides = array<i32>} : memref<128x128xf32, #tpu.memory_space<vmem>>, vector<16xf32>,
        %parallel_loop3A_1584 = arith.addf %parallel_loop3A_1583, %get3A_1023 : vector<16xf32>
        %parallel_loop3A_1585 = arith.constant 3 : i32
        %parallel_loop3A_1586 = arith.index_cast %parallel_loop3A_1321 : i32 to index
        %parallel_loop3A_1587 = arith.index_cast %parallel_loop3A_1585 : i32 to index
        %parallel_loop3A_1588 = arith.constant 48 : index
        %parallel_loop3A_1589 = tpu.vector_load %arg11[%parallel_loop3A_1586, %parallel_loop3A_1587, %parallel_loop3A_1588] {strides = array<i32>} : memref<32x4x128xf32, #tpu.memory_space<vmem>>, vector<16xf32>,
        tpu.vector_store %arg11[%parallel_loop3A_1586, %parallel_loop3A_1587, %parallel_loop3A_1588], %parallel_loop3A_1584 {strides = array<i32>} : memref<32x4x128xf32, #tpu.memory_space<vmem>>, vector<16xf32>,
        %parallel_loop3A_1590 = arith.index_cast %parallel_loop3A_1553 : i32 to index
        %parallel_loop3A_1591 = arith.constant 64 : index
        %parallel_loop3A_1592 = tpu.vector_load %arg9[%parallel_loop3A_1590, %parallel_loop3A_1591] {strides = array<i32>} : memref<128x128xf32, #tpu.memory_space<vmem>>, vector<16xf32>,
        %parallel_loop3A_1593 = arith.addf %parallel_loop3A_1592, %get3A_1030 : vector<16xf32>
        %parallel_loop3A_1594 = arith.constant 3 : i32
        %parallel_loop3A_1595 = arith.index_cast %parallel_loop3A_1321 : i32 to index
        %parallel_loop3A_1596 = arith.index_cast %parallel_loop3A_1594 : i32 to index
        %parallel_loop3A_1597 = arith.constant 64 : index
        %parallel_loop3A_1598 = tpu.vector_load %arg11[%parallel_loop3A_1595, %parallel_loop3A_1596, %parallel_loop3A_1597] {strides = array<i32>} : memref<32x4x128xf32, #tpu.memory_space<vmem>>, vector<16xf32>,
        tpu.vector_store %arg11[%parallel_loop3A_1595, %parallel_loop3A_1596, %parallel_loop3A_1597], %parallel_loop3A_1593 {strides = array<i32>} : memref<32x4x128xf32, #tpu.memory_space<vmem>>, vector<16xf32>,
        %parallel_loop3A_1599 = arith.index_cast %parallel_loop3A_1553 : i32 to index
        %parallel_loop3A_1600 = arith.constant 80 : index
        %parallel_loop3A_1601 = tpu.vector_load %arg9[%parallel_loop3A_1599, %parallel_loop3A_1600] {strides = array<i32>} : memref<128x128xf32, #tpu.memory_space<vmem>>, vector<16xf32>,
        %parallel_loop3A_1602 = arith.addf %parallel_loop3A_1601, %get3A_1037 : vector<16xf32>
        %parallel_loop3A_1603 = arith.constant 3 : i32
        %parallel_loop3A_1604 = arith.index_cast %parallel_loop3A_1321 : i32 to index
        %parallel_loop3A_1605 = arith.index_cast %parallel_loop3A_1603 : i32 to index
        %parallel_loop3A_1606 = arith.constant 80 : index
        %parallel_loop3A_1607 = tpu.vector_load %arg11[%parallel_loop3A_1604, %parallel_loop3A_1605, %parallel_loop3A_1606] {strides = array<i32>} : memref<32x4x128xf32, #tpu.memory_space<vmem>>, vector<16xf32>,
        tpu.vector_store %arg11[%parallel_loop3A_1604, %parallel_loop3A_1605, %parallel_loop3A_1606], %parallel_loop3A_1602 {strides = array<i32>} : memref<32x4x128xf32, #tpu.memory_space<vmem>>, vector<16xf32>,
        %parallel_loop3A_1608 = arith.index_cast %parallel_loop3A_1553 : i32 to index
        %parallel_loop3A_1609 = arith.constant 96 : index
        %parallel_loop3A_1610 = tpu.vector_load %arg9[%parallel_loop3A_1608, %parallel_loop3A_1609] {strides = array<i32>} : memref<128x128xf32, #tpu.memory_space<vmem>>, vector<16xf32>,
        %parallel_loop3A_1611 = arith.addf %parallel_loop3A_1610, %get3A_1044 : vector<16xf32>
        %parallel_loop3A_1612 = arith.constant 3 : i32
        %parallel_loop3A_1613 = arith.index_cast %parallel_loop3A_1321 : i32 to index
        %parallel_loop3A_1614 = arith.index_cast %parallel_loop3A_1612 : i32 to index
        %parallel_loop3A_1615 = arith.constant 96 : index
        %parallel_loop3A_1616 = tpu.vector_load %arg11[%parallel_loop3A_1613, %parallel_loop3A_1614, %parallel_loop3A_1615] {strides = array<i32>} : memref<32x4x128xf32, #tpu.memory_space<vmem>>, vector<16xf32>,
        tpu.vector_store %arg11[%parallel_loop3A_1613, %parallel_loop3A_1614, %parallel_loop3A_1615], %parallel_loop3A_1611 {strides = array<i32>} : memref<32x4x128xf32, #tpu.memory_space<vmem>>, vector<16xf32>,
        %parallel_loop3A_1617 = arith.index_cast %parallel_loop3A_1553 : i32 to index
        %parallel_loop3A_1618 = arith.constant 112 : index
        %parallel_loop3A_1619 = tpu.vector_load %arg9[%parallel_loop3A_1617, %parallel_loop3A_1618] {strides = array<i32>} : memref<128x128xf32, #tpu.memory_space<vmem>>, vector<16xf32>,
        %parallel_loop3A_1620 = arith.addf %parallel_loop3A_1619, %get3A_1051 : vector<16xf32>
        %parallel_loop3A_1621 = arith.constant 3 : i32
        %parallel_loop3A_1622 = arith.index_cast %parallel_loop3A_1321 : i32 to index
        %parallel_loop3A_1623 = arith.index_cast %parallel_loop3A_1621 : i32 to index
        %parallel_loop3A_1624 = arith.constant 112 : index
        %parallel_loop3A_1625 = tpu.vector_load %arg11[%parallel_loop3A_1622, %parallel_loop3A_1623, %parallel_loop3A_1624] {strides = array<i32>} : memref<32x4x128xf32, #tpu.memory_space<vmem>>, vector<16xf32>,
        tpu.vector_store %arg11[%parallel_loop3A_1622, %parallel_loop3A_1623, %parallel_loop3A_1624], %parallel_loop3A_1620 {strides = array<i32>} : memref<32x4x128xf32, #tpu.memory_space<vmem>>, vector<16xf32>,
      } {sc.loop_unroll_factor = 4 : i64, sc.parallel_access}
      %add3A_1064 = arith.constant 64 : i32
      %add3A_1065 = arith.addi %mul3A_2, %add3A_1064 : i32
      %mul3A_1066 = arith.constant 4 : i32
      %mul3A_1067 = arith.muli %scan3A_96, %mul3A_1066 : i32
      %dma_start3A_1068 = arith.constant 0 : i32
      %dma_start3A_1069 = tpu.memref_slice %arg5[%add3A_1065, %mul3A_1067, %dma_start3A_1068] : memref<4096x200x128xf32, #tpu.memory_space<hbm>> -> memref<32x4x128xf32, #tpu.memory_space<hbm>>
      %dma_start3A_1070 = arith.constant 0 : i32
      %dma_start3A_1071 = tpu.memref_slice %arg5[%add3A_1065, %mul3A_1067, %dma_start3A_1070] : memref<4096x200x128xf32, #tpu.memory_space<hbm>> -> memref<32x4x128xf32, #tpu.memory_space<hbm>>
      tpu.enqueue_dma source(%arg11 : memref<32x4x128xf32, #tpu.memory_space<vmem>>) target(%dma_start3A_1071 : memref<32x4x128xf32, #tpu.memory_space<hbm>>) target_semaphore(%arg16 : memref<!tpu.dma_semaphore, #tpu.memory_space<semaphore_mem>>)
      %lt3A = arith.constant 49 : i32
      %lt3A_1072 = arith.cmpi slt, %scan3A_96, %lt3A : i32
      %convert_element_type3A_1073 = arith.extui %lt3A_1072 : i1 to i32
      %cond3A_1074 = arith.constant 0 : i32
      %cond3A_1075 = arith.cmpi ne, %convert_element_type3A_1073, %cond3A_1074 : i32
      scf.if %cond3A_1075 {
        %add3A_1321 = arith.constant 1 : i32
        %add3A_1322 = arith.addi %scan3A_96, %add3A_1321 : i32
        %add3A_1323 = arith.constant 0 : i32
        %add3A_1324 = vector.broadcast %add3A_1323 : i32 to vector<16xi32>
        %add3A_1325 = arith.addi %shift_right_arithmetic3A_4, %add3A_1324 : vector<16xi32>
        %mul3A_1326 = arith.constant 4 : i32
        %mul3A_1327 = arith.muli %add3A_1322, %mul3A_1326 : i32
        %add3A_1328 = vector.broadcast %mul3A_1327 : i32 to vector<16xi32>
        %add3A_1329 = arith.addi %and3A_6, %add3A_1328 : vector<16xi32>
        %gather3A_1330 = tpu.vector_load_idx %arg6[%add3A_1325, %add3A_1329] : memref<128x200xi32, #tpu.memory_space<vmem>>[vector<16xi32>, vector<16xi32>], vector<16xi32>,
        %swap3A_1331 = arith.constant 0 : index
        %swap3A_1332 = tpu.vector_load %arg7[%swap3A_1331] {strides = array<i32>} : memref<128xi32, #tpu.memory_space<vmem>>, vector<16xi32>,
        tpu.vector_store %arg7[%swap3A_1331], %gather3A_1330 {strides = array<i32>} : memref<128xi32, #tpu.memory_space<vmem>>, vector<16xi32>,
        %add3A_1333 = arith.constant 4 : i32
        %add3A_1334 = vector.broadcast %add3A_1333 : i32 to vector<16xi32>
        %add3A_1335 = arith.addi %shift_right_arithmetic3A_4, %add3A_1334 : vector<16xi32>
        %mul3A_1336 = arith.constant 4 : i32
        %mul3A_1337 = arith.muli %add3A_1322, %mul3A_1336 : i32
        %add3A_1338 = vector.broadcast %mul3A_1337 : i32 to vector<16xi32>
        %add3A_1339 = arith.addi %and3A_6, %add3A_1338 : vector<16xi32>
        %gather3A_1340 = tpu.vector_load_idx %arg6[%add3A_1335, %add3A_1339] : memref<128x200xi32, #tpu.memory_space<vmem>>[vector<16xi32>, vector<16xi32>], vector<16xi32>,
        %swap3A_1341 = arith.constant 16 : index
        %swap3A_1342 = tpu.vector_load %arg7[%swap3A_1341] {strides = array<i32>} : memref<128xi32, #tpu.memory_space<vmem>>, vector<16xi32>,
        tpu.vector_store %arg7[%swap3A_1341], %gather3A_1340 {strides = array<i32>} : memref<128xi32, #tpu.memory_space<vmem>>, vector<16xi32>,
        %add3A_1343 = arith.constant 8 : i32
        %add3A_1344 = vector.broadcast %add3A_1343 : i32 to vector<16xi32>
        %add3A_1345 = arith.addi %shift_right_arithmetic3A_4, %add3A_1344 : vector<16xi32>
        %mul3A_1346 = arith.constant 4 : i32
        %mul3A_1347 = arith.muli %add3A_1322, %mul3A_1346 : i32
        %add3A_1348 = vector.broadcast %mul3A_1347 : i32 to vector<16xi32>
        %add3A_1349 = arith.addi %and3A_6, %add3A_1348 : vector<16xi32>
        %gather3A_1350 = tpu.vector_load_idx %arg6[%add3A_1345, %add3A_1349] : memref<128x200xi32, #tpu.memory_space<vmem>>[vector<16xi32>, vector<16xi32>], vector<16xi32>,
        %swap3A_1351 = arith.constant 32 : index
        %swap3A_1352 = tpu.vector_load %arg7[%swap3A_1351] {strides = array<i32>} : memref<128xi32, #tpu.memory_space<vmem>>, vector<16xi32>,
        tpu.vector_store %arg7[%swap3A_1351], %gather3A_1350 {strides = array<i32>} : memref<128xi32, #tpu.memory_space<vmem>>, vector<16xi32>,
        %add3A_1353 = arith.constant 12 : i32
        %add3A_1354 = vector.broadcast %add3A_1353 : i32 to vector<16xi32>
        %add3A_1355 = arith.addi %shift_right_arithmetic3A_4, %add3A_1354 : vector<16xi32>
        %mul3A_1356 = arith.constant 4 : i32
        %mul3A_1357 = arith.muli %add3A_1322, %mul3A_1356 : i32
        %add3A_1358 = vector.broadcast %mul3A_1357 : i32 to vector<16xi32>
        %add3A_1359 = arith.addi %and3A_6, %add3A_1358 : vector<16xi32>
        %gather3A_1360 = tpu.vector_load_idx %arg6[%add3A_1355, %add3A_1359] : memref<128x200xi32, #tpu.memory_space<vmem>>[vector<16xi32>, vector<16xi32>], vector<16xi32>,
        %swap3A_1361 = arith.constant 48 : index
        %swap3A_1362 = tpu.vector_load %arg7[%swap3A_1361] {strides = array<i32>} : memref<128xi32, #tpu.memory_space<vmem>>, vector<16xi32>,
        tpu.vector_store %arg7[%swap3A_1361], %gather3A_1360 {strides = array<i32>} : memref<128xi32, #tpu.memory_space<vmem>>, vector<16xi32>,
        %add3A_1363 = arith.constant 16 : i32
        %add3A_1364 = vector.broadcast %add3A_1363 : i32 to vector<16xi32>
        %add3A_1365 = arith.addi %shift_right_arithmetic3A_4, %add3A_1364 : vector<16xi32>
        %mul3A_1366 = arith.constant 4 : i32
        %mul3A_1367 = arith.muli %add3A_1322, %mul3A_1366 : i32
        %add3A_1368 = vector.broadcast %mul3A_1367 : i32 to vector<16xi32>
        %add3A_1369 = arith.addi %and3A_6, %add3A_1368 : vector<16xi32>
        %gather3A_1370 = tpu.vector_load_idx %arg6[%add3A_1365, %add3A_1369] : memref<128x200xi32, #tpu.memory_space<vmem>>[vector<16xi32>, vector<16xi32>], vector<16xi32>,
        %swap3A_1371 = arith.constant 64 : index
        %swap3A_1372 = tpu.vector_load %arg7[%swap3A_1371] {strides = array<i32>} : memref<128xi32, #tpu.memory_space<vmem>>, vector<16xi32>,
        tpu.vector_store %arg7[%swap3A_1371], %gather3A_1370 {strides = array<i32>} : memref<128xi32, #tpu.memory_space<vmem>>, vector<16xi32>,
        %add3A_1373 = arith.constant 20 : i32
        %add3A_1374 = vector.broadcast %add3A_1373 : i32 to vector<16xi32>
        %add3A_1375 = arith.addi %shift_right_arithmetic3A_4, %add3A_1374 : vector<16xi32>
        %mul3A_1376 = arith.constant 4 : i32
        %mul3A_1377 = arith.muli %add3A_1322, %mul3A_1376 : i32
        %add3A_1378 = vector.broadcast %mul3A_1377 : i32 to vector<16xi32>
        %add3A_1379 = arith.addi %and3A_6, %add3A_1378 : vector<16xi32>
        %gather3A_1380 = tpu.vector_load_idx %arg6[%add3A_1375, %add3A_1379] : memref<128x200xi32, #tpu.memory_space<vmem>>[vector<16xi32>, vector<16xi32>], vector<16xi32>,
        %swap3A_1381 = arith.constant 80 : index
        %swap3A_1382 = tpu.vector_load %arg7[%swap3A_1381] {strides = array<i32>} : memref<128xi32, #tpu.memory_space<vmem>>, vector<16xi32>,
        tpu.vector_store %arg7[%swap3A_1381], %gather3A_1380 {strides = array<i32>} : memref<128xi32, #tpu.memory_space<vmem>>, vector<16xi32>,
        %add3A_1383 = arith.constant 24 : i32
        %add3A_1384 = vector.broadcast %add3A_1383 : i32 to vector<16xi32>
        %add3A_1385 = arith.addi %shift_right_arithmetic3A_4, %add3A_1384 : vector<16xi32>
        %mul3A_1386 = arith.constant 4 : i32
        %mul3A_1387 = arith.muli %add3A_1322, %mul3A_1386 : i32
        %add3A_1388 = vector.broadcast %mul3A_1387 : i32 to vector<16xi32>
        %add3A_1389 = arith.addi %and3A_6, %add3A_1388 : vector<16xi32>
        %gather3A_1390 = tpu.vector_load_idx %arg6[%add3A_1385, %add3A_1389] : memref<128x200xi32, #tpu.memory_space<vmem>>[vector<16xi32>, vector<16xi32>], vector<16xi32>,
        %swap3A_1391 = arith.constant 96 : index
        %swap3A_1392 = tpu.vector_load %arg7[%swap3A_1391] {strides = array<i32>} : memref<128xi32, #tpu.memory_space<vmem>>, vector<16xi32>,
        tpu.vector_store %arg7[%swap3A_1391], %gather3A_1390 {strides = array<i32>} : memref<128xi32, #tpu.memory_space<vmem>>, vector<16xi32>,
        %add3A_1393 = arith.constant 28 : i32
        %add3A_1394 = vector.broadcast %add3A_1393 : i32 to vector<16xi32>
        %add3A_1395 = arith.addi %shift_right_arithmetic3A_4, %add3A_1394 : vector<16xi32>
        %mul3A_1396 = arith.constant 4 : i32
        %mul3A_1397 = arith.muli %add3A_1322, %mul3A_1396 : i32
        %add3A_1398 = vector.broadcast %mul3A_1397 : i32 to vector<16xi32>
        %add3A_1399 = arith.addi %and3A_6, %add3A_1398 : vector<16xi32>
        %gather3A_1400 = tpu.vector_load_idx %arg6[%add3A_1395, %add3A_1399] : memref<128x200xi32, #tpu.memory_space<vmem>>[vector<16xi32>, vector<16xi32>], vector<16xi32>,
        %swap3A_1401 = arith.constant 112 : index
        %swap3A_1402 = tpu.vector_load %arg7[%swap3A_1401] {strides = array<i32>} : memref<128xi32, #tpu.memory_space<vmem>>, vector<16xi32>,
        tpu.vector_store %arg7[%swap3A_1401], %gather3A_1400 {strides = array<i32>} : memref<128xi32, #tpu.memory_space<vmem>>, vector<16xi32>,
        %dma_start3A_1403 = arith.constant 0 : i32
        %dma_start3A_1404 = arith.constant 0 : i32
        %dma_start3A_1405 = tpu.memref_slice %arg3[%dma_start3A_1403, %dma_start3A_1404] : memref<100000x128xf32, #tpu.memory_space<hbm>> -> memref<100000x128xf32, #tpu.memory_space<hbm>>
        tpu.enqueue_indirect_dma source(%dma_start3A_1405 : memref<100000x128xf32, #tpu.memory_space<hbm>>) target(%arg9 : memref<128x128xf32, #tpu.memory_space<vmem>>) offsets(%arg7 : memref<128xi32, #tpu.memory_space<vmem>>) semaphore(%arg14 : memref<!tpu.dma_semaphore, #tpu.memory_space<semaphore_mem>>)
      } else {
      }
      %mul3A_1076 = arith.constant 4 : i32
      %mul3A_1077 = arith.muli %scan3A_96, %mul3A_1076 : i32
      %add3A_1078 = arith.constant 0 : i32
      %add3A_1079 = arith.addi %mul3A_1077, %add3A_1078 : i32
      %get3A_1080 = arith.index_cast %add3A_1079 : i32 to index
      %get3A_1081 = arith.constant 0 : index
      %get3A_1082 = tpu.vector_load %arg13[%get3A_1080, %get3A_1081] {strides = array<i32>} : memref<200x128xf32, #tpu.memory_space<vmem>>, vector<16xf32>,
      %mul3A_1083 = arith.constant 4 : i32
      %mul3A_1084 = arith.muli %scan3A_96, %mul3A_1083 : i32
      %add3A_1085 = arith.constant 0 : i32
      %add3A_1086 = arith.addi %mul3A_1084, %add3A_1085 : i32
      %get3A_1087 = arith.index_cast %add3A_1086 : i32 to index
      %get3A_1088 = arith.constant 16 : index
      %get3A_1089 = tpu.vector_load %arg13[%get3A_1087, %get3A_1088] {strides = array<i32>} : memref<200x128xf32, #tpu.memory_space<vmem>>, vector<16xf32>,
      %mul3A_1090 = arith.constant 4 : i32
      %mul3A_1091 = arith.muli %scan3A_96, %mul3A_1090 : i32
      %add3A_1092 = arith.constant 0 : i32
      %add3A_1093 = arith.addi %mul3A_1091, %add3A_1092 : i32
      %get3A_1094 = arith.index_cast %add3A_1093 : i32 to index
      %get3A_1095 = arith.constant 32 : index
      %get3A_1096 = tpu.vector_load %arg13[%get3A_1094, %get3A_1095] {strides = array<i32>} : memref<200x128xf32, #tpu.memory_space<vmem>>, vector<16xf32>,
      %mul3A_1097 = arith.constant 4 : i32
      %mul3A_1098 = arith.muli %scan3A_96, %mul3A_1097 : i32
      %add3A_1099 = arith.constant 0 : i32
      %add3A_1100 = arith.addi %mul3A_1098, %add3A_1099 : i32
      %get3A_1101 = arith.index_cast %add3A_1100 : i32 to index
      %get3A_1102 = arith.constant 48 : index
      %get3A_1103 = tpu.vector_load %arg13[%get3A_1101, %get3A_1102] {strides = array<i32>} : memref<200x128xf32, #tpu.memory_space<vmem>>, vector<16xf32>,
      %mul3A_1104 = arith.constant 4 : i32
      %mul3A_1105 = arith.muli %scan3A_96, %mul3A_1104 : i32
      %add3A_1106 = arith.constant 0 : i32
      %add3A_1107 = arith.addi %mul3A_1105, %add3A_1106 : i32
      %get3A_1108 = arith.index_cast %add3A_1107 : i32 to index
      %get3A_1109 = arith.constant 64 : index
      %get3A_1110 = tpu.vector_load %arg13[%get3A_1108, %get3A_1109] {strides = array<i32>} : memref<200x128xf32, #tpu.memory_space<vmem>>, vector<16xf32>,
      %mul3A_1111 = arith.constant 4 : i32
      %mul3A_1112 = arith.muli %scan3A_96, %mul3A_1111 : i32
      %add3A_1113 = arith.constant 0 : i32
      %add3A_1114 = arith.addi %mul3A_1112, %add3A_1113 : i32
      %get3A_1115 = arith.index_cast %add3A_1114 : i32 to index
      %get3A_1116 = arith.constant 80 : index
      %get3A_1117 = tpu.vector_load %arg13[%get3A_1115, %get3A_1116] {strides = array<i32>} : memref<200x128xf32, #tpu.memory_space<vmem>>, vector<16xf32>,
      %mul3A_1118 = arith.constant 4 : i32
      %mul3A_1119 = arith.muli %scan3A_96, %mul3A_1118 : i32
      %add3A_1120 = arith.constant 0 : i32
      %add3A_1121 = arith.addi %mul3A_1119, %add3A_1120 : i32
      %get3A_1122 = arith.index_cast %add3A_1121 : i32 to index
      %get3A_1123 = arith.constant 96 : index
      %get3A_1124 = tpu.vector_load %arg13[%get3A_1122, %get3A_1123] {strides = array<i32>} : memref<200x128xf32, #tpu.memory_space<vmem>>, vector<16xf32>,
      %mul3A_1125 = arith.constant 4 : i32
      %mul3A_1126 = arith.muli %scan3A_96, %mul3A_1125 : i32
      %add3A_1127 = arith.constant 0 : i32
      %add3A_1128 = arith.addi %mul3A_1126, %add3A_1127 : i32
      %get3A_1129 = arith.index_cast %add3A_1128 : i32 to index
      %get3A_1130 = arith.constant 112 : index
      %get3A_1131 = tpu.vector_load %arg13[%get3A_1129, %get3A_1130] {strides = array<i32>} : memref<200x128xf32, #tpu.memory_space<vmem>>, vector<16xf32>,
      %mul3A_1132 = arith.constant 4 : i32
      %mul3A_1133 = arith.muli %scan3A_96, %mul3A_1132 : i32
      %add3A_1134 = arith.constant 1 : i32
      %add3A_1135 = arith.addi %mul3A_1133, %add3A_1134 : i32
      %get3A_1136 = arith.index_cast %add3A_1135 : i32 to index
      %get3A_1137 = arith.constant 0 : index
      %get3A_1138 = tpu.vector_load %arg13[%get3A_1136, %get3A_1137] {strides = array<i32>} : memref<200x128xf32, #tpu.memory_space<vmem>>, vector<16xf32>,
      %mul3A_1139 = arith.constant 4 : i32
      %mul3A_1140 = arith.muli %scan3A_96, %mul3A_1139 : i32
      %add3A_1141 = arith.constant 1 : i32
      %add3A_1142 = arith.addi %mul3A_1140, %add3A_1141 : i32
      %get3A_1143 = arith.index_cast %add3A_1142 : i32 to index
      %get3A_1144 = arith.constant 16 : index
      %get3A_1145 = tpu.vector_load %arg13[%get3A_1143, %get3A_1144] {strides = array<i32>} : memref<200x128xf32, #tpu.memory_space<vmem>>, vector<16xf32>,
      %mul3A_1146 = arith.constant 4 : i32
      %mul3A_1147 = arith.muli %scan3A_96, %mul3A_1146 : i32
      %add3A_1148 = arith.constant 1 : i32
      %add3A_1149 = arith.addi %mul3A_1147, %add3A_1148 : i32
      %get3A_1150 = arith.index_cast %add3A_1149 : i32 to index
      %get3A_1151 = arith.constant 32 : index
      %get3A_1152 = tpu.vector_load %arg13[%get3A_1150, %get3A_1151] {strides = array<i32>} : memref<200x128xf32, #tpu.memory_space<vmem>>, vector<16xf32>,
      %mul3A_1153 = arith.constant 4 : i32
      %mul3A_1154 = arith.muli %scan3A_96, %mul3A_1153 : i32
      %add3A_1155 = arith.constant 1 : i32
      %add3A_1156 = arith.addi %mul3A_1154, %add3A_1155 : i32
      %get3A_1157 = arith.index_cast %add3A_1156 : i32 to index
      %get3A_1158 = arith.constant 48 : index
      %get3A_1159 = tpu.vector_load %arg13[%get3A_1157, %get3A_1158] {strides = array<i32>} : memref<200x128xf32, #tpu.memory_space<vmem>>, vector<16xf32>,
      %mul3A_1160 = arith.constant 4 : i32
      %mul3A_1161 = arith.muli %scan3A_96, %mul3A_1160 : i32
      %add3A_1162 = arith.constant 1 : i32
      %add3A_1163 = arith.addi %mul3A_1161, %add3A_1162 : i32
      %get3A_1164 = arith.index_cast %add3A_1163 : i32 to index
      %get3A_1165 = arith.constant 64 : index
      %get3A_1166 = tpu.vector_load %arg13[%get3A_1164, %get3A_1165] {strides = array<i32>} : memref<200x128xf32, #tpu.memory_space<vmem>>, vector<16xf32>,
      %mul3A_1167 = arith.constant 4 : i32
      %mul3A_1168 = arith.muli %scan3A_96, %mul3A_1167 : i32
      %add3A_1169 = arith.constant 1 : i32
      %add3A_1170 = arith.addi %mul3A_1168, %add3A_1169 : i32
      %get3A_1171 = arith.index_cast %add3A_1170 : i32 to index
      %get3A_1172 = arith.constant 80 : index
      %get3A_1173 = tpu.vector_load %arg13[%get3A_1171, %get3A_1172] {strides = array<i32>} : memref<200x128xf32, #tpu.memory_space<vmem>>, vector<16xf32>,
      %mul3A_1174 = arith.constant 4 : i32
      %mul3A_1175 = arith.muli %scan3A_96, %mul3A_1174 : i32
      %add3A_1176 = arith.constant 1 : i32
      %add3A_1177 = arith.addi %mul3A_1175, %add3A_1176 : i32
      %get3A_1178 = arith.index_cast %add3A_1177 : i32 to index
      %get3A_1179 = arith.constant 96 : index
      %get3A_1180 = tpu.vector_load %arg13[%get3A_1178, %get3A_1179] {strides = array<i32>} : memref<200x128xf32, #tpu.memory_space<vmem>>, vector<16xf32>,
      %mul3A_1181 = arith.constant 4 : i32
      %mul3A_1182 = arith.muli %scan3A_96, %mul3A_1181 : i32
      %add3A_1183 = arith.constant 1 : i32
      %add3A_1184 = arith.addi %mul3A_1182, %add3A_1183 : i32
      %get3A_1185 = arith.index_cast %add3A_1184 : i32 to index
      %get3A_1186 = arith.constant 112 : index
      %get3A_1187 = tpu.vector_load %arg13[%get3A_1185, %get3A_1186] {strides = array<i32>} : memref<200x128xf32, #tpu.memory_space<vmem>>, vector<16xf32>,
      %mul3A_1188 = arith.constant 4 : i32
      %mul3A_1189 = arith.muli %scan3A_96, %mul3A_1188 : i32
      %add3A_1190 = arith.constant 2 : i32
      %add3A_1191 = arith.addi %mul3A_1189, %add3A_1190 : i32
      %get3A_1192 = arith.index_cast %add3A_1191 : i32 to index
      %get3A_1193 = arith.constant 0 : index
      %get3A_1194 = tpu.vector_load %arg13[%get3A_1192, %get3A_1193] {strides = array<i32>} : memref<200x128xf32, #tpu.memory_space<vmem>>, vector<16xf32>,
      %mul3A_1195 = arith.constant 4 : i32
      %mul3A_1196 = arith.muli %scan3A_96, %mul3A_1195 : i32
      %add3A_1197 = arith.constant 2 : i32
      %add3A_1198 = arith.addi %mul3A_1196, %add3A_1197 : i32
      %get3A_1199 = arith.index_cast %add3A_1198 : i32 to index
      %get3A_1200 = arith.constant 16 : index
      %get3A_1201 = tpu.vector_load %arg13[%get3A_1199, %get3A_1200] {strides = array<i32>} : memref<200x128xf32, #tpu.memory_space<vmem>>, vector<16xf32>,
      %mul3A_1202 = arith.constant 4 : i32
      %mul3A_1203 = arith.muli %scan3A_96, %mul3A_1202 : i32
      %add3A_1204 = arith.constant 2 : i32
      %add3A_1205 = arith.addi %mul3A_1203, %add3A_1204 : i32
      %get3A_1206 = arith.index_cast %add3A_1205 : i32 to index
      %get3A_1207 = arith.constant 32 : index
      %get3A_1208 = tpu.vector_load %arg13[%get3A_1206, %get3A_1207] {strides = array<i32>} : memref<200x128xf32, #tpu.memory_space<vmem>>, vector<16xf32>,
      %mul3A_1209 = arith.constant 4 : i32
      %mul3A_1210 = arith.muli %scan3A_96, %mul3A_1209 : i32
      %add3A_1211 = arith.constant 2 : i32
      %add3A_1212 = arith.addi %mul3A_1210, %add3A_1211 : i32
      %get3A_1213 = arith.index_cast %add3A_1212 : i32 to index
      %get3A_1214 = arith.constant 48 : index
      %get3A_1215 = tpu.vector_load %arg13[%get3A_1213, %get3A_1214] {strides = array<i32>} : memref<200x128xf32, #tpu.memory_space<vmem>>, vector<16xf32>,
      %mul3A_1216 = arith.constant 4 : i32
      %mul3A_1217 = arith.muli %scan3A_96, %mul3A_1216 : i32
      %add3A_1218 = arith.constant 2 : i32
      %add3A_1219 = arith.addi %mul3A_1217, %add3A_1218 : i32
      %get3A_1220 = arith.index_cast %add3A_1219 : i32 to index
      %get3A_1221 = arith.constant 64 : index
      %get3A_1222 = tpu.vector_load %arg13[%get3A_1220, %get3A_1221] {strides = array<i32>} : memref<200x128xf32, #tpu.memory_space<vmem>>, vector<16xf32>,
      %mul3A_1223 = arith.constant 4 : i32
      %mul3A_1224 = arith.muli %scan3A_96, %mul3A_1223 : i32
      %add3A_1225 = arith.constant 2 : i32
      %add3A_1226 = arith.addi %mul3A_1224, %add3A_1225 : i32
      %get3A_1227 = arith.index_cast %add3A_1226 : i32 to index
      %get3A_1228 = arith.constant 80 : index
      %get3A_1229 = tpu.vector_load %arg13[%get3A_1227, %get3A_1228] {strides = array<i32>} : memref<200x128xf32, #tpu.memory_space<vmem>>, vector<16xf32>,
      %mul3A_1230 = arith.constant 4 : i32
      %mul3A_1231 = arith.muli %scan3A_96, %mul3A_1230 : i32
      %add3A_1232 = arith.constant 2 : i32
      %add3A_1233 = arith.addi %mul3A_1231, %add3A_1232 : i32
      %get3A_1234 = arith.index_cast %add3A_1233 : i32 to index
      %get3A_1235 = arith.constant 96 : index
      %get3A_1236 = tpu.vector_load %arg13[%get3A_1234, %get3A_1235] {strides = array<i32>} : memref<200x128xf32, #tpu.memory_space<vmem>>, vector<16xf32>,
      %mul3A_1237 = arith.constant 4 : i32
      %mul3A_1238 = arith.muli %scan3A_96, %mul3A_1237 : i32
      %add3A_1239 = arith.constant 2 : i32
      %add3A_1240 = arith.addi %mul3A_1238, %add3A_1239 : i32
      %get3A_1241 = arith.index_cast %add3A_1240 : i32 to index
      %get3A_1242 = arith.constant 112 : index
      %get3A_1243 = tpu.vector_load %arg13[%get3A_1241, %get3A_1242] {strides = array<i32>} : memref<200x128xf32, #tpu.memory_space<vmem>>, vector<16xf32>,
      %mul3A_1244 = arith.constant 4 : i32
      %mul3A_1245 = arith.muli %scan3A_96, %mul3A_1244 : i32
      %add3A_1246 = arith.constant 3 : i32
      %add3A_1247 = arith.addi %mul3A_1245, %add3A_1246 : i32
      %get3A_1248 = arith.index_cast %add3A_1247 : i32 to index
      %get3A_1249 = arith.constant 0 : index
      %get3A_1250 = tpu.vector_load %arg13[%get3A_1248, %get3A_1249] {strides = array<i32>} : memref<200x128xf32, #tpu.memory_space<vmem>>, vector<16xf32>,
      %mul3A_1251 = arith.constant 4 : i32
      %mul3A_1252 = arith.muli %scan3A_96, %mul3A_1251 : i32
      %add3A_1253 = arith.constant 3 : i32
      %add3A_1254 = arith.addi %mul3A_1252, %add3A_1253 : i32
      %get3A_1255 = arith.index_cast %add3A_1254 : i32 to index
      %get3A_1256 = arith.constant 16 : index
      %get3A_1257 = tpu.vector_load %arg13[%get3A_1255, %get3A_1256] {strides = array<i32>} : memref<200x128xf32, #tpu.memory_space<vmem>>, vector<16xf32>,
      %mul3A_1258 = arith.constant 4 : i32
      %mul3A_1259 = arith.muli %scan3A_96, %mul3A_1258 : i32
      %add3A_1260 = arith.constant 3 : i32
      %add3A_1261 = arith.addi %mul3A_1259, %add3A_1260 : i32
      %get3A_1262 = arith.index_cast %add3A_1261 : i32 to index
      %get3A_1263 = arith.constant 32 : index
      %get3A_1264 = tpu.vector_load %arg13[%get3A_1262, %get3A_1263] {strides = array<i32>} : memref<200x128xf32, #tpu.memory_space<vmem>>, vector<16xf32>,
      %mul3A_1265 = arith.constant 4 : i32
      %mul3A_1266 = arith.muli %scan3A_96, %mul3A_1265 : i32
      %add3A_1267 = arith.constant 3 : i32
      %add3A_1268 = arith.addi %mul3A_1266, %add3A_1267 : i32
      %get3A_1269 = arith.index_cast %add3A_1268 : i32 to index
      %get3A_1270 = arith.constant 48 : index
      %get3A_1271 = tpu.vector_load %arg13[%get3A_1269, %get3A_1270] {strides = array<i32>} : memref<200x128xf32, #tpu.memory_space<vmem>>, vector<16xf32>,
      %mul3A_1272 = arith.constant 4 : i32
      %mul3A_1273 = arith.muli %scan3A_96, %mul3A_1272 : i32
      %add3A_1274 = arith.constant 3 : i32
      %add3A_1275 = arith.addi %mul3A_1273, %add3A_1274 : i32
      %get3A_1276 = arith.index_cast %add3A_1275 : i32 to index
      %get3A_1277 = arith.constant 64 : index
      %get3A_1278 = tpu.vector_load %arg13[%get3A_1276, %get3A_1277] {strides = array<i32>} : memref<200x128xf32, #tpu.memory_space<vmem>>, vector<16xf32>,
      %mul3A_1279 = arith.constant 4 : i32
      %mul3A_1280 = arith.muli %scan3A_96, %mul3A_1279 : i32
      %add3A_1281 = arith.constant 3 : i32
      %add3A_1282 = arith.addi %mul3A_1280, %add3A_1281 : i32
      %get3A_1283 = arith.index_cast %add3A_1282 : i32 to index
      %get3A_1284 = arith.constant 80 : index
      %get3A_1285 = tpu.vector_load %arg13[%get3A_1283, %get3A_1284] {strides = array<i32>} : memref<200x128xf32, #tpu.memory_space<vmem>>, vector<16xf32>,
      %mul3A_1286 = arith.constant 4 : i32
      %mul3A_1287 = arith.muli %scan3A_96, %mul3A_1286 : i32
      %add3A_1288 = arith.constant 3 : i32
      %add3A_1289 = arith.addi %mul3A_1287, %add3A_1288 : i32
      %get3A_1290 = arith.index_cast %add3A_1289 : i32 to index
      %get3A_1291 = arith.constant 96 : index
      %get3A_1292 = tpu.vector_load %arg13[%get3A_1290, %get3A_1291] {strides = array<i32>} : memref<200x128xf32, #tpu.memory_space<vmem>>, vector<16xf32>,
      %mul3A_1293 = arith.constant 4 : i32
      %mul3A_1294 = arith.muli %scan3A_96, %mul3A_1293 : i32
      %add3A_1295 = arith.constant 3 : i32
      %add3A_1296 = arith.addi %mul3A_1294, %add3A_1295 : i32
      %get3A_1297 = arith.index_cast %add3A_1296 : i32 to index
      %get3A_1298 = arith.constant 112 : index
      %get3A_1299 = tpu.vector_load %arg13[%get3A_1297, %get3A_1298] {strides = array<i32>} : memref<200x128xf32, #tpu.memory_space<vmem>>, vector<16xf32>,
      %dma_wait3A_1300 = arith.constant 0 : i32
      %dma_wait3A_1301 = arith.constant 0 : i32
      %dma_wait3A_1302 = tpu.memref_slice %arg3[%dma_wait3A_1300, %dma_wait3A_1301] : memref<100000x128xf32, #tpu.memory_space<hbm>> -> memref<100000x128xf32, #tpu.memory_space<hbm>>
      tpu.wait_indirect_dma semaphore(%arg15 : memref<!tpu.dma_semaphore, #tpu.memory_space<semaphore_mem>>) src(%dma_wait3A_1302 : memref<100000x128xf32, #tpu.memory_space<hbm>>) dst(%arg10 : memref<128x128xf32, #tpu.memory_space<vmem>>)
      %dma_wait3A_1303 = arith.constant 0 : i32
      %dma_wait3A_1304 = arith.constant 0 : i32
      %dma_wait3A_1305 = tpu.memref_slice %arg5[%mul3A_2, %dma_wait3A_1303, %dma_wait3A_1304] : memref<4096x200x128xf32, #tpu.memory_space<hbm>> -> memref<32x4x128xf32, #tpu.memory_space<hbm>>
      %dma_wait3A_1306 = arith.constant 0 : i32
      %dma_wait3A_1307 = arith.constant 0 : i32
      %dma_wait3A_1308 = tpu.memref_slice %arg5[%mul3A_2, %dma_wait3A_1306, %dma_wait3A_1307] : memref<4096x200x128xf32, #tpu.memory_space<hbm>> -> memref<32x4x128xf32, #tpu.memory_space<hbm>>
      tpu.wait_dma2 semaphore(%arg17 : memref<!tpu.dma_semaphore, #tpu.memory_space<semaphore_mem>>) src(%arg12 : memref<32x4x128xf32, #tpu.memory_space<vmem>>) dst(%dma_wait3A_1308 : memref<32x4x128xf32, #tpu.memory_space<hbm>>)
      %parallel_loop3A_1309 = arith.constant 0 : i32
      %parallel_loop3A_1310 = arith.constant 32 : i32
      %parallel_loop3A_1311 = arith.constant 1 : i32
      scf.for %parallel_loop3A_1321 = %parallel_loop3A_1309 to %parallel_loop3A_1310 step %parallel_loop3A_1311  : i32 {
        %parallel_loop3A_1322 = arith.constant 4 : i32
        %parallel_loop3A_1323 = arith.muli %parallel_loop3A_1322, %parallel_loop3A_1321 : i32
        %parallel_loop3A_1324 = arith.constant 0 : i32
        %parallel_loop3A_1325 = arith.addi %parallel_loop3A_1323, %parallel_loop3A_1324 : i32
        %parallel_loop3A_1326 = arith.index_cast %parallel_loop3A_1325 : i32 to index
        %parallel_loop3A_1327 = arith.constant 0 : index
        %parallel_loop3A_1328 = tpu.vector_load %arg10[%parallel_loop3A_1326, %parallel_loop3A_1327] {strides = array<i32>} : memref<128x128xf32, #tpu.memory_space<vmem>>, vector<16xf32>,
        %parallel_loop3A_1329 = arith.addf %parallel_loop3A_1328, %get3A_1082 : vector<16xf32>
        %parallel_loop3A_1330 = arith.constant 0 : i32
        %parallel_loop3A_1331 = arith.index_cast %parallel_loop3A_1321 : i32 to index
        %parallel_loop3A_1332 = arith.index_cast %parallel_loop3A_1330 : i32 to index
        %parallel_loop3A_1333 = arith.constant 0 : index
        %parallel_loop3A_1334 = tpu.vector_load %arg12[%parallel_loop3A_1331, %parallel_loop3A_1332, %parallel_loop3A_1333] {strides = array<i32>} : memref<32x4x128xf32, #tpu.memory_space<vmem>>, vector<16xf32>,
        tpu.vector_store %arg12[%parallel_loop3A_1331, %parallel_loop3A_1332, %parallel_loop3A_1333], %parallel_loop3A_1329 {strides = array<i32>} : memref<32x4x128xf32, #tpu.memory_space<vmem>>, vector<16xf32>,
        %parallel_loop3A_1335 = arith.index_cast %parallel_loop3A_1325 : i32 to index
        %parallel_loop3A_1336 = arith.constant 16 : index
        %parallel_loop3A_1337 = tpu.vector_load %arg10[%parallel_loop3A_1335, %parallel_loop3A_1336] {strides = array<i32>} : memref<128x128xf32, #tpu.memory_space<vmem>>, vector<16xf32>,
        %parallel_loop3A_1338 = arith.addf %parallel_loop3A_1337, %get3A_1089 : vector<16xf32>
        %parallel_loop3A_1339 = arith.constant 0 : i32
        %parallel_loop3A_1340 = arith.index_cast %parallel_loop3A_1321 : i32 to index
        %parallel_loop3A_1341 = arith.index_cast %parallel_loop3A_1339 : i32 to index
        %parallel_loop3A_1342 = arith.constant 16 : index
        %parallel_loop3A_1343 = tpu.vector_load %arg12[%parallel_loop3A_1340, %parallel_loop3A_1341, %parallel_loop3A_1342] {strides = array<i32>} : memref<32x4x128xf32, #tpu.memory_space<vmem>>, vector<16xf32>,
        tpu.vector_store %arg12[%parallel_loop3A_1340, %parallel_loop3A_1341, %parallel_loop3A_1342], %parallel_loop3A_1338 {strides = array<i32>} : memref<32x4x128xf32, #tpu.memory_space<vmem>>, vector<16xf32>,
        %parallel_loop3A_1344 = arith.index_cast %parallel_loop3A_1325 : i32 to index
        %parallel_loop3A_1345 = arith.constant 32 : index
        %parallel_loop3A_1346 = tpu.vector_load %arg10[%parallel_loop3A_1344, %parallel_loop3A_1345] {strides = array<i32>} : memref<128x128xf32, #tpu.memory_space<vmem>>, vector<16xf32>,
        %parallel_loop3A_1347 = arith.addf %parallel_loop3A_1346, %get3A_1096 : vector<16xf32>
        %parallel_loop3A_1348 = arith.constant 0 : i32
        %parallel_loop3A_1349 = arith.index_cast %parallel_loop3A_1321 : i32 to index
        %parallel_loop3A_1350 = arith.index_cast %parallel_loop3A_1348 : i32 to index
        %parallel_loop3A_1351 = arith.constant 32 : index
        %parallel_loop3A_1352 = tpu.vector_load %arg12[%parallel_loop3A_1349, %parallel_loop3A_1350, %parallel_loop3A_1351] {strides = array<i32>} : memref<32x4x128xf32, #tpu.memory_space<vmem>>, vector<16xf32>,
        tpu.vector_store %arg12[%parallel_loop3A_1349, %parallel_loop3A_1350, %parallel_loop3A_1351], %parallel_loop3A_1347 {strides = array<i32>} : memref<32x4x128xf32, #tpu.memory_space<vmem>>, vector<16xf32>,
        %parallel_loop3A_1353 = arith.index_cast %parallel_loop3A_1325 : i32 to index
        %parallel_loop3A_1354 = arith.constant 48 : index
        %parallel_loop3A_1355 = tpu.vector_load %arg10[%parallel_loop3A_1353, %parallel_loop3A_1354] {strides = array<i32>} : memref<128x128xf32, #tpu.memory_space<vmem>>, vector<16xf32>,
        %parallel_loop3A_1356 = arith.addf %parallel_loop3A_1355, %get3A_1103 : vector<16xf32>
        %parallel_loop3A_1357 = arith.constant 0 : i32
        %parallel_loop3A_1358 = arith.index_cast %parallel_loop3A_1321 : i32 to index
        %parallel_loop3A_1359 = arith.index_cast %parallel_loop3A_1357 : i32 to index
        %parallel_loop3A_1360 = arith.constant 48 : index
        %parallel_loop3A_1361 = tpu.vector_load %arg12[%parallel_loop3A_1358, %parallel_loop3A_1359, %parallel_loop3A_1360] {strides = array<i32>} : memref<32x4x128xf32, #tpu.memory_space<vmem>>, vector<16xf32>,
        tpu.vector_store %arg12[%parallel_loop3A_1358, %parallel_loop3A_1359, %parallel_loop3A_1360], %parallel_loop3A_1356 {strides = array<i32>} : memref<32x4x128xf32, #tpu.memory_space<vmem>>, vector<16xf32>,
        %parallel_loop3A_1362 = arith.index_cast %parallel_loop3A_1325 : i32 to index
        %parallel_loop3A_1363 = arith.constant 64 : index
        %parallel_loop3A_1364 = tpu.vector_load %arg10[%parallel_loop3A_1362, %parallel_loop3A_1363] {strides = array<i32>} : memref<128x128xf32, #tpu.memory_space<vmem>>, vector<16xf32>,
        %parallel_loop3A_1365 = arith.addf %parallel_loop3A_1364, %get3A_1110 : vector<16xf32>
        %parallel_loop3A_1366 = arith.constant 0 : i32
        %parallel_loop3A_1367 = arith.index_cast %parallel_loop3A_1321 : i32 to index
        %parallel_loop3A_1368 = arith.index_cast %parallel_loop3A_1366 : i32 to index
        %parallel_loop3A_1369 = arith.constant 64 : index
        %parallel_loop3A_1370 = tpu.vector_load %arg12[%parallel_loop3A_1367, %parallel_loop3A_1368, %parallel_loop3A_1369] {strides = array<i32>} : memref<32x4x128xf32, #tpu.memory_space<vmem>>, vector<16xf32>,
        tpu.vector_store %arg12[%parallel_loop3A_1367, %parallel_loop3A_1368, %parallel_loop3A_1369], %parallel_loop3A_1365 {strides = array<i32>} : memref<32x4x128xf32, #tpu.memory_space<vmem>>, vector<16xf32>,
        %parallel_loop3A_1371 = arith.index_cast %parallel_loop3A_1325 : i32 to index
        %parallel_loop3A_1372 = arith.constant 80 : index
        %parallel_loop3A_1373 = tpu.vector_load %arg10[%parallel_loop3A_1371, %parallel_loop3A_1372] {strides = array<i32>} : memref<128x128xf32, #tpu.memory_space<vmem>>, vector<16xf32>,
        %parallel_loop3A_1374 = arith.addf %parallel_loop3A_1373, %get3A_1117 : vector<16xf32>
        %parallel_loop3A_1375 = arith.constant 0 : i32
        %parallel_loop3A_1376 = arith.index_cast %parallel_loop3A_1321 : i32 to index
        %parallel_loop3A_1377 = arith.index_cast %parallel_loop3A_1375 : i32 to index
        %parallel_loop3A_1378 = arith.constant 80 : index
        %parallel_loop3A_1379 = tpu.vector_load %arg12[%parallel_loop3A_1376, %parallel_loop3A_1377, %parallel_loop3A_1378] {strides = array<i32>} : memref<32x4x128xf32, #tpu.memory_space<vmem>>, vector<16xf32>,
        tpu.vector_store %arg12[%parallel_loop3A_1376, %parallel_loop3A_1377, %parallel_loop3A_1378], %parallel_loop3A_1374 {strides = array<i32>} : memref<32x4x128xf32, #tpu.memory_space<vmem>>, vector<16xf32>,
        %parallel_loop3A_1380 = arith.index_cast %parallel_loop3A_1325 : i32 to index
        %parallel_loop3A_1381 = arith.constant 96 : index
        %parallel_loop3A_1382 = tpu.vector_load %arg10[%parallel_loop3A_1380, %parallel_loop3A_1381] {strides = array<i32>} : memref<128x128xf32, #tpu.memory_space<vmem>>, vector<16xf32>,
        %parallel_loop3A_1383 = arith.addf %parallel_loop3A_1382, %get3A_1124 : vector<16xf32>
        %parallel_loop3A_1384 = arith.constant 0 : i32
        %parallel_loop3A_1385 = arith.index_cast %parallel_loop3A_1321 : i32 to index
        %parallel_loop3A_1386 = arith.index_cast %parallel_loop3A_1384 : i32 to index
        %parallel_loop3A_1387 = arith.constant 96 : index
        %parallel_loop3A_1388 = tpu.vector_load %arg12[%parallel_loop3A_1385, %parallel_loop3A_1386, %parallel_loop3A_1387] {strides = array<i32>} : memref<32x4x128xf32, #tpu.memory_space<vmem>>, vector<16xf32>,
        tpu.vector_store %arg12[%parallel_loop3A_1385, %parallel_loop3A_1386, %parallel_loop3A_1387], %parallel_loop3A_1383 {strides = array<i32>} : memref<32x4x128xf32, #tpu.memory_space<vmem>>, vector<16xf32>,
        %parallel_loop3A_1389 = arith.index_cast %parallel_loop3A_1325 : i32 to index
        %parallel_loop3A_1390 = arith.constant 112 : index
        %parallel_loop3A_1391 = tpu.vector_load %arg10[%parallel_loop3A_1389, %parallel_loop3A_1390] {strides = array<i32>} : memref<128x128xf32, #tpu.memory_space<vmem>>, vector<16xf32>,
        %parallel_loop3A_1392 = arith.addf %parallel_loop3A_1391, %get3A_1131 : vector<16xf32>
        %parallel_loop3A_1393 = arith.constant 0 : i32
        %parallel_loop3A_1394 = arith.index_cast %parallel_loop3A_1321 : i32 to index
        %parallel_loop3A_1395 = arith.index_cast %parallel_loop3A_1393 : i32 to index
        %parallel_loop3A_1396 = arith.constant 112 : index
        %parallel_loop3A_1397 = tpu.vector_load %arg12[%parallel_loop3A_1394, %parallel_loop3A_1395, %parallel_loop3A_1396] {strides = array<i32>} : memref<32x4x128xf32, #tpu.memory_space<vmem>>, vector<16xf32>,
        tpu.vector_store %arg12[%parallel_loop3A_1394, %parallel_loop3A_1395, %parallel_loop3A_1396], %parallel_loop3A_1392 {strides = array<i32>} : memref<32x4x128xf32, #tpu.memory_space<vmem>>, vector<16xf32>,
        %parallel_loop3A_1398 = arith.constant 4 : i32
        %parallel_loop3A_1399 = arith.muli %parallel_loop3A_1398, %parallel_loop3A_1321 : i32
        %parallel_loop3A_1400 = arith.constant 1 : i32
        %parallel_loop3A_1401 = arith.addi %parallel_loop3A_1399, %parallel_loop3A_1400 : i32
        %parallel_loop3A_1402 = arith.index_cast %parallel_loop3A_1401 : i32 to index
        %parallel_loop3A_1403 = arith.constant 0 : index
        %parallel_loop3A_1404 = tpu.vector_load %arg10[%parallel_loop3A_1402, %parallel_loop3A_1403] {strides = array<i32>} : memref<128x128xf32, #tpu.memory_space<vmem>>, vector<16xf32>,
        %parallel_loop3A_1405 = arith.addf %parallel_loop3A_1404, %get3A_1138 : vector<16xf32>
        %parallel_loop3A_1406 = arith.constant 1 : i32
        %parallel_loop3A_1407 = arith.index_cast %parallel_loop3A_1321 : i32 to index
        %parallel_loop3A_1408 = arith.index_cast %parallel_loop3A_1406 : i32 to index
        %parallel_loop3A_1409 = arith.constant 0 : index
        %parallel_loop3A_1410 = tpu.vector_load %arg12[%parallel_loop3A_1407, %parallel_loop3A_1408, %parallel_loop3A_1409] {strides = array<i32>} : memref<32x4x128xf32, #tpu.memory_space<vmem>>, vector<16xf32>,
        tpu.vector_store %arg12[%parallel_loop3A_1407, %parallel_loop3A_1408, %parallel_loop3A_1409], %parallel_loop3A_1405 {strides = array<i32>} : memref<32x4x128xf32, #tpu.memory_space<vmem>>, vector<16xf32>,
        %parallel_loop3A_1411 = arith.index_cast %parallel_loop3A_1401 : i32 to index
        %parallel_loop3A_1412 = arith.constant 16 : index
        %parallel_loop3A_1413 = tpu.vector_load %arg10[%parallel_loop3A_1411, %parallel_loop3A_1412] {strides = array<i32>} : memref<128x128xf32, #tpu.memory_space<vmem>>, vector<16xf32>,
        %parallel_loop3A_1414 = arith.addf %parallel_loop3A_1413, %get3A_1145 : vector<16xf32>
        %parallel_loop3A_1415 = arith.constant 1 : i32
        %parallel_loop3A_1416 = arith.index_cast %parallel_loop3A_1321 : i32 to index
        %parallel_loop3A_1417 = arith.index_cast %parallel_loop3A_1415 : i32 to index
        %parallel_loop3A_1418 = arith.constant 16 : index
        %parallel_loop3A_1419 = tpu.vector_load %arg12[%parallel_loop3A_1416, %parallel_loop3A_1417, %parallel_loop3A_1418] {strides = array<i32>} : memref<32x4x128xf32, #tpu.memory_space<vmem>>, vector<16xf32>,
        tpu.vector_store %arg12[%parallel_loop3A_1416, %parallel_loop3A_1417, %parallel_loop3A_1418], %parallel_loop3A_1414 {strides = array<i32>} : memref<32x4x128xf32, #tpu.memory_space<vmem>>, vector<16xf32>,
        %parallel_loop3A_1420 = arith.index_cast %parallel_loop3A_1401 : i32 to index
        %parallel_loop3A_1421 = arith.constant 32 : index
        %parallel_loop3A_1422 = tpu.vector_load %arg10[%parallel_loop3A_1420, %parallel_loop3A_1421] {strides = array<i32>} : memref<128x128xf32, #tpu.memory_space<vmem>>, vector<16xf32>,
        %parallel_loop3A_1423 = arith.addf %parallel_loop3A_1422, %get3A_1152 : vector<16xf32>
        %parallel_loop3A_1424 = arith.constant 1 : i32
        %parallel_loop3A_1425 = arith.index_cast %parallel_loop3A_1321 : i32 to index
        %parallel_loop3A_1426 = arith.index_cast %parallel_loop3A_1424 : i32 to index
        %parallel_loop3A_1427 = arith.constant 32 : index
        %parallel_loop3A_1428 = tpu.vector_load %arg12[%parallel_loop3A_1425, %parallel_loop3A_1426, %parallel_loop3A_1427] {strides = array<i32>} : memref<32x4x128xf32, #tpu.memory_space<vmem>>, vector<16xf32>,
        tpu.vector_store %arg12[%parallel_loop3A_1425, %parallel_loop3A_1426, %parallel_loop3A_1427], %parallel_loop3A_1423 {strides = array<i32>} : memref<32x4x128xf32, #tpu.memory_space<vmem>>, vector<16xf32>,
        %parallel_loop3A_1429 = arith.index_cast %parallel_loop3A_1401 : i32 to index
        %parallel_loop3A_1430 = arith.constant 48 : index
        %parallel_loop3A_1431 = tpu.vector_load %arg10[%parallel_loop3A_1429, %parallel_loop3A_1430] {strides = array<i32>} : memref<128x128xf32, #tpu.memory_space<vmem>>, vector<16xf32>,
        %parallel_loop3A_1432 = arith.addf %parallel_loop3A_1431, %get3A_1159 : vector<16xf32>
        %parallel_loop3A_1433 = arith.constant 1 : i32
        %parallel_loop3A_1434 = arith.index_cast %parallel_loop3A_1321 : i32 to index
        %parallel_loop3A_1435 = arith.index_cast %parallel_loop3A_1433 : i32 to index
        %parallel_loop3A_1436 = arith.constant 48 : index
        %parallel_loop3A_1437 = tpu.vector_load %arg12[%parallel_loop3A_1434, %parallel_loop3A_1435, %parallel_loop3A_1436] {strides = array<i32>} : memref<32x4x128xf32, #tpu.memory_space<vmem>>, vector<16xf32>,
        tpu.vector_store %arg12[%parallel_loop3A_1434, %parallel_loop3A_1435, %parallel_loop3A_1436], %parallel_loop3A_1432 {strides = array<i32>} : memref<32x4x128xf32, #tpu.memory_space<vmem>>, vector<16xf32>,
        %parallel_loop3A_1438 = arith.index_cast %parallel_loop3A_1401 : i32 to index
        %parallel_loop3A_1439 = arith.constant 64 : index
        %parallel_loop3A_1440 = tpu.vector_load %arg10[%parallel_loop3A_1438, %parallel_loop3A_1439] {strides = array<i32>} : memref<128x128xf32, #tpu.memory_space<vmem>>, vector<16xf32>,
        %parallel_loop3A_1441 = arith.addf %parallel_loop3A_1440, %get3A_1166 : vector<16xf32>
        %parallel_loop3A_1442 = arith.constant 1 : i32
        %parallel_loop3A_1443 = arith.index_cast %parallel_loop3A_1321 : i32 to index
        %parallel_loop3A_1444 = arith.index_cast %parallel_loop3A_1442 : i32 to index
        %parallel_loop3A_1445 = arith.constant 64 : index
        %parallel_loop3A_1446 = tpu.vector_load %arg12[%parallel_loop3A_1443, %parallel_loop3A_1444, %parallel_loop3A_1445] {strides = array<i32>} : memref<32x4x128xf32, #tpu.memory_space<vmem>>, vector<16xf32>,
        tpu.vector_store %arg12[%parallel_loop3A_1443, %parallel_loop3A_1444, %parallel_loop3A_1445], %parallel_loop3A_1441 {strides = array<i32>} : memref<32x4x128xf32, #tpu.memory_space<vmem>>, vector<16xf32>,
        %parallel_loop3A_1447 = arith.index_cast %parallel_loop3A_1401 : i32 to index
        %parallel_loop3A_1448 = arith.constant 80 : index
        %parallel_loop3A_1449 = tpu.vector_load %arg10[%parallel_loop3A_1447, %parallel_loop3A_1448] {strides = array<i32>} : memref<128x128xf32, #tpu.memory_space<vmem>>, vector<16xf32>,
        %parallel_loop3A_1450 = arith.addf %parallel_loop3A_1449, %get3A_1173 : vector<16xf32>
        %parallel_loop3A_1451 = arith.constant 1 : i32
        %parallel_loop3A_1452 = arith.index_cast %parallel_loop3A_1321 : i32 to index
        %parallel_loop3A_1453 = arith.index_cast %parallel_loop3A_1451 : i32 to index
        %parallel_loop3A_1454 = arith.constant 80 : index
        %parallel_loop3A_1455 = tpu.vector_load %arg12[%parallel_loop3A_1452, %parallel_loop3A_1453, %parallel_loop3A_1454] {strides = array<i32>} : memref<32x4x128xf32, #tpu.memory_space<vmem>>, vector<16xf32>,
        tpu.vector_store %arg12[%parallel_loop3A_1452, %parallel_loop3A_1453, %parallel_loop3A_1454], %parallel_loop3A_1450 {strides = array<i32>} : memref<32x4x128xf32, #tpu.memory_space<vmem>>, vector<16xf32>,
        %parallel_loop3A_1456 = arith.index_cast %parallel_loop3A_1401 : i32 to index
        %parallel_loop3A_1457 = arith.constant 96 : index
        %parallel_loop3A_1458 = tpu.vector_load %arg10[%parallel_loop3A_1456, %parallel_loop3A_1457] {strides = array<i32>} : memref<128x128xf32, #tpu.memory_space<vmem>>, vector<16xf32>,
        %parallel_loop3A_1459 = arith.addf %parallel_loop3A_1458, %get3A_1180 : vector<16xf32>
        %parallel_loop3A_1460 = arith.constant 1 : i32
        %parallel_loop3A_1461 = arith.index_cast %parallel_loop3A_1321 : i32 to index
        %parallel_loop3A_1462 = arith.index_cast %parallel_loop3A_1460 : i32 to index
        %parallel_loop3A_1463 = arith.constant 96 : index
        %parallel_loop3A_1464 = tpu.vector_load %arg12[%parallel_loop3A_1461, %parallel_loop3A_1462, %parallel_loop3A_1463] {strides = array<i32>} : memref<32x4x128xf32, #tpu.memory_space<vmem>>, vector<16xf32>,
        tpu.vector_store %arg12[%parallel_loop3A_1461, %parallel_loop3A_1462, %parallel_loop3A_1463], %parallel_loop3A_1459 {strides = array<i32>} : memref<32x4x128xf32, #tpu.memory_space<vmem>>, vector<16xf32>,
        %parallel_loop3A_1465 = arith.index_cast %parallel_loop3A_1401 : i32 to index
        %parallel_loop3A_1466 = arith.constant 112 : index
        %parallel_loop3A_1467 = tpu.vector_load %arg10[%parallel_loop3A_1465, %parallel_loop3A_1466] {strides = array<i32>} : memref<128x128xf32, #tpu.memory_space<vmem>>, vector<16xf32>,
        %parallel_loop3A_1468 = arith.addf %parallel_loop3A_1467, %get3A_1187 : vector<16xf32>
        %parallel_loop3A_1469 = arith.constant 1 : i32
        %parallel_loop3A_1470 = arith.index_cast %parallel_loop3A_1321 : i32 to index
        %parallel_loop3A_1471 = arith.index_cast %parallel_loop3A_1469 : i32 to index
        %parallel_loop3A_1472 = arith.constant 112 : index
        %parallel_loop3A_1473 = tpu.vector_load %arg12[%parallel_loop3A_1470, %parallel_loop3A_1471, %parallel_loop3A_1472] {strides = array<i32>} : memref<32x4x128xf32, #tpu.memory_space<vmem>>, vector<16xf32>,
        tpu.vector_store %arg12[%parallel_loop3A_1470, %parallel_loop3A_1471, %parallel_loop3A_1472], %parallel_loop3A_1468 {strides = array<i32>} : memref<32x4x128xf32, #tpu.memory_space<vmem>>, vector<16xf32>,
        %parallel_loop3A_1474 = arith.constant 4 : i32
        %parallel_loop3A_1475 = arith.muli %parallel_loop3A_1474, %parallel_loop3A_1321 : i32
        %parallel_loop3A_1476 = arith.constant 2 : i32
        %parallel_loop3A_1477 = arith.addi %parallel_loop3A_1475, %parallel_loop3A_1476 : i32
        %parallel_loop3A_1478 = arith.index_cast %parallel_loop3A_1477 : i32 to index
        %parallel_loop3A_1479 = arith.constant 0 : index
        %parallel_loop3A_1480 = tpu.vector_load %arg10[%parallel_loop3A_1478, %parallel_loop3A_1479] {strides = array<i32>} : memref<128x128xf32, #tpu.memory_space<vmem>>, vector<16xf32>,
        %parallel_loop3A_1481 = arith.addf %parallel_loop3A_1480, %get3A_1194 : vector<16xf32>
        %parallel_loop3A_1482 = arith.constant 2 : i32
        %parallel_loop3A_1483 = arith.index_cast %parallel_loop3A_1321 : i32 to index
        %parallel_loop3A_1484 = arith.index_cast %parallel_loop3A_1482 : i32 to index
        %parallel_loop3A_1485 = arith.constant 0 : index
        %parallel_loop3A_1486 = tpu.vector_load %arg12[%parallel_loop3A_1483, %parallel_loop3A_1484, %parallel_loop3A_1485] {strides = array<i32>} : memref<32x4x128xf32, #tpu.memory_space<vmem>>, vector<16xf32>,
        tpu.vector_store %arg12[%parallel_loop3A_1483, %parallel_loop3A_1484, %parallel_loop3A_1485], %parallel_loop3A_1481 {strides = array<i32>} : memref<32x4x128xf32, #tpu.memory_space<vmem>>, vector<16xf32>,
        %parallel_loop3A_1487 = arith.index_cast %parallel_loop3A_1477 : i32 to index
        %parallel_loop3A_1488 = arith.constant 16 : index
        %parallel_loop3A_1489 = tpu.vector_load %arg10[%parallel_loop3A_1487, %parallel_loop3A_1488] {strides = array<i32>} : memref<128x128xf32, #tpu.memory_space<vmem>>, vector<16xf32>,
        %parallel_loop3A_1490 = arith.addf %parallel_loop3A_1489, %get3A_1201 : vector<16xf32>
        %parallel_loop3A_1491 = arith.constant 2 : i32
        %parallel_loop3A_1492 = arith.index_cast %parallel_loop3A_1321 : i32 to index
        %parallel_loop3A_1493 = arith.index_cast %parallel_loop3A_1491 : i32 to index
        %parallel_loop3A_1494 = arith.constant 16 : index
        %parallel_loop3A_1495 = tpu.vector_load %arg12[%parallel_loop3A_1492, %parallel_loop3A_1493, %parallel_loop3A_1494] {strides = array<i32>} : memref<32x4x128xf32, #tpu.memory_space<vmem>>, vector<16xf32>,
        tpu.vector_store %arg12[%parallel_loop3A_1492, %parallel_loop3A_1493, %parallel_loop3A_1494], %parallel_loop3A_1490 {strides = array<i32>} : memref<32x4x128xf32, #tpu.memory_space<vmem>>, vector<16xf32>,
        %parallel_loop3A_1496 = arith.index_cast %parallel_loop3A_1477 : i32 to index
        %parallel_loop3A_1497 = arith.constant 32 : index
        %parallel_loop3A_1498 = tpu.vector_load %arg10[%parallel_loop3A_1496, %parallel_loop3A_1497] {strides = array<i32>} : memref<128x128xf32, #tpu.memory_space<vmem>>, vector<16xf32>,
        %parallel_loop3A_1499 = arith.addf %parallel_loop3A_1498, %get3A_1208 : vector<16xf32>
        %parallel_loop3A_1500 = arith.constant 2 : i32
        %parallel_loop3A_1501 = arith.index_cast %parallel_loop3A_1321 : i32 to index
        %parallel_loop3A_1502 = arith.index_cast %parallel_loop3A_1500 : i32 to index
        %parallel_loop3A_1503 = arith.constant 32 : index
        %parallel_loop3A_1504 = tpu.vector_load %arg12[%parallel_loop3A_1501, %parallel_loop3A_1502, %parallel_loop3A_1503] {strides = array<i32>} : memref<32x4x128xf32, #tpu.memory_space<vmem>>, vector<16xf32>,
        tpu.vector_store %arg12[%parallel_loop3A_1501, %parallel_loop3A_1502, %parallel_loop3A_1503], %parallel_loop3A_1499 {strides = array<i32>} : memref<32x4x128xf32, #tpu.memory_space<vmem>>, vector<16xf32>,
        %parallel_loop3A_1505 = arith.index_cast %parallel_loop3A_1477 : i32 to index
        %parallel_loop3A_1506 = arith.constant 48 : index
        %parallel_loop3A_1507 = tpu.vector_load %arg10[%parallel_loop3A_1505, %parallel_loop3A_1506] {strides = array<i32>} : memref<128x128xf32, #tpu.memory_space<vmem>>, vector<16xf32>,
        %parallel_loop3A_1508 = arith.addf %parallel_loop3A_1507, %get3A_1215 : vector<16xf32>
        %parallel_loop3A_1509 = arith.constant 2 : i32
        %parallel_loop3A_1510 = arith.index_cast %parallel_loop3A_1321 : i32 to index
        %parallel_loop3A_1511 = arith.index_cast %parallel_loop3A_1509 : i32 to index
        %parallel_loop3A_1512 = arith.constant 48 : index
        %parallel_loop3A_1513 = tpu.vector_load %arg12[%parallel_loop3A_1510, %parallel_loop3A_1511, %parallel_loop3A_1512] {strides = array<i32>} : memref<32x4x128xf32, #tpu.memory_space<vmem>>, vector<16xf32>,
        tpu.vector_store %arg12[%parallel_loop3A_1510, %parallel_loop3A_1511, %parallel_loop3A_1512], %parallel_loop3A_1508 {strides = array<i32>} : memref<32x4x128xf32, #tpu.memory_space<vmem>>, vector<16xf32>,
        %parallel_loop3A_1514 = arith.index_cast %parallel_loop3A_1477 : i32 to index
        %parallel_loop3A_1515 = arith.constant 64 : index
        %parallel_loop3A_1516 = tpu.vector_load %arg10[%parallel_loop3A_1514, %parallel_loop3A_1515] {strides = array<i32>} : memref<128x128xf32, #tpu.memory_space<vmem>>, vector<16xf32>,
        %parallel_loop3A_1517 = arith.addf %parallel_loop3A_1516, %get3A_1222 : vector<16xf32>
        %parallel_loop3A_1518 = arith.constant 2 : i32
        %parallel_loop3A_1519 = arith.index_cast %parallel_loop3A_1321 : i32 to index
        %parallel_loop3A_1520 = arith.index_cast %parallel_loop3A_1518 : i32 to index
        %parallel_loop3A_1521 = arith.constant 64 : index
        %parallel_loop3A_1522 = tpu.vector_load %arg12[%parallel_loop3A_1519, %parallel_loop3A_1520, %parallel_loop3A_1521] {strides = array<i32>} : memref<32x4x128xf32, #tpu.memory_space<vmem>>, vector<16xf32>,
        tpu.vector_store %arg12[%parallel_loop3A_1519, %parallel_loop3A_1520, %parallel_loop3A_1521], %parallel_loop3A_1517 {strides = array<i32>} : memref<32x4x128xf32, #tpu.memory_space<vmem>>, vector<16xf32>,
        %parallel_loop3A_1523 = arith.index_cast %parallel_loop3A_1477 : i32 to index
        %parallel_loop3A_1524 = arith.constant 80 : index
        %parallel_loop3A_1525 = tpu.vector_load %arg10[%parallel_loop3A_1523, %parallel_loop3A_1524] {strides = array<i32>} : memref<128x128xf32, #tpu.memory_space<vmem>>, vector<16xf32>,
        %parallel_loop3A_1526 = arith.addf %parallel_loop3A_1525, %get3A_1229 : vector<16xf32>
        %parallel_loop3A_1527 = arith.constant 2 : i32
        %parallel_loop3A_1528 = arith.index_cast %parallel_loop3A_1321 : i32 to index
        %parallel_loop3A_1529 = arith.index_cast %parallel_loop3A_1527 : i32 to index
        %parallel_loop3A_1530 = arith.constant 80 : index
        %parallel_loop3A_1531 = tpu.vector_load %arg12[%parallel_loop3A_1528, %parallel_loop3A_1529, %parallel_loop3A_1530] {strides = array<i32>} : memref<32x4x128xf32, #tpu.memory_space<vmem>>, vector<16xf32>,
        tpu.vector_store %arg12[%parallel_loop3A_1528, %parallel_loop3A_1529, %parallel_loop3A_1530], %parallel_loop3A_1526 {strides = array<i32>} : memref<32x4x128xf32, #tpu.memory_space<vmem>>, vector<16xf32>,
        %parallel_loop3A_1532 = arith.index_cast %parallel_loop3A_1477 : i32 to index
        %parallel_loop3A_1533 = arith.constant 96 : index
        %parallel_loop3A_1534 = tpu.vector_load %arg10[%parallel_loop3A_1532, %parallel_loop3A_1533] {strides = array<i32>} : memref<128x128xf32, #tpu.memory_space<vmem>>, vector<16xf32>,
        %parallel_loop3A_1535 = arith.addf %parallel_loop3A_1534, %get3A_1236 : vector<16xf32>
        %parallel_loop3A_1536 = arith.constant 2 : i32
        %parallel_loop3A_1537 = arith.index_cast %parallel_loop3A_1321 : i32 to index
        %parallel_loop3A_1538 = arith.index_cast %parallel_loop3A_1536 : i32 to index
        %parallel_loop3A_1539 = arith.constant 96 : index
        %parallel_loop3A_1540 = tpu.vector_load %arg12[%parallel_loop3A_1537, %parallel_loop3A_1538, %parallel_loop3A_1539] {strides = array<i32>} : memref<32x4x128xf32, #tpu.memory_space<vmem>>, vector<16xf32>,
        tpu.vector_store %arg12[%parallel_loop3A_1537, %parallel_loop3A_1538, %parallel_loop3A_1539], %parallel_loop3A_1535 {strides = array<i32>} : memref<32x4x128xf32, #tpu.memory_space<vmem>>, vector<16xf32>,
        %parallel_loop3A_1541 = arith.index_cast %parallel_loop3A_1477 : i32 to index
        %parallel_loop3A_1542 = arith.constant 112 : index
        %parallel_loop3A_1543 = tpu.vector_load %arg10[%parallel_loop3A_1541, %parallel_loop3A_1542] {strides = array<i32>} : memref<128x128xf32, #tpu.memory_space<vmem>>, vector<16xf32>,
        %parallel_loop3A_1544 = arith.addf %parallel_loop3A_1543, %get3A_1243 : vector<16xf32>
        %parallel_loop3A_1545 = arith.constant 2 : i32
        %parallel_loop3A_1546 = arith.index_cast %parallel_loop3A_1321 : i32 to index
        %parallel_loop3A_1547 = arith.index_cast %parallel_loop3A_1545 : i32 to index
        %parallel_loop3A_1548 = arith.constant 112 : index
        %parallel_loop3A_1549 = tpu.vector_load %arg12[%parallel_loop3A_1546, %parallel_loop3A_1547, %parallel_loop3A_1548] {strides = array<i32>} : memref<32x4x128xf32, #tpu.memory_space<vmem>>, vector<16xf32>,
        tpu.vector_store %arg12[%parallel_loop3A_1546, %parallel_loop3A_1547, %parallel_loop3A_1548], %parallel_loop3A_1544 {strides = array<i32>} : memref<32x4x128xf32, #tpu.memory_space<vmem>>, vector<16xf32>,
        %parallel_loop3A_1550 = arith.constant 4 : i32
        %parallel_loop3A_1551 = arith.muli %parallel_loop3A_1550, %parallel_loop3A_1321 : i32
        %parallel_loop3A_1552 = arith.constant 3 : i32
        %parallel_loop3A_1553 = arith.addi %parallel_loop3A_1551, %parallel_loop3A_1552 : i32
        %parallel_loop3A_1554 = arith.index_cast %parallel_loop3A_1553 : i32 to index
        %parallel_loop3A_1555 = arith.constant 0 : index
        %parallel_loop3A_1556 = tpu.vector_load %arg10[%parallel_loop3A_1554, %parallel_loop3A_1555] {strides = array<i32>} : memref<128x128xf32, #tpu.memory_space<vmem>>, vector<16xf32>,
        %parallel_loop3A_1557 = arith.addf %parallel_loop3A_1556, %get3A_1250 : vector<16xf32>
        %parallel_loop3A_1558 = arith.constant 3 : i32
        %parallel_loop3A_1559 = arith.index_cast %parallel_loop3A_1321 : i32 to index
        %parallel_loop3A_1560 = arith.index_cast %parallel_loop3A_1558 : i32 to index
        %parallel_loop3A_1561 = arith.constant 0 : index
        %parallel_loop3A_1562 = tpu.vector_load %arg12[%parallel_loop3A_1559, %parallel_loop3A_1560, %parallel_loop3A_1561] {strides = array<i32>} : memref<32x4x128xf32, #tpu.memory_space<vmem>>, vector<16xf32>,
        tpu.vector_store %arg12[%parallel_loop3A_1559, %parallel_loop3A_1560, %parallel_loop3A_1561], %parallel_loop3A_1557 {strides = array<i32>} : memref<32x4x128xf32, #tpu.memory_space<vmem>>, vector<16xf32>,
        %parallel_loop3A_1563 = arith.index_cast %parallel_loop3A_1553 : i32 to index
        %parallel_loop3A_1564 = arith.constant 16 : index
        %parallel_loop3A_1565 = tpu.vector_load %arg10[%parallel_loop3A_1563, %parallel_loop3A_1564] {strides = array<i32>} : memref<128x128xf32, #tpu.memory_space<vmem>>, vector<16xf32>,
        %parallel_loop3A_1566 = arith.addf %parallel_loop3A_1565, %get3A_1257 : vector<16xf32>
        %parallel_loop3A_1567 = arith.constant 3 : i32
        %parallel_loop3A_1568 = arith.index_cast %parallel_loop3A_1321 : i32 to index
        %parallel_loop3A_1569 = arith.index_cast %parallel_loop3A_1567 : i32 to index
        %parallel_loop3A_1570 = arith.constant 16 : index
        %parallel_loop3A_1571 = tpu.vector_load %arg12[%parallel_loop3A_1568, %parallel_loop3A_1569, %parallel_loop3A_1570] {strides = array<i32>} : memref<32x4x128xf32, #tpu.memory_space<vmem>>, vector<16xf32>,
        tpu.vector_store %arg12[%parallel_loop3A_1568, %parallel_loop3A_1569, %parallel_loop3A_1570], %parallel_loop3A_1566 {strides = array<i32>} : memref<32x4x128xf32, #tpu.memory_space<vmem>>, vector<16xf32>,
        %parallel_loop3A_1572 = arith.index_cast %parallel_loop3A_1553 : i32 to index
        %parallel_loop3A_1573 = arith.constant 32 : index
        %parallel_loop3A_1574 = tpu.vector_load %arg10[%parallel_loop3A_1572, %parallel_loop3A_1573] {strides = array<i32>} : memref<128x128xf32, #tpu.memory_space<vmem>>, vector<16xf32>,
        %parallel_loop3A_1575 = arith.addf %parallel_loop3A_1574, %get3A_1264 : vector<16xf32>
        %parallel_loop3A_1576 = arith.constant 3 : i32
        %parallel_loop3A_1577 = arith.index_cast %parallel_loop3A_1321 : i32 to index
        %parallel_loop3A_1578 = arith.index_cast %parallel_loop3A_1576 : i32 to index
        %parallel_loop3A_1579 = arith.constant 32 : index
        %parallel_loop3A_1580 = tpu.vector_load %arg12[%parallel_loop3A_1577, %parallel_loop3A_1578, %parallel_loop3A_1579] {strides = array<i32>} : memref<32x4x128xf32, #tpu.memory_space<vmem>>, vector<16xf32>,
        tpu.vector_store %arg12[%parallel_loop3A_1577, %parallel_loop3A_1578, %parallel_loop3A_1579], %parallel_loop3A_1575 {strides = array<i32>} : memref<32x4x128xf32, #tpu.memory_space<vmem>>, vector<16xf32>,
        %parallel_loop3A_1581 = arith.index_cast %parallel_loop3A_1553 : i32 to index
        %parallel_loop3A_1582 = arith.constant 48 : index
        %parallel_loop3A_1583 = tpu.vector_load %arg10[%parallel_loop3A_1581, %parallel_loop3A_1582] {strides = array<i32>} : memref<128x128xf32, #tpu.memory_space<vmem>>, vector<16xf32>,
        %parallel_loop3A_1584 = arith.addf %parallel_loop3A_1583, %get3A_1271 : vector<16xf32>
        %parallel_loop3A_1585 = arith.constant 3 : i32
        %parallel_loop3A_1586 = arith.index_cast %parallel_loop3A_1321 : i32 to index
        %parallel_loop3A_1587 = arith.index_cast %parallel_loop3A_1585 : i32 to index
        %parallel_loop3A_1588 = arith.constant 48 : index
        %parallel_loop3A_1589 = tpu.vector_load %arg12[%parallel_loop3A_1586, %parallel_loop3A_1587, %parallel_loop3A_1588] {strides = array<i32>} : memref<32x4x128xf32, #tpu.memory_space<vmem>>, vector<16xf32>,
        tpu.vector_store %arg12[%parallel_loop3A_1586, %parallel_loop3A_1587, %parallel_loop3A_1588], %parallel_loop3A_1584 {strides = array<i32>} : memref<32x4x128xf32, #tpu.memory_space<vmem>>, vector<16xf32>,
        %parallel_loop3A_1590 = arith.index_cast %parallel_loop3A_1553 : i32 to index
        %parallel_loop3A_1591 = arith.constant 64 : index
        %parallel_loop3A_1592 = tpu.vector_load %arg10[%parallel_loop3A_1590, %parallel_loop3A_1591] {strides = array<i32>} : memref<128x128xf32, #tpu.memory_space<vmem>>, vector<16xf32>,
        %parallel_loop3A_1593 = arith.addf %parallel_loop3A_1592, %get3A_1278 : vector<16xf32>
        %parallel_loop3A_1594 = arith.constant 3 : i32
        %parallel_loop3A_1595 = arith.index_cast %parallel_loop3A_1321 : i32 to index
        %parallel_loop3A_1596 = arith.index_cast %parallel_loop3A_1594 : i32 to index
        %parallel_loop3A_1597 = arith.constant 64 : index
        %parallel_loop3A_1598 = tpu.vector_load %arg12[%parallel_loop3A_1595, %parallel_loop3A_1596, %parallel_loop3A_1597] {strides = array<i32>} : memref<32x4x128xf32, #tpu.memory_space<vmem>>, vector<16xf32>,
        tpu.vector_store %arg12[%parallel_loop3A_1595, %parallel_loop3A_1596, %parallel_loop3A_1597], %parallel_loop3A_1593 {strides = array<i32>} : memref<32x4x128xf32, #tpu.memory_space<vmem>>, vector<16xf32>,
        %parallel_loop3A_1599 = arith.index_cast %parallel_loop3A_1553 : i32 to index
        %parallel_loop3A_1600 = arith.constant 80 : index
        %parallel_loop3A_1601 = tpu.vector_load %arg10[%parallel_loop3A_1599, %parallel_loop3A_1600] {strides = array<i32>} : memref<128x128xf32, #tpu.memory_space<vmem>>, vector<16xf32>,
        %parallel_loop3A_1602 = arith.addf %parallel_loop3A_1601, %get3A_1285 : vector<16xf32>
        %parallel_loop3A_1603 = arith.constant 3 : i32
        %parallel_loop3A_1604 = arith.index_cast %parallel_loop3A_1321 : i32 to index
        %parallel_loop3A_1605 = arith.index_cast %parallel_loop3A_1603 : i32 to index
        %parallel_loop3A_1606 = arith.constant 80 : index
        %parallel_loop3A_1607 = tpu.vector_load %arg12[%parallel_loop3A_1604, %parallel_loop3A_1605, %parallel_loop3A_1606] {strides = array<i32>} : memref<32x4x128xf32, #tpu.memory_space<vmem>>, vector<16xf32>,
        tpu.vector_store %arg12[%parallel_loop3A_1604, %parallel_loop3A_1605, %parallel_loop3A_1606], %parallel_loop3A_1602 {strides = array<i32>} : memref<32x4x128xf32, #tpu.memory_space<vmem>>, vector<16xf32>,
        %parallel_loop3A_1608 = arith.index_cast %parallel_loop3A_1553 : i32 to index
        %parallel_loop3A_1609 = arith.constant 96 : index
        %parallel_loop3A_1610 = tpu.vector_load %arg10[%parallel_loop3A_1608, %parallel_loop3A_1609] {strides = array<i32>} : memref<128x128xf32, #tpu.memory_space<vmem>>, vector<16xf32>,
        %parallel_loop3A_1611 = arith.addf %parallel_loop3A_1610, %get3A_1292 : vector<16xf32>
        %parallel_loop3A_1612 = arith.constant 3 : i32
        %parallel_loop3A_1613 = arith.index_cast %parallel_loop3A_1321 : i32 to index
        %parallel_loop3A_1614 = arith.index_cast %parallel_loop3A_1612 : i32 to index
        %parallel_loop3A_1615 = arith.constant 96 : index
        %parallel_loop3A_1616 = tpu.vector_load %arg12[%parallel_loop3A_1613, %parallel_loop3A_1614, %parallel_loop3A_1615] {strides = array<i32>} : memref<32x4x128xf32, #tpu.memory_space<vmem>>, vector<16xf32>,
        tpu.vector_store %arg12[%parallel_loop3A_1613, %parallel_loop3A_1614, %parallel_loop3A_1615], %parallel_loop3A_1611 {strides = array<i32>} : memref<32x4x128xf32, #tpu.memory_space<vmem>>, vector<16xf32>,
        %parallel_loop3A_1617 = arith.index_cast %parallel_loop3A_1553 : i32 to index
        %parallel_loop3A_1618 = arith.constant 112 : index
        %parallel_loop3A_1619 = tpu.vector_load %arg10[%parallel_loop3A_1617, %parallel_loop3A_1618] {strides = array<i32>} : memref<128x128xf32, #tpu.memory_space<vmem>>, vector<16xf32>,
        %parallel_loop3A_1620 = arith.addf %parallel_loop3A_1619, %get3A_1299 : vector<16xf32>
        %parallel_loop3A_1621 = arith.constant 3 : i32
        %parallel_loop3A_1622 = arith.index_cast %parallel_loop3A_1321 : i32 to index
        %parallel_loop3A_1623 = arith.index_cast %parallel_loop3A_1621 : i32 to index
        %parallel_loop3A_1624 = arith.constant 112 : index
        %parallel_loop3A_1625 = tpu.vector_load %arg12[%parallel_loop3A_1622, %parallel_loop3A_1623, %parallel_loop3A_1624] {strides = array<i32>} : memref<32x4x128xf32, #tpu.memory_space<vmem>>, vector<16xf32>,
        tpu.vector_store %arg12[%parallel_loop3A_1622, %parallel_loop3A_1623, %parallel_loop3A_1624], %parallel_loop3A_1620 {strides = array<i32>} : memref<32x4x128xf32, #tpu.memory_space<vmem>>, vector<16xf32>,
      } {sc.loop_unroll_factor = 4 : i64, sc.parallel_access}
      %add3A_1312 = arith.constant 96 : i32
      %add3A_1313 = arith.addi %mul3A_2, %add3A_1312 : i32
      %mul3A_1314 = arith.constant 4 : i32
      %mul3A_1315 = arith.muli %scan3A_96, %mul3A_1314 : i32
      %dma_start3A_1316 = arith.constant 0 : i32
      %dma_start3A_1317 = tpu.memref_slice %arg5[%add3A_1313, %mul3A_1315, %dma_start3A_1316] : memref<4096x200x128xf32, #tpu.memory_space<hbm>> -> memref<32x4x128xf32, #tpu.memory_space<hbm>>
      %dma_start3A_1318 = arith.constant 0 : i32
      %dma_start3A_1319 = tpu.memref_slice %arg5[%add3A_1313, %mul3A_1315, %dma_start3A_1318] : memref<4096x200x128xf32, #tpu.memory_space<hbm>> -> memref<32x4x128xf32, #tpu.memory_space<hbm>>
      tpu.enqueue_dma source(%arg12 : memref<32x4x128xf32, #tpu.memory_space<vmem>>) target(%dma_start3A_1319 : memref<32x4x128xf32, #tpu.memory_space<hbm>>) target_semaphore(%arg17 : memref<!tpu.dma_semaphore, #tpu.memory_space<semaphore_mem>>)
      %scan3A_1320 = arith.constant 0 : i32
      scf.yield %scan3A_1320 : i32
    }
    %scan3A_84 = arith.constant 50 : i32
    %dma_wait3A = arith.constant 0 : i32
    %dma_wait3A_85 = arith.constant 0 : i32
    %dma_wait3A_86 = tpu.memref_slice %arg5[%mul3A_2, %dma_wait3A, %dma_wait3A_85] : memref<4096x200x128xf32, #tpu.memory_space<hbm>> -> memref<32x4x128xf32, #tpu.memory_space<hbm>>
    %dma_wait3A_87 = arith.constant 0 : i32
    %dma_wait3A_88 = arith.constant 0 : i32
    %dma_wait3A_89 = tpu.memref_slice %arg5[%mul3A_2, %dma_wait3A_87, %dma_wait3A_88] : memref<4096x200x128xf32, #tpu.memory_space<hbm>> -> memref<32x4x128xf32, #tpu.memory_space<hbm>>
    tpu.wait_dma2 semaphore(%arg16 : memref<!tpu.dma_semaphore, #tpu.memory_space<semaphore_mem>>) src(%arg11 : memref<32x4x128xf32, #tpu.memory_space<vmem>>) dst(%dma_wait3A_89 : memref<32x4x128xf32, #tpu.memory_space<hbm>>)
    %dma_wait3A_90 = arith.constant 0 : i32
    %dma_wait3A_91 = arith.constant 0 : i32
    %dma_wait3A_92 = tpu.memref_slice %arg5[%mul3A_2, %dma_wait3A_90, %dma_wait3A_91] : memref<4096x200x128xf32, #tpu.memory_space<hbm>> -> memref<32x4x128xf32, #tpu.memory_space<hbm>>
    %dma_wait3A_93 = arith.constant 0 : i32
    %dma_wait3A_94 = arith.constant 0 : i32
    %dma_wait3A_95 = tpu.memref_slice %arg5[%mul3A_2, %dma_wait3A_93, %dma_wait3A_94] : memref<4096x200x128xf32, #tpu.memory_space<hbm>> -> memref<32x4x128xf32, #tpu.memory_space<hbm>>
    tpu.wait_dma2 semaphore(%arg17 : memref<!tpu.dma_semaphore, #tpu.memory_space<semaphore_mem>>) src(%arg12 : memref<32x4x128xf32, #tpu.memory_space<vmem>>) dst(%dma_wait3A_95 : memref<32x4x128xf32, #tpu.memory_space<hbm>>)
    return
  }
}

</mosaic_0001>

<sc_bundles>
// kernel: kernel.3.cloned.1.call-start
scs
__scs_entry_jumppad:
0x0: {  	(pc) =	sbr.rel $0x88, $3  }
0x1: {  	(tag) =	ssettag $0x0;
	lr =	simm.s32 $0x1  }
0x2: {  	[smem:$0x3F9E] =	sst lr;
	_ =	strace $0xD0000000  }
0x3: {  	_ = 	snop  }
0x4: {  	_ = 	snop  }
0x5: {  	_ = 	snop  }
0x6: {  	_ = 	snop  }
0x7: {  	_ = 	snop  }
__scs_overlays_trampoline_lowered:
0x8: {  	[smem:$0x3FAD] =	sst s0  }
0x9: {  	[smem:$0x3FAE] =	sst s1  }
0xa: {  	[smem:$0x3FAF] =	sst s2  }
0xb: {  	[smem:$0x3FB0] =	sst s3  }
0xc: {  	[smem:$0x3FB1] =	sst s4  }
0xd: {  	[smem:$0x3FB2] =	sst s5  }
0xe: {  	[smem:$0x3FB3] =	sst s6  }
0xf: {  	[smem:$0x3FB4] =	sst s7  }
0x10: {  	[smem:$0x3FB5] =	sst s8  }
0x11: {  	[smem:$0x3FB6] =	sst s9;
	s0 =	simm.s32 @!p0 $0x0  }
0x12: {  	s1 =	sld [smem:$0x3F9C];
	s0 =	simm.s32 @p0 $0x1  }
0x13: {  	[smem:$0x3FB7] =	sst s0;
	s0 =	simm.s32 @!p1 $0x0  }
0x14: {  	s2 =	sld [smem:$0x3F9B];
	s0 =	simm.s32 @p1 $0x1  }
0x15: {  	[smem:$0x3FB8] =	sst s0;
	s0 =	simm.s32 @!p2 $0x0  }
0x16: {  	s3 =	sld [smem:$0x3FDB];
	s0 =	simm.s32 @p2 $0x1  }
0x17: {  	s4 =	simm.s32 $0x1BF5;
	[smem:$0x3FBA] =	sst s0  }
0x18: {  	s0 =	sld [smem:$0x3F9D];
	_ =	swait.ge [sflag:s4], $0x0  }
0x19: {  	s7 =	sld [smem:$0x3F9E]  }
0x1a: {  	s8 =	sadd.s32 $0xFFFFE003, lr  }
0x1b: {  	s9 =	sadd.s32 $0xFFFFFEF7, lr;
	s5 =	simm.s32 $0xFFFFFFFF;
	p2 =	slt.u32 s8, $0xFFFFF086  }
0x1c: {  	p1 =	slt.u32 s9, $0xF7A;
	s5 =	simm.s32 @!p2 $0x0  }
0x1d: {  	s5 =	simm.s32 @p1 $0x1;
	p0 =	seq.s32 s7, s2  }
0x1e: {  	s7 =	smul.u32 @!p0 $0xF7A, s2;
	p2 =	seq.s32 @!p0 s5, $0x0  }
0x1f: {  	s9 =	smul.u32 $0xF7A, s1;
	s8 =	simm.s32 @!p0 $0x1BF5;
	p2 =	por !p2, p0  }
0x20: {  	[sflag:s8] =	ssyncset.s32 @!p0 $0xFFFFF086;
	s6 =	sadd.s32 @!p0 s3, s7;
	s7 =	simm.s32 @!p0 $0x108  }
0x21: {  	s3 =	sadd.s32 s3, s9;
	s6 =	sadd.s32 @!p0 $0x88, s6;
	s7 =	simm.s32 @p2 $0x1082  }
0x22: {  	[simem:s7], [sflag:s8] =	dma.local @!p0 [hbm:s6], $0xF7A  }
0x23: {  	s9 =	sor.u32 $0xD0000000, s2;
	s6 =	simm.s32 $0x108;
	_ =	swait.ge @!p0 [sflag:s8], $0x0  }
0x24: {  	s3 =	sadd.s32 $0x88, s3;
	s6 =	simm.s32 @!p1 $0x1082;
	[sflag:s4] =	ssyncset.s32 $0xFFFFF086  }
0x25: {  	[simem:s6], [sflag:s4] =	dma.local [hbm:s3], $0xF7A  }
0x26: {  	[smem:$0x3F9E] =	sst s1;
	(tag) =	ssettag s2;
	_ =	strace s9  }
0x27: {  	s1 =	sld [smem:$0x3FAE]  }
0x28: {  	s2 =	sld [smem:$0x3FAF]  }
0x29: {  	s4 =	sld [smem:$0x3FB1]  }
0x2a: {  	p0 =	seq.s32 s5, $0x0;
	s5 =	sld [smem:$0x3FB2]  }
0x2b: {  	s6 =	sld [smem:$0x3FB3]  }
0x2c: {  	s7 =	sld [smem:$0x3FB4]  }
0x2d: {  	s3 =	simm.s32 $0x108;
	s8 =	sld [smem:$0x3FB5]  }
0x2e: {  	s3 =	simm.s32 @!p0 $0x1082;
	s9 =	sld [smem:$0x3FB6]  }
0x2f: {  	lr =	sadd.s32 s0, s3;
	s0 =	sld [smem:$0x3FAD]  }
0x30: {  	s3 =	sld [smem:$0x3FB0]  }
0x31: {  	[smem:$0x3FB9] =	sst s10  }
0x32: {  	s10 =	sld [smem:$0x3FB7];
	_ =	sdelay $0x3  }
0x33: {  	p0 =	seq.s32 s10, $0x1;
	s10 =	sld [smem:$0x3FB9];
	_ =	sdelay $0x3  }
0x34: {  	[smem:$0x3FB9] =	sst s10  }
0x35: {  	s10 =	sld [smem:$0x3FB8];
	_ =	sdelay $0x3  }
0x36: {  	p1 =	seq.s32 s10, $0x1;
	s10 =	sld [smem:$0x3FB9];
	_ =	sdelay $0x3  }
0x37: {  	[smem:$0x3FB9] =	sst s10  }
0x38: {  	s10 =	sld [smem:$0x3FBA]  }
0x39: {  	_ = 	snop;
	(pc) =	sbr.ind lr, $3  }
0x3a: {  	_ = 	snop  }
0x3b: {  	_ = 	snop  }
0x3c: {  	p2 =	seq.s32 s10, $0x1;
	s10 =	sld [smem:$0x3FB9]  }
0x3d: {  	_ =	shalt  }
0x3e: {  	_ =	shalt  }
0x3f: {  	_ =	shalt  }
0x40: {  	_ =	shalt  }
0x41: {  	_ =	shalt  }
0x42: {  	_ =	shalt  }
0x43: {  	_ =	shalt  }
0x44: {  	_ =	shalt  }
0x45: {  	_ =	shalt  }
0x46: {  	_ =	shalt  }
0x47: {  	_ =	shalt  }
0x48: {  	_ =	shalt  }
0x49: {  	_ =	shalt  }
0x4a: {  	_ =	shalt  }
0x4b: {  	_ =	shalt  }
0x4c: {  	_ =	shalt  }
0x4d: {  	_ =	shalt  }
0x4e: {  	_ =	shalt  }
0x4f: {  	_ =	shalt  }
0x50: {  	_ =	shalt  }
0x51: {  	_ =	shalt  }
0x52: {  	_ =	shalt  }
0x53: {  	_ =	shalt  }
0x54: {  	_ =	shalt  }
0x55: {  	_ =	shalt  }
0x56: {  	_ =	shalt  }
0x57: {  	_ =	shalt  }
0x58: {  	_ =	shalt  }
0x59: {  	_ =	shalt  }
0x5a: {  	_ =	shalt  }
0x5b: {  	_ =	shalt  }
0x5c: {  	_ =	shalt  }
0x5d: {  	_ =	shalt  }
0x5e: {  	_ =	shalt  }
0x5f: {  	_ =	shalt  }
0x60: {  	_ =	shalt  }
0x61: {  	_ =	shalt  }
0x62: {  	_ =	shalt  }
0x63: {  	_ =	shalt  }
0x64: {  	_ =	shalt  }
0x65: {  	_ =	shalt  }
0x66: {  	_ =	shalt  }
0x67: {  	_ =	shalt  }
0x68: {  	_ =	shalt  }
0x69: {  	_ =	shalt  }
0x6a: {  	_ =	shalt  }
0x6b: {  	_ =	shalt  }
0x6c: {  	_ =	shalt  }
0x6d: {  	_ =	shalt  }
0x6e: {  	_ =	shalt  }
0x6f: {  	_ =	shalt  }
0x70: {  	_ =	shalt  }
0x71: {  	_ =	shalt  }
0x72: {  	_ =	shalt  }
0x73: {  	_ =	shalt  }
0x74: {  	_ =	shalt  }
0x75: {  	_ =	shalt  }
0x76: {  	_ =	shalt  }
0x77: {  	_ =	shalt  }
0x78: {  	_ =	shalt  }
0x79: {  	_ =	shalt  }
0x7a: {  	_ =	shalt  }
0x7b: {  	_ =	shalt  }
0x7c: {  	_ =	shalt  }
0x7d: {  	_ =	shalt  }
0x7e: {  	_ =	shalt  }
0x7f: {  	_ =	shalt  }
0x80: {  	_ =	shalt  }
0x81: {  	_ =	shalt  }
0x82: {  	_ =	shalt  }
0x83: {  	_ =	shalt  }
0x84: {  	_ =	shalt  }
0x85: {  	_ =	shalt  }
0x86: {  	_ =	shalt  }
0x87: {  	_ =	shalt  }
.Lfunc_end0:
.L_simem_size_0:
called_computation_lowered:
.L_overlay_start_0:
0x88: {  	s2 =	sld [smem:$0x3FD9]  }
0x89: {  	s3 =	sld [smem:$0x3FFE];
	_ =	sdelay $0x1  }
0x8a: {  	s1 =	srdreg.scid  }
0x8b: {  	s0 =	sand.u32 $0x1, s1  }
0x8c: {  	s17 =	sshll.u32 s0, $0xA;
	s2 =	sadd.s32 s3, s2  }
0x8d: {  	s2 =	sadd.s32 s2, s17  }
0x8e: {  	[smem:$0x3FC5] =	sst s2  }
0x8f: {  	_ = 	snop  }
0x90: {  	s2 =	sld [smem:$0x3FC8]  }
0x91: {  	s18 =	sld [smem:$0x3FC7]  }
0x92: {  	s4 =	sld [smem:$0x3FD0];
	(tm) =	ssettm $0x1  }
0x93: {  	s5 =	sld [smem:$0x3FFB];
	_ =	sdelay $0x3  }
0x94: {  	_ =	strace s5  }
0x95: {  	s5 =	sld [smem:$0x3FFC];
	_ =	sdelay $0x3  }
0x96: {  	_ =	strace s5  }
0x97: {  	s5 =	sld [smem:$0x3FFD];
	_ =	sdelay $0x3  }
0x98: {  	_ =	strace s5  }
0x99: {  	_ =	strace $0x8FFFFFFF  }
0x9a: {  	s19 =	sld [smem:$0x3FDB];
	_ =	sdelay $0x1  }
0x9b: {  	s6 =	simm.s32 $_scs_section_size  }
0x9c: {  	s7 =	simm.s32 $_size__tile_overlayer_lowered;
	s8 =	simm.s32 $_tile_overlayer_lowered  }
0x9d: {  	s22 =	simm.s32 $0x1BFF;
	s21 =	sshll.u32 s8, $0x1;
	s5 =	sadd.s32 s6, s19  }
0x9e: {  	s9 =	simm.s32 $0x0;
	s20 =	sshll.u32 s7, $0x1;
	s7 =	sadd.s32 s21, s5  }
0x9f: {  	[timem:s9], [sflag:s22] =	dma.local [hbm:s7], s20  }
0xa0: {  	_ =	swait.ge [sflag:s22], s20  }
0xa1: {  	s6 =	ssub.s32 $0x0, s20;
	[sflag:s22] =	ssyncset.done $0x0  }
0xa2: {  	[sflag:s22] =	ssyncadd.s32 s6;
	_ =	sdelay $0x1  }
0xa3: {  	s23 =	simm.s32 $0x1B8B  }
0xa4: {  	_ =	swait.ge [sflag:s23], $0x1  }
0xa5: {  	[sflag:s23] =	ssyncset.done $0x0  }
0xa6: {  	s25 =	simm.s32 $0x1B8E;
	s24 =	sld [smem:$0x3FFE];
	[sflag:s23] =	ssyncadd.s32 $0xFFFFFFFF  }
0xa7: {  	s26 =	simm.s32 $execute0_lowered;
	[smem:$0x3FD2] =	sst s25  }
0xa8: {  	s7 =	sshll.u32 s26, $0x1;
	_ =	strace $0x80000046;
	[dreg:$0x1] =	wrdreg $0xFFFFFFFF  }
0xa9: {  	s28 =	simm.s32 $_size_execute0_lowered;
	s5 =	sadd.s32 s5, s7;
	[dreg:$0x0] =	wrdreg $0x0  }
0xaa: {  	s7 =	sshll.u32 s28, $0x1;
	[dreg:$0x2] =	wrdreg s5  }
0xab: {  	[dreg:$0x3] =	wrdreg s7  }
0xac: {  	[dreg:$0x4] =	wrdreg $0xC0  }
0xad: {  	_ =	task [dreg:s9], $0x5FFFF  }
0xae: {  	[dreg:$0x1] =	wrdreg $0xFFFFFFFF  }
0xaf: {  	[dreg:$0x0] =	wrdreg $0x60  }
0xb0: {  	[dreg:$0x2] =	wrdreg s24  }
0xb1: {  	[dreg:$0x3] =	wrdreg s2  }
0xb2: {  	[dreg:$0x4] =	wrdreg s18  }
0xb3: {  	[dreg:$0x5] =	wrdreg s4  }
0xb4: {  	[dreg:$0x6] =	wrdreg $0x9  }
0xb5: {  	_ =	task.clear_ibuf [dreg:s9], $0x7FFFF;
	_ =	strace $0x90000046  }
0xb6: {  	s29 =	simm.s32 $0x9;
	_ =	strace $0x80000048  }
0xb7: {  	_ =	swait.ge [sflag:s29], $0x1  }
0xb8: {  	[sflag:s29] =	ssyncadd.s32 $0xFFFFFFFF  }
0xb9: {  	_ =	strace $0x90000048  }
0xba: {  	_ =	sfence  }
0xbb: {  	s30 =	sld [smem:$0x0];
	_ =	sdelay $0x2  }
0xbc: {  	s31 =	sshll.u32 s1, $0xD;
	s1 =	sshrl.u32 s1, $0x2  }
0xbd: {  	s3 =	sand.u32 $0x4000, s31;
	s1 =	sadd.s32 s1, s30  }
0xbe: {  	s0 =	sor.u32 s3, s0;
	s1 =	sshll.u32 s1, $0x11  }
0xbf: {  	s0 =	sor.u32 s1, s0  }
0xc0: {  	s0 =	sadd.s32 $0x8F2B, s0  }
0xc1: {  	[sflag:s0] =	ssyncadd.remote.s32 $0x1  }
0xc2: {  	_ =	sfence.sel $0xFFFF  }
0xc3: {  	[dreg:$0x0] =	wrdreg $0xFFFFFFFF;
	(pc) =	sbr.abs _section_cstart, $3  }
0xc4: {  	[dreg:$0x1] =	wrdreg $0xFFFFFFFF  }
0xc5: {  	_ =	task.clear_ibuf [dreg:s9], $0x2FFFF;
	_ =	strace $0x9FFFFFFF  }
0xc6: {  	(tm) =	ssettm $0x7FFFFFFF  }
0xc7: {  	_ =	shalt  }
tec
execute0_lowered:
.L_overlay_start_1:
0x0: {  	(tag) =	ssettag $0x1  }
0x1: {  	v0 =	vimm.s32 $0x3210;
	vm0 =	vcmask $0xF00  }
0x2: {  	v1 =	vimm.s32 $0x83828180;
	v2 =	vimm.s32 $0x383;
	vm12 =	vcmask $0x300  }
0x3: {  	vm13 =	vcmask $0x704;
	vm14 =	vcmask $0xB08;
	vm7 =	vcmask $0x1F10  }
0x4: {  	vm11 =	vcmask $0xF0C;
	vm10 =	vcmask $0x1310;
	vm5 =	vcmask $0x2320  }
0x5: {  	vm9 =	vcmask $0x1714;
	vm8 =	vcmask $0x1B18;
	vm6 =	vcmask $0x2724  }
0x6: {  	vm4 =	vcmask $0x2B28;
	vm3 =	vcmask $0x2F2C;
	vm2 =	vcmask $0x3330  }
0x7: {  	vm15 =	vcmask $0x3734;
	v48 =	vimm.s32 $0x983;
	vm1 =	vcmask $0x3B38  }
0x8: {  	v52 =	vimm.s32 $0xB83;
	v53 =	vimm.s32 $0x1183;
	v59 =	vimm.s32 $0x1983  }
0x9: {  	v5 =	vimm.s32 $0x1B83;
	v9 =	vlaneseq.u32;
	v0 =	vunpack.c.l.s4.s8 v0  }
0xa: {  	v1 =	vunpack.c.0.s8.s32 v1;
	v2 =	vsel vm12, $0x200, v2;
	v5 =	vsel vm12, $0x1A00, v5  }
0xb: {  	v6 =	vshrl.u32 v9, $0x2;
	v62 =	vand.u32 $0x3, v9;
	v2 =	vsel vm13, $0x201, v2  }
0xc: {  	v5 =	vsel vm13, $0x1A01, v5;
	v0 =	vunpack.c.0.s8.s32 v0;
	v2 =	vsel vm14, $0x202, v2  }
0xd: {  	v1 =	vand.u32 $0xFF, v1;
	v5 =	vsel vm14, $0x1A02, v5;
	v47 =	vsel vm11, $0x203, v2  }
0xe: {  	v2 =	vsel vm12, $0x800, v48;
	v5 =	vsel vm11, $0x1A03, v5;
	v0 =	vnsel vm0, $0x183, v0  }
0xf: {  	v50 =	vsel vm13, $0x801, v2;
	v0 =	vsel vm7, v1, v0;
	v1 =	vsel vm10, $0x280, v47  }
0x10: {  	v2 =	vsel vm12, $0x1000, v53;
	v5 =	vsel vm10, $0x1A80, v5;
	v1 =	vsel vm9, $0x281, v1  }
0x11: {  	vm7 =	vcmask $0x1F1C;
	v51 =	vsel vm14, $0x802, v50;
	v1 =	vsel vm8, $0x282, v1  }
0x12: {  	v2 =	vsel vm13, $0x1001, v2;
	v0 =	vsel vm5, $0x100, v0;
	v1 =	vsel vm7, $0x283, v1  }
0x13: {  	v5 =	vsel vm9, $0x1A81, v5;
	v0 =	vsel vm6, $0x101, v0;
	v1 =	vsel vm5, $0x300, v1  }
0x14: {  	v2 =	vsel vm14, $0x1002, v2;
	v0 =	vsel vm4, $0x102, v0;
	v1 =	vsel vm6, $0x301, v1  }
0x15: {  	v5 =	vsel vm8, $0x1A82, v5;
	v0 =	vsel vm3, $0x103, v0;
	v1 =	vsel vm4, $0x302, v1  }
0x16: {  	v2 =	vsel vm11, $0x1003, v2;
	v0 =	vsel vm2, $0x180, v0;
	v1 =	vsel vm3, $0x303, v1  }
0x17: {  	v5 =	vsel vm7, $0x1A83, v5;
	v0 =	vsel vm15, $0x181, v0;
	v1 =	vsel vm2, $0x380, v1  }
0x18: {  	v2 =	vsel vm10, $0x1080, v2;
	v0 =	vsel vm1, $0x182, v0;
	v49 =	vsel vm15, $0x381, v1  }
0x19: {  	v5 =	vsel vm5, $0x1B00, v5;
	[tilespmem:$0x1FF60] =	vst v0;
	v1 =	vsel vm12, $0xA00, v52;
	v0 =	vsel vm1, $0x382, v49  }
0x1a: {  	v2 =	vsel vm9, $0x1081, v2;
	v1 =	vsel vm13, $0xA01, v1;
	[tilespmem:$0x1FF70] =	vst v0;
	v0 =	vsel vm11, $0x803, v51  }
0x1b: {  	v5 =	vsel vm6, $0x1B01, v5;
	v1 =	vsel vm14, $0xA02, v1;
	v0 =	vsel vm10, $0x880, v0  }
0x1c: {  	v2 =	vsel vm8, $0x1082, v2;
	v1 =	vsel vm11, $0xA03, v1;
	v0 =	vsel vm9, $0x881, v0  }
0x1d: {  	v5 =	vsel vm4, $0x1B02, v5;
	v1 =	vsel vm10, $0xA80, v1;
	v0 =	vsel vm8, $0x882, v0  }
0x1e: {  	v2 =	vsel vm7, $0x1083, v2;
	v1 =	vsel vm9, $0xA81, v1;
	v0 =	vsel vm7, $0x883, v0  }
0x1f: {  	v5 =	vsel vm3, $0x1B03, v5;
	v1 =	vsel vm8, $0xA82, v1;
	v0 =	vsel vm5, $0x900, v0  }
0x20: {  	v2 =	vsel vm5, $0x1100, v2;
	v1 =	vsel vm7, $0xA83, v1;
	v0 =	vsel vm6, $0x901, v0  }
0x21: {  	v8 =	vsel vm2, $0x1B80, v5;
	v1 =	vsel vm5, $0xB00, v1;
	v0 =	vsel vm4, $0x902, v0  }
0x22: {  	v3 =	vsel vm6, $0x1101, v2;
	v1 =	vsel vm6, $0xB01, v1;
	v0 =	vsel vm3, $0x903, v0  }
0x23: {  	v55 =	vsel vm4, $0x1102, v3;
	v1 =	vsel vm4, $0xB02, v1;
	v0 =	vsel vm2, $0x980, v0  }
0x24: {  	v54 =	vsel vm3, $0xB03, v1;
	v1 =	vsel vm3, $0x1103, v55;
	v0 =	vsel vm15, $0x981, v0  }
0x25: {  	v3 =	vimm.s32 $0x1383;
	v1 =	vsel vm2, $0x1180, v1;
	v0 =	vsel vm1, $0x982, v0  }
0x26: {  	v56 =	vsel vm15, $0x1181, v1;
	v1 =	vsel vm12, $0x1800, v59;
	[tilespmem:$0x1FF80] =	vst v0;
	v0 =	vsel vm2, $0xB80, v54  }
0x27: {  	v4 =	vsel vm12, $0x1200, v3;
	v1 =	vsel vm13, $0x1801, v1;
	v0 =	vsel vm15, $0xB81, v0  }
0x28: {  	v57 =	vsel vm13, $0x1201, v4;
	v1 =	vsel vm14, $0x1802, v1;
	v0 =	vsel vm1, $0xB82, v0  }
0x29: {  	s1 =	rddreg [dreg:$0x0];
	v58 =	vsel vm14, $0x1202, v57;
	v1 =	vsel vm11, $0x1803, v1;
	[tilespmem:$0x1FF90] =	vst v0;
	v0 =	vsel vm1, $0x1182, v56  }
0x2a: {  	s0 =	rddreg [dreg:$0x1];
	v5 =	vmul.u32 $0x80, v6;
	v1 =	vsel vm10, $0x1880, v1;
	[tilespmem:$0x1FFA0] =	vst v0;
	v0 =	vsel vm11, $0x1203, v58  }
0x2b: {  	s3 =	rddreg [dreg:$0x3];
	v61 =	vsel vm15, $0x1B81, v8;
	v1 =	vsel vm9, $0x1881, v1;
	v0 =	vsel vm10, $0x1280, v0  }
0x2c: {  	s2 =	srdreg.scid;
	s4 =	stileid.u32;
	v63 =	vor.u32 $0x2000, v5;
	v1 =	vsel vm8, $0x1882, v1;
	v0 =	vsel vm9, $0x1281, v0  }
0x2d: {  	s5 =	simm.s32 $0x0;
	s12 =	simm.s32 $0x5;
	s14 =	simm.s32 $0x80;
	v11 =	vor.u32 $0x2200, v5;
	v1 =	vsel vm7, $0x1883, v1;
	v0 =	vsel vm8, $0x1282, v0  }
0x2e: {  	s15 =	simm.s32 $0x8000;
	s16 =	simm.s32 $0x8100;
	s17 =	simm.s32 $0x8080;
	v12 =	vor.u32 $0x2800, v5;
	v1 =	vsel vm5, $0x1900, v1;
	v0 =	vsel vm7, $0x1283, v0  }
0x2f: {  	s18 =	simm.s32 $0xC100;
	s19 =	simm.s32 $0x1;
	s20 =	simm.s32 $0x200;
	v13 =	vor.u32 $0x2A00, v5;
	v1 =	vsel vm6, $0x1901, v1;
	v0 =	vsel vm5, $0x1300, v0  }
0x30: {  	s21 =	simm.s32 $0x6400;
	s2 =	sand.u32 $0x1, s2;
	s4 =	sshll.u32 s4, $0x1;
	v14 =	vor.u32 $0x3000, v5;
	v1 =	vsel vm4, $0x1902, v1;
	v0 =	vsel vm6, $0x1301, v0  }
0x31: {  	s22 =	simm.s32 $0x10100;
	s23 =	simm.s32 $0x2;
	s4 =	sor.u32 s2, s4;
	v15 =	vor.u32 $0x3200, v5;
	v1 =	vsel vm3, $0x1903, v1;
	v0 =	vsel vm4, $0x1302, v0  }
0x32: {  	s24 =	simm.s32 $0x14100;
	[smem:$0x7FF] =	sst s5;
	s7 =	sshll.u32 s4, $0xC;
	v16 =	vor.u32 $0x3800, v5;
	v1 =	vsel vm2, $0x1980, v1;
	v0 =	vsel vm3, $0x1303, v0  }
0x33: {  	s25 =	simm.s32 $0x3;
	s26 =	simm.s32 $0x4;
	v17 =	vor.u32 $0x3A00, v5;
	_ =	strace $0x80000047;
	[tilespmem:$0x1FFE0] =	vst v62;
	v1 =	vsel vm15, $0x1981, v1;
	v0 =	vsel vm2, $0x1380, v0  }
0x34: {  	s2 =	ssub.s32 $0x2, s2;
	s6 =	smul.u32 $0x320000, s4;
	s1 =	sadd.s32 s7, s1;
	v18 =	vor.u32 $0x4000, v5;
	[tilespmem:$0x1FFF0] =	vst v63;
	v60 =	vsel vm1, $0x1982, v1;
	v0 =	vsel vm15, $0x1381, v0  }
0x35: {  	s28 =	simm.s32 $0x0;
	s8 =	sshrl.u32 s2, $0x1;
	s1 =	sadd.s32 $0x400, s1;
	v19 =	vor.u32 $0x4200, v5;
	v20 =	vor.u32 $0x4800, v5;
	[tilespmem:$0x1FFC0] =	vst v60;
	v0 =	vsel vm1, $0x1382, v0  }
0x36: {  	s2 =	ssub.s32 s2, s8;
	s8 =	sadd.s32 $0xC8000, s6;
	s9 =	sadd.s32 $0x190000, s6;
	v21 =	vor.u32 $0x4A00, v5;
	v22 =	vor.u32 $0x5000, v5;
	[tilespmem:$0x1FFB0] =	vst v0;
	v0 =	vsel vm1, $0x1B82, v61  }
0x37: {  	s10 =	sadd.s32 $0x258000, s6;
	s11 =	smax.u32 s2, $0x1;
	v23 =	vor.u32 $0x5200, v5;
	v24 =	vor.u32 $0x5800, v5;
	v25 =	vor.u32 $0x5A00, v5;
	[dreg:$0x5] =	wrdreg s1;
	[tilespmem:$0x1FFD0] =	vst v0  }
.LBB2_1:
0x38: {  	s1 =	rddreg [dreg:$0x5]  }
0x39: {  	[tilespmem:s5], [sflag:$0x5] =	stream.linear.gather [hbm4b:s1+s5], $0x8000, $0x38;
	[tilespmem:$0x1E500] =	vst v63  }
0x3a: {  	_ =	swait.ge [sflag:s12], $0x8000  }
0x3b: {  	[sflag:s12] =	ssyncset.done $0x0  }
0x3c: {  	[sflag:s12] =	ssyncadd.s32 $0xFFFF8000  }
0x3d: {  	s2 =	simm.s32 $0x18100;
	s31 =	rddreg [dreg:$0x2]  }
0x3e: {  	[tilespmem:s2], [sflag:$0x5] =	stream.linear.gather [hbm4b:s31+s5], $0x6400, $0x38;
	[tilespmem:$0x1E500] =	vst v63  }
0x3f: {  	_ =	swait.ge [sflag:s12], $0x6400  }
0x40: {  	v0 =	vld [tilespmem:$0x1FF60];
	_ =	sdelay $0x5  }
0x41: {  	[sflag:s12] =	ssyncset.done $0x0;
	v57 =	vld [tilespmem:$0x1FF70]  }
0x42: {  	[sflag:s12] =	ssyncadd.s32 $0xFFFF9C00  }
0x43: {  	v0 =	vld.idx.msk [tilespmem:v0+s5+$0x0], $0xffff;
	_ =	sdelay $0x3  }
0x44: {  	v58 =	vld [tilespmem:$0x1FF80]  }
0x45: {  	[tilespmem:$0x8000] =	vst v0  }
0x46: {  	v0 =	vld.idx.msk [tilespmem:v57+s5+$0x0], $0xffff;
	_ =	sdelay $0x3  }
0x47: {  	v59 =	vld [tilespmem:$0x1FF90]  }
0x48: {  	[tilespmem:$0x8010] =	vst v0  }
0x49: {  	v0 =	vld.idx.msk [tilespmem:v58+s5+$0x0], $0xffff;
	_ =	sdelay $0x3  }
0x4a: {  	v60 =	vld [tilespmem:$0x1FFA0]  }
0x4b: {  	[tilespmem:$0x8020] =	vst v0  }
0x4c: {  	v0 =	vld.idx.msk [tilespmem:v59+s5+$0x0], $0xffff;
	_ =	sdelay $0x3  }
0x4d: {  	v61 =	vld [tilespmem:$0x1FFB0]  }
0x4e: {  	[tilespmem:$0x8030] =	vst v0  }
0x4f: {  	v0 =	vld.idx.msk [tilespmem:v60+s5+$0x0], $0xffff;
	_ =	sdelay $0x3  }
0x50: {  	v62 =	vld [tilespmem:$0x1FFC0]  }
0x51: {  	[tilespmem:$0x8040] =	vst v0  }
0x52: {  	v0 =	vld.idx.msk [tilespmem:v61+s5+$0x0], $0xffff;
	_ =	sdelay $0x3  }
0x53: {  	v63 =	vld [tilespmem:$0x1FFD0]  }
0x54: {  	[tilespmem:$0x8050] =	vst v0  }
0x55: {  	v0 =	vld.idx.msk [tilespmem:v62+s5+$0x0], $0xffff;
	_ =	sdelay $0x4  }
0x56: {  	[tilespmem:$0x8060] =	vst v0  }
0x57: {  	v0 =	vld.idx.msk [tilespmem:v63+s5+$0x0], $0xffff;
	_ =	sdelay $0x4  }
0x58: {  	s29 =	simm.s32 $0x0;
	[tilespmem:$0x8070] =	vst v0  }
0x59: {  	[tilespmem:s16], [sflag:$0x1] =	stream.indirect.gather [hbm4b:s0+s14], $0x80, s15, s14, $0xb8;
	[tilespmem:$0x1E500] =	vst v63  }
.LBB2_2:
0x5a: {  	v1 =	vld [tilespmem:$0x1FFE0];
	_ =	sdelay $0x2  }
0x5b: {  	s31 =	sshll.u32 s29, $0x2  }
0x5c: {  	v0 =	vmov s31  }
0x5d: {  	v0 =	vshll.u32 v0, $0x3;
	v1 =	vor.u32 s31, v1  }
0x5e: {  	v0 =	vand.u32 $0x400, v0;
	v1 =	vand.u32 $0x7F, v1  }
0x5f: {  	v26 =	vor.u32 v0, v1;
	v0 =	vld [tilespmem:$0x1FFF0];
	_ =	sdelay $0x4  }
0x60: {  	v0 =	vor.u32 v0, v26;
	_ =	sdelay $0x4  }
0x61: {  	v0 =	vld.idx.msk [tilespmem:v0+s5+$0x0], $0xffff  }
0x62: {  	v1 =	vor.u32 v11, v26;
	_ =	sdelay $0x3  }
0x63: {  	[tilespmem:$0x8080] =	vst v0  }
0x64: {  	v0 =	vld.idx.msk [tilespmem:v1+s5+$0x0], $0xffff  }
0x65: {  	v1 =	vor.u32 v12, v26;
	_ =	sdelay $0x3  }
0x66: {  	[tilespmem:$0x8090] =	vst v0  }
0x67: {  	v0 =	vld.idx.msk [tilespmem:v1+s5+$0x0], $0xffff  }
0x68: {  	v1 =	vor.u32 v13, v26;
	_ =	sdelay $0x3  }
0x69: {  	[tilespmem:$0x80A0] =	vst v0  }
0x6a: {  	v0 =	vld.idx.msk [tilespmem:v1+s5+$0x0], $0xffff  }
0x6b: {  	v1 =	vor.u32 v14, v26;
	_ =	sdelay $0x3  }
0x6c: {  	[tilespmem:$0x80B0] =	vst v0  }
0x6d: {  	v0 =	vld.idx.msk [tilespmem:v1+s5+$0x0], $0xffff  }
0x6e: {  	v1 =	vor.u32 v15, v26;
	_ =	sdelay $0x3  }
0x6f: {  	[tilespmem:$0x80C0] =	vst v0  }
0x70: {  	v0 =	vld.idx.msk [tilespmem:v1+s5+$0x0], $0xffff  }
0x71: {  	v1 =	vor.u32 v16, v26;
	_ =	sdelay $0x3  }
0x72: {  	[tilespmem:$0x80D0] =	vst v0  }
0x73: {  	v0 =	vld.idx.msk [tilespmem:v1+s5+$0x0], $0xffff  }
0x74: {  	v1 =	vor.u32 v17, v26;
	_ =	sdelay $0x3  }
0x75: {  	[tilespmem:$0x80E0] =	vst v0  }
0x76: {  	v0 =	vld.idx.msk [tilespmem:v1+s5+$0x0], $0xffff;
	_ =	sdelay $0x4  }
0x77: {  	s30 =	sshll.u32 s29, $0x9;
	[tilespmem:$0x80F0] =	vst v0  }
0x78: {  	[tilespmem:s18], [sflag:$0x2] =	stream.indirect.gather [hbm4b:s0+s14], $0x80, s17, s14, $0xb8;
	[tilespmem:$0x1E500] =	vst v63  }
0x79: {  	v27 =	vld [tilespmem:s30+$0x18100]  }
0x7a: {  	v28 =	vld [tilespmem:s30+$0x18110]  }
0x7b: {  	v29 =	vld [tilespmem:s30+$0x18120]  }
0x7c: {  	v30 =	vld [tilespmem:s30+$0x18130]  }
0x7d: {  	v31 =	vld [tilespmem:s30+$0x18140]  }
0x7e: {  	v32 =	vld [tilespmem:s30+$0x18150]  }
0x7f: {  	v33 =	vld [tilespmem:s30+$0x18160]  }
0x80: {  	v34 =	vld [tilespmem:s30+$0x18170]  }
0x81: {  	v35 =	vld [tilespmem:s30+$0x18180]  }
0x82: {  	v36 =	vld [tilespmem:s30+$0x18190]  }
0x83: {  	v37 =	vld [tilespmem:s30+$0x181A0]  }
0x84: {  	v38 =	vld [tilespmem:s30+$0x181B0]  }
0x85: {  	v39 =	vld [tilespmem:s30+$0x181C0]  }
0x86: {  	v40 =	vld [tilespmem:s30+$0x181D0]  }
0x87: {  	v41 =	vld [tilespmem:s30+$0x181E0]  }
0x88: {  	v42 =	vld [tilespmem:s30+$0x181F0]  }
0x89: {  	v44 =	vld [tilespmem:s30+$0x18200]  }
0x8a: {  	v45 =	vld [tilespmem:s30+$0x18210]  }
0x8b: {  	v47 =	vld [tilespmem:s30+$0x18220]  }
0x8c: {  	v49 =	vld [tilespmem:s30+$0x18230]  }
0x8d: {  	v51 =	vld [tilespmem:s30+$0x18240]  }
0x8e: {  	v53 =	vld [tilespmem:s30+$0x18250]  }
0x8f: {  	v54 =	vld [tilespmem:s30+$0x18260]  }
0x90: {  	v56 =	vld [tilespmem:s30+$0x18270]  }
0x91: {  	v57 =	vld [tilespmem:s30+$0x18280]  }
0x92: {  	v55 =	vld [tilespmem:s30+$0x18290]  }
0x93: {  	v52 =	vld [tilespmem:s30+$0x182A0]  }
0x94: {  	v50 =	vld [tilespmem:s30+$0x182B0]  }
0x95: {  	v48 =	vld [tilespmem:s30+$0x182C0]  }
0x96: {  	v46 =	vld [tilespmem:s30+$0x182D0]  }
0x97: {  	v43 =	vld [tilespmem:s30+$0x182E0]  }
0x98: {  	v58 =	vld [tilespmem:s30+$0x182F0];
	_ =	swait.ge [sflag:s19], $0x4000  }
0x99: {  	p0 =	seq.s32 s29, $0x0;
	[sflag:s19] =	ssyncset.done $0x0  }
0x9a: {  	s1 =	simm.s32 @!p0 $0x3;
	[sflag:s19] =	ssyncadd.s32 $0xFFFFC000  }
0x9b: {  	_ =	swait.ge @!p0 [sflag:s1], $0x4000  }
0x9c: {  	[sflag:s1] =	ssyncset.done @!p0 $0x0  }
0x9d: {  	[sflag:s1] =	ssyncadd.s32 @!p0 $0xFFFFC000;
	s1 =	simm.s32 $0x0  }
0x9e: {  	v0 =	vld [tilespmem:s1+$0x8100]  }
0x9f: {  	v1 =	vld [tilespmem:s1+$0x8110]  }
0xa0: {  	v59 =	vld [tilespmem:s1+$0x8120]  }
0xa1: {  	v60 =	vld [tilespmem:s1+$0x8130]  }
0xa2: {  	v61 =	vld [tilespmem:s1+$0x8140]  }
0xa3: {  	v62 =	vld [tilespmem:s1+$0x8150];
	v0 =	vadd.f32 v0, v27  }
0xa4: {  	v63 =	vld [tilespmem:s1+$0x8160];
	v1 =	vadd.f32 v1, v28  }
0xa5: {  	v2 =	vld [tilespmem:s1+$0x88F0];
	v59 =	vadd.f32 v59, v29;
	[tilespmem:s1+$0x10100] =	vst v0  }
0xa6: {  	v4 =	vld [tilespmem:s1+$0x8310];
	v60 =	vadd.f32 v60, v30;
	[tilespmem:s1+$0x10110] =	vst v1  }
0xa7: {  	v6 =	vld [tilespmem:s1+$0x8320];
	v61 =	vadd.f32 v61, v31;
	[tilespmem:s1+$0x10120] =	vst v59  }
0xa8: {  	v7 =	vld [tilespmem:s1+$0x8330];
	v62 =	vadd.f32 v62, v32;
	[tilespmem:s1+$0x10130] =	vst v60  }
0xa9: {  	v8 =	vld [tilespmem:s1+$0x8340];
	v63 =	vadd.f32 v63, v33;
	[tilespmem:s1+$0x10140] =	vst v61  }
0xaa: {  	v3 =	vld [tilespmem:s1+$0x8300];
	v2 =	vadd.f32 v2, v58;
	[tilespmem:s1+$0x10150] =	vst v62  }
0xab: {  	v4 =	vadd.f32 v4, v28;
	v0 =	vld [tilespmem:s1+$0x8170];
	[tilespmem:s1+$0x10160] =	vst v63  }
0xac: {  	v6 =	vadd.f32 v6, v29;
	v1 =	vld [tilespmem:s1+$0x8180];
	[tilespmem:s1+$0x108F0] =	vst v2  }
0xad: {  	v7 =	vadd.f32 v7, v30;
	v59 =	vld [tilespmem:s1+$0x8190];
	[tilespmem:s1+$0x10310] =	vst v4  }
0xae: {  	v8 =	vadd.f32 v8, v31;
	v60 =	vld [tilespmem:s1+$0x81A0];
	[tilespmem:s1+$0x10320] =	vst v6  }
0xaf: {  	v61 =	vld [tilespmem:s1+$0x81B0];
	v2 =	vadd.f32 v3, v27;
	[tilespmem:s1+$0x10330] =	vst v7  }
0xb0: {  	v62 =	vld [tilespmem:s1+$0x81C0];
	[tilespmem:s1+$0x10340] =	vst v8;
	v0 =	vadd.f32 v0, v34  }
0xb1: {  	v63 =	vld [tilespmem:s1+$0x81D0];
	[tilespmem:s1+$0x10300] =	vst v2;
	v1 =	vadd.f32 v1, v35  }
0xb2: {  	v3 =	vld [tilespmem:s1+$0x8350];
	v59 =	vadd.f32 v59, v36;
	[tilespmem:s1+$0x10170] =	vst v0  }
0xb3: {  	v4 =	vld [tilespmem:s1+$0x8200];
	v60 =	vadd.f32 v60, v37;
	[tilespmem:s1+$0x10180] =	vst v1  }
0xb4: {  	v6 =	vld [tilespmem:s1+$0x8210];
	v61 =	vadd.f32 v61, v38;
	[tilespmem:s1+$0x10190] =	vst v59  }
0xb5: {  	v7 =	vld [tilespmem:s1+$0x8220];
	v62 =	vadd.f32 v62, v39;
	[tilespmem:s1+$0x101A0] =	vst v60  }
0xb6: {  	v8 =	vld [tilespmem:s1+$0x8230];
	v63 =	vadd.f32 v63, v40;
	[tilespmem:s1+$0x101B0] =	vst v61  }
0xb7: {  	v2 =	vld [tilespmem:s1+$0x81F0];
	v3 =	vadd.f32 v3, v32;
	[tilespmem:s1+$0x101C0] =	vst v62  }
0xb8: {  	v4 =	vadd.f32 v4, v44;
	v0 =	vld [tilespmem:s1+$0x81E0];
	[tilespmem:s1+$0x101D0] =	vst v63  }
0xb9: {  	v6 =	vadd.f32 v6, v45;
	v1 =	vld [tilespmem:s1+$0x8360];
	[tilespmem:s1+$0x10350] =	vst v3  }
0xba: {  	v7 =	vadd.f32 v7, v47;
	v59 =	vld [tilespmem:s1+$0x8370];
	[tilespmem:s1+$0x10200] =	vst v4  }
0xbb: {  	v8 =	vadd.f32 v8, v49;
	v60 =	vld [tilespmem:s1+$0x8380];
	[tilespmem:s1+$0x10210] =	vst v6  }
0xbc: {  	v61 =	vld [tilespmem:s1+$0x8390];
	v2 =	vadd.f32 v2, v42;
	[tilespmem:s1+$0x10220] =	vst v7  }
0xbd: {  	v62 =	vld [tilespmem:s1+$0x83A0];
	[tilespmem:s1+$0x10230] =	vst v8;
	v0 =	vadd.f32 v0, v41  }
0xbe: {  	v63 =	vld [tilespmem:s1+$0x83B0];
	[tilespmem:s1+$0x101F0] =	vst v2;
	v1 =	vadd.f32 v1, v33  }
0xbf: {  	v3 =	vld [tilespmem:s1+$0x8240];
	v59 =	vadd.f32 v59, v34;
	[tilespmem:s1+$0x101E0] =	vst v0  }
0xc0: {  	v4 =	vld [tilespmem:s1+$0x83E0];
	v60 =	vadd.f32 v60, v35;
	[tilespmem:s1+$0x10360] =	vst v1  }
0xc1: {  	v6 =	vld [tilespmem:s1+$0x83F0];
	v61 =	vadd.f32 v61, v36;
	[tilespmem:s1+$0x10370] =	vst v59  }
0xc2: {  	v7 =	vld [tilespmem:s1+$0x8400];
	v62 =	vadd.f32 v62, v37;
	[tilespmem:s1+$0x10380] =	vst v60  }
0xc3: {  	v2 =	vld [tilespmem:s1+$0x83D0];
	v63 =	vadd.f32 v63, v38;
	[tilespmem:s1+$0x10390] =	vst v61  }
0xc4: {  	v3 =	vadd.f32 v3, v51;
	v0 =	vld [tilespmem:s1+$0x83C0];
	[tilespmem:s1+$0x103A0] =	vst v62  }
0xc5: {  	v4 =	vadd.f32 v4, v41;
	v1 =	vld [tilespmem:s1+$0x8250];
	[tilespmem:s1+$0x103B0] =	vst v63  }
0xc6: {  	v6 =	vadd.f32 v6, v42;
	v59 =	vld [tilespmem:s1+$0x8260];
	[tilespmem:s1+$0x10240] =	vst v3  }
0xc7: {  	v7 =	vadd.f32 v7, v44;
	v60 =	vld [tilespmem:s1+$0x8270];
	[tilespmem:s1+$0x103E0] =	vst v4  }
0xc8: {  	v61 =	vld [tilespmem:s1+$0x8280];
	v2 =	vadd.f32 v2, v40;
	[tilespmem:s1+$0x103F0] =	vst v6  }
0xc9: {  	v62 =	vld [tilespmem:s1+$0x8290];
	[tilespmem:s1+$0x10400] =	vst v7;
	v0 =	vadd.f32 v0, v39  }
0xca: {  	[tilespmem:s1+$0x103D0] =	vst v2;
	v2 =	vld [tilespmem:s1+$0x82C0];
	v1 =	vadd.f32 v1, v53  }
0xcb: {  	v63 =	vld [tilespmem:s1+$0x82A0];
	v59 =	vadd.f32 v59, v54;
	[tilespmem:s1+$0x103C0] =	vst v0  }
0xcc: {  	v6 =	vld [tilespmem:s1+$0x82E0];
	v60 =	vadd.f32 v60, v56;
	[tilespmem:s1+$0x10250] =	vst v1  }
0xcd: {  	v3 =	vld [tilespmem:s1+$0x8420];
	v61 =	vadd.f32 v61, v57;
	[tilespmem:s1+$0x10260] =	vst v59  }
0xce: {  	v8 =	vld [tilespmem:s1+$0x8410];
	v62 =	vadd.f32 v62, v55;
	[tilespmem:s1+$0x10270] =	vst v60  }
0xcf: {  	v0 =	vld [tilespmem:s1+$0x82B0];
	[tilespmem:s1+$0x10280] =	vst v61;
	v2 =	vadd.f32 v2, v48  }
0xd0: {  	v63 =	vadd.f32 v63, v52;
	v1 =	vld [tilespmem:s1+$0x8430];
	[tilespmem:s1+$0x10290] =	vst v62  }
0xd1: {  	v59 =	vld [tilespmem:s1+$0x8440];
	[tilespmem:s1+$0x102C0] =	vst v2;
	v2 =	vadd.f32 v6, v43  }
0xd2: {  	v3 =	vadd.f32 v3, v47;
	v60 =	vld [tilespmem:s1+$0x8450];
	[tilespmem:s1+$0x102A0] =	vst v63  }
0xd3: {  	v61 =	vld [tilespmem:s1+$0x8460];
	[tilespmem:s1+$0x102E0] =	vst v2;
	v2 =	vadd.f32 v8, v45  }
0xd4: {  	v62 =	vld [tilespmem:s1+$0x8470];
	[tilespmem:s1+$0x10420] =	vst v3;
	v0 =	vadd.f32 v0, v50  }
0xd5: {  	v3 =	vld [tilespmem:s1+$0x8570];
	v1 =	vadd.f32 v1, v49;
	[tilespmem:s1+$0x10410] =	vst v2  }
0xd6: {  	v4 =	vld [tilespmem:s1+$0x82D0];
	v59 =	vadd.f32 v59, v51;
	[tilespmem:s1+$0x102B0] =	vst v0  }
0xd7: {  	v6 =	vld [tilespmem:s1+$0x8520];
	v60 =	vadd.f32 v60, v53;
	[tilespmem:s1+$0x10430] =	vst v1  }
0xd8: {  	v7 =	vld [tilespmem:s1+$0x82F0];
	v61 =	vadd.f32 v61, v54;
	[tilespmem:s1+$0x10440] =	vst v59  }
0xd9: {  	v8 =	vld [tilespmem:s1+$0x8540];
	v62 =	vadd.f32 v62, v56;
	[tilespmem:s1+$0x10450] =	vst v60  }
0xda: {  	v63 =	vld [tilespmem:s1+$0x8500];
	v3 =	vadd.f32 v3, v34;
	[tilespmem:s1+$0x10460] =	vst v61  }
0xdb: {  	v2 =	vld [tilespmem:s1+$0x8560];
	v0 =	vadd.f32 v4, v46;
	[tilespmem:s1+$0x10470] =	vst v62  }
0xdc: {  	v4 =	vld [tilespmem:s1+$0x8510];
	v6 =	vadd.f32 v6, v29;
	[tilespmem:s1+$0x10570] =	vst v3  }
0xdd: {  	v3 =	vld [tilespmem:s1+$0x84F0];
	[tilespmem:s1+$0x102D0] =	vst v0;
	v0 =	vadd.f32 v7, v58  }
0xde: {  	v1 =	vld [tilespmem:s1+$0x8580];
	[tilespmem:s1+$0x10520] =	vst v6;
	v8 =	vadd.f32 v8, v31  }
0xdf: {  	v59 =	vld [tilespmem:s1+$0x8590];
	[tilespmem:s1+$0x102F0] =	vst v0;
	v0 =	vadd.f32 v63, v27  }
0xe0: {  	v60 =	vld [tilespmem:s1+$0x85A0];
	[tilespmem:s1+$0x10540] =	vst v8;
	v2 =	vadd.f32 v2, v33  }
0xe1: {  	v61 =	vld [tilespmem:s1+$0x85B0];
	v4 =	vadd.f32 v4, v28;
	[tilespmem:s1+$0x10500] =	vst v0  }
0xe2: {  	v62 =	vld [tilespmem:s1+$0x85C0];
	v3 =	vadd.f32 v3, v58;
	[tilespmem:s1+$0x10560] =	vst v2  }
0xe3: {  	v7 =	vld [tilespmem:s1+$0x8530];
	v1 =	vadd.f32 v1, v35;
	[tilespmem:s1+$0x10510] =	vst v4  }
0xe4: {  	v6 =	vld [tilespmem:s1+$0x84A0];
	v59 =	vadd.f32 v59, v36;
	[tilespmem:s1+$0x104F0] =	vst v3  }
0xe5: {  	v63 =	vld [tilespmem:s1+$0x8550];
	v60 =	vadd.f32 v60, v37;
	[tilespmem:s1+$0x10580] =	vst v1  }
0xe6: {  	v8 =	vld [tilespmem:s1+$0x84C0];
	v61 =	vadd.f32 v61, v38;
	[tilespmem:s1+$0x10590] =	vst v59  }
0xe7: {  	v62 =	vadd.f32 v62, v39;
	v0 =	vld [tilespmem:s1+$0x8480];
	[tilespmem:s1+$0x105A0] =	vst v60  }
0xe8: {  	v2 =	vld [tilespmem:s1+$0x84E0];
	v7 =	vadd.f32 v7, v30;
	[tilespmem:s1+$0x105B0] =	vst v61  }
0xe9: {  	v4 =	vld [tilespmem:s1+$0x8490];
	v6 =	vadd.f32 v6, v52;
	[tilespmem:s1+$0x105C0] =	vst v62  }
0xea: {  	v1 =	vld [tilespmem:s1+$0x8760];
	[tilespmem:s1+$0x10530] =	vst v7;
	v63 =	vadd.f32 v63, v32  }
0xeb: {  	v59 =	vld [tilespmem:s1+$0x8770];
	[tilespmem:s1+$0x104A0] =	vst v6;
	v6 =	vadd.f32 v8, v48  }
0xec: {  	v60 =	vld [tilespmem:s1+$0x8780];
	[tilespmem:s1+$0x10550] =	vst v63;
	v0 =	vadd.f32 v0, v57  }
0xed: {  	v61 =	vld [tilespmem:s1+$0x8790];
	[tilespmem:s1+$0x104C0] =	vst v6;
	v2 =	vadd.f32 v2, v43  }
0xee: {  	v62 =	vld [tilespmem:s1+$0x87A0];
	v4 =	vadd.f32 v4, v55;
	[tilespmem:s1+$0x10480] =	vst v0  }
0xef: {  	v7 =	vld [tilespmem:s1+$0x84B0];
	v1 =	vadd.f32 v1, v33;
	[tilespmem:s1+$0x104E0] =	vst v2  }
0xf0: {  	v8 =	vld [tilespmem:s1+$0x8700];
	v59 =	vadd.f32 v59, v34;
	[tilespmem:s1+$0x10490] =	vst v4  }
0xf1: {  	v63 =	vld [tilespmem:s1+$0x84D0];
	v60 =	vadd.f32 v60, v35;
	[tilespmem:s1+$0x10760] =	vst v1  }
0xf2: {  	v6 =	vld [tilespmem:s1+$0x8720];
	v61 =	vadd.f32 v61, v36;
	[tilespmem:s1+$0x10770] =	vst v59  }
0xf3: {  	v62 =	vadd.f32 v62, v37;
	v2 =	vld [tilespmem:s1+$0x8740];
	[tilespmem:s1+$0x10780] =	vst v60  }
0xf4: {  	v0 =	vld [tilespmem:s1+$0x85D0];
	v4 =	vadd.f32 v7, v50;
	[tilespmem:s1+$0x10790] =	vst v61  }
0xf5: {  	v3 =	vadd.f32 v8, v27;
	v8 =	vld [tilespmem:s1+$0x8750];
	[tilespmem:s1+$0x107A0] =	vst v62  }
0xf6: {  	v7 =	vld [tilespmem:s1+$0x85E0];
	[tilespmem:s1+$0x104B0] =	vst v4;
	v4 =	vadd.f32 v63, v46  }
0xf7: {  	v1 =	vld [tilespmem:s1+$0x8650];
	[tilespmem:s1+$0x10700] =	vst v3;
	v6 =	vadd.f32 v6, v29  }
0xf8: {  	v59 =	vld [tilespmem:s1+$0x8660];
	[tilespmem:s1+$0x104D0] =	vst v4;
	v2 =	vadd.f32 v2, v31  }
0xf9: {  	v60 =	vld [tilespmem:s1+$0x8670];
	[tilespmem:s1+$0x10720] =	vst v6;
	v0 =	vadd.f32 v0, v40  }
0xfa: {  	v63 =	vld [tilespmem:s1+$0x8710];
	v8 =	vadd.f32 v8, v32;
	[tilespmem:s1+$0x10740] =	vst v2  }
0xfb: {  	v3 =	vld [tilespmem:s1+$0x85F0];
	v7 =	vadd.f32 v7, v41;
	[tilespmem:s1+$0x105D0] =	vst v0  }
0xfc: {  	v61 =	vld [tilespmem:s1+$0x8680];
	v1 =	vadd.f32 v1, v53;
	[tilespmem:s1+$0x10750] =	vst v8  }
0xfd: {  	v62 =	vld [tilespmem:s1+$0x8690];
	v59 =	vadd.f32 v59, v54;
	[tilespmem:s1+$0x105E0] =	vst v7  }
0xfe: {  	v4 =	vld [tilespmem:s1+$0x8730];
	v60 =	vadd.f32 v60, v56;
	[tilespmem:s1+$0x10650] =	vst v1  }
0xff: {  	v6 =	vld [tilespmem:s1+$0x8610];
	v63 =	vadd.f32 v63, v28;
	[tilespmem:s1+$0x10660] =	vst v59  }
0x100: {  	v2 =	vld [tilespmem:s1+$0x8630];
	v3 =	vadd.f32 v3, v42;
	[tilespmem:s1+$0x10670] =	vst v60  }
0x101: {  	v0 =	vld [tilespmem:s1+$0x87B0];
	v59 =	vadd.f32 v61, v57;
	[tilespmem:s1+$0x10710] =	vst v63  }
0x102: {  	v8 =	vld [tilespmem:s1+$0x8640];
	v60 =	vadd.f32 v62, v55;
	[tilespmem:s1+$0x105F0] =	vst v3  }
0x103: {  	v7 =	vld [tilespmem:s1+$0x87C0];
	v4 =	vadd.f32 v4, v30;
	[tilespmem:s1+$0x10680] =	vst v59  }
0x104: {  	v1 =	vld [tilespmem:s1+$0x8830];
	v6 =	vadd.f32 v6, v45;
	[tilespmem:s1+$0x10690] =	vst v60  }
0x105: {  	v63 =	vld [tilespmem:s1+$0x8600];
	[tilespmem:s1+$0x10730] =	vst v4;
	v2 =	vadd.f32 v2, v49  }
0x106: {  	v3 =	vld [tilespmem:s1+$0x87D0];
	[tilespmem:s1+$0x10610] =	vst v6;
	v0 =	vadd.f32 v0, v38  }
0x107: {  	v4 =	vld [tilespmem:s1+$0x8620];
	v8 =	vadd.f32 v8, v51;
	[tilespmem:s1+$0x10630] =	vst v2  }
0x108: {  	v9 =	vld [tilespmem:s1+$0x8840];
	v7 =	vadd.f32 v7, v39;
	[tilespmem:s1+$0x107B0] =	vst v0  }
0x109: {  	v6 =	vld [tilespmem:s1+$0x87F0];
	v1 =	vadd.f32 v1, v49;
	[tilespmem:s1+$0x10640] =	vst v8  }
0x10a: {  	v61 =	vld [tilespmem:s1+$0x8850];
	v63 =	vadd.f32 v63, v44;
	[tilespmem:s1+$0x107C0] =	vst v7  }
0x10b: {  	v2 =	vld [tilespmem:s1+$0x8810];
	v3 =	vadd.f32 v3, v40;
	[tilespmem:s1+$0x10830] =	vst v1  }
0x10c: {  	[tilespmem:s1+$0x10600] =	vst v63;
	v63 =	vld [tilespmem:s1+$0x87E0];
	v4 =	vadd.f32 v4, v47  }
0x10d: {  	v0 =	vld [tilespmem:s1+$0x86A0];
	v1 =	vadd.f32 v9, v51;
	[tilespmem:s1+$0x107D0] =	vst v3  }
0x10e: {  	v6 =	vadd.f32 v6, v42;
	[tilespmem:s1+$0x10620] =	vst v4;
	v4 =	vld [tilespmem:s1+$0x8800]  }
0x10f: {  	v62 =	vld [tilespmem:s1+$0x8860];
	[tilespmem:s1+$0x10840] =	vst v1;
	v1 =	vadd.f32 v61, v53  }
0x110: {  	v8 =	vld [tilespmem:s1+$0x8820];
	[tilespmem:s1+$0x107F0] =	vst v6;
	v2 =	vadd.f32 v2, v45  }
0x111: {  	v7 =	vld [tilespmem:s1+$0x86B0];
	[tilespmem:s1+$0x10850] =	vst v1;
	v63 =	vadd.f32 v63, v41  }
0x112: {  	v3 =	vld [tilespmem:s1+$0x86C0];
	v0 =	vadd.f32 v0, v52;
	[tilespmem:s1+$0x10810] =	vst v2  }
0x113: {  	[tilespmem:s1+$0x107E0] =	vst v63;
	v63 =	vld [tilespmem:s1+$0x86D0];
	v4 =	vadd.f32 v4, v44  }
0x114: {  	v6 =	vld [tilespmem:s1+$0x86E0];
	v1 =	vadd.f32 v62, v54;
	[tilespmem:s1+$0x106A0] =	vst v0  }
0x115: {  	v2 =	vadd.f32 v8, v47;
	[tilespmem:s1+$0x10800] =	vst v4;
	v4 =	vld [tilespmem:s1+$0x86F0]  }
0x116: {  	v10 =	vld [tilespmem:s1+$0x8870];
	v7 =	vadd.f32 v7, v50;
	[tilespmem:s1+$0x10860] =	vst v1  }
0x117: {  	v0 =	vld [tilespmem:s1+$0x8880];
	[tilespmem:s1+$0x10820] =	vst v2;
	v2 =	vadd.f32 v3, v48  }
0x118: {  	v59 =	vld [tilespmem:s1+$0x8890];
	[tilespmem:s1+$0x106B0] =	vst v7;
	v3 =	vadd.f32 v63, v46  }
0x119: {  	v60 =	vld [tilespmem:s1+$0x88A0];
	[tilespmem:s1+$0x106C0] =	vst v2;
	v2 =	vadd.f32 v6, v43  }
0x11a: {  	v61 =	vld [tilespmem:s1+$0x88B0];
	[tilespmem:s1+$0x106D0] =	vst v3;
	v3 =	vadd.f32 v4, v58  }
0x11b: {  	v62 =	vld [tilespmem:s1+$0x88C0];
	v1 =	vadd.f32 v10, v56;
	[tilespmem:s1+$0x106E0] =	vst v2  }
0x11c: {  	s2 =	simm.s32 $0x4;
	v0 =	vadd.f32 v0, v57;
	v63 =	vld [tilespmem:s1+$0x88D0];
	[tilespmem:s1+$0x106F0] =	vst v3  }
.LBB2_3:
0x11d: {  	s4 =	sshll.u32 s2, $0x9;
	p1 =	slt.u32 s2, $0x1C;
	[tilespmem:s1+$0x10870] =	vst v1;
	v1 =	vadd.f32 v59, v55;
	v2 =	vld [tilespmem:s1+$0x88E0]  }
0x11e: {  	v3 =	vld [tilespmem:s4+$0x88F0];
	[tilespmem:s1+$0x10880] =	vst v0;
	v0 =	vadd.f32 v60, v52  }
0x11f: {  	v4 =	vld [tilespmem:s4+$0x8100];
	[tilespmem:s1+$0x10890] =	vst v1;
	v1 =	vadd.f32 v61, v50  }
0x120: {  	v6 =	vld [tilespmem:s4+$0x8110];
	[tilespmem:s1+$0x108A0] =	vst v0;
	v0 =	vadd.f32 v62, v48  }
0x121: {  	v7 =	vld [tilespmem:s4+$0x8120];
	[tilespmem:s1+$0x108B0] =	vst v1;
	v1 =	vadd.f32 v63, v46  }
0x122: {  	v8 =	vld [tilespmem:s4+$0x8130];
	[tilespmem:s1+$0x108C0] =	vst v0;
	v0 =	vadd.f32 v2, v43  }
0x123: {  	v2 =	vld [tilespmem:s4+$0x8140];
	v3 =	vadd.f32 v3, v58;
	[tilespmem:s1+$0x108D0] =	vst v1  }
0x124: {  	v1 =	vadd.f32 v4, v27;
	v4 =	vld [tilespmem:s4+$0x8150];
	[tilespmem:s1+$0x108E0] =	vst v0;
	s1 =	smov.u32 s4  }
0x125: {  	v0 =	vadd.f32 v6, v28;
	v6 =	vld [tilespmem:s1+$0x8160];
	[tilespmem:s1+$0x108F0] =	vst v3  }
0x126: {  	[tilespmem:s1+$0x10100] =	vst v1;
	v1 =	vadd.f32 v7, v29;
	v3 =	vld [tilespmem:s1+$0x8170]  }
0x127: {  	[tilespmem:s1+$0x10110] =	vst v0;
	v0 =	vadd.f32 v8, v30;
	v7 =	vld [tilespmem:s1+$0x8180]  }
0x128: {  	[tilespmem:s1+$0x10120] =	vst v1;
	v1 =	vadd.f32 v2, v31;
	v2 =	vld [tilespmem:s1+$0x8190]  }
0x129: {  	[tilespmem:s1+$0x10130] =	vst v0;
	v0 =	vadd.f32 v4, v32;
	v4 =	vld [tilespmem:s1+$0x81A0]  }
0x12a: {  	[tilespmem:s1+$0x10140] =	vst v1;
	v1 =	vadd.f32 v6, v33;
	v6 =	vld [tilespmem:s1+$0x81B0]  }
0x12b: {  	[tilespmem:s1+$0x10150] =	vst v0;
	v0 =	vadd.f32 v3, v34;
	v3 =	vld [tilespmem:s1+$0x81C0]  }
0x12c: {  	[tilespmem:s1+$0x10160] =	vst v1;
	v1 =	vadd.f32 v7, v35;
	v7 =	vld [tilespmem:s1+$0x81D0]  }
0x12d: {  	[tilespmem:s1+$0x10170] =	vst v0;
	v0 =	vadd.f32 v2, v36;
	v2 =	vld [tilespmem:s1+$0x81E0]  }
0x12e: {  	[tilespmem:s1+$0x10180] =	vst v1;
	v1 =	vadd.f32 v4, v37;
	v4 =	vld [tilespmem:s1+$0x81F0]  }
0x12f: {  	[tilespmem:s1+$0x10190] =	vst v0;
	v0 =	vadd.f32 v6, v38;
	v6 =	vld [tilespmem:s1+$0x8200]  }
0x130: {  	[tilespmem:s1+$0x101A0] =	vst v1;
	v1 =	vadd.f32 v3, v39;
	v3 =	vld [tilespmem:s1+$0x8210]  }
0x131: {  	[tilespmem:s1+$0x101B0] =	vst v0;
	v0 =	vadd.f32 v7, v40;
	v7 =	vld [tilespmem:s1+$0x8220]  }
0x132: {  	[tilespmem:s1+$0x101C0] =	vst v1;
	v1 =	vadd.f32 v2, v41;
	v2 =	vld [tilespmem:s1+$0x8230]  }
0x133: {  	[tilespmem:s1+$0x101D0] =	vst v0;
	v0 =	vadd.f32 v4, v42;
	v4 =	vld [tilespmem:s1+$0x8240]  }
0x134: {  	[tilespmem:s1+$0x101E0] =	vst v1;
	v1 =	vadd.f32 v6, v44;
	v6 =	vld [tilespmem:s1+$0x8250]  }
0x135: {  	[tilespmem:s1+$0x101F0] =	vst v0;
	v0 =	vadd.f32 v3, v45;
	v3 =	vld [tilespmem:s1+$0x8260]  }
0x136: {  	[tilespmem:s1+$0x10200] =	vst v1;
	v1 =	vadd.f32 v7, v47;
	v7 =	vld [tilespmem:s1+$0x8270]  }
0x137: {  	[tilespmem:s1+$0x10210] =	vst v0;
	v0 =	vadd.f32 v2, v49;
	v2 =	vld [tilespmem:s1+$0x8280]  }
0x138: {  	[tilespmem:s1+$0x10220] =	vst v1;
	v1 =	vadd.f32 v4, v51;
	v4 =	vld [tilespmem:s1+$0x8290]  }
0x139: {  	[tilespmem:s1+$0x10230] =	vst v0;
	v0 =	vadd.f32 v6, v53;
	v6 =	vld [tilespmem:s1+$0x82A0]  }
0x13a: {  	[tilespmem:s1+$0x10240] =	vst v1;
	v1 =	vadd.f32 v3, v54;
	v3 =	vld [tilespmem:s1+$0x82B0]  }
0x13b: {  	[tilespmem:s1+$0x10250] =	vst v0;
	v0 =	vadd.f32 v7, v56;
	v7 =	vld [tilespmem:s1+$0x82C0]  }
0x13c: {  	[tilespmem:s1+$0x10260] =	vst v1;
	v1 =	vadd.f32 v2, v57;
	v2 =	vld [tilespmem:s1+$0x82D0]  }
0x13d: {  	[tilespmem:s1+$0x10270] =	vst v0;
	v0 =	vadd.f32 v4, v55;
	v4 =	vld [tilespmem:s1+$0x82E0]  }
0x13e: {  	[tilespmem:s1+$0x10280] =	vst v1;
	v1 =	vadd.f32 v6, v52;
	v6 =	vld [tilespmem:s1+$0x82F0]  }
0x13f: {  	[tilespmem:s1+$0x10290] =	vst v0;
	v0 =	vadd.f32 v3, v50;
	v3 =	vld [tilespmem:s1+$0x8300]  }
0x140: {  	[tilespmem:s1+$0x102A0] =	vst v1;
	v1 =	vadd.f32 v7, v48;
	v7 =	vld [tilespmem:s1+$0x8310]  }
0x141: {  	[tilespmem:s1+$0x102B0] =	vst v0;
	v0 =	vadd.f32 v2, v46;
	v2 =	vld [tilespmem:s1+$0x8320]  }
0x142: {  	[tilespmem:s1+$0x102C0] =	vst v1;
	v1 =	vadd.f32 v4, v43;
	v4 =	vld [tilespmem:s1+$0x8330]  }
0x143: {  	[tilespmem:s1+$0x102D0] =	vst v0;
	v0 =	vadd.f32 v6, v58;
	v6 =	vld [tilespmem:s1+$0x8340]  }
0x144: {  	[tilespmem:s1+$0x102E0] =	vst v1;
	v1 =	vadd.f32 v3, v27;
	v3 =	vld [tilespmem:s1+$0x8350]  }
0x145: {  	[tilespmem:s1+$0x102F0] =	vst v0;
	v0 =	vadd.f32 v7, v28;
	v7 =	vld [tilespmem:s1+$0x8360]  }
0x146: {  	[tilespmem:s1+$0x10300] =	vst v1;
	v1 =	vadd.f32 v2, v29;
	v2 =	vld [tilespmem:s1+$0x8370]  }
0x147: {  	[tilespmem:s1+$0x10310] =	vst v0;
	v0 =	vadd.f32 v4, v30;
	v4 =	vld [tilespmem:s1+$0x8380]  }
0x148: {  	[tilespmem:s1+$0x10320] =	vst v1;
	v1 =	vadd.f32 v6, v31;
	v6 =	vld [tilespmem:s1+$0x8390]  }
0x149: {  	[tilespmem:s1+$0x10330] =	vst v0;
	v0 =	vadd.f32 v3, v32;
	v3 =	vld [tilespmem:s1+$0x83A0]  }
0x14a: {  	[tilespmem:s1+$0x10340] =	vst v1;
	v1 =	vadd.f32 v7, v33;
	v7 =	vld [tilespmem:s1+$0x83B0]  }
0x14b: {  	[tilespmem:s1+$0x10350] =	vst v0;
	v0 =	vadd.f32 v2, v34;
	v2 =	vld [tilespmem:s1+$0x83C0]  }
0x14c: {  	[tilespmem:s1+$0x10360] =	vst v1;
	v1 =	vadd.f32 v4, v35;
	v4 =	vld [tilespmem:s1+$0x83D0]  }
0x14d: {  	[tilespmem:s1+$0x10370] =	vst v0;
	v0 =	vadd.f32 v6, v36;
	v6 =	vld [tilespmem:s1+$0x83E0]  }
0x14e: {  	[tilespmem:s1+$0x10380] =	vst v1;
	v1 =	vadd.f32 v3, v37;
	v3 =	vld [tilespmem:s1+$0x83F0]  }
0x14f: {  	[tilespmem:s1+$0x10390] =	vst v0;
	v0 =	vadd.f32 v7, v38;
	v7 =	vld [tilespmem:s1+$0x8400]  }
0x150: {  	[tilespmem:s1+$0x103A0] =	vst v1;
	v1 =	vadd.f32 v2, v39;
	v2 =	vld [tilespmem:s1+$0x8410]  }
0x151: {  	[tilespmem:s1+$0x103B0] =	vst v0;
	v0 =	vadd.f32 v4, v40;
	v4 =	vld [tilespmem:s1+$0x8420]  }
0x152: {  	[tilespmem:s1+$0x103C0] =	vst v1;
	v1 =	vadd.f32 v6, v41;
	v6 =	vld [tilespmem:s1+$0x8430]  }
0x153: {  	[tilespmem:s1+$0x103D0] =	vst v0;
	v0 =	vadd.f32 v3, v42;
	v3 =	vld [tilespmem:s1+$0x8440]  }
0x154: {  	[tilespmem:s1+$0x103E0] =	vst v1;
	v1 =	vadd.f32 v7, v44;
	v7 =	vld [tilespmem:s1+$0x8450]  }
0x155: {  	[tilespmem:s1+$0x103F0] =	vst v0;
	v0 =	vadd.f32 v2, v45;
	v2 =	vld [tilespmem:s1+$0x8460]  }
0x156: {  	[tilespmem:s1+$0x10400] =	vst v1;
	v1 =	vadd.f32 v4, v47;
	v4 =	vld [tilespmem:s1+$0x8470]  }
0x157: {  	[tilespmem:s1+$0x10410] =	vst v0;
	v0 =	vadd.f32 v6, v49;
	v6 =	vld [tilespmem:s1+$0x8480]  }
0x158: {  	[tilespmem:s1+$0x10420] =	vst v1;
	v1 =	vadd.f32 v3, v51;
	v3 =	vld [tilespmem:s1+$0x8490]  }
0x159: {  	[tilespmem:s1+$0x10430] =	vst v0;
	v0 =	vadd.f32 v7, v53;
	v7 =	vld [tilespmem:s1+$0x84A0]  }
0x15a: {  	[tilespmem:s1+$0x10440] =	vst v1;
	v1 =	vadd.f32 v2, v54;
	v2 =	vld [tilespmem:s1+$0x84B0]  }
0x15b: {  	[tilespmem:s1+$0x10450] =	vst v0;
	v0 =	vadd.f32 v4, v56;
	v4 =	vld [tilespmem:s1+$0x84C0]  }
0x15c: {  	[tilespmem:s1+$0x10460] =	vst v1;
	v1 =	vadd.f32 v6, v57;
	v6 =	vld [tilespmem:s1+$0x84D0]  }
0x15d: {  	[tilespmem:s1+$0x10470] =	vst v0;
	v0 =	vadd.f32 v3, v55;
	v3 =	vld [tilespmem:s1+$0x84E0]  }
0x15e: {  	[tilespmem:s1+$0x10480] =	vst v1;
	v1 =	vadd.f32 v7, v52;
	v7 =	vld [tilespmem:s1+$0x84F0]  }
0x15f: {  	[tilespmem:s1+$0x10490] =	vst v0;
	v0 =	vadd.f32 v2, v50;
	v2 =	vld [tilespmem:s1+$0x8500]  }
0x160: {  	[tilespmem:s1+$0x104A0] =	vst v1;
	v1 =	vadd.f32 v4, v48;
	v4 =	vld [tilespmem:s1+$0x8510]  }
0x161: {  	[tilespmem:s1+$0x104B0] =	vst v0;
	v0 =	vadd.f32 v6, v46;
	v6 =	vld [tilespmem:s1+$0x8520]  }
0x162: {  	[tilespmem:s1+$0x104C0] =	vst v1;
	v1 =	vadd.f32 v3, v43;
	v3 =	vld [tilespmem:s1+$0x8530]  }
0x163: {  	[tilespmem:s1+$0x104D0] =	vst v0;
	v0 =	vadd.f32 v7, v58;
	v7 =	vld [tilespmem:s1+$0x8540]  }
0x164: {  	[tilespmem:s1+$0x104E0] =	vst v1;
	v1 =	vadd.f32 v2, v27;
	v2 =	vld [tilespmem:s1+$0x8550]  }
0x165: {  	[tilespmem:s1+$0x104F0] =	vst v0;
	v0 =	vadd.f32 v4, v28;
	v4 =	vld [tilespmem:s1+$0x8560]  }
0x166: {  	[tilespmem:s1+$0x10500] =	vst v1;
	v1 =	vadd.f32 v6, v29;
	v6 =	vld [tilespmem:s1+$0x8570]  }
0x167: {  	[tilespmem:s1+$0x10510] =	vst v0;
	v0 =	vadd.f32 v3, v30;
	v3 =	vld [tilespmem:s1+$0x8580]  }
0x168: {  	[tilespmem:s1+$0x10520] =	vst v1;
	v1 =	vadd.f32 v7, v31;
	v7 =	vld [tilespmem:s1+$0x8590]  }
0x169: {  	[tilespmem:s1+$0x10530] =	vst v0;
	v0 =	vadd.f32 v2, v32;
	v2 =	vld [tilespmem:s1+$0x85A0]  }
0x16a: {  	[tilespmem:s1+$0x10540] =	vst v1;
	v1 =	vadd.f32 v4, v33;
	v4 =	vld [tilespmem:s1+$0x85B0]  }
0x16b: {  	[tilespmem:s1+$0x10550] =	vst v0;
	v0 =	vadd.f32 v6, v34;
	v6 =	vld [tilespmem:s1+$0x85C0]  }
0x16c: {  	[tilespmem:s1+$0x10560] =	vst v1;
	v1 =	vadd.f32 v3, v35;
	v3 =	vld [tilespmem:s1+$0x85D0]  }
0x16d: {  	[tilespmem:s1+$0x10570] =	vst v0;
	v0 =	vadd.f32 v7, v36;
	v7 =	vld [tilespmem:s1+$0x85E0]  }
0x16e: {  	[tilespmem:s1+$0x10580] =	vst v1;
	v1 =	vadd.f32 v2, v37;
	v2 =	vld [tilespmem:s1+$0x85F0]  }
0x16f: {  	[tilespmem:s1+$0x10590] =	vst v0;
	v0 =	vadd.f32 v4, v38;
	v4 =	vld [tilespmem:s1+$0x8600]  }
0x170: {  	[tilespmem:s1+$0x105A0] =	vst v1;
	v1 =	vadd.f32 v6, v39;
	v6 =	vld [tilespmem:s1+$0x8610]  }
0x171: {  	[tilespmem:s1+$0x105B0] =	vst v0;
	v0 =	vadd.f32 v3, v40;
	v3 =	vld [tilespmem:s1+$0x8620]  }
0x172: {  	[tilespmem:s1+$0x105C0] =	vst v1;
	v1 =	vadd.f32 v7, v41;
	v7 =	vld [tilespmem:s1+$0x8630]  }
0x173: {  	[tilespmem:s1+$0x105D0] =	vst v0;
	v0 =	vadd.f32 v2, v42;
	v2 =	vld [tilespmem:s1+$0x8640]  }
0x174: {  	[tilespmem:s1+$0x105E0] =	vst v1;
	v1 =	vadd.f32 v4, v44;
	v4 =	vld [tilespmem:s1+$0x8650]  }
0x175: {  	[tilespmem:s1+$0x105F0] =	vst v0;
	v0 =	vadd.f32 v6, v45;
	v6 =	vld [tilespmem:s1+$0x8660]  }
0x176: {  	[tilespmem:s1+$0x10600] =	vst v1;
	v1 =	vadd.f32 v3, v47;
	v3 =	vld [tilespmem:s1+$0x8670]  }
0x177: {  	[tilespmem:s1+$0x10610] =	vst v0;
	v0 =	vadd.f32 v7, v49;
	v7 =	vld [tilespmem:s1+$0x8680]  }
0x178: {  	[tilespmem:s1+$0x10620] =	vst v1;
	v1 =	vadd.f32 v2, v51;
	v2 =	vld [tilespmem:s1+$0x8690]  }
0x179: {  	[tilespmem:s1+$0x10630] =	vst v0;
	v0 =	vadd.f32 v4, v53;
	v4 =	vld [tilespmem:s1+$0x86A0]  }
0x17a: {  	[tilespmem:s1+$0x10640] =	vst v1;
	v1 =	vadd.f32 v6, v54;
	v6 =	vld [tilespmem:s1+$0x86B0]  }
0x17b: {  	[tilespmem:s1+$0x10650] =	vst v0;
	v0 =	vadd.f32 v3, v56;
	v3 =	vld [tilespmem:s1+$0x86C0]  }
0x17c: {  	[tilespmem:s1+$0x10660] =	vst v1;
	v1 =	vadd.f32 v7, v57;
	v7 =	vld [tilespmem:s1+$0x86D0]  }
0x17d: {  	[tilespmem:s1+$0x10670] =	vst v0;
	v0 =	vadd.f32 v2, v55;
	v2 =	vld [tilespmem:s1+$0x86E0]  }
0x17e: {  	[tilespmem:s1+$0x10680] =	vst v1;
	v1 =	vadd.f32 v4, v52;
	v4 =	vld [tilespmem:s1+$0x86F0]  }
0x17f: {  	[tilespmem:s1+$0x10690] =	vst v0;
	v0 =	vadd.f32 v6, v50;
	v6 =	vld [tilespmem:s1+$0x8700]  }
0x180: {  	[tilespmem:s1+$0x106A0] =	vst v1;
	v1 =	vadd.f32 v3, v48;
	v3 =	vld [tilespmem:s1+$0x8710]  }
0x181: {  	[tilespmem:s1+$0x106B0] =	vst v0;
	v0 =	vadd.f32 v7, v46;
	v7 =	vld [tilespmem:s1+$0x8720]  }
0x182: {  	[tilespmem:s1+$0x106C0] =	vst v1;
	v1 =	vadd.f32 v2, v43;
	v2 =	vld [tilespmem:s1+$0x8730]  }
0x183: {  	[tilespmem:s1+$0x106D0] =	vst v0;
	v0 =	vadd.f32 v4, v58;
	v4 =	vld [tilespmem:s1+$0x8740]  }
0x184: {  	[tilespmem:s1+$0x106E0] =	vst v1;
	v1 =	vadd.f32 v6, v27;
	v6 =	vld [tilespmem:s1+$0x8750]  }
0x185: {  	[tilespmem:s1+$0x106F0] =	vst v0;
	v0 =	vadd.f32 v3, v28;
	v3 =	vld [tilespmem:s1+$0x8760]  }
0x186: {  	[tilespmem:s1+$0x10700] =	vst v1;
	v1 =	vadd.f32 v7, v29;
	v7 =	vld [tilespmem:s1+$0x8770]  }
0x187: {  	[tilespmem:s1+$0x10710] =	vst v0;
	v0 =	vadd.f32 v2, v30;
	v2 =	vld [tilespmem:s1+$0x8780]  }
0x188: {  	[tilespmem:s1+$0x10720] =	vst v1;
	v1 =	vadd.f32 v4, v31;
	v4 =	vld [tilespmem:s1+$0x8790]  }
0x189: {  	[tilespmem:s1+$0x10730] =	vst v0;
	v0 =	vadd.f32 v6, v32;
	v6 =	vld [tilespmem:s1+$0x87A0]  }
0x18a: {  	[tilespmem:s1+$0x10740] =	vst v1;
	v1 =	vadd.f32 v3, v33;
	v3 =	vld [tilespmem:s1+$0x87B0]  }
0x18b: {  	[tilespmem:s1+$0x10750] =	vst v0;
	v0 =	vadd.f32 v7, v34;
	v7 =	vld [tilespmem:s1+$0x87C0]  }
0x18c: {  	[tilespmem:s1+$0x10760] =	vst v1;
	v1 =	vadd.f32 v2, v35;
	v2 =	vld [tilespmem:s1+$0x87D0]  }
0x18d: {  	[tilespmem:s1+$0x10770] =	vst v0;
	v0 =	vadd.f32 v4, v36;
	v4 =	vld [tilespmem:s1+$0x87E0]  }
0x18e: {  	[tilespmem:s1+$0x10780] =	vst v1;
	v1 =	vadd.f32 v6, v37;
	v6 =	vld [tilespmem:s1+$0x87F0]  }
0x18f: {  	[tilespmem:s1+$0x10790] =	vst v0;
	v0 =	vadd.f32 v3, v38;
	v3 =	vld [tilespmem:s1+$0x8800]  }
0x190: {  	[tilespmem:s1+$0x107A0] =	vst v1;
	v1 =	vadd.f32 v7, v39;
	v7 =	vld [tilespmem:s1+$0x8810]  }
0x191: {  	[tilespmem:s1+$0x107B0] =	vst v0;
	v0 =	vadd.f32 v2, v40;
	v2 =	vld [tilespmem:s1+$0x8820]  }
0x192: {  	[tilespmem:s1+$0x107C0] =	vst v1;
	v1 =	vadd.f32 v4, v41;
	v4 =	vld [tilespmem:s1+$0x8830]  }
0x193: {  	[tilespmem:s1+$0x107D0] =	vst v0;
	v0 =	vadd.f32 v6, v42;
	v6 =	vld [tilespmem:s1+$0x8840]  }
0x194: {  	[tilespmem:s1+$0x107E0] =	vst v1;
	v1 =	vadd.f32 v3, v44;
	v3 =	vld [tilespmem:s1+$0x8850]  }
0x195: {  	[tilespmem:s1+$0x107F0] =	vst v0;
	v0 =	vadd.f32 v7, v45;
	v7 =	vld [tilespmem:s1+$0x8860]  }
0x196: {  	[tilespmem:s1+$0x10800] =	vst v1;
	v1 =	vadd.f32 v2, v47;
	v2 =	vld [tilespmem:s1+$0x8870]  }
0x197: {  	[tilespmem:s1+$0x10810] =	vst v0;
	v0 =	vadd.f32 v4, v49;
	v4 =	vld [tilespmem:s1+$0x8880]  }
.Ltmp0:
0x198: {  	[tilespmem:s1+$0x10820] =	vst v1;
	v1 =	vadd.f32 v6, v51;
	v59 =	vld [tilespmem:s1+$0x8890];
	(pc) =	sbr.rel @p1 .LBB2_3-.Ltmp0, $4  }
0x199: {  	[tilespmem:s1+$0x10830] =	vst v0;
	v0 =	vadd.f32 v3, v53;
	v60 =	vld [tilespmem:s1+$0x88A0]  }
0x19a: {  	[tilespmem:s1+$0x10840] =	vst v1;
	v3 =	vadd.f32 v7, v54;
	v61 =	vld [tilespmem:s1+$0x88B0]  }
0x19b: {  	[tilespmem:s1+$0x10850] =	vst v0;
	v1 =	vadd.f32 v2, v56;
	v62 =	vld [tilespmem:s1+$0x88C0]  }
0x19c: {  	s2 =	sadd.s32 $0x4, s2;
	[tilespmem:s1+$0x10860] =	vst v3;
	v0 =	vadd.f32 v4, v57;
	v63 =	vld [tilespmem:s1+$0x88D0]  }
0x19d: {  	[tilespmem:s1+$0x10870] =	vst v1;
	v1 =	vadd.f32 v59, v55;
	v2 =	vld [tilespmem:s1+$0x88E0]  }
0x19e: {  	[tilespmem:s1+$0x10880] =	vst v0;
	v0 =	vadd.f32 v60, v52  }
0x19f: {  	[tilespmem:s1+$0x10890] =	vst v1;
	v1 =	vadd.f32 v61, v50  }
0x1a0: {  	[tilespmem:s1+$0x108A0] =	vst v0;
	v0 =	vadd.f32 v62, v48  }
0x1a1: {  	v3 =	vor.u32 v18, v26;
	[tilespmem:s1+$0x108B0] =	vst v1;
	v1 =	vadd.f32 v63, v46  }
0x1a2: {  	s2 =	sor.u32 s6, s30;
	[tilespmem:s1+$0x108C0] =	vst v0;
	v0 =	vadd.f32 v2, v43  }
0x1a3: {  	s2 =	sshrl.u32 s2, $0x3;
	[tilespmem:s1+$0x108D0] =	vst v1  }
0x1a4: {  	s13 =	sadd.s32 s3, s2;
	[tilespmem:s1+$0x108E0] =	vst v0  }
0x1a5: {  	[hbm4b:s13+s20] =	stream.strided.scatter [tilespmem:s22], [sflag:$0x3], $0x4000, s21, s20, $0x38;
	[tilespmem:$0x1E500] =	vst v63  }
0x1a6: {  	v0 =	vld.idx.msk [tilespmem:v3+s5+$0x0], $0xffff  }
0x1a7: {  	v1 =	vor.u32 v19, v26;
	_ =	sdelay $0x3  }
0x1a8: {  	[tilespmem:$0x8000] =	vst v0  }
0x1a9: {  	v0 =	vld.idx.msk [tilespmem:v1+s5+$0x0], $0xffff  }
0x1aa: {  	v1 =	vor.u32 v20, v26;
	_ =	sdelay $0x3  }
0x1ab: {  	[tilespmem:$0x8010] =	vst v0  }
0x1ac: {  	v0 =	vld.idx.msk [tilespmem:v1+s5+$0x0], $0xffff  }
0x1ad: {  	v1 =	vor.u32 v21, v26;
	_ =	sdelay $0x3  }
0x1ae: {  	[tilespmem:$0x8020] =	vst v0  }
0x1af: {  	v0 =	vld.idx.msk [tilespmem:v1+s5+$0x0], $0xffff  }
0x1b0: {  	v1 =	vor.u32 v22, v26;
	_ =	sdelay $0x3  }
0x1b1: {  	[tilespmem:$0x8030] =	vst v0  }
0x1b2: {  	v0 =	vld.idx.msk [tilespmem:v1+s5+$0x0], $0xffff  }
0x1b3: {  	v1 =	vor.u32 v23, v26;
	_ =	sdelay $0x3  }
0x1b4: {  	[tilespmem:$0x8040] =	vst v0  }
0x1b5: {  	v0 =	vld.idx.msk [tilespmem:v1+s5+$0x0], $0xffff  }
0x1b6: {  	v1 =	vor.u32 v24, v26;
	_ =	sdelay $0x3  }
0x1b7: {  	[tilespmem:$0x8050] =	vst v0  }
0x1b8: {  	v0 =	vld.idx.msk [tilespmem:v1+s5+$0x0], $0xffff  }
0x1b9: {  	v1 =	vor.u32 v25, v26;
	_ =	sdelay $0x3  }
0x1ba: {  	[tilespmem:$0x8060] =	vst v0  }
0x1bb: {  	v0 =	vld.idx.msk [tilespmem:v1+s5+$0x0], $0xffff;
	_ =	sdelay $0x4  }
0x1bc: {  	[tilespmem:$0x8070] =	vst v0  }
0x1bd: {  	[tilespmem:s16], [sflag:$0x1] =	stream.indirect.gather [hbm4b:s0+s14], $0x80, s15, s14, $0xb8;
	[tilespmem:$0x1E500] =	vst v63  }
0x1be: {  	v27 =	vld [tilespmem:s30+$0x18100]  }
0x1bf: {  	v28 =	vld [tilespmem:s30+$0x18110]  }
0x1c0: {  	v29 =	vld [tilespmem:s30+$0x18120]  }
0x1c1: {  	v30 =	vld [tilespmem:s30+$0x18130]  }
0x1c2: {  	v31 =	vld [tilespmem:s30+$0x18140]  }
0x1c3: {  	v32 =	vld [tilespmem:s30+$0x18150]  }
0x1c4: {  	v33 =	vld [tilespmem:s30+$0x18160]  }
0x1c5: {  	v34 =	vld [tilespmem:s30+$0x18170]  }
0x1c6: {  	v35 =	vld [tilespmem:s30+$0x18180]  }
0x1c7: {  	v36 =	vld [tilespmem:s30+$0x18190]  }
0x1c8: {  	v37 =	vld [tilespmem:s30+$0x181A0]  }
0x1c9: {  	v38 =	vld [tilespmem:s30+$0x181B0]  }
0x1ca: {  	v39 =	vld [tilespmem:s30+$0x181C0]  }
0x1cb: {  	v40 =	vld [tilespmem:s30+$0x181D0]  }
0x1cc: {  	v41 =	vld [tilespmem:s30+$0x181E0]  }
0x1cd: {  	v43 =	vld [tilespmem:s30+$0x181F0]  }
0x1ce: {  	v44 =	vld [tilespmem:s30+$0x18200]  }
0x1cf: {  	v45 =	vld [tilespmem:s30+$0x18210]  }
0x1d0: {  	v47 =	vld [tilespmem:s30+$0x18220]  }
0x1d1: {  	v49 =	vld [tilespmem:s30+$0x18230]  }
0x1d2: {  	v51 =	vld [tilespmem:s30+$0x18240]  }
0x1d3: {  	v53 =	vld [tilespmem:s30+$0x18250]  }
0x1d4: {  	v54 =	vld [tilespmem:s30+$0x18260]  }
0x1d5: {  	v56 =	vld [tilespmem:s30+$0x18270]  }
0x1d6: {  	v57 =	vld [tilespmem:s30+$0x18280]  }
0x1d7: {  	v55 =	vld [tilespmem:s30+$0x18290]  }
0x1d8: {  	v52 =	vld [tilespmem:s30+$0x182A0]  }
0x1d9: {  	v50 =	vld [tilespmem:s30+$0x182B0]  }
0x1da: {  	v48 =	vld [tilespmem:s30+$0x182C0]  }
0x1db: {  	v46 =	vld [tilespmem:s30+$0x182D0]  }
0x1dc: {  	v42 =	vld [tilespmem:s30+$0x182E0]  }
0x1dd: {  	v58 =	vld [tilespmem:s30+$0x182F0];
	_ =	swait.ge [sflag:s23], $0x4000  }
0x1de: {  	[sflag:s23] =	ssyncset.done $0x0  }
0x1df: {  	s1 =	simm.s32 @!p0 $0x4;
	[sflag:s23] =	ssyncadd.s32 $0xFFFFC000  }
0x1e0: {  	_ =	swait.ge @!p0 [sflag:s1], $0x4000  }
0x1e1: {  	[sflag:s1] =	ssyncset.done @!p0 $0x0  }
0x1e2: {  	[sflag:s1] =	ssyncadd.s32 @!p0 $0xFFFFC000;
	s1 =	simm.s32 $0x0  }
0x1e3: {  	v0 =	vld [tilespmem:s1+$0xC100]  }
0x1e4: {  	v1 =	vld [tilespmem:s1+$0xC110]  }
0x1e5: {  	v2 =	vld [tilespmem:s1+$0xC120]  }
0x1e6: {  	v3 =	vld [tilespmem:s1+$0xC130]  }
0x1e7: {  	v4 =	vld [tilespmem:s1+$0xC140]  }
0x1e8: {  	v6 =	vld [tilespmem:s1+$0xC150]  }
0x1e9: {  	v7 =	vld [tilespmem:s1+$0xC160];
	v0 =	vadd.f32 v0, v27  }
0x1ea: {  	v8 =	vld [tilespmem:s1+$0xC8F0];
	v1 =	vadd.f32 v1, v28  }
0x1eb: {  	v9 =	vld [tilespmem:s1+$0xC300];
	v2 =	vadd.f32 v2, v29;
	[tilespmem:s1+$0x14100] =	vst v0  }
0x1ec: {  	v10 =	vld [tilespmem:s1+$0xC310];
	v3 =	vadd.f32 v3, v30;
	[tilespmem:s1+$0x14110] =	vst v1  }
0x1ed: {  	v59 =	vld [tilespmem:s1+$0xC320];
	v4 =	vadd.f32 v4, v31;
	[tilespmem:s1+$0x14120] =	vst v2  }
0x1ee: {  	v60 =	vld [tilespmem:s1+$0xC330];
	v6 =	vadd.f32 v6, v32;
	[tilespmem:s1+$0x14130] =	vst v3  }
0x1ef: {  	v61 =	vld [tilespmem:s1+$0xC340];
	v7 =	vadd.f32 v7, v33;
	[tilespmem:s1+$0x14140] =	vst v4  }
0x1f0: {  	v8 =	vadd.f32 v8, v58;
	v0 =	vld [tilespmem:s1+$0xC170];
	[tilespmem:s1+$0x14150] =	vst v6  }
0x1f1: {  	v10 =	vadd.f32 v10, v28;
	v1 =	vld [tilespmem:s1+$0xC180];
	[tilespmem:s1+$0x14160] =	vst v7  }
0x1f2: {  	v59 =	vadd.f32 v59, v29;
	v2 =	vld [tilespmem:s1+$0xC190];
	[tilespmem:s1+$0x148F0] =	vst v8  }
0x1f3: {  	v60 =	vadd.f32 v60, v30;
	v3 =	vld [tilespmem:s1+$0xC1A0];
	[tilespmem:s1+$0x14310] =	vst v10  }
0x1f4: {  	v61 =	vadd.f32 v61, v31;
	v4 =	vld [tilespmem:s1+$0xC1B0];
	[tilespmem:s1+$0x14320] =	vst v59  }
0x1f5: {  	v6 =	vld [tilespmem:s1+$0xC1C0];
	v8 =	vadd.f32 v9, v27;
	[tilespmem:s1+$0x14330] =	vst v60  }
0x1f6: {  	v7 =	vld [tilespmem:s1+$0xC1D0];
	[tilespmem:s1+$0x14340] =	vst v61;
	v0 =	vadd.f32 v0, v34  }
0x1f7: {  	v9 =	vld [tilespmem:s1+$0xC350];
	[tilespmem:s1+$0x14300] =	vst v8;
	v1 =	vadd.f32 v1, v35  }
0x1f8: {  	v10 =	vld [tilespmem:s1+$0xC200];
	v2 =	vadd.f32 v2, v36;
	[tilespmem:s1+$0x14170] =	vst v0  }
0x1f9: {  	v59 =	vld [tilespmem:s1+$0xC210];
	v3 =	vadd.f32 v3, v37;
	[tilespmem:s1+$0x14180] =	vst v1  }
0x1fa: {  	v60 =	vld [tilespmem:s1+$0xC220];
	v4 =	vadd.f32 v4, v38;
	[tilespmem:s1+$0x14190] =	vst v2  }
0x1fb: {  	v61 =	vld [tilespmem:s1+$0xC230];
	v6 =	vadd.f32 v6, v39;
	[tilespmem:s1+$0x141A0] =	vst v3  }
0x1fc: {  	v8 =	vld [tilespmem:s1+$0xC1F0];
	v7 =	vadd.f32 v7, v40;
	[tilespmem:s1+$0x141B0] =	vst v4  }
0x1fd: {  	v9 =	vadd.f32 v9, v32;
	v0 =	vld [tilespmem:s1+$0xC1E0];
	[tilespmem:s1+$0x141C0] =	vst v6  }
0x1fe: {  	v10 =	vadd.f32 v10, v44;
	v1 =	vld [tilespmem:s1+$0xC360];
	[tilespmem:s1+$0x141D0] =	vst v7  }
0x1ff: {  	v59 =	vadd.f32 v59, v45;
	v2 =	vld [tilespmem:s1+$0xC370];
	[tilespmem:s1+$0x14350] =	vst v9  }
0x200: {  	v60 =	vadd.f32 v60, v47;
	v3 =	vld [tilespmem:s1+$0xC380];
	[tilespmem:s1+$0x14200] =	vst v10  }
0x201: {  	v61 =	vadd.f32 v61, v49;
	v4 =	vld [tilespmem:s1+$0xC390];
	[tilespmem:s1+$0x14210] =	vst v59  }
0x202: {  	v6 =	vld [tilespmem:s1+$0xC3A0];
	v8 =	vadd.f32 v8, v43;
	[tilespmem:s1+$0x14220] =	vst v60  }
0x203: {  	v7 =	vld [tilespmem:s1+$0xC3B0];
	[tilespmem:s1+$0x14230] =	vst v61;
	v0 =	vadd.f32 v0, v41  }
0x204: {  	v9 =	vld [tilespmem:s1+$0xC240];
	[tilespmem:s1+$0x141F0] =	vst v8;
	v1 =	vadd.f32 v1, v33  }
0x205: {  	v10 =	vld [tilespmem:s1+$0xC3E0];
	v2 =	vadd.f32 v2, v34;
	[tilespmem:s1+$0x141E0] =	vst v0  }
0x206: {  	v59 =	vld [tilespmem:s1+$0xC3F0];
	v3 =	vadd.f32 v3, v35;
	[tilespmem:s1+$0x14360] =	vst v1  }
0x207: {  	v60 =	vld [tilespmem:s1+$0xC400];
	v4 =	vadd.f32 v4, v36;
	[tilespmem:s1+$0x14370] =	vst v2  }
0x208: {  	v61 =	vld [tilespmem:s1+$0xC410];
	v6 =	vadd.f32 v6, v37;
	[tilespmem:s1+$0x14380] =	vst v3  }
0x209: {  	v8 =	vld [tilespmem:s1+$0xC3D0];
	v7 =	vadd.f32 v7, v38;
	[tilespmem:s1+$0x14390] =	vst v4  }
0x20a: {  	v9 =	vadd.f32 v9, v51;
	v0 =	vld [tilespmem:s1+$0xC3C0];
	[tilespmem:s1+$0x143A0] =	vst v6  }
0x20b: {  	v10 =	vadd.f32 v10, v41;
	v1 =	vld [tilespmem:s1+$0xC250];
	[tilespmem:s1+$0x143B0] =	vst v7  }
0x20c: {  	v59 =	vadd.f32 v59, v43;
	v2 =	vld [tilespmem:s1+$0xC260];
	[tilespmem:s1+$0x14240] =	vst v9  }
0x20d: {  	v60 =	vadd.f32 v60, v44;
	v3 =	vld [tilespmem:s1+$0xC270];
	[tilespmem:s1+$0x143E0] =	vst v10  }
0x20e: {  	v7 =	vld [tilespmem:s1+$0xC2A0];
	v8 =	vadd.f32 v8, v40;
	[tilespmem:s1+$0x143F0] =	vst v59  }
0x20f: {  	v4 =	vld [tilespmem:s1+$0xC280];
	[tilespmem:s1+$0x14400] =	vst v60;
	v0 =	vadd.f32 v0, v39  }
0x210: {  	[tilespmem:s1+$0x143D0] =	vst v8;
	v8 =	vld [tilespmem:s1+$0xC2C0];
	v1 =	vadd.f32 v1, v53  }
0x211: {  	v6 =	vld [tilespmem:s1+$0xC290];
	v2 =	vadd.f32 v2, v54;
	[tilespmem:s1+$0x143C0] =	vst v0  }
0x212: {  	v59 =	vld [tilespmem:s1+$0xC2E0];
	v3 =	vadd.f32 v3, v56;
	[tilespmem:s1+$0x14250] =	vst v1  }
0x213: {  	v9 =	vld [tilespmem:s1+$0xC420];
	v7 =	vadd.f32 v7, v52;
	[tilespmem:s1+$0x14260] =	vst v2  }
0x214: {  	v10 =	vld [tilespmem:s1+$0xC2D0];
	v4 =	vadd.f32 v4, v57;
	[tilespmem:s1+$0x14270] =	vst v3  }
0x215: {  	v0 =	vld [tilespmem:s1+$0xC2B0];
	[tilespmem:s1+$0x142A0] =	vst v7;
	v7 =	vadd.f32 v8, v48  }
0x216: {  	v6 =	vadd.f32 v6, v55;
	v1 =	vld [tilespmem:s1+$0xC430];
	[tilespmem:s1+$0x14280] =	vst v4  }
0x217: {  	v2 =	vld [tilespmem:s1+$0xC440];
	[tilespmem:s1+$0x142C0] =	vst v7;
	v7 =	vadd.f32 v59, v42  }
0x218: {  	v9 =	vadd.f32 v9, v47;
	v3 =	vld [tilespmem:s1+$0xC450];
	[tilespmem:s1+$0x14290] =	vst v6  }
0x219: {  	v4 =	vld [tilespmem:s1+$0xC460];
	[tilespmem:s1+$0x142E0] =	vst v7;
	v7 =	vadd.f32 v61, v45  }
0x21a: {  	v6 =	vld [tilespmem:s1+$0xC470];
	[tilespmem:s1+$0x14420] =	vst v9;
	v0 =	vadd.f32 v0, v50  }
0x21b: {  	v9 =	vld [tilespmem:s1+$0xC570];
	v1 =	vadd.f32 v1, v49;
	[tilespmem:s1+$0x14410] =	vst v7  }
0x21c: {  	v60 =	vld [tilespmem:s1+$0xC2F0];
	v2 =	vadd.f32 v2, v51;
	[tilespmem:s1+$0x142B0] =	vst v0  }
0x21d: {  	v59 =	vld [tilespmem:s1+$0xC520];
	v3 =	vadd.f32 v3, v53;
	[tilespmem:s1+$0x14430] =	vst v1  }
0x21e: {  	v8 =	vld [tilespmem:s1+$0xC500];
	v4 =	vadd.f32 v4, v54;
	[tilespmem:s1+$0x14440] =	vst v2  }
0x21f: {  	v61 =	vld [tilespmem:s1+$0xC540];
	v6 =	vadd.f32 v6, v56;
	[tilespmem:s1+$0x14450] =	vst v3  }
0x220: {  	v9 =	vadd.f32 v9, v34;
	v7 =	vld [tilespmem:s1+$0xC560];
	[tilespmem:s1+$0x14460] =	vst v4  }
0x221: {  	v0 =	vadd.f32 v10, v46;
	v10 =	vld [tilespmem:s1+$0xC510];
	[tilespmem:s1+$0x14470] =	vst v6  }
0x222: {  	v59 =	vadd.f32 v59, v29;
	v1 =	vld [tilespmem:s1+$0xC580];
	[tilespmem:s1+$0x14570] =	vst v9  }
0x223: {  	v2 =	vld [tilespmem:s1+$0xC590];
	[tilespmem:s1+$0x142D0] =	vst v0;
	v0 =	vadd.f32 v60, v58  }
0x224: {  	v3 =	vld [tilespmem:s1+$0xC5A0];
	[tilespmem:s1+$0x14520] =	vst v59;
	v61 =	vadd.f32 v61, v31  }
0x225: {  	v4 =	vld [tilespmem:s1+$0xC5B0];
	[tilespmem:s1+$0x142F0] =	vst v0;
	v0 =	vadd.f32 v8, v27  }
0x226: {  	v6 =	vld [tilespmem:s1+$0xC5C0];
	[tilespmem:s1+$0x14540] =	vst v61;
	v7 =	vadd.f32 v7, v33  }
0x227: {  	v9 =	vld [tilespmem:s1+$0xC4F0];
	v10 =	vadd.f32 v10, v28;
	[tilespmem:s1+$0x14500] =	vst v0  }
0x228: {  	v60 =	vld [tilespmem:s1+$0xC530];
	v1 =	vadd.f32 v1, v35;
	[tilespmem:s1+$0x14560] =	vst v7  }
0x229: {  	v59 =	vld [tilespmem:s1+$0xC4A0];
	v2 =	vadd.f32 v2, v36;
	[tilespmem:s1+$0x14510] =	vst v10  }
0x22a: {  	v8 =	vld [tilespmem:s1+$0xC550];
	v3 =	vadd.f32 v3, v37;
	[tilespmem:s1+$0x14580] =	vst v1  }
0x22b: {  	v61 =	vld [tilespmem:s1+$0xC4C0];
	v4 =	vadd.f32 v4, v38;
	[tilespmem:s1+$0x14590] =	vst v2  }
0x22c: {  	v6 =	vadd.f32 v6, v39;
	v0 =	vld [tilespmem:s1+$0xC480];
	[tilespmem:s1+$0x145A0] =	vst v3  }
0x22d: {  	v7 =	vld [tilespmem:s1+$0xC4E0];
	v60 =	vadd.f32 v60, v30;
	[tilespmem:s1+$0x145B0] =	vst v4  }
0x22e: {  	v10 =	vld [tilespmem:s1+$0xC490];
	v59 =	vadd.f32 v59, v52;
	[tilespmem:s1+$0x145C0] =	vst v6  }
0x22f: {  	v1 =	vld [tilespmem:s1+$0xC760];
	[tilespmem:s1+$0x14530] =	vst v60;
	v8 =	vadd.f32 v8, v32  }
0x230: {  	v2 =	vld [tilespmem:s1+$0xC770];
	[tilespmem:s1+$0x144A0] =	vst v59;
	v59 =	vadd.f32 v61, v48  }
0x231: {  	v3 =	vld [tilespmem:s1+$0xC780];
	[tilespmem:s1+$0x14550] =	vst v8;
	v0 =	vadd.f32 v0, v57  }
0x232: {  	v4 =	vld [tilespmem:s1+$0xC790];
	[tilespmem:s1+$0x144C0] =	vst v59;
	v7 =	vadd.f32 v7, v42  }
0x233: {  	v6 =	vld [tilespmem:s1+$0xC7A0];
	v10 =	vadd.f32 v10, v55;
	[tilespmem:s1+$0x14480] =	vst v0  }
0x234: {  	v60 =	vld [tilespmem:s1+$0xC4B0];
	v1 =	vadd.f32 v1, v33;
	[tilespmem:s1+$0x144E0] =	vst v7  }
0x235: {  	v8 =	vld [tilespmem:s1+$0xC4D0];
	v2 =	vadd.f32 v2, v34;
	[tilespmem:s1+$0x14490] =	vst v10  }
0x236: {  	v59 =	vld [tilespmem:s1+$0xC720];
	v3 =	vadd.f32 v3, v35;
	[tilespmem:s1+$0x14760] =	vst v1  }
0x237: {  	v61 =	vld [tilespmem:s1+$0xC700];
	v4 =	vadd.f32 v4, v36;
	[tilespmem:s1+$0x14770] =	vst v2  }
0x238: {  	v6 =	vadd.f32 v6, v37;
	v7 =	vld [tilespmem:s1+$0xC740];
	[tilespmem:s1+$0x14780] =	vst v3  }
0x239: {  	v0 =	vld [tilespmem:s1+$0xC5D0];
	v10 =	vadd.f32 v60, v50;
	[tilespmem:s1+$0x14790] =	vst v4  }
0x23a: {  	v60 =	vld [tilespmem:s1+$0xC5E0];
	[tilespmem:s1+$0x147A0] =	vst v6;
	v8 =	vadd.f32 v8, v46  }
0x23b: {  	v1 =	vld [tilespmem:s1+$0xC650];
	[tilespmem:s1+$0x144B0] =	vst v10;
	v59 =	vadd.f32 v59, v29  }
0x23c: {  	v2 =	vld [tilespmem:s1+$0xC660];
	[tilespmem:s1+$0x144D0] =	vst v8;
	v8 =	vadd.f32 v9, v58  }
0x23d: {  	v3 =	vld [tilespmem:s1+$0xC670];
	[tilespmem:s1+$0x14720] =	vst v59;
	v7 =	vadd.f32 v7, v31  }
0x23e: {  	v4 =	vld [tilespmem:s1+$0xC680];
	v0 =	vadd.f32 v0, v40;
	[tilespmem:s1+$0x144F0] =	vst v8  }
0x23f: {  	v6 =	vld [tilespmem:s1+$0xC690];
	v60 =	vadd.f32 v60, v41;
	[tilespmem:s1+$0x14740] =	vst v7  }
0x240: {  	v1 =	vadd.f32 v1, v53;
	[tilespmem:s1+$0x145D0] =	vst v0  }
0x241: {  	v10 =	vld [tilespmem:s1+$0xC710];
	v2 =	vadd.f32 v2, v54;
	[tilespmem:s1+$0x145E0] =	vst v60  }
0x242: {  	v9 =	vld [tilespmem:s1+$0xC730];
	v3 =	vadd.f32 v3, v56;
	[tilespmem:s1+$0x14650] =	vst v1  }
0x243: {  	v59 =	vld [tilespmem:s1+$0xC610];
	v4 =	vadd.f32 v4, v57;
	[tilespmem:s1+$0x14660] =	vst v2  }
0x244: {  	v6 =	vadd.f32 v6, v55;
	v8 =	vadd.f32 v61, v27;
	v61 =	vld [tilespmem:s1+$0xC750];
	[tilespmem:s1+$0x14670] =	vst v3  }
0x245: {  	v7 =	vld [tilespmem:s1+$0xC630];
	[tilespmem:s1+$0x14680] =	vst v4  }
0x246: {  	v0 =	vld [tilespmem:s1+$0xC7B0];
	v10 =	vadd.f32 v10, v28;
	[tilespmem:s1+$0x14690] =	vst v6  }
0x247: {  	v60 =	vld [tilespmem:s1+$0xC7C0];
	[tilespmem:s1+$0x14700] =	vst v8;
	v9 =	vadd.f32 v9, v30  }
0x248: {  	v1 =	vld [tilespmem:s1+$0xC830];
	[tilespmem:s1+$0x14710] =	vst v10;
	v59 =	vadd.f32 v59, v45  }
0x249: {  	v8 =	vld [tilespmem:s1+$0xC5F0];
	[tilespmem:s1+$0x14730] =	vst v9;
	v61 =	vadd.f32 v61, v32  }
0x24a: {  	v10 =	vld [tilespmem:s1+$0xC600];
	[tilespmem:s1+$0x14610] =	vst v59;
	v7 =	vadd.f32 v7, v49  }
0x24b: {  	v2 =	vld [tilespmem:s1+$0xC840];
	v0 =	vadd.f32 v0, v38;
	[tilespmem:s1+$0x14750] =	vst v61  }
0x24c: {  	v9 =	vld [tilespmem:s1+$0xC620];
	v60 =	vadd.f32 v60, v39;
	[tilespmem:s1+$0x14630] =	vst v7  }
0x24d: {  	v59 =	vld [tilespmem:s1+$0xC7F0];
	v1 =	vadd.f32 v1, v49;
	[tilespmem:s1+$0x147B0] =	vst v0  }
0x24e: {  	v3 =	vld [tilespmem:s1+$0xC850];
	v8 =	vadd.f32 v8, v43;
	[tilespmem:s1+$0x147C0] =	vst v60  }
0x24f: {  	v62 =	vld [tilespmem:s1+$0xC6E0];
	v10 =	vadd.f32 v10, v44;
	[tilespmem:s1+$0x14830] =	vst v1  }
0x250: {  	v61 =	vld [tilespmem:s1+$0xC640];
	v1 =	vadd.f32 v2, v51;
	[tilespmem:s1+$0x145F0] =	vst v8  }
0x251: {  	v7 =	vld [tilespmem:s1+$0xC810];
	[tilespmem:s1+$0x14600] =	vst v10;
	v9 =	vadd.f32 v9, v47  }
0x252: {  	v10 =	vld [tilespmem:s1+$0xC7E0];
	v59 =	vadd.f32 v59, v43;
	[tilespmem:s1+$0x14840] =	vst v1  }
0x253: {  	v8 =	vld [tilespmem:s1+$0xC7D0];
	v1 =	vadd.f32 v3, v53;
	[tilespmem:s1+$0x14620] =	vst v9  }
0x254: {  	v3 =	vadd.f32 v62, v42;
	v9 =	vld [tilespmem:s1+$0xC800];
	[tilespmem:s1+$0x147F0] =	vst v59  }
0x255: {  	v0 =	vld [tilespmem:s1+$0xC6A0];
	v61 =	vadd.f32 v61, v51;
	[tilespmem:s1+$0x14850] =	vst v1  }
0x256: {  	v4 =	vld [tilespmem:s1+$0xC860];
	v7 =	vadd.f32 v7, v45;
	[tilespmem:s1+$0x146E0] =	vst v3  }
0x257: {  	v60 =	vld [tilespmem:s1+$0xC6B0];
	[tilespmem:s1+$0x14640] =	vst v61;
	v10 =	vadd.f32 v10, v41  }
0x258: {  	v61 =	vld [tilespmem:s1+$0xC820];
	v8 =	vadd.f32 v8, v40;
	[tilespmem:s1+$0x14810] =	vst v7  }
0x259: {  	[tilespmem:s1+$0x147E0] =	vst v10;
	v10 =	vld [tilespmem:s1+$0xC6D0];
	v9 =	vadd.f32 v9, v44  }
0x25a: {  	v0 =	vadd.f32 v0, v52;
	[tilespmem:s1+$0x147D0] =	vst v8;
	v8 =	vld [tilespmem:s1+$0xC6C0]  }
0x25b: {  	v1 =	vadd.f32 v4, v54;
	[tilespmem:s1+$0x14800] =	vst v9;
	v9 =	vld [tilespmem:s1+$0xC6F0]  }
0x25c: {  	v6 =	vld [tilespmem:s1+$0xC870];
	v63 =	vadd.f32 v60, v50;
	[tilespmem:s1+$0x146A0] =	vst v0  }
0x25d: {  	v0 =	vld [tilespmem:s1+$0xC880];
	[tilespmem:s1+$0x14860] =	vst v1;
	v7 =	vadd.f32 v61, v47  }
0x25e: {  	v59 =	vld [tilespmem:s1+$0xC890];
	[tilespmem:s1+$0x146B0] =	vst v63;
	v2 =	vadd.f32 v10, v46  }
0x25f: {  	v60 =	vld [tilespmem:s1+$0xC8A0];
	[tilespmem:s1+$0x14820] =	vst v7;
	v7 =	vadd.f32 v8, v48  }
0x260: {  	v61 =	vld [tilespmem:s1+$0xC8B0];
	[tilespmem:s1+$0x146D0] =	vst v2;
	v2 =	vadd.f32 v9, v58  }
0x261: {  	v62 =	vld [tilespmem:s1+$0xC8C0];
	v1 =	vadd.f32 v6, v56;
	[tilespmem:s1+$0x146C0] =	vst v7  }
0x262: {  	s4 =	sand.u32 $0x7C00, s30;
	s2 =	sand.u32 $0x200, s30;
	s13 =	simm.s32 $0x4;
	v63 =	vld [tilespmem:s1+$0xC8D0];
	v0 =	vadd.f32 v0, v57;
	[tilespmem:s1+$0x146F0] =	vst v2  }
.LBB2_5:
0x263: {  	s7 =	sshll.u32 s13, $0x9;
	p0 =	slt.u32 s13, $0x1C;
	[tilespmem:s1+$0x14870] =	vst v1;
	v1 =	vadd.f32 v59, v55;
	v2 =	vld [tilespmem:s1+$0xC8E0]  }
0x264: {  	v3 =	vld [tilespmem:s7+$0xC8F0];
	[tilespmem:s1+$0x14880] =	vst v0;
	v0 =	vadd.f32 v60, v52  }
0x265: {  	v4 =	vld [tilespmem:s7+$0xC100];
	[tilespmem:s1+$0x14890] =	vst v1;
	v1 =	vadd.f32 v61, v50  }
0x266: {  	v6 =	vld [tilespmem:s7+$0xC110];
	[tilespmem:s1+$0x148A0] =	vst v0;
	v0 =	vadd.f32 v62, v48  }
0x267: {  	v7 =	vld [tilespmem:s7+$0xC120];
	[tilespmem:s1+$0x148B0] =	vst v1;
	v1 =	vadd.f32 v63, v46  }
0x268: {  	v8 =	vld [tilespmem:s7+$0xC130];
	[tilespmem:s1+$0x148C0] =	vst v0;
	v0 =	vadd.f32 v2, v42  }
0x269: {  	v2 =	vld [tilespmem:s7+$0xC140];
	v3 =	vadd.f32 v3, v58;
	[tilespmem:s1+$0x148D0] =	vst v1  }
0x26a: {  	v1 =	vadd.f32 v4, v27;
	v4 =	vld [tilespmem:s7+$0xC150];
	[tilespmem:s1+$0x148E0] =	vst v0;
	s1 =	smov.u32 s7  }
0x26b: {  	v0 =	vadd.f32 v6, v28;
	v6 =	vld [tilespmem:s1+$0xC160];
	[tilespmem:s1+$0x148F0] =	vst v3  }
0x26c: {  	[tilespmem:s1+$0x14100] =	vst v1;
	v1 =	vadd.f32 v7, v29;
	v3 =	vld [tilespmem:s1+$0xC170]  }
0x26d: {  	[tilespmem:s1+$0x14110] =	vst v0;
	v0 =	vadd.f32 v8, v30;
	v7 =	vld [tilespmem:s1+$0xC180]  }
0x26e: {  	[tilespmem:s1+$0x14120] =	vst v1;
	v1 =	vadd.f32 v2, v31;
	v2 =	vld [tilespmem:s1+$0xC190]  }
0x26f: {  	[tilespmem:s1+$0x14130] =	vst v0;
	v0 =	vadd.f32 v4, v32;
	v4 =	vld [tilespmem:s1+$0xC1A0]  }
0x270: {  	[tilespmem:s1+$0x14140] =	vst v1;
	v1 =	vadd.f32 v6, v33;
	v6 =	vld [tilespmem:s1+$0xC1B0]  }
0x271: {  	[tilespmem:s1+$0x14150] =	vst v0;
	v0 =	vadd.f32 v3, v34;
	v3 =	vld [tilespmem:s1+$0xC1C0]  }
0x272: {  	[tilespmem:s1+$0x14160] =	vst v1;
	v1 =	vadd.f32 v7, v35;
	v7 =	vld [tilespmem:s1+$0xC1D0]  }
0x273: {  	[tilespmem:s1+$0x14170] =	vst v0;
	v0 =	vadd.f32 v2, v36;
	v2 =	vld [tilespmem:s1+$0xC1E0]  }
0x274: {  	[tilespmem:s1+$0x14180] =	vst v1;
	v1 =	vadd.f32 v4, v37;
	v4 =	vld [tilespmem:s1+$0xC1F0]  }
0x275: {  	[tilespmem:s1+$0x14190] =	vst v0;
	v0 =	vadd.f32 v6, v38;
	v6 =	vld [tilespmem:s1+$0xC200]  }
0x276: {  	[tilespmem:s1+$0x141A0] =	vst v1;
	v1 =	vadd.f32 v3, v39;
	v3 =	vld [tilespmem:s1+$0xC210]  }
0x277: {  	[tilespmem:s1+$0x141B0] =	vst v0;
	v0 =	vadd.f32 v7, v40;
	v7 =	vld [tilespmem:s1+$0xC220]  }
0x278: {  	[tilespmem:s1+$0x141C0] =	vst v1;
	v1 =	vadd.f32 v2, v41;
	v2 =	vld [tilespmem:s1+$0xC230]  }
0x279: {  	[tilespmem:s1+$0x141D0] =	vst v0;
	v0 =	vadd.f32 v4, v43;
	v4 =	vld [tilespmem:s1+$0xC240]  }
0x27a: {  	[tilespmem:s1+$0x141E0] =	vst v1;
	v1 =	vadd.f32 v6, v44;
	v6 =	vld [tilespmem:s1+$0xC250]  }
0x27b: {  	[tilespmem:s1+$0x141F0] =	vst v0;
	v0 =	vadd.f32 v3, v45;
	v3 =	vld [tilespmem:s1+$0xC260]  }
0x27c: {  	[tilespmem:s1+$0x14200] =	vst v1;
	v1 =	vadd.f32 v7, v47;
	v7 =	vld [tilespmem:s1+$0xC270]  }
0x27d: {  	[tilespmem:s1+$0x14210] =	vst v0;
	v0 =	vadd.f32 v2, v49;
	v2 =	vld [tilespmem:s1+$0xC280]  }
0x27e: {  	[tilespmem:s1+$0x14220] =	vst v1;
	v1 =	vadd.f32 v4, v51;
	v4 =	vld [tilespmem:s1+$0xC290]  }
0x27f: {  	[tilespmem:s1+$0x14230] =	vst v0;
	v0 =	vadd.f32 v6, v53;
	v6 =	vld [tilespmem:s1+$0xC2A0]  }
0x280: {  	[tilespmem:s1+$0x14240] =	vst v1;
	v1 =	vadd.f32 v3, v54;
	v3 =	vld [tilespmem:s1+$0xC2B0]  }
0x281: {  	[tilespmem:s1+$0x14250] =	vst v0;
	v0 =	vadd.f32 v7, v56;
	v7 =	vld [tilespmem:s1+$0xC2C0]  }
0x282: {  	[tilespmem:s1+$0x14260] =	vst v1;
	v1 =	vadd.f32 v2, v57;
	v2 =	vld [tilespmem:s1+$0xC2D0]  }
0x283: {  	[tilespmem:s1+$0x14270] =	vst v0;
	v0 =	vadd.f32 v4, v55;
	v4 =	vld [tilespmem:s1+$0xC2E0]  }
0x284: {  	[tilespmem:s1+$0x14280] =	vst v1;
	v1 =	vadd.f32 v6, v52;
	v6 =	vld [tilespmem:s1+$0xC2F0]  }
0x285: {  	[tilespmem:s1+$0x14290] =	vst v0;
	v0 =	vadd.f32 v3, v50;
	v3 =	vld [tilespmem:s1+$0xC300]  }
0x286: {  	[tilespmem:s1+$0x142A0] =	vst v1;
	v1 =	vadd.f32 v7, v48;
	v7 =	vld [tilespmem:s1+$0xC310]  }
0x287: {  	[tilespmem:s1+$0x142B0] =	vst v0;
	v0 =	vadd.f32 v2, v46;
	v2 =	vld [tilespmem:s1+$0xC320]  }
0x288: {  	[tilespmem:s1+$0x142C0] =	vst v1;
	v1 =	vadd.f32 v4, v42;
	v4 =	vld [tilespmem:s1+$0xC330]  }
0x289: {  	[tilespmem:s1+$0x142D0] =	vst v0;
	v0 =	vadd.f32 v6, v58;
	v6 =	vld [tilespmem:s1+$0xC340]  }
0x28a: {  	[tilespmem:s1+$0x142E0] =	vst v1;
	v1 =	vadd.f32 v3, v27;
	v3 =	vld [tilespmem:s1+$0xC350]  }
0x28b: {  	[tilespmem:s1+$0x142F0] =	vst v0;
	v0 =	vadd.f32 v7, v28;
	v7 =	vld [tilespmem:s1+$0xC360]  }
0x28c: {  	[tilespmem:s1+$0x14300] =	vst v1;
	v1 =	vadd.f32 v2, v29;
	v2 =	vld [tilespmem:s1+$0xC370]  }
0x28d: {  	[tilespmem:s1+$0x14310] =	vst v0;
	v0 =	vadd.f32 v4, v30;
	v4 =	vld [tilespmem:s1+$0xC380]  }
0x28e: {  	[tilespmem:s1+$0x14320] =	vst v1;
	v1 =	vadd.f32 v6, v31;
	v6 =	vld [tilespmem:s1+$0xC390]  }
0x28f: {  	[tilespmem:s1+$0x14330] =	vst v0;
	v0 =	vadd.f32 v3, v32;
	v3 =	vld [tilespmem:s1+$0xC3A0]  }
0x290: {  	[tilespmem:s1+$0x14340] =	vst v1;
	v1 =	vadd.f32 v7, v33;
	v7 =	vld [tilespmem:s1+$0xC3B0]  }
0x291: {  	[tilespmem:s1+$0x14350] =	vst v0;
	v0 =	vadd.f32 v2, v34;
	v2 =	vld [tilespmem:s1+$0xC3C0]  }
0x292: {  	[tilespmem:s1+$0x14360] =	vst v1;
	v1 =	vadd.f32 v4, v35;
	v4 =	vld [tilespmem:s1+$0xC3D0]  }
0x293: {  	[tilespmem:s1+$0x14370] =	vst v0;
	v0 =	vadd.f32 v6, v36;
	v6 =	vld [tilespmem:s1+$0xC3E0]  }
0x294: {  	[tilespmem:s1+$0x14380] =	vst v1;
	v1 =	vadd.f32 v3, v37;
	v3 =	vld [tilespmem:s1+$0xC3F0]  }
0x295: {  	[tilespmem:s1+$0x14390] =	vst v0;
	v0 =	vadd.f32 v7, v38;
	v7 =	vld [tilespmem:s1+$0xC400]  }
0x296: {  	[tilespmem:s1+$0x143A0] =	vst v1;
	v1 =	vadd.f32 v2, v39;
	v2 =	vld [tilespmem:s1+$0xC410]  }
0x297: {  	[tilespmem:s1+$0x143B0] =	vst v0;
	v0 =	vadd.f32 v4, v40;
	v4 =	vld [tilespmem:s1+$0xC420]  }
0x298: {  	[tilespmem:s1+$0x143C0] =	vst v1;
	v1 =	vadd.f32 v6, v41;
	v6 =	vld [tilespmem:s1+$0xC430]  }
0x299: {  	[tilespmem:s1+$0x143D0] =	vst v0;
	v0 =	vadd.f32 v3, v43;
	v3 =	vld [tilespmem:s1+$0xC440]  }
0x29a: {  	[tilespmem:s1+$0x143E0] =	vst v1;
	v1 =	vadd.f32 v7, v44;
	v7 =	vld [tilespmem:s1+$0xC450]  }
0x29b: {  	[tilespmem:s1+$0x143F0] =	vst v0;
	v0 =	vadd.f32 v2, v45;
	v2 =	vld [tilespmem:s1+$0xC460]  }
0x29c: {  	[tilespmem:s1+$0x14400] =	vst v1;
	v1 =	vadd.f32 v4, v47;
	v4 =	vld [tilespmem:s1+$0xC470]  }
0x29d: {  	[tilespmem:s1+$0x14410] =	vst v0;
	v0 =	vadd.f32 v6, v49;
	v6 =	vld [tilespmem:s1+$0xC480]  }
0x29e: {  	[tilespmem:s1+$0x14420] =	vst v1;
	v1 =	vadd.f32 v3, v51;
	v3 =	vld [tilespmem:s1+$0xC490]  }
0x29f: {  	[tilespmem:s1+$0x14430] =	vst v0;
	v0 =	vadd.f32 v7, v53;
	v7 =	vld [tilespmem:s1+$0xC4A0]  }
0x2a0: {  	[tilespmem:s1+$0x14440] =	vst v1;
	v1 =	vadd.f32 v2, v54;
	v2 =	vld [tilespmem:s1+$0xC4B0]  }
0x2a1: {  	[tilespmem:s1+$0x14450] =	vst v0;
	v0 =	vadd.f32 v4, v56;
	v4 =	vld [tilespmem:s1+$0xC4C0]  }
0x2a2: {  	[tilespmem:s1+$0x14460] =	vst v1;
	v1 =	vadd.f32 v6, v57;
	v6 =	vld [tilespmem:s1+$0xC4D0]  }
0x2a3: {  	[tilespmem:s1+$0x14470] =	vst v0;
	v0 =	vadd.f32 v3, v55;
	v3 =	vld [tilespmem:s1+$0xC4E0]  }
0x2a4: {  	[tilespmem:s1+$0x14480] =	vst v1;
	v1 =	vadd.f32 v7, v52;
	v7 =	vld [tilespmem:s1+$0xC4F0]  }
0x2a5: {  	[tilespmem:s1+$0x14490] =	vst v0;
	v0 =	vadd.f32 v2, v50;
	v2 =	vld [tilespmem:s1+$0xC500]  }
0x2a6: {  	[tilespmem:s1+$0x144A0] =	vst v1;
	v1 =	vadd.f32 v4, v48;
	v4 =	vld [tilespmem:s1+$0xC510]  }
0x2a7: {  	[tilespmem:s1+$0x144B0] =	vst v0;
	v0 =	vadd.f32 v6, v46;
	v6 =	vld [tilespmem:s1+$0xC520]  }
0x2a8: {  	[tilespmem:s1+$0x144C0] =	vst v1;
	v1 =	vadd.f32 v3, v42;
	v3 =	vld [tilespmem:s1+$0xC530]  }
0x2a9: {  	[tilespmem:s1+$0x144D0] =	vst v0;
	v0 =	vadd.f32 v7, v58;
	v7 =	vld [tilespmem:s1+$0xC540]  }
0x2aa: {  	[tilespmem:s1+$0x144E0] =	vst v1;
	v1 =	vadd.f32 v2, v27;
	v2 =	vld [tilespmem:s1+$0xC550]  }
0x2ab: {  	[tilespmem:s1+$0x144F0] =	vst v0;
	v0 =	vadd.f32 v4, v28;
	v4 =	vld [tilespmem:s1+$0xC560]  }
0x2ac: {  	[tilespmem:s1+$0x14500] =	vst v1;
	v1 =	vadd.f32 v6, v29;
	v6 =	vld [tilespmem:s1+$0xC570]  }
0x2ad: {  	[tilespmem:s1+$0x14510] =	vst v0;
	v0 =	vadd.f32 v3, v30;
	v3 =	vld [tilespmem:s1+$0xC580]  }
0x2ae: {  	[tilespmem:s1+$0x14520] =	vst v1;
	v1 =	vadd.f32 v7, v31;
	v7 =	vld [tilespmem:s1+$0xC590]  }
0x2af: {  	[tilespmem:s1+$0x14530] =	vst v0;
	v0 =	vadd.f32 v2, v32;
	v2 =	vld [tilespmem:s1+$0xC5A0]  }
0x2b0: {  	[tilespmem:s1+$0x14540] =	vst v1;
	v1 =	vadd.f32 v4, v33;
	v4 =	vld [tilespmem:s1+$0xC5B0]  }
0x2b1: {  	[tilespmem:s1+$0x14550] =	vst v0;
	v0 =	vadd.f32 v6, v34;
	v6 =	vld [tilespmem:s1+$0xC5C0]  }
0x2b2: {  	[tilespmem:s1+$0x14560] =	vst v1;
	v1 =	vadd.f32 v3, v35;
	v3 =	vld [tilespmem:s1+$0xC5D0]  }
0x2b3: {  	[tilespmem:s1+$0x14570] =	vst v0;
	v0 =	vadd.f32 v7, v36;
	v7 =	vld [tilespmem:s1+$0xC5E0]  }
0x2b4: {  	[tilespmem:s1+$0x14580] =	vst v1;
	v1 =	vadd.f32 v2, v37;
	v2 =	vld [tilespmem:s1+$0xC5F0]  }
0x2b5: {  	[tilespmem:s1+$0x14590] =	vst v0;
	v0 =	vadd.f32 v4, v38;
	v4 =	vld [tilespmem:s1+$0xC600]  }
0x2b6: {  	[tilespmem:s1+$0x145A0] =	vst v1;
	v1 =	vadd.f32 v6, v39;
	v6 =	vld [tilespmem:s1+$0xC610]  }
0x2b7: {  	[tilespmem:s1+$0x145B0] =	vst v0;
	v0 =	vadd.f32 v3, v40;
	v3 =	vld [tilespmem:s1+$0xC620]  }
0x2b8: {  	[tilespmem:s1+$0x145C0] =	vst v1;
	v1 =	vadd.f32 v7, v41;
	v7 =	vld [tilespmem:s1+$0xC630]  }
0x2b9: {  	[tilespmem:s1+$0x145D0] =	vst v0;
	v0 =	vadd.f32 v2, v43;
	v2 =	vld [tilespmem:s1+$0xC640]  }
0x2ba: {  	[tilespmem:s1+$0x145E0] =	vst v1;
	v1 =	vadd.f32 v4, v44;
	v4 =	vld [tilespmem:s1+$0xC650]  }
0x2bb: {  	[tilespmem:s1+$0x145F0] =	vst v0;
	v0 =	vadd.f32 v6, v45;
	v6 =	vld [tilespmem:s1+$0xC660]  }
0x2bc: {  	[tilespmem:s1+$0x14600] =	vst v1;
	v1 =	vadd.f32 v3, v47;
	v3 =	vld [tilespmem:s1+$0xC670]  }
0x2bd: {  	[tilespmem:s1+$0x14610] =	vst v0;
	v0 =	vadd.f32 v7, v49;
	v7 =	vld [tilespmem:s1+$0xC680]  }
0x2be: {  	[tilespmem:s1+$0x14620] =	vst v1;
	v1 =	vadd.f32 v2, v51;
	v2 =	vld [tilespmem:s1+$0xC690]  }
0x2bf: {  	[tilespmem:s1+$0x14630] =	vst v0;
	v0 =	vadd.f32 v4, v53;
	v4 =	vld [tilespmem:s1+$0xC6A0]  }
0x2c0: {  	[tilespmem:s1+$0x14640] =	vst v1;
	v1 =	vadd.f32 v6, v54;
	v6 =	vld [tilespmem:s1+$0xC6B0]  }
0x2c1: {  	[tilespmem:s1+$0x14650] =	vst v0;
	v0 =	vadd.f32 v3, v56;
	v3 =	vld [tilespmem:s1+$0xC6C0]  }
0x2c2: {  	[tilespmem:s1+$0x14660] =	vst v1;
	v1 =	vadd.f32 v7, v57;
	v7 =	vld [tilespmem:s1+$0xC6D0]  }
0x2c3: {  	[tilespmem:s1+$0x14670] =	vst v0;
	v0 =	vadd.f32 v2, v55;
	v2 =	vld [tilespmem:s1+$0xC6E0]  }
0x2c4: {  	[tilespmem:s1+$0x14680] =	vst v1;
	v1 =	vadd.f32 v4, v52;
	v4 =	vld [tilespmem:s1+$0xC6F0]  }
0x2c5: {  	[tilespmem:s1+$0x14690] =	vst v0;
	v0 =	vadd.f32 v6, v50;
	v6 =	vld [tilespmem:s1+$0xC700]  }
0x2c6: {  	[tilespmem:s1+$0x146A0] =	vst v1;
	v1 =	vadd.f32 v3, v48;
	v3 =	vld [tilespmem:s1+$0xC710]  }
0x2c7: {  	[tilespmem:s1+$0x146B0] =	vst v0;
	v0 =	vadd.f32 v7, v46;
	v7 =	vld [tilespmem:s1+$0xC720]  }
0x2c8: {  	[tilespmem:s1+$0x146C0] =	vst v1;
	v1 =	vadd.f32 v2, v42;
	v2 =	vld [tilespmem:s1+$0xC730]  }
0x2c9: {  	[tilespmem:s1+$0x146D0] =	vst v0;
	v0 =	vadd.f32 v4, v58;
	v4 =	vld [tilespmem:s1+$0xC740]  }
0x2ca: {  	[tilespmem:s1+$0x146E0] =	vst v1;
	v1 =	vadd.f32 v6, v27;
	v6 =	vld [tilespmem:s1+$0xC750]  }
0x2cb: {  	[tilespmem:s1+$0x146F0] =	vst v0;
	v0 =	vadd.f32 v3, v28;
	v3 =	vld [tilespmem:s1+$0xC760]  }
0x2cc: {  	[tilespmem:s1+$0x14700] =	vst v1;
	v1 =	vadd.f32 v7, v29;
	v7 =	vld [tilespmem:s1+$0xC770]  }
0x2cd: {  	[tilespmem:s1+$0x14710] =	vst v0;
	v0 =	vadd.f32 v2, v30;
	v2 =	vld [tilespmem:s1+$0xC780]  }
0x2ce: {  	[tilespmem:s1+$0x14720] =	vst v1;
	v1 =	vadd.f32 v4, v31;
	v4 =	vld [tilespmem:s1+$0xC790]  }
0x2cf: {  	[tilespmem:s1+$0x14730] =	vst v0;
	v0 =	vadd.f32 v6, v32;
	v6 =	vld [tilespmem:s1+$0xC7A0]  }
0x2d0: {  	[tilespmem:s1+$0x14740] =	vst v1;
	v1 =	vadd.f32 v3, v33;
	v3 =	vld [tilespmem:s1+$0xC7B0]  }
0x2d1: {  	[tilespmem:s1+$0x14750] =	vst v0;
	v0 =	vadd.f32 v7, v34;
	v7 =	vld [tilespmem:s1+$0xC7C0]  }
0x2d2: {  	[tilespmem:s1+$0x14760] =	vst v1;
	v1 =	vadd.f32 v2, v35;
	v2 =	vld [tilespmem:s1+$0xC7D0]  }
0x2d3: {  	[tilespmem:s1+$0x14770] =	vst v0;
	v0 =	vadd.f32 v4, v36;
	v4 =	vld [tilespmem:s1+$0xC7E0]  }
0x2d4: {  	[tilespmem:s1+$0x14780] =	vst v1;
	v1 =	vadd.f32 v6, v37;
	v6 =	vld [tilespmem:s1+$0xC7F0]  }
0x2d5: {  	[tilespmem:s1+$0x14790] =	vst v0;
	v0 =	vadd.f32 v3, v38;
	v3 =	vld [tilespmem:s1+$0xC800]  }
0x2d6: {  	[tilespmem:s1+$0x147A0] =	vst v1;
	v1 =	vadd.f32 v7, v39;
	v7 =	vld [tilespmem:s1+$0xC810]  }
0x2d7: {  	[tilespmem:s1+$0x147B0] =	vst v0;
	v0 =	vadd.f32 v2, v40;
	v2 =	vld [tilespmem:s1+$0xC820]  }
0x2d8: {  	[tilespmem:s1+$0x147C0] =	vst v1;
	v1 =	vadd.f32 v4, v41;
	v4 =	vld [tilespmem:s1+$0xC830]  }
0x2d9: {  	[tilespmem:s1+$0x147D0] =	vst v0;
	v0 =	vadd.f32 v6, v43;
	v6 =	vld [tilespmem:s1+$0xC840]  }
0x2da: {  	[tilespmem:s1+$0x147E0] =	vst v1;
	v1 =	vadd.f32 v3, v44;
	v3 =	vld [tilespmem:s1+$0xC850]  }
0x2db: {  	[tilespmem:s1+$0x147F0] =	vst v0;
	v0 =	vadd.f32 v7, v45;
	v7 =	vld [tilespmem:s1+$0xC860]  }
0x2dc: {  	[tilespmem:s1+$0x14800] =	vst v1;
	v1 =	vadd.f32 v2, v47;
	v2 =	vld [tilespmem:s1+$0xC870]  }
0x2dd: {  	[tilespmem:s1+$0x14810] =	vst v0;
	v0 =	vadd.f32 v4, v49;
	v4 =	vld [tilespmem:s1+$0xC880]  }
.Ltmp1:
0x2de: {  	[tilespmem:s1+$0x14820] =	vst v1;
	v1 =	vadd.f32 v6, v51;
	v59 =	vld [tilespmem:s1+$0xC890];
	(pc) =	sbr.rel @p0 .LBB2_5-.Ltmp1, $4  }
0x2df: {  	[tilespmem:s1+$0x14830] =	vst v0;
	v0 =	vadd.f32 v3, v53;
	v60 =	vld [tilespmem:s1+$0xC8A0]  }
0x2e0: {  	[tilespmem:s1+$0x14840] =	vst v1;
	v3 =	vadd.f32 v7, v54;
	v61 =	vld [tilespmem:s1+$0xC8B0]  }
0x2e1: {  	[tilespmem:s1+$0x14850] =	vst v0;
	v1 =	vadd.f32 v2, v56;
	v62 =	vld [tilespmem:s1+$0xC8C0]  }
0x2e2: {  	s13 =	sadd.s32 $0x4, s13;
	[tilespmem:s1+$0x14860] =	vst v3;
	v0 =	vadd.f32 v4, v57;
	v63 =	vld [tilespmem:s1+$0xC8D0]  }
0x2e3: {  	[tilespmem:s1+$0x14870] =	vst v1;
	v1 =	vadd.f32 v59, v55;
	v2 =	vld [tilespmem:s1+$0xC8E0]  }
0x2e4: {  	[tilespmem:s1+$0x14880] =	vst v0;
	v0 =	vadd.f32 v60, v52  }
0x2e5: {  	[tilespmem:s1+$0x14890] =	vst v1;
	v1 =	vadd.f32 v61, v50  }
0x2e6: {  	[tilespmem:s1+$0x148A0] =	vst v0;
	v0 =	vadd.f32 v62, v48  }
0x2e7: {  	v3 =	vor.u32 $0x6000, v5;
	[tilespmem:s1+$0x148B0] =	vst v1  }
0x2e8: {  	s7 =	sor.u32 s8, s4;
	v1 =	vadd.f32 v63, v46;
	[tilespmem:s1+$0x148C0] =	vst v0;
	v0 =	vadd.f32 v2, v42;
	v2 =	vor.u32 v3, v26  }
0x2e9: {  	s7 =	sor.u32 s2, s7  }
0x2ea: {  	s7 =	sshrl.u32 s7, $0x3;
	[tilespmem:s1+$0x148D0] =	vst v1  }
0x2eb: {  	s13 =	simm.s32 $0x0;
	s7 =	sadd.s32 s3, s7;
	[tilespmem:s1+$0x148E0] =	vst v0  }
0x2ec: {  	[hbm4b:s7+s20] =	stream.strided.scatter [tilespmem:s24], [sflag:$0x4], $0x4000, s21, s20, $0x38;
	[tilespmem:$0x1E500] =	vst v63  }
0x2ed: {  	v1 =	vor.u32 $0x6200, v5;
	v0 =	vld.idx.msk [tilespmem:v2+s13+$0x0], $0xffff  }
0x2ee: {  	v1 =	vor.u32 v1, v26;
	_ =	sdelay $0x3  }
0x2ef: {  	[tilespmem:$0x8080] =	vst v0  }
0x2f0: {  	v0 =	vld.idx.msk [tilespmem:v1+s13+$0x0], $0xffff;
	v1 =	vor.u32 $0x6800, v5  }
0x2f1: {  	v1 =	vor.u32 v1, v26;
	_ =	sdelay $0x3  }
0x2f2: {  	[tilespmem:$0x8090] =	vst v0  }
0x2f3: {  	v0 =	vld.idx.msk [tilespmem:v1+s13+$0x0], $0xffff;
	v1 =	vor.u32 $0x6A00, v5  }
0x2f4: {  	v1 =	vor.u32 v1, v26;
	_ =	sdelay $0x3  }
0x2f5: {  	[tilespmem:$0x80A0] =	vst v0  }
0x2f6: {  	v0 =	vld.idx.msk [tilespmem:v1+s13+$0x0], $0xffff;
	v1 =	vor.u32 $0x7000, v5  }
0x2f7: {  	v1 =	vor.u32 v1, v26;
	_ =	sdelay $0x3  }
0x2f8: {  	[tilespmem:$0x80B0] =	vst v0  }
0x2f9: {  	v0 =	vld.idx.msk [tilespmem:v1+s13+$0x0], $0xffff;
	v1 =	vor.u32 $0x7200, v5  }
0x2fa: {  	v1 =	vor.u32 v1, v26;
	_ =	sdelay $0x3  }
0x2fb: {  	[tilespmem:$0x80C0] =	vst v0  }
0x2fc: {  	v0 =	vld.idx.msk [tilespmem:v1+s13+$0x0], $0xffff;
	v1 =	vor.u32 $0x7800, v5  }
0x2fd: {  	v1 =	vor.u32 v1, v26;
	_ =	sdelay $0x3  }
0x2fe: {  	[tilespmem:$0x80D0] =	vst v0  }
0x2ff: {  	v0 =	vld.idx.msk [tilespmem:v1+s13+$0x0], $0xffff;
	v1 =	vor.u32 $0x7A00, v5  }
0x300: {  	v1 =	vor.u32 v1, v26;
	_ =	sdelay $0x3  }
0x301: {  	[tilespmem:$0x80E0] =	vst v0  }
0x302: {  	v0 =	vld.idx.msk [tilespmem:v1+s13+$0x0], $0xffff;
	_ =	sdelay $0x4  }
0x303: {  	[tilespmem:$0x80F0] =	vst v0  }
0x304: {  	[tilespmem:s18], [sflag:$0x2] =	stream.indirect.gather [hbm4b:s0+s14], $0x80, s17, s14, $0xb8;
	[tilespmem:$0x1E500] =	vst v63  }
0x305: {  	v26 =	vld [tilespmem:s30+$0x18100]  }
0x306: {  	v27 =	vld [tilespmem:s30+$0x18110]  }
0x307: {  	v28 =	vld [tilespmem:s30+$0x18120]  }
0x308: {  	v29 =	vld [tilespmem:s30+$0x18130]  }
0x309: {  	v31 =	vld [tilespmem:s30+$0x18140]  }
0x30a: {  	v32 =	vld [tilespmem:s30+$0x18150]  }
0x30b: {  	v33 =	vld [tilespmem:s30+$0x18160]  }
0x30c: {  	v35 =	vld [tilespmem:s30+$0x18170]  }
0x30d: {  	v36 =	vld [tilespmem:s30+$0x18180]  }
0x30e: {  	v37 =	vld [tilespmem:s30+$0x18190]  }
0x30f: {  	v38 =	vld [tilespmem:s30+$0x181A0]  }
0x310: {  	v39 =	vld [tilespmem:s30+$0x181B0]  }
0x311: {  	v40 =	vld [tilespmem:s30+$0x181C0]  }
0x312: {  	v41 =	vld [tilespmem:s30+$0x181D0]  }
0x313: {  	v42 =	vld [tilespmem:s30+$0x181E0]  }
0x314: {  	v43 =	vld [tilespmem:s30+$0x181F0]  }
0x315: {  	v44 =	vld [tilespmem:s30+$0x18200]  }
0x316: {  	v45 =	vld [tilespmem:s30+$0x18210]  }
0x317: {  	v47 =	vld [tilespmem:s30+$0x18220]  }
0x318: {  	v48 =	vld [tilespmem:s30+$0x18230]  }
0x319: {  	v49 =	vld [tilespmem:s30+$0x18240]  }
0x31a: {  	v52 =	vld [tilespmem:s30+$0x18250]  }
0x31b: {  	v53 =	vld [tilespmem:s30+$0x18260]  }
0x31c: {  	v55 =	vld [tilespmem:s30+$0x18270]  }
0x31d: {  	v56 =	vld [tilespmem:s30+$0x18280]  }
0x31e: {  	v54 =	vld [tilespmem:s30+$0x18290]  }
0x31f: {  	v50 =	vld [tilespmem:s30+$0x182A0]  }
0x320: {  	v51 =	vld [tilespmem:s30+$0x182B0]  }
0x321: {  	v46 =	vld [tilespmem:s30+$0x182C0]  }
0x322: {  	v34 =	vld [tilespmem:s30+$0x182D0]  }
0x323: {  	v30 =	vld [tilespmem:s30+$0x182E0]  }
0x324: {  	v57 =	vld [tilespmem:s30+$0x182F0];
	_ =	swait.ge [sflag:s19], $0x4000  }
0x325: {  	[sflag:s19] =	ssyncset.done $0x0  }
0x326: {  	[sflag:s19] =	ssyncadd.s32 $0xFFFFC000  }
0x327: {  	_ =	swait.ge [sflag:s25], $0x4000  }
0x328: {  	[sflag:s25] =	ssyncset.done $0x0  }
0x329: {  	s1 =	simm.s32 $0x0;
	[sflag:s25] =	ssyncadd.s32 $0xFFFFC000  }
0x32a: {  	v0 =	vld [tilespmem:s1+$0x8100]  }
0x32b: {  	v1 =	vld [tilespmem:s1+$0x8110]  }
0x32c: {  	v2 =	vld [tilespmem:s1+$0x8120]  }
0x32d: {  	v3 =	vld [tilespmem:s1+$0x8130]  }
0x32e: {  	v4 =	vld [tilespmem:s1+$0x8140]  }
0x32f: {  	v6 =	vld [tilespmem:s1+$0x8150]  }
0x330: {  	v7 =	vld [tilespmem:s1+$0x8160];
	v0 =	vadd.f32 v0, v26  }
0x331: {  	v8 =	vld [tilespmem:s1+$0x88F0];
	v1 =	vadd.f32 v1, v27  }
0x332: {  	v9 =	vld [tilespmem:s1+$0x8300];
	v2 =	vadd.f32 v2, v28;
	[tilespmem:s1+$0x10100] =	vst v0  }
0x333: {  	v10 =	vld [tilespmem:s1+$0x8310];
	v3 =	vadd.f32 v3, v29;
	[tilespmem:s1+$0x10110] =	vst v1  }
0x334: {  	v58 =	vld [tilespmem:s1+$0x8320];
	v4 =	vadd.f32 v4, v31;
	[tilespmem:s1+$0x10120] =	vst v2  }
0x335: {  	v59 =	vld [tilespmem:s1+$0x8330];
	v6 =	vadd.f32 v6, v32;
	[tilespmem:s1+$0x10130] =	vst v3  }
0x336: {  	v60 =	vld [tilespmem:s1+$0x8340];
	v7 =	vadd.f32 v7, v33;
	[tilespmem:s1+$0x10140] =	vst v4  }
0x337: {  	v61 =	vld [tilespmem:s1+$0x82E0];
	v8 =	vadd.f32 v8, v57;
	[tilespmem:s1+$0x10150] =	vst v6  }
0x338: {  	v10 =	vadd.f32 v10, v27;
	v0 =	vld [tilespmem:s1+$0x8170];
	[tilespmem:s1+$0x10160] =	vst v7  }
0x339: {  	v58 =	vadd.f32 v58, v28;
	v1 =	vld [tilespmem:s1+$0x8180];
	[tilespmem:s1+$0x108F0] =	vst v8  }
0x33a: {  	v59 =	vadd.f32 v59, v29;
	v2 =	vld [tilespmem:s1+$0x8190];
	[tilespmem:s1+$0x10310] =	vst v10  }
0x33b: {  	v60 =	vadd.f32 v60, v31;
	v3 =	vld [tilespmem:s1+$0x81A0];
	[tilespmem:s1+$0x10320] =	vst v58  }
0x33c: {  	v4 =	vld [tilespmem:s1+$0x81B0];
	v8 =	vadd.f32 v9, v26;
	[tilespmem:s1+$0x10330] =	vst v59  }
0x33d: {  	v6 =	vld [tilespmem:s1+$0x81C0];
	[tilespmem:s1+$0x10340] =	vst v60;
	v0 =	vadd.f32 v0, v35  }
0x33e: {  	v7 =	vld [tilespmem:s1+$0x81D0];
	[tilespmem:s1+$0x10300] =	vst v8;
	v1 =	vadd.f32 v1, v36  }
0x33f: {  	v9 =	vld [tilespmem:s1+$0x8350];
	v2 =	vadd.f32 v2, v37;
	[tilespmem:s1+$0x10170] =	vst v0  }
0x340: {  	v10 =	vld [tilespmem:s1+$0x8200];
	v3 =	vadd.f32 v3, v38;
	[tilespmem:s1+$0x10180] =	vst v1  }
0x341: {  	v58 =	vld [tilespmem:s1+$0x8210];
	v4 =	vadd.f32 v4, v39;
	[tilespmem:s1+$0x10190] =	vst v2  }
0x342: {  	v59 =	vld [tilespmem:s1+$0x8220];
	v6 =	vadd.f32 v6, v40;
	[tilespmem:s1+$0x101A0] =	vst v3  }
0x343: {  	v60 =	vld [tilespmem:s1+$0x8230];
	v7 =	vadd.f32 v7, v41;
	[tilespmem:s1+$0x101B0] =	vst v4  }
0x344: {  	v8 =	vld [tilespmem:s1+$0x81F0];
	v9 =	vadd.f32 v9, v32;
	[tilespmem:s1+$0x101C0] =	vst v6  }
0x345: {  	v10 =	vadd.f32 v10, v44;
	v0 =	vld [tilespmem:s1+$0x81E0];
	[tilespmem:s1+$0x101D0] =	vst v7  }
0x346: {  	v58 =	vadd.f32 v58, v45;
	v1 =	vld [tilespmem:s1+$0x8360];
	[tilespmem:s1+$0x10350] =	vst v9  }
0x347: {  	v59 =	vadd.f32 v59, v47;
	v2 =	vld [tilespmem:s1+$0x8370];
	[tilespmem:s1+$0x10200] =	vst v10  }
0x348: {  	v60 =	vadd.f32 v60, v48;
	v3 =	vld [tilespmem:s1+$0x8380];
	[tilespmem:s1+$0x10210] =	vst v58  }
0x349: {  	v4 =	vld [tilespmem:s1+$0x8390];
	v8 =	vadd.f32 v8, v43;
	[tilespmem:s1+$0x10220] =	vst v59  }
0x34a: {  	v6 =	vld [tilespmem:s1+$0x83A0];
	[tilespmem:s1+$0x10230] =	vst v60;
	v0 =	vadd.f32 v0, v42  }
0x34b: {  	v7 =	vld [tilespmem:s1+$0x83B0];
	[tilespmem:s1+$0x101F0] =	vst v8;
	v1 =	vadd.f32 v1, v33  }
0x34c: {  	v9 =	vld [tilespmem:s1+$0x8240];
	v2 =	vadd.f32 v2, v35;
	[tilespmem:s1+$0x101E0] =	vst v0  }
0x34d: {  	v10 =	vld [tilespmem:s1+$0x83E0];
	v3 =	vadd.f32 v3, v36;
	[tilespmem:s1+$0x10360] =	vst v1  }
0x34e: {  	v58 =	vld [tilespmem:s1+$0x83F0];
	v4 =	vadd.f32 v4, v37;
	[tilespmem:s1+$0x10370] =	vst v2  }
0x34f: {  	v59 =	vld [tilespmem:s1+$0x8400];
	v6 =	vadd.f32 v6, v38;
	[tilespmem:s1+$0x10380] =	vst v3  }
0x350: {  	v8 =	vld [tilespmem:s1+$0x83D0];
	v7 =	vadd.f32 v7, v39;
	[tilespmem:s1+$0x10390] =	vst v4  }
0x351: {  	v9 =	vadd.f32 v9, v49;
	v0 =	vld [tilespmem:s1+$0x83C0];
	[tilespmem:s1+$0x103A0] =	vst v6  }
0x352: {  	v10 =	vadd.f32 v10, v42;
	v1 =	vld [tilespmem:s1+$0x8250];
	[tilespmem:s1+$0x103B0] =	vst v7  }
0x353: {  	v58 =	vadd.f32 v58, v43;
	v2 =	vld [tilespmem:s1+$0x8260];
	[tilespmem:s1+$0x10240] =	vst v9  }
0x354: {  	v59 =	vadd.f32 v59, v44;
	v3 =	vld [tilespmem:s1+$0x8270];
	[tilespmem:s1+$0x103E0] =	vst v10  }
0x355: {  	v4 =	vld [tilespmem:s1+$0x8280];
	v8 =	vadd.f32 v8, v41;
	[tilespmem:s1+$0x103F0] =	vst v58  }
0x356: {  	v6 =	vld [tilespmem:s1+$0x8290];
	[tilespmem:s1+$0x10400] =	vst v59;
	v0 =	vadd.f32 v0, v40  }
0x357: {  	v7 =	vld [tilespmem:s1+$0x82A0];
	[tilespmem:s1+$0x103D0] =	vst v8;
	v1 =	vadd.f32 v1, v52  }
0x358: {  	v9 =	vld [tilespmem:s1+$0x8420];
	v2 =	vadd.f32 v2, v53;
	[tilespmem:s1+$0x103C0] =	vst v0  }
0x359: {  	v8 =	vld [tilespmem:s1+$0x82C0];
	v3 =	vadd.f32 v3, v55;
	[tilespmem:s1+$0x10250] =	vst v1  }
0x35a: {  	v58 =	vld [tilespmem:s1+$0x8520];
	v4 =	vadd.f32 v4, v56;
	[tilespmem:s1+$0x10260] =	vst v2  }
0x35b: {  	v62 =	vld [tilespmem:s1+$0x82F0];
	v6 =	vadd.f32 v6, v54;
	[tilespmem:s1+$0x10270] =	vst v3  }
0x35c: {  	v59 =	vld [tilespmem:s1+$0x8530];
	v7 =	vadd.f32 v7, v50;
	[tilespmem:s1+$0x10280] =	vst v4  }
0x35d: {  	v60 =	vld [tilespmem:s1+$0x8410];
	v9 =	vadd.f32 v9, v47;
	[tilespmem:s1+$0x10290] =	vst v6  }
0x35e: {  	v0 =	vld [tilespmem:s1+$0x82B0];
	[tilespmem:s1+$0x102A0] =	vst v7;
	v7 =	vadd.f32 v8, v46  }
0x35f: {  	v58 =	vadd.f32 v58, v28;
	v1 =	vld [tilespmem:s1+$0x8430];
	[tilespmem:s1+$0x10420] =	vst v9  }
0x360: {  	v2 =	vld [tilespmem:s1+$0x8440];
	[tilespmem:s1+$0x102C0] =	vst v7;
	v7 =	vadd.f32 v61, v30  }
0x361: {  	v59 =	vadd.f32 v59, v29;
	v3 =	vld [tilespmem:s1+$0x8450];
	[tilespmem:s1+$0x10520] =	vst v58  }
0x362: {  	v4 =	vld [tilespmem:s1+$0x8460];
	[tilespmem:s1+$0x102E0] =	vst v7;
	v7 =	vadd.f32 v60, v45  }
0x363: {  	v6 =	vld [tilespmem:s1+$0x8470];
	[tilespmem:s1+$0x10530] =	vst v59;
	v0 =	vadd.f32 v0, v51  }
0x364: {  	v9 =	vld [tilespmem:s1+$0x8570];
	v1 =	vadd.f32 v1, v48;
	[tilespmem:s1+$0x10410] =	vst v7  }
0x365: {  	v10 =	vld [tilespmem:s1+$0x82D0];
	v2 =	vadd.f32 v2, v49;
	[tilespmem:s1+$0x102B0] =	vst v0  }
0x366: {  	v58 =	vld [tilespmem:s1+$0x84A0];
	v3 =	vadd.f32 v3, v52;
	[tilespmem:s1+$0x10430] =	vst v1  }
0x367: {  	v8 =	vld [tilespmem:s1+$0x8500];
	v4 =	vadd.f32 v4, v53;
	[tilespmem:s1+$0x10440] =	vst v2  }
0x368: {  	v60 =	vld [tilespmem:s1+$0x8540];
	v6 =	vadd.f32 v6, v55;
	[tilespmem:s1+$0x10450] =	vst v3  }
0x369: {  	v59 =	vld [tilespmem:s1+$0x84B0];
	v9 =	vadd.f32 v9, v35;
	[tilespmem:s1+$0x10460] =	vst v4  }
0x36a: {  	v7 =	vld [tilespmem:s1+$0x8560];
	v0 =	vadd.f32 v10, v34;
	[tilespmem:s1+$0x10470] =	vst v6  }
0x36b: {  	v58 =	vadd.f32 v58, v50;
	v10 =	vld [tilespmem:s1+$0x8510];
	[tilespmem:s1+$0x10570] =	vst v9  }
0x36c: {  	v1 =	vld [tilespmem:s1+$0x8580];
	[tilespmem:s1+$0x102D0] =	vst v0;
	v0 =	vadd.f32 v62, v57  }
0x36d: {  	v2 =	vld [tilespmem:s1+$0x8590];
	[tilespmem:s1+$0x104A0] =	vst v58;
	v60 =	vadd.f32 v60, v31  }
0x36e: {  	v3 =	vld [tilespmem:s1+$0x85A0];
	[tilespmem:s1+$0x102F0] =	vst v0;
	v0 =	vadd.f32 v8, v26  }
0x36f: {  	v4 =	vld [tilespmem:s1+$0x85B0];
	[tilespmem:s1+$0x10540] =	vst v60;
	v7 =	vadd.f32 v7, v33  }
0x370: {  	v6 =	vld [tilespmem:s1+$0x85C0];
	v10 =	vadd.f32 v10, v27;
	[tilespmem:s1+$0x10500] =	vst v0  }
0x371: {  	v8 =	vld [tilespmem:s1+$0x8550];
	v1 =	vadd.f32 v1, v36;
	[tilespmem:s1+$0x10560] =	vst v7  }
0x372: {  	v60 =	vld [tilespmem:s1+$0x84C0];
	v2 =	vadd.f32 v2, v37;
	[tilespmem:s1+$0x10510] =	vst v10  }
0x373: {  	v3 =	vadd.f32 v3, v38;
	v0 =	vld [tilespmem:s1+$0x8480];
	[tilespmem:s1+$0x10580] =	vst v1  }
0x374: {  	v4 =	vadd.f32 v4, v39;
	v7 =	vld [tilespmem:s1+$0x84E0];
	[tilespmem:s1+$0x10590] =	vst v2  }
0x375: {  	v6 =	vadd.f32 v6, v40;
	v10 =	vld [tilespmem:s1+$0x8490];
	[tilespmem:s1+$0x105A0] =	vst v3  }
0x376: {  	v1 =	vld [tilespmem:s1+$0x8760];
	[tilespmem:s1+$0x105B0] =	vst v4;
	v8 =	vadd.f32 v8, v32  }
0x377: {  	v2 =	vld [tilespmem:s1+$0x8770];
	[tilespmem:s1+$0x105C0] =	vst v6;
	v58 =	vadd.f32 v60, v46  }
0x378: {  	v3 =	vld [tilespmem:s1+$0x8780];
	[tilespmem:s1+$0x10550] =	vst v8;
	v0 =	vadd.f32 v0, v56  }
0x379: {  	v4 =	vld [tilespmem:s1+$0x8790];
	[tilespmem:s1+$0x104C0] =	vst v58;
	v7 =	vadd.f32 v7, v30  }
0x37a: {  	v6 =	vld [tilespmem:s1+$0x87A0];
	v10 =	vadd.f32 v10, v54;
	[tilespmem:s1+$0x10480] =	vst v0  }
0x37b: {  	v9 =	vld [tilespmem:s1+$0x84F0];
	v1 =	vadd.f32 v1, v33;
	[tilespmem:s1+$0x104E0] =	vst v7  }
0x37c: {  	v8 =	vld [tilespmem:s1+$0x84D0];
	v2 =	vadd.f32 v2, v35;
	[tilespmem:s1+$0x10490] =	vst v10  }
0x37d: {  	v58 =	vld [tilespmem:s1+$0x8720];
	v3 =	vadd.f32 v3, v36;
	[tilespmem:s1+$0x10760] =	vst v1  }
0x37e: {  	v60 =	vld [tilespmem:s1+$0x8700];
	v4 =	vadd.f32 v4, v37;
	[tilespmem:s1+$0x10770] =	vst v2  }
0x37f: {  	v6 =	vadd.f32 v6, v38;
	v7 =	vld [tilespmem:s1+$0x8740];
	[tilespmem:s1+$0x10780] =	vst v3  }
0x380: {  	v0 =	vld [tilespmem:s1+$0x85D0];
	v10 =	vadd.f32 v59, v51;
	[tilespmem:s1+$0x10790] =	vst v4  }
0x381: {  	v59 =	vld [tilespmem:s1+$0x85E0];
	[tilespmem:s1+$0x107A0] =	vst v6;
	v8 =	vadd.f32 v8, v34  }
0x382: {  	v1 =	vld [tilespmem:s1+$0x8650];
	[tilespmem:s1+$0x104B0] =	vst v10;
	v58 =	vadd.f32 v58, v28  }
0x383: {  	v2 =	vld [tilespmem:s1+$0x8660];
	[tilespmem:s1+$0x104D0] =	vst v8;
	v8 =	vadd.f32 v9, v57  }
0x384: {  	v3 =	vld [tilespmem:s1+$0x8670];
	[tilespmem:s1+$0x10720] =	vst v58;
	v7 =	vadd.f32 v7, v31  }
0x385: {  	v4 =	vld [tilespmem:s1+$0x8680];
	v0 =	vadd.f32 v0, v41;
	[tilespmem:s1+$0x104F0] =	vst v8  }
0x386: {  	v6 =	vld [tilespmem:s1+$0x8690];
	v59 =	vadd.f32 v59, v42;
	[tilespmem:s1+$0x10740] =	vst v7  }
0x387: {  	v1 =	vadd.f32 v1, v52;
	[tilespmem:s1+$0x105D0] =	vst v0  }
0x388: {  	v10 =	vld [tilespmem:s1+$0x8710];
	v2 =	vadd.f32 v2, v53;
	[tilespmem:s1+$0x105E0] =	vst v59  }
0x389: {  	v9 =	vld [tilespmem:s1+$0x8730];
	v3 =	vadd.f32 v3, v55;
	[tilespmem:s1+$0x10650] =	vst v1  }
0x38a: {  	v58 =	vld [tilespmem:s1+$0x8610];
	v4 =	vadd.f32 v4, v56;
	[tilespmem:s1+$0x10660] =	vst v2  }
0x38b: {  	v6 =	vadd.f32 v6, v54;
	v8 =	vadd.f32 v60, v26;
	v60 =	vld [tilespmem:s1+$0x8750];
	[tilespmem:s1+$0x10670] =	vst v3  }
0x38c: {  	v7 =	vld [tilespmem:s1+$0x8630];
	[tilespmem:s1+$0x10680] =	vst v4  }
0x38d: {  	v0 =	vld [tilespmem:s1+$0x87B0];
	v10 =	vadd.f32 v10, v27;
	[tilespmem:s1+$0x10690] =	vst v6  }
0x38e: {  	v59 =	vld [tilespmem:s1+$0x87C0];
	[tilespmem:s1+$0x10700] =	vst v8;
	v9 =	vadd.f32 v9, v29  }
0x38f: {  	v8 =	vld [tilespmem:s1+$0x85F0];
	[tilespmem:s1+$0x10710] =	vst v10;
	v58 =	vadd.f32 v58, v45  }
0x390: {  	v10 =	vld [tilespmem:s1+$0x8600];
	[tilespmem:s1+$0x10730] =	vst v9;
	v60 =	vadd.f32 v60, v32  }
0x391: {  	v63 =	vld [tilespmem:s1+$0x86B0];
	[tilespmem:s1+$0x10610] =	vst v58;
	v7 =	vadd.f32 v7, v48  }
0x392: {  	v9 =	vld [tilespmem:s1+$0x8620];
	v0 =	vadd.f32 v0, v39;
	[tilespmem:s1+$0x10750] =	vst v60  }
0x393: {  	v58 =	vld [tilespmem:s1+$0x87F0];
	v59 =	vadd.f32 v59, v40;
	[tilespmem:s1+$0x10630] =	vst v7  }
0x394: {  	v60 =	vld [tilespmem:s1+$0x8640];
	v8 =	vadd.f32 v8, v43;
	[tilespmem:s1+$0x107B0] =	vst v0  }
0x395: {  	v7 =	vld [tilespmem:s1+$0x8810];
	v10 =	vadd.f32 v10, v44;
	[tilespmem:s1+$0x107C0] =	vst v59  }
0x396: {  	v0 =	vld [tilespmem:s1+$0x86A0];
	v59 =	vadd.f32 v63, v51;
	[tilespmem:s1+$0x105F0] =	vst v8  }
0x397: {  	v8 =	vld [tilespmem:s1+$0x87D0];
	[tilespmem:s1+$0x10600] =	vst v10;
	v9 =	vadd.f32 v9, v47  }
0x398: {  	v1 =	vld [tilespmem:s1+$0x8830];
	v58 =	vadd.f32 v58, v43;
	[tilespmem:s1+$0x106B0] =	vst v59  }
0x399: {  	v10 =	vld [tilespmem:s1+$0x87E0];
	[tilespmem:s1+$0x10620] =	vst v9;
	v60 =	vadd.f32 v60, v49  }
0x39a: {  	v2 =	vld [tilespmem:s1+$0x8840];
	[tilespmem:s1+$0x107F0] =	vst v58;
	v7 =	vadd.f32 v7, v45  }
0x39b: {  	v9 =	vld [tilespmem:s1+$0x8800];
	v0 =	vadd.f32 v0, v50;
	[tilespmem:s1+$0x10640] =	vst v60  }
0x39c: {  	v3 =	vld [tilespmem:s1+$0x8850];
	v8 =	vadd.f32 v8, v41;
	[tilespmem:s1+$0x10810] =	vst v7  }
0x39d: {  	v60 =	vld [tilespmem:s1+$0x8820];
	[tilespmem:s1+$0x106A0] =	vst v0;
	v0 =	vadd.f32 v1, v48  }
0x39e: {  	v4 =	vld [tilespmem:s1+$0x8860];
	v10 =	vadd.f32 v10, v42;
	[tilespmem:s1+$0x107D0] =	vst v8  }
0x39f: {  	v8 =	vld [tilespmem:s1+$0x86C0];
	[tilespmem:s1+$0x10830] =	vst v0;
	v0 =	vadd.f32 v2, v49  }
0x3a0: {  	[tilespmem:s1+$0x107E0] =	vst v10;
	v10 =	vld [tilespmem:s1+$0x86D0];
	v9 =	vadd.f32 v9, v44  }
0x3a1: {  	v58 =	vld [tilespmem:s1+$0x86E0];
	[tilespmem:s1+$0x10840] =	vst v0;
	v0 =	vadd.f32 v3, v52  }
0x3a2: {  	[tilespmem:s1+$0x10800] =	vst v9;
	v9 =	vld [tilespmem:s1+$0x86F0];
	v7 =	vadd.f32 v60, v47  }
0x3a3: {  	v6 =	vld [tilespmem:s1+$0x8870];
	[tilespmem:s1+$0x10850] =	vst v0;
	v0 =	vadd.f32 v4, v53  }
0x3a4: {  	v63 =	vld [tilespmem:s1+$0x8880];
	[tilespmem:s1+$0x10820] =	vst v7;
	v1 =	vadd.f32 v8, v46  }
0x3a5: {  	v59 =	vld [tilespmem:s1+$0x8890];
	v2 =	vadd.f32 v10, v34;
	[tilespmem:s1+$0x10860] =	vst v0  }
0x3a6: {  	v60 =	vld [tilespmem:s1+$0x88A0];
	[tilespmem:s1+$0x106C0] =	vst v1;
	v1 =	vadd.f32 v58, v30  }
0x3a7: {  	v61 =	vld [tilespmem:s1+$0x88B0];
	[tilespmem:s1+$0x106D0] =	vst v2;
	v2 =	vadd.f32 v9, v57  }
0x3a8: {  	v62 =	vld [tilespmem:s1+$0x88C0];
	v0 =	vadd.f32 v6, v55;
	[tilespmem:s1+$0x106E0] =	vst v1  }
0x3a9: {  	s13 =	simm.s32 $0x4;
	v63 =	vadd.f32 v63, v56;
	v58 =	vld [tilespmem:s1+$0x88D0];
	[tilespmem:s1+$0x106F0] =	vst v2  }
.LBB2_7:
0x3aa: {  	s7 =	sshll.u32 s13, $0x9;
	p0 =	slt.u32 s13, $0x1C;
	[tilespmem:s1+$0x10870] =	vst v0;
	v0 =	vadd.f32 v59, v54;
	v1 =	vld [tilespmem:s1+$0x88E0]  }
0x3ab: {  	v2 =	vld [tilespmem:s7+$0x88F0];
	[tilespmem:s1+$0x10880] =	vst v63;
	v3 =	vadd.f32 v60, v50  }
0x3ac: {  	v4 =	vld [tilespmem:s7+$0x8100];
	[tilespmem:s1+$0x10890] =	vst v0;
	v0 =	vadd.f32 v61, v51  }
0x3ad: {  	v6 =	vld [tilespmem:s7+$0x8110];
	[tilespmem:s1+$0x108A0] =	vst v3;
	v3 =	vadd.f32 v62, v46  }
0x3ae: {  	v7 =	vld [tilespmem:s7+$0x8120];
	[tilespmem:s1+$0x108B0] =	vst v0;
	v0 =	vadd.f32 v58, v34  }
0x3af: {  	v8 =	vld [tilespmem:s7+$0x8130];
	[tilespmem:s1+$0x108C0] =	vst v3;
	v1 =	vadd.f32 v1, v30  }
0x3b0: {  	v3 =	vld [tilespmem:s7+$0x8140];
	v2 =	vadd.f32 v2, v57;
	[tilespmem:s1+$0x108D0] =	vst v0  }
0x3b1: {  	v0 =	vadd.f32 v4, v26;
	v4 =	vld [tilespmem:s7+$0x8150];
	[tilespmem:s1+$0x108E0] =	vst v1;
	s1 =	smov.u32 s7  }
0x3b2: {  	v1 =	vadd.f32 v6, v27;
	v6 =	vld [tilespmem:s1+$0x8160];
	[tilespmem:s1+$0x108F0] =	vst v2  }
0x3b3: {  	[tilespmem:s1+$0x10100] =	vst v0;
	v0 =	vadd.f32 v7, v28;
	v2 =	vld [tilespmem:s1+$0x8170]  }
0x3b4: {  	[tilespmem:s1+$0x10110] =	vst v1;
	v1 =	vadd.f32 v8, v29;
	v7 =	vld [tilespmem:s1+$0x8180]  }
0x3b5: {  	[tilespmem:s1+$0x10120] =	vst v0;
	v0 =	vadd.f32 v3, v31;
	v3 =	vld [tilespmem:s1+$0x8190]  }
0x3b6: {  	[tilespmem:s1+$0x10130] =	vst v1;
	v1 =	vadd.f32 v4, v32;
	v4 =	vld [tilespmem:s1+$0x81A0]  }
0x3b7: {  	[tilespmem:s1+$0x10140] =	vst v0;
	v0 =	vadd.f32 v6, v33;
	v6 =	vld [tilespmem:s1+$0x81B0]  }
0x3b8: {  	[tilespmem:s1+$0x10150] =	vst v1;
	v1 =	vadd.f32 v2, v35;
	v2 =	vld [tilespmem:s1+$0x81C0]  }
0x3b9: {  	[tilespmem:s1+$0x10160] =	vst v0;
	v0 =	vadd.f32 v7, v36;
	v7 =	vld [tilespmem:s1+$0x81D0]  }
0x3ba: {  	[tilespmem:s1+$0x10170] =	vst v1;
	v1 =	vadd.f32 v3, v37;
	v3 =	vld [tilespmem:s1+$0x81E0]  }
0x3bb: {  	[tilespmem:s1+$0x10180] =	vst v0;
	v0 =	vadd.f32 v4, v38;
	v4 =	vld [tilespmem:s1+$0x81F0]  }
0x3bc: {  	[tilespmem:s1+$0x10190] =	vst v1;
	v1 =	vadd.f32 v6, v39;
	v6 =	vld [tilespmem:s1+$0x8200]  }
0x3bd: {  	[tilespmem:s1+$0x101A0] =	vst v0;
	v0 =	vadd.f32 v2, v40;
	v2 =	vld [tilespmem:s1+$0x8210]  }
0x3be: {  	[tilespmem:s1+$0x101B0] =	vst v1;
	v1 =	vadd.f32 v7, v41;
	v7 =	vld [tilespmem:s1+$0x8220]  }
0x3bf: {  	[tilespmem:s1+$0x101C0] =	vst v0;
	v0 =	vadd.f32 v3, v42;
	v3 =	vld [tilespmem:s1+$0x8230]  }
0x3c0: {  	[tilespmem:s1+$0x101D0] =	vst v1;
	v1 =	vadd.f32 v4, v43;
	v4 =	vld [tilespmem:s1+$0x8240]  }
0x3c1: {  	[tilespmem:s1+$0x101E0] =	vst v0;
	v0 =	vadd.f32 v6, v44;
	v6 =	vld [tilespmem:s1+$0x8250]  }
0x3c2: {  	[tilespmem:s1+$0x101F0] =	vst v1;
	v1 =	vadd.f32 v2, v45;
	v2 =	vld [tilespmem:s1+$0x8260]  }
0x3c3: {  	[tilespmem:s1+$0x10200] =	vst v0;
	v0 =	vadd.f32 v7, v47;
	v7 =	vld [tilespmem:s1+$0x8270]  }
0x3c4: {  	[tilespmem:s1+$0x10210] =	vst v1;
	v1 =	vadd.f32 v3, v48;
	v3 =	vld [tilespmem:s1+$0x8280]  }
0x3c5: {  	[tilespmem:s1+$0x10220] =	vst v0;
	v0 =	vadd.f32 v4, v49;
	v4 =	vld [tilespmem:s1+$0x8290]  }
0x3c6: {  	[tilespmem:s1+$0x10230] =	vst v1;
	v1 =	vadd.f32 v6, v52;
	v6 =	vld [tilespmem:s1+$0x82A0]  }
0x3c7: {  	[tilespmem:s1+$0x10240] =	vst v0;
	v0 =	vadd.f32 v2, v53;
	v2 =	vld [tilespmem:s1+$0x82B0]  }
0x3c8: {  	[tilespmem:s1+$0x10250] =	vst v1;
	v1 =	vadd.f32 v7, v55;
	v7 =	vld [tilespmem:s1+$0x82C0]  }
0x3c9: {  	[tilespmem:s1+$0x10260] =	vst v0;
	v0 =	vadd.f32 v3, v56;
	v3 =	vld [tilespmem:s1+$0x82D0]  }
0x3ca: {  	[tilespmem:s1+$0x10270] =	vst v1;
	v1 =	vadd.f32 v4, v54;
	v4 =	vld [tilespmem:s1+$0x82E0]  }
0x3cb: {  	[tilespmem:s1+$0x10280] =	vst v0;
	v0 =	vadd.f32 v6, v50;
	v6 =	vld [tilespmem:s1+$0x82F0]  }
0x3cc: {  	[tilespmem:s1+$0x10290] =	vst v1;
	v1 =	vadd.f32 v2, v51;
	v2 =	vld [tilespmem:s1+$0x8300]  }
0x3cd: {  	[tilespmem:s1+$0x102A0] =	vst v0;
	v0 =	vadd.f32 v7, v46;
	v7 =	vld [tilespmem:s1+$0x8310]  }
0x3ce: {  	[tilespmem:s1+$0x102B0] =	vst v1;
	v1 =	vadd.f32 v3, v34;
	v3 =	vld [tilespmem:s1+$0x8320]  }
0x3cf: {  	[tilespmem:s1+$0x102C0] =	vst v0;
	v0 =	vadd.f32 v4, v30;
	v4 =	vld [tilespmem:s1+$0x8330]  }
0x3d0: {  	[tilespmem:s1+$0x102D0] =	vst v1;
	v1 =	vadd.f32 v6, v57;
	v6 =	vld [tilespmem:s1+$0x8340]  }
0x3d1: {  	[tilespmem:s1+$0x102E0] =	vst v0;
	v0 =	vadd.f32 v2, v26;
	v2 =	vld [tilespmem:s1+$0x8350]  }
0x3d2: {  	[tilespmem:s1+$0x102F0] =	vst v1;
	v1 =	vadd.f32 v7, v27;
	v7 =	vld [tilespmem:s1+$0x8360]  }
0x3d3: {  	[tilespmem:s1+$0x10300] =	vst v0;
	v0 =	vadd.f32 v3, v28;
	v3 =	vld [tilespmem:s1+$0x8370]  }
0x3d4: {  	[tilespmem:s1+$0x10310] =	vst v1;
	v1 =	vadd.f32 v4, v29;
	v4 =	vld [tilespmem:s1+$0x8380]  }
0x3d5: {  	[tilespmem:s1+$0x10320] =	vst v0;
	v0 =	vadd.f32 v6, v31;
	v6 =	vld [tilespmem:s1+$0x8390]  }
0x3d6: {  	[tilespmem:s1+$0x10330] =	vst v1;
	v1 =	vadd.f32 v2, v32;
	v2 =	vld [tilespmem:s1+$0x83A0]  }
0x3d7: {  	[tilespmem:s1+$0x10340] =	vst v0;
	v0 =	vadd.f32 v7, v33;
	v7 =	vld [tilespmem:s1+$0x83B0]  }
0x3d8: {  	[tilespmem:s1+$0x10350] =	vst v1;
	v1 =	vadd.f32 v3, v35;
	v3 =	vld [tilespmem:s1+$0x83C0]  }
0x3d9: {  	[tilespmem:s1+$0x10360] =	vst v0;
	v0 =	vadd.f32 v4, v36;
	v4 =	vld [tilespmem:s1+$0x83D0]  }
0x3da: {  	[tilespmem:s1+$0x10370] =	vst v1;
	v1 =	vadd.f32 v6, v37;
	v6 =	vld [tilespmem:s1+$0x83E0]  }
0x3db: {  	[tilespmem:s1+$0x10380] =	vst v0;
	v0 =	vadd.f32 v2, v38;
	v2 =	vld [tilespmem:s1+$0x83F0]  }
0x3dc: {  	[tilespmem:s1+$0x10390] =	vst v1;
	v1 =	vadd.f32 v7, v39;
	v7 =	vld [tilespmem:s1+$0x8400]  }
0x3dd: {  	[tilespmem:s1+$0x103A0] =	vst v0;
	v0 =	vadd.f32 v3, v40;
	v3 =	vld [tilespmem:s1+$0x8410]  }
0x3de: {  	[tilespmem:s1+$0x103B0] =	vst v1;
	v1 =	vadd.f32 v4, v41;
	v4 =	vld [tilespmem:s1+$0x8420]  }
0x3df: {  	[tilespmem:s1+$0x103C0] =	vst v0;
	v0 =	vadd.f32 v6, v42;
	v6 =	vld [tilespmem:s1+$0x8430]  }
0x3e0: {  	[tilespmem:s1+$0x103D0] =	vst v1;
	v1 =	vadd.f32 v2, v43;
	v2 =	vld [tilespmem:s1+$0x8440]  }
0x3e1: {  	[tilespmem:s1+$0x103E0] =	vst v0;
	v0 =	vadd.f32 v7, v44;
	v7 =	vld [tilespmem:s1+$0x8450]  }
0x3e2: {  	[tilespmem:s1+$0x103F0] =	vst v1;
	v1 =	vadd.f32 v3, v45;
	v3 =	vld [tilespmem:s1+$0x8460]  }
0x3e3: {  	[tilespmem:s1+$0x10400] =	vst v0;
	v0 =	vadd.f32 v4, v47;
	v4 =	vld [tilespmem:s1+$0x8470]  }
0x3e4: {  	[tilespmem:s1+$0x10410] =	vst v1;
	v1 =	vadd.f32 v6, v48;
	v6 =	vld [tilespmem:s1+$0x8480]  }
0x3e5: {  	[tilespmem:s1+$0x10420] =	vst v0;
	v0 =	vadd.f32 v2, v49;
	v2 =	vld [tilespmem:s1+$0x8490]  }
0x3e6: {  	[tilespmem:s1+$0x10430] =	vst v1;
	v1 =	vadd.f32 v7, v52;
	v7 =	vld [tilespmem:s1+$0x84A0]  }
0x3e7: {  	[tilespmem:s1+$0x10440] =	vst v0;
	v0 =	vadd.f32 v3, v53;
	v3 =	vld [tilespmem:s1+$0x84B0]  }
0x3e8: {  	[tilespmem:s1+$0x10450] =	vst v1;
	v1 =	vadd.f32 v4, v55;
	v4 =	vld [tilespmem:s1+$0x84C0]  }
0x3e9: {  	[tilespmem:s1+$0x10460] =	vst v0;
	v0 =	vadd.f32 v6, v56;
	v6 =	vld [tilespmem:s1+$0x84D0]  }
0x3ea: {  	[tilespmem:s1+$0x10470] =	vst v1;
	v1 =	vadd.f32 v2, v54;
	v2 =	vld [tilespmem:s1+$0x84E0]  }
0x3eb: {  	[tilespmem:s1+$0x10480] =	vst v0;
	v0 =	vadd.f32 v7, v50;
	v7 =	vld [tilespmem:s1+$0x84F0]  }
0x3ec: {  	[tilespmem:s1+$0x10490] =	vst v1;
	v1 =	vadd.f32 v3, v51;
	v3 =	vld [tilespmem:s1+$0x8500]  }
0x3ed: {  	[tilespmem:s1+$0x104A0] =	vst v0;
	v0 =	vadd.f32 v4, v46;
	v4 =	vld [tilespmem:s1+$0x8510]  }
0x3ee: {  	[tilespmem:s1+$0x104B0] =	vst v1;
	v1 =	vadd.f32 v6, v34;
	v6 =	vld [tilespmem:s1+$0x8520]  }
0x3ef: {  	[tilespmem:s1+$0x104C0] =	vst v0;
	v0 =	vadd.f32 v2, v30;
	v2 =	vld [tilespmem:s1+$0x8530]  }
0x3f0: {  	[tilespmem:s1+$0x104D0] =	vst v1;
	v1 =	vadd.f32 v7, v57;
	v7 =	vld [tilespmem:s1+$0x8540]  }
0x3f1: {  	[tilespmem:s1+$0x104E0] =	vst v0;
	v0 =	vadd.f32 v3, v26;
	v3 =	vld [tilespmem:s1+$0x8550]  }
0x3f2: {  	[tilespmem:s1+$0x104F0] =	vst v1;
	v1 =	vadd.f32 v4, v27;
	v4 =	vld [tilespmem:s1+$0x8560]  }
0x3f3: {  	[tilespmem:s1+$0x10500] =	vst v0;
	v0 =	vadd.f32 v6, v28;
	v6 =	vld [tilespmem:s1+$0x8570]  }
0x3f4: {  	[tilespmem:s1+$0x10510] =	vst v1;
	v1 =	vadd.f32 v2, v29;
	v2 =	vld [tilespmem:s1+$0x8580]  }
0x3f5: {  	[tilespmem:s1+$0x10520] =	vst v0;
	v0 =	vadd.f32 v7, v31;
	v7 =	vld [tilespmem:s1+$0x8590]  }
0x3f6: {  	[tilespmem:s1+$0x10530] =	vst v1;
	v1 =	vadd.f32 v3, v32;
	v3 =	vld [tilespmem:s1+$0x85A0]  }
0x3f7: {  	[tilespmem:s1+$0x10540] =	vst v0;
	v0 =	vadd.f32 v4, v33;
	v4 =	vld [tilespmem:s1+$0x85B0]  }
0x3f8: {  	[tilespmem:s1+$0x10550] =	vst v1;
	v1 =	vadd.f32 v6, v35;
	v6 =	vld [tilespmem:s1+$0x85C0]  }
0x3f9: {  	[tilespmem:s1+$0x10560] =	vst v0;
	v0 =	vadd.f32 v2, v36;
	v2 =	vld [tilespmem:s1+$0x85D0]  }
0x3fa: {  	[tilespmem:s1+$0x10570] =	vst v1;
	v1 =	vadd.f32 v7, v37;
	v7 =	vld [tilespmem:s1+$0x85E0]  }
0x3fb: {  	[tilespmem:s1+$0x10580] =	vst v0;
	v0 =	vadd.f32 v3, v38;
	v3 =	vld [tilespmem:s1+$0x85F0]  }
0x3fc: {  	[tilespmem:s1+$0x10590] =	vst v1;
	v1 =	vadd.f32 v4, v39;
	v4 =	vld [tilespmem:s1+$0x8600]  }
0x3fd: {  	[tilespmem:s1+$0x105A0] =	vst v0;
	v0 =	vadd.f32 v6, v40;
	v6 =	vld [tilespmem:s1+$0x8610]  }
0x3fe: {  	[tilespmem:s1+$0x105B0] =	vst v1;
	v1 =	vadd.f32 v2, v41;
	v2 =	vld [tilespmem:s1+$0x8620]  }
0x3ff: {  	[tilespmem:s1+$0x105C0] =	vst v0;
	v0 =	vadd.f32 v7, v42;
	v7 =	vld [tilespmem:s1+$0x8630]  }
0x400: {  	[tilespmem:s1+$0x105D0] =	vst v1;
	v1 =	vadd.f32 v3, v43;
	v3 =	vld [tilespmem:s1+$0x8640]  }
0x401: {  	[tilespmem:s1+$0x105E0] =	vst v0;
	v0 =	vadd.f32 v4, v44;
	v4 =	vld [tilespmem:s1+$0x8650]  }
0x402: {  	[tilespmem:s1+$0x105F0] =	vst v1;
	v1 =	vadd.f32 v6, v45;
	v6 =	vld [tilespmem:s1+$0x8660]  }
0x403: {  	[tilespmem:s1+$0x10600] =	vst v0;
	v0 =	vadd.f32 v2, v47;
	v2 =	vld [tilespmem:s1+$0x8670]  }
0x404: {  	[tilespmem:s1+$0x10610] =	vst v1;
	v1 =	vadd.f32 v7, v48;
	v7 =	vld [tilespmem:s1+$0x8680]  }
0x405: {  	[tilespmem:s1+$0x10620] =	vst v0;
	v0 =	vadd.f32 v3, v49;
	v3 =	vld [tilespmem:s1+$0x8690]  }
0x406: {  	[tilespmem:s1+$0x10630] =	vst v1;
	v1 =	vadd.f32 v4, v52;
	v4 =	vld [tilespmem:s1+$0x86A0]  }
0x407: {  	[tilespmem:s1+$0x10640] =	vst v0;
	v0 =	vadd.f32 v6, v53;
	v6 =	vld [tilespmem:s1+$0x86B0]  }
0x408: {  	[tilespmem:s1+$0x10650] =	vst v1;
	v1 =	vadd.f32 v2, v55;
	v2 =	vld [tilespmem:s1+$0x86C0]  }
0x409: {  	[tilespmem:s1+$0x10660] =	vst v0;
	v0 =	vadd.f32 v7, v56;
	v7 =	vld [tilespmem:s1+$0x86D0]  }
0x40a: {  	[tilespmem:s1+$0x10670] =	vst v1;
	v1 =	vadd.f32 v3, v54;
	v3 =	vld [tilespmem:s1+$0x86E0]  }
0x40b: {  	[tilespmem:s1+$0x10680] =	vst v0;
	v0 =	vadd.f32 v4, v50;
	v4 =	vld [tilespmem:s1+$0x86F0]  }
0x40c: {  	[tilespmem:s1+$0x10690] =	vst v1;
	v1 =	vadd.f32 v6, v51;
	v6 =	vld [tilespmem:s1+$0x8700]  }
0x40d: {  	[tilespmem:s1+$0x106A0] =	vst v0;
	v0 =	vadd.f32 v2, v46;
	v2 =	vld [tilespmem:s1+$0x8710]  }
0x40e: {  	[tilespmem:s1+$0x106B0] =	vst v1;
	v1 =	vadd.f32 v7, v34;
	v7 =	vld [tilespmem:s1+$0x8720]  }
0x40f: {  	[tilespmem:s1+$0x106C0] =	vst v0;
	v0 =	vadd.f32 v3, v30;
	v3 =	vld [tilespmem:s1+$0x8730]  }
0x410: {  	[tilespmem:s1+$0x106D0] =	vst v1;
	v1 =	vadd.f32 v4, v57;
	v4 =	vld [tilespmem:s1+$0x8740]  }
0x411: {  	[tilespmem:s1+$0x106E0] =	vst v0;
	v0 =	vadd.f32 v6, v26;
	v6 =	vld [tilespmem:s1+$0x8750]  }
0x412: {  	[tilespmem:s1+$0x106F0] =	vst v1;
	v1 =	vadd.f32 v2, v27;
	v2 =	vld [tilespmem:s1+$0x8760]  }
0x413: {  	[tilespmem:s1+$0x10700] =	vst v0;
	v0 =	vadd.f32 v7, v28;
	v7 =	vld [tilespmem:s1+$0x8770]  }
0x414: {  	[tilespmem:s1+$0x10710] =	vst v1;
	v1 =	vadd.f32 v3, v29;
	v3 =	vld [tilespmem:s1+$0x8780]  }
0x415: {  	[tilespmem:s1+$0x10720] =	vst v0;
	v0 =	vadd.f32 v4, v31;
	v4 =	vld [tilespmem:s1+$0x8790]  }
0x416: {  	[tilespmem:s1+$0x10730] =	vst v1;
	v1 =	vadd.f32 v6, v32;
	v6 =	vld [tilespmem:s1+$0x87A0]  }
0x417: {  	[tilespmem:s1+$0x10740] =	vst v0;
	v0 =	vadd.f32 v2, v33;
	v2 =	vld [tilespmem:s1+$0x87B0]  }
0x418: {  	[tilespmem:s1+$0x10750] =	vst v1;
	v1 =	vadd.f32 v7, v35;
	v7 =	vld [tilespmem:s1+$0x87C0]  }
0x419: {  	[tilespmem:s1+$0x10760] =	vst v0;
	v0 =	vadd.f32 v3, v36;
	v3 =	vld [tilespmem:s1+$0x87D0]  }
0x41a: {  	[tilespmem:s1+$0x10770] =	vst v1;
	v1 =	vadd.f32 v4, v37;
	v4 =	vld [tilespmem:s1+$0x87E0]  }
0x41b: {  	[tilespmem:s1+$0x10780] =	vst v0;
	v0 =	vadd.f32 v6, v38;
	v6 =	vld [tilespmem:s1+$0x87F0]  }
0x41c: {  	[tilespmem:s1+$0x10790] =	vst v1;
	v1 =	vadd.f32 v2, v39;
	v2 =	vld [tilespmem:s1+$0x8800]  }
0x41d: {  	[tilespmem:s1+$0x107A0] =	vst v0;
	v0 =	vadd.f32 v7, v40;
	v7 =	vld [tilespmem:s1+$0x8810]  }
0x41e: {  	[tilespmem:s1+$0x107B0] =	vst v1;
	v1 =	vadd.f32 v3, v41;
	v3 =	vld [tilespmem:s1+$0x8820]  }
0x41f: {  	[tilespmem:s1+$0x107C0] =	vst v0;
	v0 =	vadd.f32 v4, v42;
	v4 =	vld [tilespmem:s1+$0x8830]  }
0x420: {  	[tilespmem:s1+$0x107D0] =	vst v1;
	v1 =	vadd.f32 v6, v43;
	v6 =	vld [tilespmem:s1+$0x8840]  }
0x421: {  	[tilespmem:s1+$0x107E0] =	vst v0;
	v0 =	vadd.f32 v2, v44;
	v2 =	vld [tilespmem:s1+$0x8850]  }
0x422: {  	[tilespmem:s1+$0x107F0] =	vst v1;
	v1 =	vadd.f32 v7, v45;
	v7 =	vld [tilespmem:s1+$0x8860]  }
0x423: {  	[tilespmem:s1+$0x10800] =	vst v0;
	v0 =	vadd.f32 v3, v47;
	v3 =	vld [tilespmem:s1+$0x8870]  }
0x424: {  	[tilespmem:s1+$0x10810] =	vst v1;
	v1 =	vadd.f32 v4, v48;
	v4 =	vld [tilespmem:s1+$0x8880]  }
.Ltmp2:
0x425: {  	[tilespmem:s1+$0x10820] =	vst v0;
	v0 =	vadd.f32 v6, v49;
	v59 =	vld [tilespmem:s1+$0x8890];
	(pc) =	sbr.rel @p0 .LBB2_7-.Ltmp2, $4  }
0x426: {  	[tilespmem:s1+$0x10830] =	vst v1;
	v1 =	vadd.f32 v2, v52;
	v60 =	vld [tilespmem:s1+$0x88A0]  }
0x427: {  	[tilespmem:s1+$0x10840] =	vst v0;
	v2 =	vadd.f32 v7, v53;
	v61 =	vld [tilespmem:s1+$0x88B0]  }
0x428: {  	[tilespmem:s1+$0x10850] =	vst v1;
	v0 =	vadd.f32 v3, v55;
	v62 =	vld [tilespmem:s1+$0x88C0]  }
0x429: {  	s13 =	sadd.s32 $0x4, s13;
	[tilespmem:s1+$0x10860] =	vst v2;
	v63 =	vadd.f32 v4, v56;
	v58 =	vld [tilespmem:s1+$0x88D0]  }
0x42a: {  	p0 =	seq.s32 s29, $0x31  }
0x42b: {  	[tilespmem:s1+$0x10870] =	vst v0;
	v0 =	vadd.f32 v59, v54;
	v2 =	vadd.f32 v60, v50;
	s7 =	sadd.s32 @!p0 $0x4, s31;
	v4 =	vlaneseq.u32 @!p0  }
0x42c: {  	v1 =	vld [tilespmem:s1+$0x88E0];
	v3 =	vadd.f32 v61, v51;
	v7 =	vmov @!p0 s7;
	v8 =	vand.u32 @!p0 $0x3, v4  }
0x42d: {  	[tilespmem:s1+$0x10890] =	vst v0;
	v4 =	vshrl.u32 @!p0 v4, $0x2;
	v0 =	vor.u32 @!p0 s7, v8;
	v7 =	vshll.u32 @!p0 v7, $0x3  }
0x42e: {  	[tilespmem:s1+$0x108A0] =	vst v2;
	v4 =	vmul.u32 @!p0 $0x80, v4;
	v0 =	vand.u32 @!p0 $0x7F, v0;
	v2 =	vand.u32 @!p0 $0xC00, v7  }
0x42f: {  	[tilespmem:s1+$0x10880] =	vst v63;
	v6 =	vadd.f32 v62, v46;
	v0 =	vor.u32 @!p0 v2, v0  }
0x430: {  	s13 =	sor.u32 s9, s4;
	[tilespmem:s1+$0x108B0] =	vst v3;
	v3 =	vadd.f32 v58, v34;
	v2 =	vor.u32 @!p0 v4, v0  }
0x431: {  	s7 =	sor.u32 s2, s13;
	[tilespmem:s1+$0x108C0] =	vst v6;
	v1 =	vadd.f32 v1, v30  }
0x432: {  	s7 =	sshrl.u32 s7, $0x3;
	[tilespmem:s1+$0x108D0] =	vst v3  }
0x433: {  	s31 =	sadd.s32 s3, s7;
	[tilespmem:s1+$0x108E0] =	vst v1;
	s1 =	simm.s32 @!p0 $0x0  }
0x434: {  	[hbm4b:s31+s20] =	stream.strided.scatter [tilespmem:s22], [sflag:$0x3], $0x4000, s21, s20, $0x38;
	[tilespmem:$0x1E500] =	vst v63  }
0x435: {  	v1 =	vld.idx.msk @!p0 [tilespmem:v2+s1+$0x0], $0xffff;
	v2 =	vor.u32 @!p0 $0x200, v4  }
0x436: {  	v2 =	vor.u32 @!p0 v2, v0;
	_ =	sdelay $0x3  }
0x437: {  	[tilespmem:$0x8000] =	vst @!p0 v1  }
0x438: {  	v1 =	vld.idx.msk @!p0 [tilespmem:v2+s1+$0x0], $0xffff;
	v2 =	vor.u32 @!p0 $0x800, v4  }
0x439: {  	v2 =	vadd.s32 @!p0 v2, v0;
	_ =	sdelay $0x3  }
0x43a: {  	[tilespmem:$0x8010] =	vst @!p0 v1  }
0x43b: {  	v1 =	vld.idx.msk @!p0 [tilespmem:v2+s1+$0x0], $0xffff;
	v2 =	vor.u32 @!p0 $0xA00, v4  }
0x43c: {  	v2 =	vadd.s32 @!p0 v2, v0;
	_ =	sdelay $0x3  }
0x43d: {  	[tilespmem:$0x8020] =	vst @!p0 v1  }
0x43e: {  	v1 =	vld.idx.msk @!p0 [tilespmem:v2+s1+$0x0], $0xffff;
	v2 =	vor.u32 @!p0 $0x1000, v4  }
0x43f: {  	v2 =	vor.u32 @!p0 v2, v0;
	_ =	sdelay $0x3  }
0x440: {  	[tilespmem:$0x8030] =	vst @!p0 v1  }
0x441: {  	v1 =	vld.idx.msk @!p0 [tilespmem:v2+s1+$0x0], $0xffff;
	v2 =	vor.u32 @!p0 $0x1200, v4  }
0x442: {  	v2 =	vor.u32 @!p0 v2, v0;
	_ =	sdelay $0x3  }
0x443: {  	[tilespmem:$0x8040] =	vst @!p0 v1  }
0x444: {  	v1 =	vld.idx.msk @!p0 [tilespmem:v2+s1+$0x0], $0xffff;
	v2 =	vor.u32 @!p0 $0x1800, v4  }
0x445: {  	v2 =	vadd.s32 @!p0 v2, v0;
	_ =	sdelay $0x3  }
0x446: {  	[tilespmem:$0x8050] =	vst @!p0 v1  }
0x447: {  	v1 =	vld.idx.msk @!p0 [tilespmem:v2+s1+$0x0], $0xffff;
	v2 =	vor.u32 @!p0 $0x1A00, v4  }
0x448: {  	v0 =	vadd.s32 @!p0 v2, v0;
	_ =	sdelay $0x3  }
0x449: {  	[tilespmem:$0x8060] =	vst @!p0 v1  }
0x44a: {  	v0 =	vld.idx.msk @!p0 [tilespmem:v0+s1+$0x0], $0xffff;
	_ =	sdelay $0x4  }
0x44b: {  	s13 =	simm.s32 @!p0 $0x8100;
	s7 =	simm.s32 @!p0 $0x8000;
	s1 =	simm.s32 @!p0 $0x80;
	[tilespmem:$0x8070] =	vst @!p0 v0  }
0x44c: {  	[tilespmem:s13], [sflag:$0x1] =	stream.indirect.gather @!p0 [hbm4b:s0+s1], $0x80, s7, s1, $0xb8;
	[tilespmem:$0x1E500] =	vst v63  }
0x44d: {  	v26 =	vld [tilespmem:s30+$0x18100]  }
0x44e: {  	v27 =	vld [tilespmem:s30+$0x18110]  }
0x44f: {  	v28 =	vld [tilespmem:s30+$0x18120]  }
0x450: {  	v29 =	vld [tilespmem:s30+$0x18130]  }
0x451: {  	v30 =	vld [tilespmem:s30+$0x18140]  }
0x452: {  	v31 =	vld [tilespmem:s30+$0x18150]  }
0x453: {  	v32 =	vld [tilespmem:s30+$0x18160]  }
0x454: {  	v33 =	vld [tilespmem:s30+$0x18170]  }
0x455: {  	v34 =	vld [tilespmem:s30+$0x18180]  }
0x456: {  	v35 =	vld [tilespmem:s30+$0x18190]  }
0x457: {  	v36 =	vld [tilespmem:s30+$0x181A0]  }
0x458: {  	v37 =	vld [tilespmem:s30+$0x181B0]  }
0x459: {  	v38 =	vld [tilespmem:s30+$0x181C0]  }
0x45a: {  	v39 =	vld [tilespmem:s30+$0x181D0]  }
0x45b: {  	v40 =	vld [tilespmem:s30+$0x181E0]  }
0x45c: {  	v41 =	vld [tilespmem:s30+$0x181F0]  }
0x45d: {  	v43 =	vld [tilespmem:s30+$0x18200]  }
0x45e: {  	v44 =	vld [tilespmem:s30+$0x18210]  }
0x45f: {  	v46 =	vld [tilespmem:s30+$0x18220]  }
0x460: {  	v48 =	vld [tilespmem:s30+$0x18230]  }
0x461: {  	v50 =	vld [tilespmem:s30+$0x18240]  }
0x462: {  	v52 =	vld [tilespmem:s30+$0x18250]  }
0x463: {  	v53 =	vld [tilespmem:s30+$0x18260]  }
0x464: {  	v55 =	vld [tilespmem:s30+$0x18270]  }
0x465: {  	v56 =	vld [tilespmem:s30+$0x18280]  }
0x466: {  	v54 =	vld [tilespmem:s30+$0x18290]  }
0x467: {  	v51 =	vld [tilespmem:s30+$0x182A0]  }
0x468: {  	v49 =	vld [tilespmem:s30+$0x182B0]  }
0x469: {  	v47 =	vld [tilespmem:s30+$0x182C0]  }
0x46a: {  	v45 =	vld [tilespmem:s30+$0x182D0]  }
0x46b: {  	v42 =	vld [tilespmem:s30+$0x182E0]  }
0x46c: {  	v57 =	vld [tilespmem:s30+$0x182F0];
	_ =	swait.ge [sflag:s23], $0x4000  }
0x46d: {  	[sflag:s23] =	ssyncset.done $0x0  }
0x46e: {  	[sflag:s23] =	ssyncadd.s32 $0xFFFFC000  }
0x46f: {  	_ =	swait.ge [sflag:s26], $0x4000  }
0x470: {  	[sflag:s26] =	ssyncset.done $0x0  }
0x471: {  	s1 =	simm.s32 $0x0;
	[sflag:s26] =	ssyncadd.s32 $0xFFFFC000  }
0x472: {  	v0 =	vld [tilespmem:s1+$0xC100]  }
0x473: {  	v1 =	vld [tilespmem:s1+$0xC110]  }
0x474: {  	v2 =	vld [tilespmem:s1+$0xC120]  }
0x475: {  	v3 =	vld [tilespmem:s1+$0xC130]  }
0x476: {  	v4 =	vld [tilespmem:s1+$0xC140]  }
0x477: {  	v6 =	vld [tilespmem:s1+$0xC150]  }
0x478: {  	v7 =	vld [tilespmem:s1+$0xC160];
	v0 =	vadd.f32 v0, v26  }
0x479: {  	v8 =	vld [tilespmem:s1+$0xC8F0];
	v1 =	vadd.f32 v1, v27  }
0x47a: {  	v9 =	vld [tilespmem:s1+$0xC300];
	v2 =	vadd.f32 v2, v28;
	[tilespmem:s1+$0x14100] =	vst v0  }
0x47b: {  	v10 =	vld [tilespmem:s1+$0xC310];
	v3 =	vadd.f32 v3, v29;
	[tilespmem:s1+$0x14110] =	vst v1  }
0x47c: {  	v58 =	vld [tilespmem:s1+$0xC320];
	v4 =	vadd.f32 v4, v30;
	[tilespmem:s1+$0x14120] =	vst v2  }
0x47d: {  	v59 =	vld [tilespmem:s1+$0xC330];
	v6 =	vadd.f32 v6, v31;
	[tilespmem:s1+$0x14130] =	vst v3  }
0x47e: {  	v60 =	vld [tilespmem:s1+$0xC340];
	v7 =	vadd.f32 v7, v32;
	[tilespmem:s1+$0x14140] =	vst v4  }
0x47f: {  	v61 =	vld [tilespmem:s1+$0xC2E0];
	v8 =	vadd.f32 v8, v57;
	[tilespmem:s1+$0x14150] =	vst v6  }
0x480: {  	v10 =	vadd.f32 v10, v27;
	v0 =	vld [tilespmem:s1+$0xC170];
	[tilespmem:s1+$0x14160] =	vst v7  }
0x481: {  	v58 =	vadd.f32 v58, v28;
	v1 =	vld [tilespmem:s1+$0xC180];
	[tilespmem:s1+$0x148F0] =	vst v8  }
0x482: {  	v59 =	vadd.f32 v59, v29;
	v2 =	vld [tilespmem:s1+$0xC190];
	[tilespmem:s1+$0x14310] =	vst v10  }
0x483: {  	v60 =	vadd.f32 v60, v30;
	v3 =	vld [tilespmem:s1+$0xC1A0];
	[tilespmem:s1+$0x14320] =	vst v58  }
0x484: {  	v4 =	vld [tilespmem:s1+$0xC1B0];
	v8 =	vadd.f32 v9, v26;
	[tilespmem:s1+$0x14330] =	vst v59  }
0x485: {  	v6 =	vld [tilespmem:s1+$0xC1C0];
	[tilespmem:s1+$0x14340] =	vst v60;
	v0 =	vadd.f32 v0, v33  }
0x486: {  	v7 =	vld [tilespmem:s1+$0xC1D0];
	[tilespmem:s1+$0x14300] =	vst v8;
	v1 =	vadd.f32 v1, v34  }
0x487: {  	v9 =	vld [tilespmem:s1+$0xC350];
	v2 =	vadd.f32 v2, v35;
	[tilespmem:s1+$0x14170] =	vst v0  }
0x488: {  	v10 =	vld [tilespmem:s1+$0xC200];
	v3 =	vadd.f32 v3, v36;
	[tilespmem:s1+$0x14180] =	vst v1  }
0x489: {  	v58 =	vld [tilespmem:s1+$0xC210];
	v4 =	vadd.f32 v4, v37;
	[tilespmem:s1+$0x14190] =	vst v2  }
0x48a: {  	v59 =	vld [tilespmem:s1+$0xC220];
	v6 =	vadd.f32 v6, v38;
	[tilespmem:s1+$0x141A0] =	vst v3  }
0x48b: {  	v60 =	vld [tilespmem:s1+$0xC230];
	v7 =	vadd.f32 v7, v39;
	[tilespmem:s1+$0x141B0] =	vst v4  }
0x48c: {  	v8 =	vld [tilespmem:s1+$0xC1F0];
	v9 =	vadd.f32 v9, v31;
	[tilespmem:s1+$0x141C0] =	vst v6  }
0x48d: {  	v10 =	vadd.f32 v10, v43;
	v0 =	vld [tilespmem:s1+$0xC1E0];
	[tilespmem:s1+$0x141D0] =	vst v7  }
0x48e: {  	v58 =	vadd.f32 v58, v44;
	v1 =	vld [tilespmem:s1+$0xC360];
	[tilespmem:s1+$0x14350] =	vst v9  }
0x48f: {  	v59 =	vadd.f32 v59, v46;
	v2 =	vld [tilespmem:s1+$0xC370];
	[tilespmem:s1+$0x14200] =	vst v10  }
0x490: {  	v60 =	vadd.f32 v60, v48;
	v3 =	vld [tilespmem:s1+$0xC380];
	[tilespmem:s1+$0x14210] =	vst v58  }
0x491: {  	v4 =	vld [tilespmem:s1+$0xC390];
	v8 =	vadd.f32 v8, v41;
	[tilespmem:s1+$0x14220] =	vst v59  }
0x492: {  	v6 =	vld [tilespmem:s1+$0xC3A0];
	[tilespmem:s1+$0x14230] =	vst v60;
	v0 =	vadd.f32 v0, v40  }
0x493: {  	v7 =	vld [tilespmem:s1+$0xC3B0];
	[tilespmem:s1+$0x141F0] =	vst v8;
	v1 =	vadd.f32 v1, v32  }
0x494: {  	v9 =	vld [tilespmem:s1+$0xC240];
	v2 =	vadd.f32 v2, v33;
	[tilespmem:s1+$0x141E0] =	vst v0  }
0x495: {  	v10 =	vld [tilespmem:s1+$0xC3E0];
	v3 =	vadd.f32 v3, v34;
	[tilespmem:s1+$0x14360] =	vst v1  }
0x496: {  	v58 =	vld [tilespmem:s1+$0xC3F0];
	v4 =	vadd.f32 v4, v35;
	[tilespmem:s1+$0x14370] =	vst v2  }
0x497: {  	v59 =	vld [tilespmem:s1+$0xC400];
	v6 =	vadd.f32 v6, v36;
	[tilespmem:s1+$0x14380] =	vst v3  }
0x498: {  	v8 =	vld [tilespmem:s1+$0xC3D0];
	v7 =	vadd.f32 v7, v37;
	[tilespmem:s1+$0x14390] =	vst v4  }
0x499: {  	v9 =	vadd.f32 v9, v50;
	v0 =	vld [tilespmem:s1+$0xC3C0];
	[tilespmem:s1+$0x143A0] =	vst v6  }
0x49a: {  	v10 =	vadd.f32 v10, v40;
	v1 =	vld [tilespmem:s1+$0xC250];
	[tilespmem:s1+$0x143B0] =	vst v7  }
0x49b: {  	v58 =	vadd.f32 v58, v41;
	v2 =	vld [tilespmem:s1+$0xC260];
	[tilespmem:s1+$0x14240] =	vst v9  }
0x49c: {  	v59 =	vadd.f32 v59, v43;
	v3 =	vld [tilespmem:s1+$0xC270];
	[tilespmem:s1+$0x143E0] =	vst v10  }
0x49d: {  	v4 =	vld [tilespmem:s1+$0xC280];
	v8 =	vadd.f32 v8, v39;
	[tilespmem:s1+$0x143F0] =	vst v58  }
0x49e: {  	v6 =	vld [tilespmem:s1+$0xC290];
	[tilespmem:s1+$0x14400] =	vst v59;
	v0 =	vadd.f32 v0, v38  }
0x49f: {  	v7 =	vld [tilespmem:s1+$0xC2A0];
	[tilespmem:s1+$0x143D0] =	vst v8;
	v1 =	vadd.f32 v1, v52  }
0x4a0: {  	v9 =	vld [tilespmem:s1+$0xC420];
	v2 =	vadd.f32 v2, v53;
	[tilespmem:s1+$0x143C0] =	vst v0  }
0x4a1: {  	v8 =	vld [tilespmem:s1+$0xC2C0];
	v3 =	vadd.f32 v3, v55;
	[tilespmem:s1+$0x14250] =	vst v1  }
0x4a2: {  	v58 =	vld [tilespmem:s1+$0xC520];
	v4 =	vadd.f32 v4, v56;
	[tilespmem:s1+$0x14260] =	vst v2  }
0x4a3: {  	v62 =	vld [tilespmem:s1+$0xC2F0];
	v6 =	vadd.f32 v6, v54;
	[tilespmem:s1+$0x14270] =	vst v3  }
0x4a4: {  	v59 =	vld [tilespmem:s1+$0xC530];
	v7 =	vadd.f32 v7, v51;
	[tilespmem:s1+$0x14280] =	vst v4  }
0x4a5: {  	v60 =	vld [tilespmem:s1+$0xC410];
	v9 =	vadd.f32 v9, v46;
	[tilespmem:s1+$0x14290] =	vst v6  }
0x4a6: {  	v0 =	vld [tilespmem:s1+$0xC2B0];
	[tilespmem:s1+$0x142A0] =	vst v7;
	v7 =	vadd.f32 v8, v47  }
0x4a7: {  	v58 =	vadd.f32 v58, v28;
	v1 =	vld [tilespmem:s1+$0xC430];
	[tilespmem:s1+$0x14420] =	vst v9  }
0x4a8: {  	v2 =	vld [tilespmem:s1+$0xC440];
	[tilespmem:s1+$0x142C0] =	vst v7;
	v7 =	vadd.f32 v61, v42  }
0x4a9: {  	v59 =	vadd.f32 v59, v29;
	v3 =	vld [tilespmem:s1+$0xC450];
	[tilespmem:s1+$0x14520] =	vst v58  }
0x4aa: {  	v4 =	vld [tilespmem:s1+$0xC460];
	[tilespmem:s1+$0x142E0] =	vst v7;
	v7 =	vadd.f32 v60, v44  }
0x4ab: {  	v6 =	vld [tilespmem:s1+$0xC470];
	[tilespmem:s1+$0x14530] =	vst v59;
	v0 =	vadd.f32 v0, v49  }
0x4ac: {  	v9 =	vld [tilespmem:s1+$0xC570];
	v1 =	vadd.f32 v1, v48;
	[tilespmem:s1+$0x14410] =	vst v7  }
0x4ad: {  	v10 =	vld [tilespmem:s1+$0xC2D0];
	v2 =	vadd.f32 v2, v50;
	[tilespmem:s1+$0x142B0] =	vst v0  }
0x4ae: {  	v58 =	vld [tilespmem:s1+$0xC4A0];
	v3 =	vadd.f32 v3, v52;
	[tilespmem:s1+$0x14430] =	vst v1  }
0x4af: {  	v8 =	vld [tilespmem:s1+$0xC500];
	v4 =	vadd.f32 v4, v53;
	[tilespmem:s1+$0x14440] =	vst v2  }
0x4b0: {  	v60 =	vld [tilespmem:s1+$0xC540];
	v6 =	vadd.f32 v6, v55;
	[tilespmem:s1+$0x14450] =	vst v3  }
0x4b1: {  	v59 =	vld [tilespmem:s1+$0xC4B0];
	v9 =	vadd.f32 v9, v33;
	[tilespmem:s1+$0x14460] =	vst v4  }
0x4b2: {  	v7 =	vld [tilespmem:s1+$0xC560];
	v0 =	vadd.f32 v10, v45;
	[tilespmem:s1+$0x14470] =	vst v6  }
0x4b3: {  	v58 =	vadd.f32 v58, v51;
	v10 =	vld [tilespmem:s1+$0xC510];
	[tilespmem:s1+$0x14570] =	vst v9  }
0x4b4: {  	v1 =	vld [tilespmem:s1+$0xC580];
	[tilespmem:s1+$0x142D0] =	vst v0;
	v0 =	vadd.f32 v62, v57  }
0x4b5: {  	v2 =	vld [tilespmem:s1+$0xC590];
	[tilespmem:s1+$0x144A0] =	vst v58;
	v60 =	vadd.f32 v60, v30  }
0x4b6: {  	v3 =	vld [tilespmem:s1+$0xC5A0];
	[tilespmem:s1+$0x142F0] =	vst v0;
	v0 =	vadd.f32 v8, v26  }
0x4b7: {  	v4 =	vld [tilespmem:s1+$0xC5B0];
	[tilespmem:s1+$0x14540] =	vst v60;
	v7 =	vadd.f32 v7, v32  }
0x4b8: {  	v6 =	vld [tilespmem:s1+$0xC5C0];
	v10 =	vadd.f32 v10, v27;
	[tilespmem:s1+$0x14500] =	vst v0  }
0x4b9: {  	v8 =	vld [tilespmem:s1+$0xC550];
	v1 =	vadd.f32 v1, v34;
	[tilespmem:s1+$0x14560] =	vst v7  }
0x4ba: {  	v60 =	vld [tilespmem:s1+$0xC4C0];
	v2 =	vadd.f32 v2, v35;
	[tilespmem:s1+$0x14510] =	vst v10  }
0x4bb: {  	v3 =	vadd.f32 v3, v36;
	v0 =	vld [tilespmem:s1+$0xC480];
	[tilespmem:s1+$0x14580] =	vst v1  }
0x4bc: {  	v4 =	vadd.f32 v4, v37;
	v7 =	vld [tilespmem:s1+$0xC4E0];
	[tilespmem:s1+$0x14590] =	vst v2  }
0x4bd: {  	v6 =	vadd.f32 v6, v38;
	v10 =	vld [tilespmem:s1+$0xC490];
	[tilespmem:s1+$0x145A0] =	vst v3  }
0x4be: {  	v1 =	vld [tilespmem:s1+$0xC760];
	[tilespmem:s1+$0x145B0] =	vst v4;
	v8 =	vadd.f32 v8, v31  }
0x4bf: {  	v2 =	vld [tilespmem:s1+$0xC770];
	[tilespmem:s1+$0x145C0] =	vst v6;
	v58 =	vadd.f32 v60, v47  }
0x4c0: {  	v3 =	vld [tilespmem:s1+$0xC780];
	[tilespmem:s1+$0x14550] =	vst v8;
	v0 =	vadd.f32 v0, v56  }
0x4c1: {  	v4 =	vld [tilespmem:s1+$0xC790];
	[tilespmem:s1+$0x144C0] =	vst v58;
	v7 =	vadd.f32 v7, v42  }
0x4c2: {  	v6 =	vld [tilespmem:s1+$0xC7A0];
	v10 =	vadd.f32 v10, v54;
	[tilespmem:s1+$0x14480] =	vst v0  }
0x4c3: {  	v9 =	vld [tilespmem:s1+$0xC4F0];
	v1 =	vadd.f32 v1, v32;
	[tilespmem:s1+$0x144E0] =	vst v7  }
0x4c4: {  	v8 =	vld [tilespmem:s1+$0xC4D0];
	v2 =	vadd.f32 v2, v33;
	[tilespmem:s1+$0x14490] =	vst v10  }
0x4c5: {  	v58 =	vld [tilespmem:s1+$0xC720];
	v3 =	vadd.f32 v3, v34;
	[tilespmem:s1+$0x14760] =	vst v1  }
0x4c6: {  	v60 =	vld [tilespmem:s1+$0xC700];
	v4 =	vadd.f32 v4, v35;
	[tilespmem:s1+$0x14770] =	vst v2  }
0x4c7: {  	v6 =	vadd.f32 v6, v36;
	v7 =	vld [tilespmem:s1+$0xC740];
	[tilespmem:s1+$0x14780] =	vst v3  }
0x4c8: {  	v0 =	vld [tilespmem:s1+$0xC5D0];
	v10 =	vadd.f32 v59, v49;
	[tilespmem:s1+$0x14790] =	vst v4  }
0x4c9: {  	v59 =	vld [tilespmem:s1+$0xC5E0];
	[tilespmem:s1+$0x147A0] =	vst v6;
	v8 =	vadd.f32 v8, v45  }
0x4ca: {  	v1 =	vld [tilespmem:s1+$0xC650];
	[tilespmem:s1+$0x144B0] =	vst v10;
	v58 =	vadd.f32 v58, v28  }
0x4cb: {  	v2 =	vld [tilespmem:s1+$0xC660];
	[tilespmem:s1+$0x144D0] =	vst v8;
	v8 =	vadd.f32 v9, v57  }
0x4cc: {  	v3 =	vld [tilespmem:s1+$0xC670];
	[tilespmem:s1+$0x14720] =	vst v58;
	v7 =	vadd.f32 v7, v30  }
0x4cd: {  	v4 =	vld [tilespmem:s1+$0xC680];
	v0 =	vadd.f32 v0, v39;
	[tilespmem:s1+$0x144F0] =	vst v8  }
0x4ce: {  	v6 =	vld [tilespmem:s1+$0xC690];
	v59 =	vadd.f32 v59, v40;
	[tilespmem:s1+$0x14740] =	vst v7  }
0x4cf: {  	v1 =	vadd.f32 v1, v52;
	[tilespmem:s1+$0x145D0] =	vst v0  }
0x4d0: {  	v10 =	vld [tilespmem:s1+$0xC710];
	v2 =	vadd.f32 v2, v53;
	[tilespmem:s1+$0x145E0] =	vst v59  }
0x4d1: {  	v9 =	vld [tilespmem:s1+$0xC730];
	v3 =	vadd.f32 v3, v55;
	[tilespmem:s1+$0x14650] =	vst v1  }
0x4d2: {  	v58 =	vld [tilespmem:s1+$0xC610];
	v4 =	vadd.f32 v4, v56;
	[tilespmem:s1+$0x14660] =	vst v2  }
0x4d3: {  	v6 =	vadd.f32 v6, v54;
	v8 =	vadd.f32 v60, v26;
	v60 =	vld [tilespmem:s1+$0xC750];
	[tilespmem:s1+$0x14670] =	vst v3  }
0x4d4: {  	v7 =	vld [tilespmem:s1+$0xC630];
	[tilespmem:s1+$0x14680] =	vst v4  }
0x4d5: {  	v0 =	vld [tilespmem:s1+$0xC7B0];
	v10 =	vadd.f32 v10, v27;
	[tilespmem:s1+$0x14690] =	vst v6  }
0x4d6: {  	v59 =	vld [tilespmem:s1+$0xC7C0];
	[tilespmem:s1+$0x14700] =	vst v8;
	v9 =	vadd.f32 v9, v29  }
0x4d7: {  	v1 =	vld [tilespmem:s1+$0xC830];
	[tilespmem:s1+$0x14710] =	vst v10;
	v58 =	vadd.f32 v58, v44  }
0x4d8: {  	v8 =	vld [tilespmem:s1+$0xC5F0];
	[tilespmem:s1+$0x14730] =	vst v9;
	v60 =	vadd.f32 v60, v31  }
0x4d9: {  	v10 =	vld [tilespmem:s1+$0xC600];
	[tilespmem:s1+$0x14610] =	vst v58;
	v7 =	vadd.f32 v7, v48  }
0x4da: {  	v2 =	vld [tilespmem:s1+$0xC840];
	v0 =	vadd.f32 v0, v37;
	[tilespmem:s1+$0x14750] =	vst v60  }
0x4db: {  	v9 =	vld [tilespmem:s1+$0xC620];
	v59 =	vadd.f32 v59, v38;
	[tilespmem:s1+$0x14630] =	vst v7  }
0x4dc: {  	v58 =	vld [tilespmem:s1+$0xC7F0];
	v1 =	vadd.f32 v1, v48;
	[tilespmem:s1+$0x147B0] =	vst v0  }
0x4dd: {  	v3 =	vld [tilespmem:s1+$0xC850];
	v8 =	vadd.f32 v8, v41;
	[tilespmem:s1+$0x147C0] =	vst v59  }
0x4de: {  	v61 =	vld [tilespmem:s1+$0xC6E0];
	v10 =	vadd.f32 v10, v43;
	[tilespmem:s1+$0x14830] =	vst v1  }
0x4df: {  	v60 =	vld [tilespmem:s1+$0xC640];
	v1 =	vadd.f32 v2, v50;
	[tilespmem:s1+$0x145F0] =	vst v8  }
0x4e0: {  	v7 =	vld [tilespmem:s1+$0xC810];
	[tilespmem:s1+$0x14600] =	vst v10;
	v9 =	vadd.f32 v9, v46  }
0x4e1: {  	v10 =	vld [tilespmem:s1+$0xC7E0];
	v58 =	vadd.f32 v58, v41;
	[tilespmem:s1+$0x14840] =	vst v1  }
0x4e2: {  	v8 =	vld [tilespmem:s1+$0xC7D0];
	v1 =	vadd.f32 v3, v52;
	[tilespmem:s1+$0x14620] =	vst v9  }
0x4e3: {  	v3 =	vadd.f32 v61, v42;
	v9 =	vld [tilespmem:s1+$0xC800];
	[tilespmem:s1+$0x147F0] =	vst v58  }
0x4e4: {  	v0 =	vld [tilespmem:s1+$0xC6A0];
	v60 =	vadd.f32 v60, v50;
	[tilespmem:s1+$0x14850] =	vst v1  }
0x4e5: {  	v4 =	vld [tilespmem:s1+$0xC860];
	v7 =	vadd.f32 v7, v44;
	[tilespmem:s1+$0x146E0] =	vst v3  }
0x4e6: {  	v59 =	vld [tilespmem:s1+$0xC6B0];
	[tilespmem:s1+$0x14640] =	vst v60;
	v10 =	vadd.f32 v10, v40  }
0x4e7: {  	v60 =	vld [tilespmem:s1+$0xC820];
	v8 =	vadd.f32 v8, v39;
	[tilespmem:s1+$0x14810] =	vst v7  }
0x4e8: {  	[tilespmem:s1+$0x147E0] =	vst v10;
	v10 =	vld [tilespmem:s1+$0xC6D0];
	v9 =	vadd.f32 v9, v43  }
0x4e9: {  	v0 =	vadd.f32 v0, v51;
	[tilespmem:s1+$0x147D0] =	vst v8;
	v8 =	vld [tilespmem:s1+$0xC6C0]  }
0x4ea: {  	v1 =	vadd.f32 v4, v53;
	[tilespmem:s1+$0x14800] =	vst v9;
	v9 =	vld [tilespmem:s1+$0xC6F0]  }
0x4eb: {  	v6 =	vld [tilespmem:s1+$0xC870];
	v63 =	vadd.f32 v59, v49;
	[tilespmem:s1+$0x146A0] =	vst v0  }
0x4ec: {  	v0 =	vld [tilespmem:s1+$0xC880];
	[tilespmem:s1+$0x14860] =	vst v1;
	v7 =	vadd.f32 v60, v46  }
0x4ed: {  	v58 =	vld [tilespmem:s1+$0xC890];
	[tilespmem:s1+$0x146B0] =	vst v63;
	v2 =	vadd.f32 v10, v45  }
0x4ee: {  	v59 =	vld [tilespmem:s1+$0xC8A0];
	[tilespmem:s1+$0x14820] =	vst v7;
	v7 =	vadd.f32 v8, v47  }
0x4ef: {  	v60 =	vld [tilespmem:s1+$0xC8B0];
	[tilespmem:s1+$0x146D0] =	vst v2;
	v2 =	vadd.f32 v9, v57  }
0x4f0: {  	v61 =	vld [tilespmem:s1+$0xC8C0];
	v1 =	vadd.f32 v6, v55;
	[tilespmem:s1+$0x146C0] =	vst v7  }
0x4f1: {  	s13 =	simm.s32 $0x4;
	v62 =	vld [tilespmem:s1+$0xC8D0];
	v0 =	vadd.f32 v0, v56;
	[tilespmem:s1+$0x146F0] =	vst v2  }
.LBB2_9:
0x4f2: {  	s7 =	sshll.u32 s13, $0x9;
	p0 =	slt.u32 s13, $0x1C;
	[tilespmem:s1+$0x14870] =	vst v1;
	v1 =	vadd.f32 v58, v54;
	v2 =	vld [tilespmem:s1+$0xC8E0]  }
0x4f3: {  	v3 =	vld [tilespmem:s7+$0xC8F0];
	[tilespmem:s1+$0x14880] =	vst v0;
	v0 =	vadd.f32 v59, v51  }
0x4f4: {  	v4 =	vld [tilespmem:s7+$0xC100];
	[tilespmem:s1+$0x14890] =	vst v1;
	v1 =	vadd.f32 v60, v49  }
0x4f5: {  	v6 =	vld [tilespmem:s7+$0xC110];
	[tilespmem:s1+$0x148A0] =	vst v0;
	v0 =	vadd.f32 v61, v47  }
0x4f6: {  	v7 =	vld [tilespmem:s7+$0xC120];
	[tilespmem:s1+$0x148B0] =	vst v1;
	v1 =	vadd.f32 v62, v45  }
0x4f7: {  	v8 =	vld [tilespmem:s7+$0xC130];
	[tilespmem:s1+$0x148C0] =	vst v0;
	v0 =	vadd.f32 v2, v42  }
0x4f8: {  	v2 =	vld [tilespmem:s7+$0xC140];
	v3 =	vadd.f32 v3, v57;
	[tilespmem:s1+$0x148D0] =	vst v1  }
0x4f9: {  	v1 =	vadd.f32 v4, v26;
	v4 =	vld [tilespmem:s7+$0xC150];
	[tilespmem:s1+$0x148E0] =	vst v0;
	s1 =	smov.u32 s7  }
0x4fa: {  	v0 =	vadd.f32 v6, v27;
	v6 =	vld [tilespmem:s1+$0xC160];
	[tilespmem:s1+$0x148F0] =	vst v3  }
0x4fb: {  	[tilespmem:s1+$0x14100] =	vst v1;
	v1 =	vadd.f32 v7, v28;
	v3 =	vld [tilespmem:s1+$0xC170]  }
0x4fc: {  	[tilespmem:s1+$0x14110] =	vst v0;
	v0 =	vadd.f32 v8, v29;
	v7 =	vld [tilespmem:s1+$0xC180]  }
0x4fd: {  	[tilespmem:s1+$0x14120] =	vst v1;
	v1 =	vadd.f32 v2, v30;
	v2 =	vld [tilespmem:s1+$0xC190]  }
0x4fe: {  	[tilespmem:s1+$0x14130] =	vst v0;
	v0 =	vadd.f32 v4, v31;
	v4 =	vld [tilespmem:s1+$0xC1A0]  }
0x4ff: {  	[tilespmem:s1+$0x14140] =	vst v1;
	v1 =	vadd.f32 v6, v32;
	v6 =	vld [tilespmem:s1+$0xC1B0]  }
0x500: {  	[tilespmem:s1+$0x14150] =	vst v0;
	v0 =	vadd.f32 v3, v33;
	v3 =	vld [tilespmem:s1+$0xC1C0]  }
0x501: {  	[tilespmem:s1+$0x14160] =	vst v1;
	v1 =	vadd.f32 v7, v34;
	v7 =	vld [tilespmem:s1+$0xC1D0]  }
0x502: {  	[tilespmem:s1+$0x14170] =	vst v0;
	v0 =	vadd.f32 v2, v35;
	v2 =	vld [tilespmem:s1+$0xC1E0]  }
0x503: {  	[tilespmem:s1+$0x14180] =	vst v1;
	v1 =	vadd.f32 v4, v36;
	v4 =	vld [tilespmem:s1+$0xC1F0]  }
0x504: {  	[tilespmem:s1+$0x14190] =	vst v0;
	v0 =	vadd.f32 v6, v37;
	v6 =	vld [tilespmem:s1+$0xC200]  }
0x505: {  	[tilespmem:s1+$0x141A0] =	vst v1;
	v1 =	vadd.f32 v3, v38;
	v3 =	vld [tilespmem:s1+$0xC210]  }
0x506: {  	[tilespmem:s1+$0x141B0] =	vst v0;
	v0 =	vadd.f32 v7, v39;
	v7 =	vld [tilespmem:s1+$0xC220]  }
0x507: {  	[tilespmem:s1+$0x141C0] =	vst v1;
	v1 =	vadd.f32 v2, v40;
	v2 =	vld [tilespmem:s1+$0xC230]  }
0x508: {  	[tilespmem:s1+$0x141D0] =	vst v0;
	v0 =	vadd.f32 v4, v41;
	v4 =	vld [tilespmem:s1+$0xC240]  }
0x509: {  	[tilespmem:s1+$0x141E0] =	vst v1;
	v1 =	vadd.f32 v6, v43;
	v6 =	vld [tilespmem:s1+$0xC250]  }
0x50a: {  	[tilespmem:s1+$0x141F0] =	vst v0;
	v0 =	vadd.f32 v3, v44;
	v3 =	vld [tilespmem:s1+$0xC260]  }
0x50b: {  	[tilespmem:s1+$0x14200] =	vst v1;
	v1 =	vadd.f32 v7, v46;
	v7 =	vld [tilespmem:s1+$0xC270]  }
0x50c: {  	[tilespmem:s1+$0x14210] =	vst v0;
	v0 =	vadd.f32 v2, v48;
	v2 =	vld [tilespmem:s1+$0xC280]  }
0x50d: {  	[tilespmem:s1+$0x14220] =	vst v1;
	v1 =	vadd.f32 v4, v50;
	v4 =	vld [tilespmem:s1+$0xC290]  }
0x50e: {  	[tilespmem:s1+$0x14230] =	vst v0;
	v0 =	vadd.f32 v6, v52;
	v6 =	vld [tilespmem:s1+$0xC2A0]  }
0x50f: {  	[tilespmem:s1+$0x14240] =	vst v1;
	v1 =	vadd.f32 v3, v53;
	v3 =	vld [tilespmem:s1+$0xC2B0]  }
0x510: {  	[tilespmem:s1+$0x14250] =	vst v0;
	v0 =	vadd.f32 v7, v55;
	v7 =	vld [tilespmem:s1+$0xC2C0]  }
0x511: {  	[tilespmem:s1+$0x14260] =	vst v1;
	v1 =	vadd.f32 v2, v56;
	v2 =	vld [tilespmem:s1+$0xC2D0]  }
0x512: {  	[tilespmem:s1+$0x14270] =	vst v0;
	v0 =	vadd.f32 v4, v54;
	v4 =	vld [tilespmem:s1+$0xC2E0]  }
0x513: {  	[tilespmem:s1+$0x14280] =	vst v1;
	v1 =	vadd.f32 v6, v51;
	v6 =	vld [tilespmem:s1+$0xC2F0]  }
0x514: {  	[tilespmem:s1+$0x14290] =	vst v0;
	v0 =	vadd.f32 v3, v49;
	v3 =	vld [tilespmem:s1+$0xC300]  }
0x515: {  	[tilespmem:s1+$0x142A0] =	vst v1;
	v1 =	vadd.f32 v7, v47;
	v7 =	vld [tilespmem:s1+$0xC310]  }
0x516: {  	[tilespmem:s1+$0x142B0] =	vst v0;
	v0 =	vadd.f32 v2, v45;
	v2 =	vld [tilespmem:s1+$0xC320]  }
0x517: {  	[tilespmem:s1+$0x142C0] =	vst v1;
	v1 =	vadd.f32 v4, v42;
	v4 =	vld [tilespmem:s1+$0xC330]  }
0x518: {  	[tilespmem:s1+$0x142D0] =	vst v0;
	v0 =	vadd.f32 v6, v57;
	v6 =	vld [tilespmem:s1+$0xC340]  }
0x519: {  	[tilespmem:s1+$0x142E0] =	vst v1;
	v1 =	vadd.f32 v3, v26;
	v3 =	vld [tilespmem:s1+$0xC350]  }
0x51a: {  	[tilespmem:s1+$0x142F0] =	vst v0;
	v0 =	vadd.f32 v7, v27;
	v7 =	vld [tilespmem:s1+$0xC360]  }
0x51b: {  	[tilespmem:s1+$0x14300] =	vst v1;
	v1 =	vadd.f32 v2, v28;
	v2 =	vld [tilespmem:s1+$0xC370]  }
0x51c: {  	[tilespmem:s1+$0x14310] =	vst v0;
	v0 =	vadd.f32 v4, v29;
	v4 =	vld [tilespmem:s1+$0xC380]  }
0x51d: {  	[tilespmem:s1+$0x14320] =	vst v1;
	v1 =	vadd.f32 v6, v30;
	v6 =	vld [tilespmem:s1+$0xC390]  }
0x51e: {  	[tilespmem:s1+$0x14330] =	vst v0;
	v0 =	vadd.f32 v3, v31;
	v3 =	vld [tilespmem:s1+$0xC3A0]  }
0x51f: {  	[tilespmem:s1+$0x14340] =	vst v1;
	v1 =	vadd.f32 v7, v32;
	v7 =	vld [tilespmem:s1+$0xC3B0]  }
0x520: {  	[tilespmem:s1+$0x14350] =	vst v0;
	v0 =	vadd.f32 v2, v33;
	v2 =	vld [tilespmem:s1+$0xC3C0]  }
0x521: {  	[tilespmem:s1+$0x14360] =	vst v1;
	v1 =	vadd.f32 v4, v34;
	v4 =	vld [tilespmem:s1+$0xC3D0]  }
0x522: {  	[tilespmem:s1+$0x14370] =	vst v0;
	v0 =	vadd.f32 v6, v35;
	v6 =	vld [tilespmem:s1+$0xC3E0]  }
0x523: {  	[tilespmem:s1+$0x14380] =	vst v1;
	v1 =	vadd.f32 v3, v36;
	v3 =	vld [tilespmem:s1+$0xC3F0]  }
0x524: {  	[tilespmem:s1+$0x14390] =	vst v0;
	v0 =	vadd.f32 v7, v37;
	v7 =	vld [tilespmem:s1+$0xC400]  }
0x525: {  	[tilespmem:s1+$0x143A0] =	vst v1;
	v1 =	vadd.f32 v2, v38;
	v2 =	vld [tilespmem:s1+$0xC410]  }
0x526: {  	[tilespmem:s1+$0x143B0] =	vst v0;
	v0 =	vadd.f32 v4, v39;
	v4 =	vld [tilespmem:s1+$0xC420]  }
0x527: {  	[tilespmem:s1+$0x143C0] =	vst v1;
	v1 =	vadd.f32 v6, v40;
	v6 =	vld [tilespmem:s1+$0xC430]  }
0x528: {  	[tilespmem:s1+$0x143D0] =	vst v0;
	v0 =	vadd.f32 v3, v41;
	v3 =	vld [tilespmem:s1+$0xC440]  }
0x529: {  	[tilespmem:s1+$0x143E0] =	vst v1;
	v1 =	vadd.f32 v7, v43;
	v7 =	vld [tilespmem:s1+$0xC450]  }
0x52a: {  	[tilespmem:s1+$0x143F0] =	vst v0;
	v0 =	vadd.f32 v2, v44;
	v2 =	vld [tilespmem:s1+$0xC460]  }
0x52b: {  	[tilespmem:s1+$0x14400] =	vst v1;
	v1 =	vadd.f32 v4, v46;
	v4 =	vld [tilespmem:s1+$0xC470]  }
0x52c: {  	[tilespmem:s1+$0x14410] =	vst v0;
	v0 =	vadd.f32 v6, v48;
	v6 =	vld [tilespmem:s1+$0xC480]  }
0x52d: {  	[tilespmem:s1+$0x14420] =	vst v1;
	v1 =	vadd.f32 v3, v50;
	v3 =	vld [tilespmem:s1+$0xC490]  }
0x52e: {  	[tilespmem:s1+$0x14430] =	vst v0;
	v0 =	vadd.f32 v7, v52;
	v7 =	vld [tilespmem:s1+$0xC4A0]  }
0x52f: {  	[tilespmem:s1+$0x14440] =	vst v1;
	v1 =	vadd.f32 v2, v53;
	v2 =	vld [tilespmem:s1+$0xC4B0]  }
0x530: {  	[tilespmem:s1+$0x14450] =	vst v0;
	v0 =	vadd.f32 v4, v55;
	v4 =	vld [tilespmem:s1+$0xC4C0]  }
0x531: {  	[tilespmem:s1+$0x14460] =	vst v1;
	v1 =	vadd.f32 v6, v56;
	v6 =	vld [tilespmem:s1+$0xC4D0]  }
0x532: {  	[tilespmem:s1+$0x14470] =	vst v0;
	v0 =	vadd.f32 v3, v54;
	v3 =	vld [tilespmem:s1+$0xC4E0]  }
0x533: {  	[tilespmem:s1+$0x14480] =	vst v1;
	v1 =	vadd.f32 v7, v51;
	v7 =	vld [tilespmem:s1+$0xC4F0]  }
0x534: {  	[tilespmem:s1+$0x14490] =	vst v0;
	v0 =	vadd.f32 v2, v49;
	v2 =	vld [tilespmem:s1+$0xC500]  }
0x535: {  	[tilespmem:s1+$0x144A0] =	vst v1;
	v1 =	vadd.f32 v4, v47;
	v4 =	vld [tilespmem:s1+$0xC510]  }
0x536: {  	[tilespmem:s1+$0x144B0] =	vst v0;
	v0 =	vadd.f32 v6, v45;
	v6 =	vld [tilespmem:s1+$0xC520]  }
0x537: {  	[tilespmem:s1+$0x144C0] =	vst v1;
	v1 =	vadd.f32 v3, v42;
	v3 =	vld [tilespmem:s1+$0xC530]  }
0x538: {  	[tilespmem:s1+$0x144D0] =	vst v0;
	v0 =	vadd.f32 v7, v57;
	v7 =	vld [tilespmem:s1+$0xC540]  }
0x539: {  	[tilespmem:s1+$0x144E0] =	vst v1;
	v1 =	vadd.f32 v2, v26;
	v2 =	vld [tilespmem:s1+$0xC550]  }
0x53a: {  	[tilespmem:s1+$0x144F0] =	vst v0;
	v0 =	vadd.f32 v4, v27;
	v4 =	vld [tilespmem:s1+$0xC560]  }
0x53b: {  	[tilespmem:s1+$0x14500] =	vst v1;
	v1 =	vadd.f32 v6, v28;
	v6 =	vld [tilespmem:s1+$0xC570]  }
0x53c: {  	[tilespmem:s1+$0x14510] =	vst v0;
	v0 =	vadd.f32 v3, v29;
	v3 =	vld [tilespmem:s1+$0xC580]  }
0x53d: {  	[tilespmem:s1+$0x14520] =	vst v1;
	v1 =	vadd.f32 v7, v30;
	v7 =	vld [tilespmem:s1+$0xC590]  }
0x53e: {  	[tilespmem:s1+$0x14530] =	vst v0;
	v0 =	vadd.f32 v2, v31;
	v2 =	vld [tilespmem:s1+$0xC5A0]  }
0x53f: {  	[tilespmem:s1+$0x14540] =	vst v1;
	v1 =	vadd.f32 v4, v32;
	v4 =	vld [tilespmem:s1+$0xC5B0]  }
0x540: {  	[tilespmem:s1+$0x14550] =	vst v0;
	v0 =	vadd.f32 v6, v33;
	v6 =	vld [tilespmem:s1+$0xC5C0]  }
0x541: {  	[tilespmem:s1+$0x14560] =	vst v1;
	v1 =	vadd.f32 v3, v34;
	v3 =	vld [tilespmem:s1+$0xC5D0]  }
0x542: {  	[tilespmem:s1+$0x14570] =	vst v0;
	v0 =	vadd.f32 v7, v35;
	v7 =	vld [tilespmem:s1+$0xC5E0]  }
0x543: {  	[tilespmem:s1+$0x14580] =	vst v1;
	v1 =	vadd.f32 v2, v36;
	v2 =	vld [tilespmem:s1+$0xC5F0]  }
0x544: {  	[tilespmem:s1+$0x14590] =	vst v0;
	v0 =	vadd.f32 v4, v37;
	v4 =	vld [tilespmem:s1+$0xC600]  }
0x545: {  	[tilespmem:s1+$0x145A0] =	vst v1;
	v1 =	vadd.f32 v6, v38;
	v6 =	vld [tilespmem:s1+$0xC610]  }
0x546: {  	[tilespmem:s1+$0x145B0] =	vst v0;
	v0 =	vadd.f32 v3, v39;
	v3 =	vld [tilespmem:s1+$0xC620]  }
0x547: {  	[tilespmem:s1+$0x145C0] =	vst v1;
	v1 =	vadd.f32 v7, v40;
	v7 =	vld [tilespmem:s1+$0xC630]  }
0x548: {  	[tilespmem:s1+$0x145D0] =	vst v0;
	v0 =	vadd.f32 v2, v41;
	v2 =	vld [tilespmem:s1+$0xC640]  }
0x549: {  	[tilespmem:s1+$0x145E0] =	vst v1;
	v1 =	vadd.f32 v4, v43;
	v4 =	vld [tilespmem:s1+$0xC650]  }
0x54a: {  	[tilespmem:s1+$0x145F0] =	vst v0;
	v0 =	vadd.f32 v6, v44;
	v6 =	vld [tilespmem:s1+$0xC660]  }
0x54b: {  	[tilespmem:s1+$0x14600] =	vst v1;
	v1 =	vadd.f32 v3, v46;
	v3 =	vld [tilespmem:s1+$0xC670]  }
0x54c: {  	[tilespmem:s1+$0x14610] =	vst v0;
	v0 =	vadd.f32 v7, v48;
	v7 =	vld [tilespmem:s1+$0xC680]  }
0x54d: {  	[tilespmem:s1+$0x14620] =	vst v1;
	v1 =	vadd.f32 v2, v50;
	v2 =	vld [tilespmem:s1+$0xC690]  }
0x54e: {  	[tilespmem:s1+$0x14630] =	vst v0;
	v0 =	vadd.f32 v4, v52;
	v4 =	vld [tilespmem:s1+$0xC6A0]  }
0x54f: {  	[tilespmem:s1+$0x14640] =	vst v1;
	v1 =	vadd.f32 v6, v53;
	v6 =	vld [tilespmem:s1+$0xC6B0]  }
0x550: {  	[tilespmem:s1+$0x14650] =	vst v0;
	v0 =	vadd.f32 v3, v55;
	v3 =	vld [tilespmem:s1+$0xC6C0]  }
0x551: {  	[tilespmem:s1+$0x14660] =	vst v1;
	v1 =	vadd.f32 v7, v56;
	v7 =	vld [tilespmem:s1+$0xC6D0]  }
0x552: {  	[tilespmem:s1+$0x14670] =	vst v0;
	v0 =	vadd.f32 v2, v54;
	v2 =	vld [tilespmem:s1+$0xC6E0]  }
0x553: {  	[tilespmem:s1+$0x14680] =	vst v1;
	v1 =	vadd.f32 v4, v51;
	v4 =	vld [tilespmem:s1+$0xC6F0]  }
0x554: {  	[tilespmem:s1+$0x14690] =	vst v0;
	v0 =	vadd.f32 v6, v49;
	v6 =	vld [tilespmem:s1+$0xC700]  }
0x555: {  	[tilespmem:s1+$0x146A0] =	vst v1;
	v1 =	vadd.f32 v3, v47;
	v3 =	vld [tilespmem:s1+$0xC710]  }
0x556: {  	[tilespmem:s1+$0x146B0] =	vst v0;
	v0 =	vadd.f32 v7, v45;
	v7 =	vld [tilespmem:s1+$0xC720]  }
0x557: {  	[tilespmem:s1+$0x146C0] =	vst v1;
	v1 =	vadd.f32 v2, v42;
	v2 =	vld [tilespmem:s1+$0xC730]  }
0x558: {  	[tilespmem:s1+$0x146D0] =	vst v0;
	v0 =	vadd.f32 v4, v57;
	v4 =	vld [tilespmem:s1+$0xC740]  }
0x559: {  	[tilespmem:s1+$0x146E0] =	vst v1;
	v1 =	vadd.f32 v6, v26;
	v6 =	vld [tilespmem:s1+$0xC750]  }
0x55a: {  	[tilespmem:s1+$0x146F0] =	vst v0;
	v0 =	vadd.f32 v3, v27;
	v3 =	vld [tilespmem:s1+$0xC760]  }
0x55b: {  	[tilespmem:s1+$0x14700] =	vst v1;
	v1 =	vadd.f32 v7, v28;
	v7 =	vld [tilespmem:s1+$0xC770]  }
0x55c: {  	[tilespmem:s1+$0x14710] =	vst v0;
	v0 =	vadd.f32 v2, v29;
	v2 =	vld [tilespmem:s1+$0xC780]  }
0x55d: {  	[tilespmem:s1+$0x14720] =	vst v1;
	v1 =	vadd.f32 v4, v30;
	v4 =	vld [tilespmem:s1+$0xC790]  }
0x55e: {  	[tilespmem:s1+$0x14730] =	vst v0;
	v0 =	vadd.f32 v6, v31;
	v6 =	vld [tilespmem:s1+$0xC7A0]  }
0x55f: {  	[tilespmem:s1+$0x14740] =	vst v1;
	v1 =	vadd.f32 v3, v32;
	v3 =	vld [tilespmem:s1+$0xC7B0]  }
0x560: {  	[tilespmem:s1+$0x14750] =	vst v0;
	v0 =	vadd.f32 v7, v33;
	v7 =	vld [tilespmem:s1+$0xC7C0]  }
0x561: {  	[tilespmem:s1+$0x14760] =	vst v1;
	v1 =	vadd.f32 v2, v34;
	v2 =	vld [tilespmem:s1+$0xC7D0]  }
0x562: {  	[tilespmem:s1+$0x14770] =	vst v0;
	v0 =	vadd.f32 v4, v35;
	v4 =	vld [tilespmem:s1+$0xC7E0]  }
0x563: {  	[tilespmem:s1+$0x14780] =	vst v1;
	v1 =	vadd.f32 v6, v36;
	v6 =	vld [tilespmem:s1+$0xC7F0]  }
0x564: {  	[tilespmem:s1+$0x14790] =	vst v0;
	v0 =	vadd.f32 v3, v37;
	v3 =	vld [tilespmem:s1+$0xC800]  }
0x565: {  	[tilespmem:s1+$0x147A0] =	vst v1;
	v1 =	vadd.f32 v7, v38;
	v7 =	vld [tilespmem:s1+$0xC810]  }
0x566: {  	[tilespmem:s1+$0x147B0] =	vst v0;
	v0 =	vadd.f32 v2, v39;
	v2 =	vld [tilespmem:s1+$0xC820]  }
0x567: {  	[tilespmem:s1+$0x147C0] =	vst v1;
	v1 =	vadd.f32 v4, v40;
	v4 =	vld [tilespmem:s1+$0xC830]  }
0x568: {  	[tilespmem:s1+$0x147D0] =	vst v0;
	v0 =	vadd.f32 v6, v41;
	v6 =	vld [tilespmem:s1+$0xC840]  }
0x569: {  	[tilespmem:s1+$0x147E0] =	vst v1;
	v1 =	vadd.f32 v3, v43;
	v3 =	vld [tilespmem:s1+$0xC850]  }
0x56a: {  	[tilespmem:s1+$0x147F0] =	vst v0;
	v0 =	vadd.f32 v7, v44;
	v7 =	vld [tilespmem:s1+$0xC860]  }
0x56b: {  	[tilespmem:s1+$0x14800] =	vst v1;
	v1 =	vadd.f32 v2, v46;
	v2 =	vld [tilespmem:s1+$0xC870]  }
0x56c: {  	[tilespmem:s1+$0x14810] =	vst v0;
	v0 =	vadd.f32 v4, v48;
	v4 =	vld [tilespmem:s1+$0xC880]  }
.Ltmp3:
0x56d: {  	[tilespmem:s1+$0x14820] =	vst v1;
	v1 =	vadd.f32 v6, v50;
	v58 =	vld [tilespmem:s1+$0xC890];
	(pc) =	sbr.rel @p0 .LBB2_9-.Ltmp3, $4  }
0x56e: {  	[tilespmem:s1+$0x14830] =	vst v0;
	v0 =	vadd.f32 v3, v52;
	v59 =	vld [tilespmem:s1+$0xC8A0]  }
0x56f: {  	[tilespmem:s1+$0x14840] =	vst v1;
	v3 =	vadd.f32 v7, v53;
	v60 =	vld [tilespmem:s1+$0xC8B0]  }
0x570: {  	[tilespmem:s1+$0x14850] =	vst v0;
	v1 =	vadd.f32 v2, v55;
	v61 =	vld [tilespmem:s1+$0xC8C0]  }
0x571: {  	s13 =	sadd.s32 $0x4, s13;
	[tilespmem:s1+$0x14860] =	vst v3;
	v0 =	vadd.f32 v4, v56;
	v62 =	vld [tilespmem:s1+$0xC8D0]  }
0x572: {  	[tilespmem:s1+$0x14870] =	vst v1;
	v58 =	vadd.f32 v58, v54;
	v2 =	vld [tilespmem:s1+$0xC8E0]  }
0x573: {  	[tilespmem:s1+$0x14880] =	vst v0;
	v59 =	vadd.f32 v59, v51  }
0x574: {  	s29 =	sadd.s32 $0x1, s29;
	[tilespmem:s1+$0x14890] =	vst v58;
	v60 =	vadd.f32 v60, v49  }
0x575: {  	p0 =	sne.s32 s29, $0x32;
	[tilespmem:s1+$0x148A0] =	vst v59;
	v61 =	vadd.f32 v61, v47  }
.Ltmp4:
0x576: {  	s4 =	sor.u32 s10, s4;
	[tilespmem:s1+$0x148B0] =	vst v60;
	v62 =	vadd.f32 v62, v45;
	(pc) =	sbr.rel @p0 .LBB2_2-.Ltmp4, $4  }
0x577: {  	s2 =	sor.u32 s2, s4;
	[tilespmem:s1+$0x148C0] =	vst v61;
	v63 =	vadd.f32 v2, v42  }
0x578: {  	s2 =	sshrl.u32 s2, $0x3;
	[tilespmem:s1+$0x148D0] =	vst v62  }
0x579: {  	s31 =	sadd.s32 s3, s2;
	[tilespmem:s1+$0x148E0] =	vst v63  }
0x57a: {  	[hbm4b:s31+s20] =	stream.strided.scatter [tilespmem:s24], [sflag:$0x4], $0x4000, s21, s20, $0x38;
	[tilespmem:$0x1E500] =	vst v63  }
0x57b: {  	s28 =	sadd.s32 $0x1, s28  }
0x57c: {  	_ =	swait.ge [sflag:s25], $0x4000;
	p0 =	sne.s32 s28, s11  }
.Ltmp5:
0x57d: {  	[sflag:s25] =	ssyncset.done $0x0;
	(pc) =	sbr.rel @p0 .LBB2_1-.Ltmp5, $4  }
0x57e: {  	[sflag:s25] =	ssyncadd.s32 $0xFFFFC000  }
0x57f: {  	_ =	swait.ge [sflag:s26], $0x4000  }
0x580: {  	[sflag:s26] =	ssyncset.done $0x0  }
0x581: {  	[sflag:s26] =	ssyncadd.s32 $0xFFFFC000  }
0x582: {  	_ =	sfence.sel $0x180000  }
0x583: {  	[bflag:$0x0] =	sbarrier.arrive $0xFFFF  }
0x584: {  	_ =	strace $0x90000047  }
0x585: {  	s0 =	stileid.u32;
	[bflag:$0x2] =	sbarrier.arrive $0xFFFF  }
0x586: {  	p0 =	sne.s32 s0, $0x0;
	s0 =	rddreg [dreg:$0x4]  }
0x587: {  	s0 =	sadd.s32 @!p0 $0x100000, s0  }
0x588: {  	[sflag:s0] =	ssyncadd.tile.s32 @!p0 $0x1;
	_ =	shalt  }
.Lfunc_end2:
_tile_overlayer_lowered:
.L_overlay_start_2:
0x589: {  	(tag) =	ssettag $0x2  }
0x58a: {  	s0 =	rddreg [dreg:$0x0];
	s2 =	stileid.u32  }
0x58b: {  	s1 =	rddreg [dreg:$0x1];
	p0 =	sne.s32 s2, $0x0  }
0x58c: {  	s3 =	rddreg [dreg:$0x2];
	[bflag:$0x3] =	sbarrier.arrive $0xFFFF;
	s2 =	simm.s32 @!p0 $0x1C05  }
0x58d: {  	[timem:s3], [sflag:s2] =	dma.local @!p0 [hbm:s0], s1  }
0x58e: {  	s0 =	simm.s32 @!p0 $0x5  }
0x58f: {  	_ =	swait.ge @!p0 [sflag:s0], s1  }
0x590: {  	s1 =	ssub.s32 @!p0 $0x0, s1;
	[sflag:s0] =	ssyncset.done @!p0 $0x0  }
0x591: {  	[sflag:s0] =	ssyncadd.s32 @!p0 s1  }
0x592: {  	[bflag:$0x3] =	sbarrier.arrive $0xFFFF  }
0x593: {  	_ =	shalt  }

</sc_bundles>
